<compile_context>
chip_gen: v7x
topology: tpu7x:2x2x1
jax: 0.10.2.dev20260603
libtpu: 0.0.44.dev20260713+nightly
codegen_flags: <defaults>
</compile_context>

<pallas_src>
import functools

import jax
import jax.numpy as jnp
from jax import lax
from jax.experimental import pallas as pl
from jax.experimental.pallas import tpu as pltpu
from jax.experimental.pallas import tpu_sc as plsc

DATA_DIM = 28
ROWW = 32
N_NODES = 524288
N_CORNERS = 600000
N_QUERIES = 262144

NC = 2
NS = 16
L = 16
NW = NC * NS
QPW = N_QUERIES // NW
CHUNK = 128
NCHUNK = QPW // CHUNK


def _body(indices_hbm, nids_hbm, data_hbm, weights_hbm, out_hbm,
          idx_v, cid_v, cflat_v, rows_v, w_v, out_v,
          sem_i, sem_n, sem_d, sem_w):
    wid = lax.axis_index("s") * NC + lax.axis_index("c")
    base = wid * QPW

    iota = lax.iota(jnp.int32, L)
    hi = iota >> 3
    lo = iota & 7

    def qb(g):
        gc = lax.min(g, NCHUNK - 1)
        return pl.multiple_of(base + gc * CHUNK, CHUNK)

    def idx_copy(g, p):
        return pltpu.make_async_copy(
            indices_hbm.at[pl.ds(qb(g), CHUNK)], idx_v.at[p], sem_i)

    def nids_copy(g, p):
        return pltpu.make_async_copy(nids_hbm.at[idx_v.at[p]],
                                     cid_v.at[p], sem_n)

    def w_copy(g, p):
        return pltpu.make_async_copy(
            weights_hbm.at[pl.ds(qb(g), CHUNK), :], w_v.at[p], sem_w)

    def repack(p):
        for t in range(CHUNK // 2):
            idx_c = 2 * t + hi
            cvec = plsc.load_gather(cid_v.at[p], [idx_c, lo])
            cflat_v[p, t // 8, pl.ds((t % 8) * L, L)] = cvec

    def fire_rows(p):
        for k in range(8):
            pltpu.async_copy(data_hbm.at[cflat_v.at[p, k]],
                             rows_v.at[p, k], sem_d)

    def wait_rows(p):
        for k in range(8):
            pltpu.make_async_copy(data_hbm.at[cflat_v.at[p, k]],
                                  rows_v.at[p, k], sem_d).wait()

    def compute(g, p):
        def q_body(c2, _):
            k = c2 // 8
            m = (c2 % 8) * L
            wv = plsc.load_gather(w_v.at[p], [2 * c2 + hi, lo])
            for h, c in ((0, 2 * c2), (8, 2 * c2 + 1)):
                w0 = wv[h]
                acc_lo = w0 * rows_v[p, k, m + h, pl.ds(0, L)]
                acc_hi = w0 * rows_v[p, k, m + h, pl.ds(DATA_DIM - L, L)]
                for j in range(1, 8):
                    wj = wv[h + j]
                    acc_lo = acc_lo + wj * rows_v[p, k, m + h + j, pl.ds(0, L)]
                    acc_hi = acc_hi + wj * rows_v[p, k, m + h + j,
                                                  pl.ds(DATA_DIM - L, L)]
                out_v[c, pl.ds(0, L)] = acc_lo
                out_v[c, pl.ds(DATA_DIM - L, L)] = acc_hi
            return 0

        lax.fori_loop(0, CHUNK // 2, q_body, 0)
        pltpu.sync_copy(out_v, out_hbm.at[pl.ds(qb(g), CHUNK), :])

    pltpu.sync_copy(indices_hbm.at[pl.ds(qb(0), CHUNK)], idx_v.at[0])
    nids_copy(0, 0).start()
    idx_copy(1, 1).start()
    w_copy(0, 0).start()
    nids_copy(0, 0).wait()
    repack(0)
    fire_rows(0)
    idx_copy(1, 1).wait()
    nids_copy(1, 1).start()
    idx_copy(2, 0).start()
    w_copy(1, 1).start()

    def body(s, _):
        p = s & 1
        nids_copy(s, p).wait()
        repack(p)
        wait_rows(1 - p)
        fire_rows(p)
        idx_copy(s + 1, 1 - p).wait()
        nids_copy(s + 1, 1 - p).start()
        idx_copy(s + 2, p).start()
        w_copy(s - 1, 1 - p).wait()
        compute(s - 1, 1 - p)
        w_copy(s + 1, 1 - p).start()
        return 0

    lax.fori_loop(1, NCHUNK, body, 0)

    wait_rows(1)
    w_copy(NCHUNK - 1, 1).wait()
    compute(NCHUNK - 1, 1)
    nids_copy(NCHUNK, 0).wait()
    idx_copy(NCHUNK + 1, 1).wait()
    w_copy(NCHUNK, 0).wait()


@jax.jit
def kernel(indices, nids, data, weights):
    mesh = plsc.VectorSubcoreMesh(core_axis_name="c", subcore_axis_name="s")
    run = functools.partial(
        pl.kernel,
        mesh=mesh,
        out_type=jax.ShapeDtypeStruct((N_QUERIES, DATA_DIM), jnp.float32),
        compiler_params=pltpu.CompilerParams(
            needs_layout_passes=False, use_tc_tiling_on_sc=False),
        scratch_types=[
            pltpu.VMEM((2, CHUNK), jnp.int32),
            pltpu.VMEM((2, CHUNK, 8), jnp.int32),
            pltpu.VMEM((2, 8, CHUNK), jnp.int32),
            pltpu.VMEM((2, 8, CHUNK, ROWW), jnp.float32),
            pltpu.VMEM((2, CHUNK, 8), jnp.float32),
            pltpu.VMEM((CHUNK, DATA_DIM), jnp.float32),
            pltpu.SemaphoreType.DMA,
            pltpu.SemaphoreType.DMA,
            pltpu.SemaphoreType.DMA,
            pltpu.SemaphoreType.DMA,
        ],
    )(_body)
    data_p = jnp.concatenate(
        [data, jnp.zeros((N_CORNERS, ROWW - DATA_DIM), jnp.float32)], axis=1)
    return run(indices, nids, data_p, weights)

# --- scband reference (transcript-rebuilt; emitter-appended) ---
"""Pipeline reference for scband-corner-tree-3058016715044 (READ-ONLY COPY).

The authoritative reference and input builder live on the scoring server;
editing this copy changes nothing except your own understanding.
"""

import jax, jax.numpy as jnp
import numpy as np

DATA_DIM = 28
N_NODES = 524288
N_CORNERS = 600000
N_QUERIES = 262144
INIT_RGB = 0.5
INIT_SIGMA = 0.1


def setup_inputs(seed: int = 0) -> dict:
    key = jax.random.key(seed)
    k1, k2, k3, k4 = jax.random.split(key, 4)
    # query node indices (forward arg)
    indices = jax.random.randint(k1, (N_QUERIES,), 0, N_NODES, dtype=jnp.int32)
    # tree corner-id table: each node has 8 corner ids into the dedup'd corner data table
    nids = jax.random.randint(k2, (N_NODES, 8), 0, N_CORNERS, dtype=jnp.int32)
    # learned corner data table (EmbeddingBag weight), initialized like CornerTree.refine
    data = jnp.concatenate([
        jnp.full((N_CORNERS, DATA_DIM - 1), INIT_RGB, dtype=jnp.float32),
        jnp.full((N_CORNERS, 1), INIT_SIGMA, dtype=jnp.float32),
    ], axis=1)
    data = data + 0.01 * jax.random.normal(k3, (N_CORNERS, DATA_DIM), dtype=jnp.float32)
    # trilinear interpolation weights per query (normalized, 8 corners)
    w = jax.random.uniform(k4, (N_QUERIES, 8), dtype=jnp.float32)
    weights = w / jnp.sum(w, axis=1, keepdims=True)
    return {"indices": indices, "nids": nids, "data": data, "weights": weights}


def reference(indices, nids, data, weights):
    # CornerTree.query: for each queried node, gather its 8 corner ids,
    # gather the corresponding rows of the corner data table, and do a
    # weighted sum (torch.nn.EmbeddingBag(mode='sum') with per-sample weights).
    corner_ids = jnp.take(nids, indices, axis=0)                  # [N, 8]
    corner_vals = jnp.take(data, corner_ids.reshape(-1), axis=0)  # [N*8, D]
    corner_vals = corner_vals.reshape(N_QUERIES, 8, DATA_DIM)
    out = jnp.sum(corner_vals * weights[:, :, None], axis=1)      # [N, D]
    return out

if __name__ == "__main__":
    import jax
    _d = setup_inputs()
    print(jax.jit(kernel)(*tuple(_d.values())))

</pallas_src>

<mosaic_0001>
#map = affine_map<(d0, d1) -> (0)>
#map1 = affine_map<(d0, d1) -> (0, 0)>
module attributes {stable_mosaic.version = 14 : i64} {
  func.func @_body(%arg0: i32, %arg1: i32, %arg2: memref<262144xi32, #tpu.memory_space<hbm>>, %arg3: memref<524288x8xi32, #tpu.memory_space<hbm>>, %arg4: memref<600000x32xf32, #tpu.memory_space<hbm>>, %arg5: memref<262144x8xf32, #tpu.memory_space<hbm>>, %arg6: memref<262144x28xf32, #tpu.memory_space<hbm>>, %arg7: memref<2x128xi32, #tpu.memory_space<vmem>>, %arg8: memref<2x128x8xi32, #tpu.memory_space<vmem>>, %arg9: memref<2x8x128xi32, #tpu.memory_space<vmem>>, %arg10: memref<2x8x128x32xf32, #tpu.memory_space<vmem>>, %arg11: memref<2x128x8xf32, #tpu.memory_space<vmem>>, %arg12: memref<128x28xf32, #tpu.memory_space<vmem>>, %arg13: memref<!tpu.dma_semaphore, #tpu.memory_space<semaphore_mem>>, %arg14: memref<!tpu.dma_semaphore, #tpu.memory_space<semaphore_mem>>, %arg15: memref<!tpu.dma_semaphore, #tpu.memory_space<semaphore_mem>>, %arg16: memref<!tpu.dma_semaphore, #tpu.memory_space<semaphore_mem>>) attributes {dimension_semantics = [#tpu.dimension_semantics<core_parallel>, #tpu.dimension_semantics<subcore_parallel>], iteration_bounds = array<i64: 2, 16>, scalar_prefetch = 0 : i64, scratch_operands = 10 : i64, tpu.core_type = #tpu.core_type<sc_vector_subcore>, window_params = [{transform_indices = #map}, {transform_indices = #map1}, {transform_indices = #map1}, {transform_indices = #map1}, {transform_indices = #map1}]} {
    %mul3A = arith.constant 2 : i32
    %mul3A_0 = arith.muli %arg1, %mul3A : i32
    %add3A = arith.addi %mul3A_0, %arg0 : i32
    %mul3A_1 = arith.constant 8192 : i32
    %mul3A_2 = arith.muli %add3A, %mul3A_1 : i32
    %iota3A = tpu.iota {dimensions = array<i32: 0>} : vector<16xi32>
    %shift_right_arithmetic3A = arith.constant 3 : i32
    %shift_right_arithmetic3A_3 = vector.broadcast %shift_right_arithmetic3A : i32 to vector<16xi32>
    %shift_right_arithmetic3A_4 = arith.shrsi %iota3A, %shift_right_arithmetic3A_3 : vector<16xi32>
    %and3A = arith.constant 7 : i32
    %and3A_5 = vector.broadcast %and3A : i32 to vector<16xi32>
    %and3A_6 = arith.andi %iota3A, %and3A_5 : vector<16xi32>
    %min3A = arith.constant 0 : i32
    %min3A_7 = arith.constant 63 : i32
    %min3A_8 = arith.minsi %min3A, %min3A_7 : i32
    %mul3A_9 = arith.constant 128 : i32
    %mul3A_10 = arith.muli %min3A_8, %mul3A_9 : i32
    %add3A_11 = arith.addi %mul3A_2, %mul3A_10 : i32
    %multiple_of3A = tpu.assume_multiple %add3A_11, 128 : i32
    %run_scoped3A = arith.constant 0 : i32
    "tpu.region"() ({
      %run_scoped3A_1404 = tpu.sem_alloc : memref<!tpu.dma_semaphore, #tpu.memory_space<semaphore_mem>>
      %dma_start3A_1405 = arith.constant 0 : i32
      %dma_start3A_1406 = tpu.memref_slice %arg7[%run_scoped3A, %dma_start3A_1405] : memref<2x128xi32, #tpu.memory_space<vmem>> -> memref<1x128xi32, #tpu.memory_space<vmem>>
      %dma_start3A_1407 = tpu.memref_squeeze %dma_start3A_1406 : memref<1x128xi32, #tpu.memory_space<vmem>> -> memref<128xi32, #tpu.memory_space<vmem>>
      %dma_start3A_1408 = tpu.memref_slice %arg2[%multiple_of3A] : memref<262144xi32, #tpu.memory_space<hbm>> -> memref<128xi32, #tpu.memory_space<hbm>>
      %dma_start3A_1409 = arith.constant 0 : i32
      %dma_start3A_1410 = tpu.memref_slice %arg7[%run_scoped3A, %dma_start3A_1409] : memref<2x128xi32, #tpu.memory_space<vmem>> -> memref<1x128xi32, #tpu.memory_space<vmem>>
      %dma_start3A_1411 = tpu.memref_squeeze %dma_start3A_1410 : memref<1x128xi32, #tpu.memory_space<vmem>> -> memref<128xi32, #tpu.memory_space<vmem>>
      %dma_start3A_1412 = tpu.memref_slice %arg2[%multiple_of3A] : memref<262144xi32, #tpu.memory_space<hbm>> -> memref<128xi32, #tpu.memory_space<hbm>>
      tpu.enqueue_dma source(%dma_start3A_1412 : memref<128xi32, #tpu.memory_space<hbm>>) target(%dma_start3A_1411 : memref<128xi32, #tpu.memory_space<vmem>>) target_semaphore(%run_scoped3A_1404 : memref<!tpu.dma_semaphore, #tpu.memory_space<semaphore_mem>>)
      %dma_wait3A_1413 = arith.constant 0 : i32
      %dma_wait3A_1414 = tpu.memref_slice %arg7[%run_scoped3A, %dma_wait3A_1413] : memref<2x128xi32, #tpu.memory_space<vmem>> -> memref<1x128xi32, #tpu.memory_space<vmem>>
      %dma_wait3A_1415 = tpu.memref_squeeze %dma_wait3A_1414 : memref<1x128xi32, #tpu.memory_space<vmem>> -> memref<128xi32, #tpu.memory_space<vmem>>
      %dma_wait3A_1416 = tpu.memref_slice %arg2[%multiple_of3A] : memref<262144xi32, #tpu.memory_space<hbm>> -> memref<128xi32, #tpu.memory_space<hbm>>
      %dma_wait3A_1417 = arith.constant 0 : i32
      %dma_wait3A_1418 = tpu.memref_slice %arg7[%run_scoped3A, %dma_wait3A_1417] : memref<2x128xi32, #tpu.memory_space<vmem>> -> memref<1x128xi32, #tpu.memory_space<vmem>>
      %dma_wait3A_1419 = tpu.memref_squeeze %dma_wait3A_1418 : memref<1x128xi32, #tpu.memory_space<vmem>> -> memref<128xi32, #tpu.memory_space<vmem>>
      %dma_wait3A_1420 = tpu.memref_slice %arg2[%multiple_of3A] : memref<262144xi32, #tpu.memory_space<hbm>> -> memref<128xi32, #tpu.memory_space<hbm>>
      tpu.wait_dma2 semaphore(%run_scoped3A_1404 : memref<!tpu.dma_semaphore, #tpu.memory_space<semaphore_mem>>) src(%dma_wait3A_1420 : memref<128xi32, #tpu.memory_space<hbm>>) dst(%dma_wait3A_1419 : memref<128xi32, #tpu.memory_space<vmem>>)
      tpu.yield
    }) : () -> ()
    %dma_start3A = arith.constant 0 : i32
    %dma_start3A_12 = arith.constant 0 : i32
    %dma_start3A_13 = arith.constant 0 : i32
    %dma_start3A_14 = arith.constant 0 : i32
    %dma_start3A_15 = tpu.memref_slice %arg8[%dma_start3A_12, %dma_start3A_13, %dma_start3A_14] : memref<2x128x8xi32, #tpu.memory_space<vmem>> -> memref<1x128x8xi32, #tpu.memory_space<vmem>>
    %dma_start3A_16 = tpu.memref_squeeze %dma_start3A_15 : memref<1x128x8xi32, #tpu.memory_space<vmem>> -> memref<128x8xi32, #tpu.memory_space<vmem>>
    %dma_start3A_17 = arith.constant 0 : i32
    %dma_start3A_18 = tpu.memref_slice %arg7[%dma_start3A, %dma_start3A_17] : memref<2x128xi32, #tpu.memory_space<vmem>> -> memref<1x128xi32, #tpu.memory_space<vmem>>
    %dma_start3A_19 = tpu.memref_squeeze %dma_start3A_18 : memref<1x128xi32, #tpu.memory_space<vmem>> -> memref<128xi32, #tpu.memory_space<vmem>>
    %dma_start3A_20 = arith.constant 0 : i32
    %dma_start3A_21 = arith.constant 0 : i32
    %dma_start3A_22 = tpu.memref_slice %arg3[%dma_start3A_20, %dma_start3A_21] : memref<524288x8xi32, #tpu.memory_space<hbm>> -> memref<524288x8xi32, #tpu.memory_space<hbm>>
    tpu.enqueue_indirect_dma source(%dma_start3A_22 : memref<524288x8xi32, #tpu.memory_space<hbm>>) target(%dma_start3A_16 : memref<128x8xi32, #tpu.memory_space<vmem>>) offsets(%dma_start3A_19 : memref<128xi32, #tpu.memory_space<vmem>>) semaphore(%arg14 : memref<!tpu.dma_semaphore, #tpu.memory_space<semaphore_mem>>)
    %min3A_23 = arith.constant 1 : i32
    %min3A_24 = arith.constant 63 : i32
    %min3A_25 = arith.minsi %min3A_23, %min3A_24 : i32
    %mul3A_26 = arith.constant 128 : i32
    %mul3A_27 = arith.muli %min3A_25, %mul3A_26 : i32
    %add3A_28 = arith.addi %mul3A_2, %mul3A_27 : i32
    %multiple_of3A_29 = tpu.assume_multiple %add3A_28, 128 : i32
    %dma_start3A_30 = arith.constant 1 : i32
    %dma_start3A_31 = arith.constant 0 : i32
    %dma_start3A_32 = tpu.memref_slice %arg7[%dma_start3A_30, %dma_start3A_31] : memref<2x128xi32, #tpu.memory_space<vmem>> -> memref<1x128xi32, #tpu.memory_space<vmem>>
    %dma_start3A_33 = tpu.memref_squeeze %dma_start3A_32 : memref<1x128xi32, #tpu.memory_space<vmem>> -> memref<128xi32, #tpu.memory_space<vmem>>
    %dma_start3A_34 = tpu.memref_slice %arg2[%multiple_of3A_29] : memref<262144xi32, #tpu.memory_space<hbm>> -> memref<128xi32, #tpu.memory_space<hbm>>
    %dma_start3A_35 = arith.constant 0 : i32
    %dma_start3A_36 = tpu.memref_slice %arg7[%dma_start3A_30, %dma_start3A_35] : memref<2x128xi32, #tpu.memory_space<vmem>> -> memref<1x128xi32, #tpu.memory_space<vmem>>
    %dma_start3A_37 = tpu.memref_squeeze %dma_start3A_36 : memref<1x128xi32, #tpu.memory_space<vmem>> -> memref<128xi32, #tpu.memory_space<vmem>>
    %dma_start3A_38 = tpu.memref_slice %arg2[%multiple_of3A_29] : memref<262144xi32, #tpu.memory_space<hbm>> -> memref<128xi32, #tpu.memory_space<hbm>>
    tpu.enqueue_dma source(%dma_start3A_38 : memref<128xi32, #tpu.memory_space<hbm>>) target(%dma_start3A_37 : memref<128xi32, #tpu.memory_space<vmem>>) target_semaphore(%arg13 : memref<!tpu.dma_semaphore, #tpu.memory_space<semaphore_mem>>)
    %min3A_39 = arith.constant 0 : i32
    %min3A_40 = arith.constant 63 : i32
    %min3A_41 = arith.minsi %min3A_39, %min3A_40 : i32
    %mul3A_42 = arith.constant 128 : i32
    %mul3A_43 = arith.muli %min3A_41, %mul3A_42 : i32
    %add3A_44 = arith.addi %mul3A_2, %mul3A_43 : i32
    %multiple_of3A_45 = tpu.assume_multiple %add3A_44, 128 : i32
    %dma_start3A_46 = arith.constant 0 : i32
    %dma_start3A_47 = arith.constant 0 : i32
    %dma_start3A_48 = arith.constant 0 : i32
    %dma_start3A_49 = tpu.memref_slice %arg11[%dma_start3A_46, %dma_start3A_47, %dma_start3A_48] : memref<2x128x8xf32, #tpu.memory_space<vmem>> -> memref<1x128x8xf32, #tpu.memory_space<vmem>>
    %dma_start3A_50 = tpu.memref_squeeze %dma_start3A_49 : memref<1x128x8xf32, #tpu.memory_space<vmem>> -> memref<128x8xf32, #tpu.memory_space<vmem>>
    %dma_start3A_51 = arith.constant 0 : i32
    %dma_start3A_52 = tpu.memref_slice %arg5[%multiple_of3A_45, %dma_start3A_51] : memref<262144x8xf32, #tpu.memory_space<hbm>> -> memref<128x8xf32, #tpu.memory_space<hbm>>
    %dma_start3A_53 = arith.constant 0 : i32
    %dma_start3A_54 = arith.constant 0 : i32
    %dma_start3A_55 = tpu.memref_slice %arg11[%dma_start3A_46, %dma_start3A_53, %dma_start3A_54] : memref<2x128x8xf32, #tpu.memory_space<vmem>> -> memref<1x128x8xf32, #tpu.memory_space<vmem>>
    %dma_start3A_56 = tpu.memref_squeeze %dma_start3A_55 : memref<1x128x8xf32, #tpu.memory_space<vmem>> -> memref<128x8xf32, #tpu.memory_space<vmem>>
    %dma_start3A_57 = arith.constant 0 : i32
    %dma_start3A_58 = tpu.memref_slice %arg5[%multiple_of3A_45, %dma_start3A_57] : memref<262144x8xf32, #tpu.memory_space<hbm>> -> memref<128x8xf32, #tpu.memory_space<hbm>>
    tpu.enqueue_dma source(%dma_start3A_58 : memref<128x8xf32, #tpu.memory_space<hbm>>) target(%dma_start3A_56 : memref<128x8xf32, #tpu.memory_space<vmem>>) target_semaphore(%arg16 : memref<!tpu.dma_semaphore, #tpu.memory_space<semaphore_mem>>)
    %dma_wait3A = arith.constant 0 : i32
    %dma_wait3A_59 = arith.constant 0 : i32
    %dma_wait3A_60 = arith.constant 0 : i32
    %dma_wait3A_61 = arith.constant 0 : i32
    %dma_wait3A_62 = tpu.memref_slice %arg8[%dma_wait3A_59, %dma_wait3A_60, %dma_wait3A_61] : memref<2x128x8xi32, #tpu.memory_space<vmem>> -> memref<1x128x8xi32, #tpu.memory_space<vmem>>
    %dma_wait3A_63 = tpu.memref_squeeze %dma_wait3A_62 : memref<1x128x8xi32, #tpu.memory_space<vmem>> -> memref<128x8xi32, #tpu.memory_space<vmem>>
    %dma_wait3A_64 = arith.constant 0 : i32
    %dma_wait3A_65 = tpu.memref_slice %arg7[%dma_wait3A, %dma_wait3A_64] : memref<2x128xi32, #tpu.memory_space<vmem>> -> memref<1x128xi32, #tpu.memory_space<vmem>>
    %dma_wait3A_66 = tpu.memref_squeeze %dma_wait3A_65 : memref<1x128xi32, #tpu.memory_space<vmem>> -> memref<128xi32, #tpu.memory_space<vmem>>
    %dma_wait3A_67 = arith.constant 0 : i32
    %dma_wait3A_68 = arith.constant 0 : i32
    %dma_wait3A_69 = tpu.memref_slice %arg3[%dma_wait3A_67, %dma_wait3A_68] : memref<524288x8xi32, #tpu.memory_space<hbm>> -> memref<524288x8xi32, #tpu.memory_space<hbm>>
    tpu.wait_indirect_dma semaphore(%arg14 : memref<!tpu.dma_semaphore, #tpu.memory_space<semaphore_mem>>) src(%dma_wait3A_69 : memref<524288x8xi32, #tpu.memory_space<hbm>>) dst(%dma_wait3A_63 : memref<128x8xi32, #tpu.memory_space<vmem>>)
    %add3A_70 = arith.constant 0 : i32
    %add3A_71 = vector.broadcast %add3A_70 : i32 to vector<16xi32>
    %add3A_72 = arith.addi %add3A_71, %shift_right_arithmetic3A_4 : vector<16xi32>
    %gather3A = arith.constant 0 : i32
    %gather3A_73 = arith.constant 0 : i32
    %gather3A_74 = arith.constant 0 : i32
    %gather3A_75 = tpu.memref_slice %arg8[%gather3A, %gather3A_73, %gather3A_74] : memref<2x128x8xi32, #tpu.memory_space<vmem>> -> memref<1x128x8xi32, #tpu.memory_space<vmem>>
    %gather3A_76 = tpu.memref_squeeze %gather3A_75 : memref<1x128x8xi32, #tpu.memory_space<vmem>> -> memref<128x8xi32, #tpu.memory_space<vmem>>
    %gather3A_77 = tpu.vector_load_idx %gather3A_76[%add3A_72, %and3A_6] : memref<128x8xi32, #tpu.memory_space<vmem>>[vector<16xi32>, vector<16xi32>], vector<16xi32>,
    %swap3A = arith.constant 0 : i32
    %swap3A_78 = arith.constant 0 : i32
    %swap3A_79 = arith.index_cast %swap3A : i32 to index
    %swap3A_80 = arith.index_cast %swap3A_78 : i32 to index
    %swap3A_81 = arith.constant 0 : index
    %swap3A_82 = tpu.vector_load %arg9[%swap3A_79, %swap3A_80, %swap3A_81] {strides = array<i32>} : memref<2x8x128xi32, #tpu.memory_space<vmem>>, vector<16xi32>,
    tpu.vector_store %arg9[%swap3A_79, %swap3A_80, %swap3A_81], %gather3A_77 {strides = array<i32>} : memref<2x8x128xi32, #tpu.memory_space<vmem>>, vector<16xi32>,
    %add3A_83 = arith.constant 2 : i32
    %add3A_84 = vector.broadcast %add3A_83 : i32 to vector<16xi32>
    %add3A_85 = arith.addi %add3A_84, %shift_right_arithmetic3A_4 : vector<16xi32>
    %gather3A_86 = arith.constant 0 : i32
    %gather3A_87 = arith.constant 0 : i32
    %gather3A_88 = arith.constant 0 : i32
    %gather3A_89 = tpu.memref_slice %arg8[%gather3A_86, %gather3A_87, %gather3A_88] : memref<2x128x8xi32, #tpu.memory_space<vmem>> -> memref<1x128x8xi32, #tpu.memory_space<vmem>>
    %gather3A_90 = tpu.memref_squeeze %gather3A_89 : memref<1x128x8xi32, #tpu.memory_space<vmem>> -> memref<128x8xi32, #tpu.memory_space<vmem>>
    %gather3A_91 = tpu.vector_load_idx %gather3A_90[%add3A_85, %and3A_6] : memref<128x8xi32, #tpu.memory_space<vmem>>[vector<16xi32>, vector<16xi32>], vector<16xi32>,
    %swap3A_92 = arith.constant 0 : i32
    %swap3A_93 = arith.constant 0 : i32
    %swap3A_94 = arith.index_cast %swap3A_92 : i32 to index
    %swap3A_95 = arith.index_cast %swap3A_93 : i32 to index
    %swap3A_96 = arith.constant 16 : index
    %swap3A_97 = tpu.vector_load %arg9[%swap3A_94, %swap3A_95, %swap3A_96] {strides = array<i32>} : memref<2x8x128xi32, #tpu.memory_space<vmem>>, vector<16xi32>,
    tpu.vector_store %arg9[%swap3A_94, %swap3A_95, %swap3A_96], %gather3A_91 {strides = array<i32>} : memref<2x8x128xi32, #tpu.memory_space<vmem>>, vector<16xi32>,
    %add3A_98 = arith.constant 4 : i32
    %add3A_99 = vector.broadcast %add3A_98 : i32 to vector<16xi32>
    %add3A_100 = arith.addi %add3A_99, %shift_right_arithmetic3A_4 : vector<16xi32>
    %gather3A_101 = arith.constant 0 : i32
    %gather3A_102 = arith.constant 0 : i32
    %gather3A_103 = arith.constant 0 : i32
    %gather3A_104 = tpu.memref_slice %arg8[%gather3A_101, %gather3A_102, %gather3A_103] : memref<2x128x8xi32, #tpu.memory_space<vmem>> -> memref<1x128x8xi32, #tpu.memory_space<vmem>>
    %gather3A_105 = tpu.memref_squeeze %gather3A_104 : memref<1x128x8xi32, #tpu.memory_space<vmem>> -> memref<128x8xi32, #tpu.memory_space<vmem>>
    %gather3A_106 = tpu.vector_load_idx %gather3A_105[%add3A_100, %and3A_6] : memref<128x8xi32, #tpu.memory_space<vmem>>[vector<16xi32>, vector<16xi32>], vector<16xi32>,
    %swap3A_107 = arith.constant 0 : i32
    %swap3A_108 = arith.constant 0 : i32
    %swap3A_109 = arith.index_cast %swap3A_107 : i32 to index
    %swap3A_110 = arith.index_cast %swap3A_108 : i32 to index
    %swap3A_111 = arith.constant 32 : index
    %swap3A_112 = tpu.vector_load %arg9[%swap3A_109, %swap3A_110, %swap3A_111] {strides = array<i32>} : memref<2x8x128xi32, #tpu.memory_space<vmem>>, vector<16xi32>,
    tpu.vector_store %arg9[%swap3A_109, %swap3A_110, %swap3A_111], %gather3A_106 {strides = array<i32>} : memref<2x8x128xi32, #tpu.memory_space<vmem>>, vector<16xi32>,
    %add3A_113 = arith.constant 6 : i32
    %add3A_114 = vector.broadcast %add3A_113 : i32 to vector<16xi32>
    %add3A_115 = arith.addi %add3A_114, %shift_right_arithmetic3A_4 : vector<16xi32>
    %gather3A_116 = arith.constant 0 : i32
    %gather3A_117 = arith.constant 0 : i32
    %gather3A_118 = arith.constant 0 : i32
    %gather3A_119 = tpu.memref_slice %arg8[%gather3A_116, %gather3A_117, %gather3A_118] : memref<2x128x8xi32, #tpu.memory_space<vmem>> -> memref<1x128x8xi32, #tpu.memory_space<vmem>>
    %gather3A_120 = tpu.memref_squeeze %gather3A_119 : memref<1x128x8xi32, #tpu.memory_space<vmem>> -> memref<128x8xi32, #tpu.memory_space<vmem>>
    %gather3A_121 = tpu.vector_load_idx %gather3A_120[%add3A_115, %and3A_6] : memref<128x8xi32, #tpu.memory_space<vmem>>[vector<16xi32>, vector<16xi32>], vector<16xi32>,
    %swap3A_122 = arith.constant 0 : i32
    %swap3A_123 = arith.constant 0 : i32
    %swap3A_124 = arith.index_cast %swap3A_122 : i32 to index
    %swap3A_125 = arith.index_cast %swap3A_123 : i32 to index
    %swap3A_126 = arith.constant 48 : index
    %swap3A_127 = tpu.vector_load %arg9[%swap3A_124, %swap3A_125, %swap3A_126] {strides = array<i32>} : memref<2x8x128xi32, #tpu.memory_space<vmem>>, vector<16xi32>,
    tpu.vector_store %arg9[%swap3A_124, %swap3A_125, %swap3A_126], %gather3A_121 {strides = array<i32>} : memref<2x8x128xi32, #tpu.memory_space<vmem>>, vector<16xi32>,
    %add3A_128 = arith.constant 8 : i32
    %add3A_129 = vector.broadcast %add3A_128 : i32 to vector<16xi32>
    %add3A_130 = arith.addi %add3A_129, %shift_right_arithmetic3A_4 : vector<16xi32>
    %gather3A_131 = arith.constant 0 : i32
    %gather3A_132 = arith.constant 0 : i32
    %gather3A_133 = arith.constant 0 : i32
    %gather3A_134 = tpu.memref_slice %arg8[%gather3A_131, %gather3A_132, %gather3A_133] : memref<2x128x8xi32, #tpu.memory_space<vmem>> -> memref<1x128x8xi32, #tpu.memory_space<vmem>>
    %gather3A_135 = tpu.memref_squeeze %gather3A_134 : memref<1x128x8xi32, #tpu.memory_space<vmem>> -> memref<128x8xi32, #tpu.memory_space<vmem>>
    %gather3A_136 = tpu.vector_load_idx %gather3A_135[%add3A_130, %and3A_6] : memref<128x8xi32, #tpu.memory_space<vmem>>[vector<16xi32>, vector<16xi32>], vector<16xi32>,
    %swap3A_137 = arith.constant 0 : i32
    %swap3A_138 = arith.constant 0 : i32
    %swap3A_139 = arith.index_cast %swap3A_137 : i32 to index
    %swap3A_140 = arith.index_cast %swap3A_138 : i32 to index
    %swap3A_141 = arith.constant 64 : index
    %swap3A_142 = tpu.vector_load %arg9[%swap3A_139, %swap3A_140, %swap3A_141] {strides = array<i32>} : memref<2x8x128xi32, #tpu.memory_space<vmem>>, vector<16xi32>,
    tpu.vector_store %arg9[%swap3A_139, %swap3A_140, %swap3A_141], %gather3A_136 {strides = array<i32>} : memref<2x8x128xi32, #tpu.memory_space<vmem>>, vector<16xi32>,
    %add3A_143 = arith.constant 10 : i32
    %add3A_144 = vector.broadcast %add3A_143 : i32 to vector<16xi32>
    %add3A_145 = arith.addi %add3A_144, %shift_right_arithmetic3A_4 : vector<16xi32>
    %gather3A_146 = arith.constant 0 : i32
    %gather3A_147 = arith.constant 0 : i32
    %gather3A_148 = arith.constant 0 : i32
    %gather3A_149 = tpu.memref_slice %arg8[%gather3A_146, %gather3A_147, %gather3A_148] : memref<2x128x8xi32, #tpu.memory_space<vmem>> -> memref<1x128x8xi32, #tpu.memory_space<vmem>>
    %gather3A_150 = tpu.memref_squeeze %gather3A_149 : memref<1x128x8xi32, #tpu.memory_space<vmem>> -> memref<128x8xi32, #tpu.memory_space<vmem>>
    %gather3A_151 = tpu.vector_load_idx %gather3A_150[%add3A_145, %and3A_6] : memref<128x8xi32, #tpu.memory_space<vmem>>[vector<16xi32>, vector<16xi32>], vector<16xi32>,
    %swap3A_152 = arith.constant 0 : i32
    %swap3A_153 = arith.constant 0 : i32
    %swap3A_154 = arith.index_cast %swap3A_152 : i32 to index
    %swap3A_155 = arith.index_cast %swap3A_153 : i32 to index
    %swap3A_156 = arith.constant 80 : index
    %swap3A_157 = tpu.vector_load %arg9[%swap3A_154, %swap3A_155, %swap3A_156] {strides = array<i32>} : memref<2x8x128xi32, #tpu.memory_space<vmem>>, vector<16xi32>,
    tpu.vector_store %arg9[%swap3A_154, %swap3A_155, %swap3A_156], %gather3A_151 {strides = array<i32>} : memref<2x8x128xi32, #tpu.memory_space<vmem>>, vector<16xi32>,
    %add3A_158 = arith.constant 12 : i32
    %add3A_159 = vector.broadcast %add3A_158 : i32 to vector<16xi32>
    %add3A_160 = arith.addi %add3A_159, %shift_right_arithmetic3A_4 : vector<16xi32>
    %gather3A_161 = arith.constant 0 : i32
    %gather3A_162 = arith.constant 0 : i32
    %gather3A_163 = arith.constant 0 : i32
    %gather3A_164 = tpu.memref_slice %arg8[%gather3A_161, %gather3A_162, %gather3A_163] : memref<2x128x8xi32, #tpu.memory_space<vmem>> -> memref<1x128x8xi32, #tpu.memory_space<vmem>>
    %gather3A_165 = tpu.memref_squeeze %gather3A_164 : memref<1x128x8xi32, #tpu.memory_space<vmem>> -> memref<128x8xi32, #tpu.memory_space<vmem>>
    %gather3A_166 = tpu.vector_load_idx %gather3A_165[%add3A_160, %and3A_6] : memref<128x8xi32, #tpu.memory_space<vmem>>[vector<16xi32>, vector<16xi32>], vector<16xi32>,
    %swap3A_167 = arith.constant 0 : i32
    %swap3A_168 = arith.constant 0 : i32
    %swap3A_169 = arith.index_cast %swap3A_167 : i32 to index
    %swap3A_170 = arith.index_cast %swap3A_168 : i32 to index
    %swap3A_171 = arith.constant 96 : index
    %swap3A_172 = tpu.vector_load %arg9[%swap3A_169, %swap3A_170, %swap3A_171] {strides = array<i32>} : memref<2x8x128xi32, #tpu.memory_space<vmem>>, vector<16xi32>,
    tpu.vector_store %arg9[%swap3A_169, %swap3A_170, %swap3A_171], %gather3A_166 {strides = array<i32>} : memref<2x8x128xi32, #tpu.memory_space<vmem>>, vector<16xi32>,
    %add3A_173 = arith.constant 14 : i32
    %add3A_174 = vector.broadcast %add3A_173 : i32 to vector<16xi32>
    %add3A_175 = arith.addi %add3A_174, %shift_right_arithmetic3A_4 : vector<16xi32>
    %gather3A_176 = arith.constant 0 : i32
    %gather3A_177 = arith.constant 0 : i32
    %gather3A_178 = arith.constant 0 : i32
    %gather3A_179 = tpu.memref_slice %arg8[%gather3A_176, %gather3A_177, %gather3A_178] : memref<2x128x8xi32, #tpu.memory_space<vmem>> -> memref<1x128x8xi32, #tpu.memory_space<vmem>>
    %gather3A_180 = tpu.memref_squeeze %gather3A_179 : memref<1x128x8xi32, #tpu.memory_space<vmem>> -> memref<128x8xi32, #tpu.memory_space<vmem>>
    %gather3A_181 = tpu.vector_load_idx %gather3A_180[%add3A_175, %and3A_6] : memref<128x8xi32, #tpu.memory_space<vmem>>[vector<16xi32>, vector<16xi32>], vector<16xi32>,
    %swap3A_182 = arith.constant 0 : i32
    %swap3A_183 = arith.constant 0 : i32
    %swap3A_184 = arith.index_cast %swap3A_182 : i32 to index
    %swap3A_185 = arith.index_cast %swap3A_183 : i32 to index
    %swap3A_186 = arith.constant 112 : index
    %swap3A_187 = tpu.vector_load %arg9[%swap3A_184, %swap3A_185, %swap3A_186] {strides = array<i32>} : memref<2x8x128xi32, #tpu.memory_space<vmem>>, vector<16xi32>,
    tpu.vector_store %arg9[%swap3A_184, %swap3A_185, %swap3A_186], %gather3A_181 {strides = array<i32>} : memref<2x8x128xi32, #tpu.memory_space<vmem>>, vector<16xi32>,
    %add3A_188 = arith.constant 16 : i32
    %add3A_189 = vector.broadcast %add3A_188 : i32 to vector<16xi32>
    %add3A_190 = arith.addi %add3A_189, %shift_right_arithmetic3A_4 : vector<16xi32>
    %gather3A_191 = arith.constant 0 : i32
    %gather3A_192 = arith.constant 0 : i32
    %gather3A_193 = arith.constant 0 : i32
    %gather3A_194 = tpu.memref_slice %arg8[%gather3A_191, %gather3A_192, %gather3A_193] : memref<2x128x8xi32, #tpu.memory_space<vmem>> -> memref<1x128x8xi32, #tpu.memory_space<vmem>>
    %gather3A_195 = tpu.memref_squeeze %gather3A_194 : memref<1x128x8xi32, #tpu.memory_space<vmem>> -> memref<128x8xi32, #tpu.memory_space<vmem>>
    %gather3A_196 = tpu.vector_load_idx %gather3A_195[%add3A_190, %and3A_6] : memref<128x8xi32, #tpu.memory_space<vmem>>[vector<16xi32>, vector<16xi32>], vector<16xi32>,
    %swap3A_197 = arith.constant 0 : i32
    %swap3A_198 = arith.constant 1 : i32
    %swap3A_199 = arith.index_cast %swap3A_197 : i32 to index
    %swap3A_200 = arith.index_cast %swap3A_198 : i32 to index
    %swap3A_201 = arith.constant 0 : index
    %swap3A_202 = tpu.vector_load %arg9[%swap3A_199, %swap3A_200, %swap3A_201] {strides = array<i32>} : memref<2x8x128xi32, #tpu.memory_space<vmem>>, vector<16xi32>,
    tpu.vector_store %arg9[%swap3A_199, %swap3A_200, %swap3A_201], %gather3A_196 {strides = array<i32>} : memref<2x8x128xi32, #tpu.memory_space<vmem>>, vector<16xi32>,
    %add3A_203 = arith.constant 18 : i32
    %add3A_204 = vector.broadcast %add3A_203 : i32 to vector<16xi32>
    %add3A_205 = arith.addi %add3A_204, %shift_right_arithmetic3A_4 : vector<16xi32>
    %gather3A_206 = arith.constant 0 : i32
    %gather3A_207 = arith.constant 0 : i32
    %gather3A_208 = arith.constant 0 : i32
    %gather3A_209 = tpu.memref_slice %arg8[%gather3A_206, %gather3A_207, %gather3A_208] : memref<2x128x8xi32, #tpu.memory_space<vmem>> -> memref<1x128x8xi32, #tpu.memory_space<vmem>>
    %gather3A_210 = tpu.memref_squeeze %gather3A_209 : memref<1x128x8xi32, #tpu.memory_space<vmem>> -> memref<128x8xi32, #tpu.memory_space<vmem>>
    %gather3A_211 = tpu.vector_load_idx %gather3A_210[%add3A_205, %and3A_6] : memref<128x8xi32, #tpu.memory_space<vmem>>[vector<16xi32>, vector<16xi32>], vector<16xi32>,
    %swap3A_212 = arith.constant 0 : i32
    %swap3A_213 = arith.constant 1 : i32
    %swap3A_214 = arith.index_cast %swap3A_212 : i32 to index
    %swap3A_215 = arith.index_cast %swap3A_213 : i32 to index
    %swap3A_216 = arith.constant 16 : index
    %swap3A_217 = tpu.vector_load %arg9[%swap3A_214, %swap3A_215, %swap3A_216] {strides = array<i32>} : memref<2x8x128xi32, #tpu.memory_space<vmem>>, vector<16xi32>,
    tpu.vector_store %arg9[%swap3A_214, %swap3A_215, %swap3A_216], %gather3A_211 {strides = array<i32>} : memref<2x8x128xi32, #tpu.memory_space<vmem>>, vector<16xi32>,
    %add3A_218 = arith.constant 20 : i32
    %add3A_219 = vector.broadcast %add3A_218 : i32 to vector<16xi32>
    %add3A_220 = arith.addi %add3A_219, %shift_right_arithmetic3A_4 : vector<16xi32>
    %gather3A_221 = arith.constant 0 : i32
    %gather3A_222 = arith.constant 0 : i32
    %gather3A_223 = arith.constant 0 : i32
    %gather3A_224 = tpu.memref_slice %arg8[%gather3A_221, %gather3A_222, %gather3A_223] : memref<2x128x8xi32, #tpu.memory_space<vmem>> -> memref<1x128x8xi32, #tpu.memory_space<vmem>>
    %gather3A_225 = tpu.memref_squeeze %gather3A_224 : memref<1x128x8xi32, #tpu.memory_space<vmem>> -> memref<128x8xi32, #tpu.memory_space<vmem>>
    %gather3A_226 = tpu.vector_load_idx %gather3A_225[%add3A_220, %and3A_6] : memref<128x8xi32, #tpu.memory_space<vmem>>[vector<16xi32>, vector<16xi32>], vector<16xi32>,
    %swap3A_227 = arith.constant 0 : i32
    %swap3A_228 = arith.constant 1 : i32
    %swap3A_229 = arith.index_cast %swap3A_227 : i32 to index
    %swap3A_230 = arith.index_cast %swap3A_228 : i32 to index
    %swap3A_231 = arith.constant 32 : index
    %swap3A_232 = tpu.vector_load %arg9[%swap3A_229, %swap3A_230, %swap3A_231] {strides = array<i32>} : memref<2x8x128xi32, #tpu.memory_space<vmem>>, vector<16xi32>,
    tpu.vector_store %arg9[%swap3A_229, %swap3A_230, %swap3A_231], %gather3A_226 {strides = array<i32>} : memref<2x8x128xi32, #tpu.memory_space<vmem>>, vector<16xi32>,
    %add3A_233 = arith.constant 22 : i32
    %add3A_234 = vector.broadcast %add3A_233 : i32 to vector<16xi32>
    %add3A_235 = arith.addi %add3A_234, %shift_right_arithmetic3A_4 : vector<16xi32>
    %gather3A_236 = arith.constant 0 : i32
    %gather3A_237 = arith.constant 0 : i32
    %gather3A_238 = arith.constant 0 : i32
    %gather3A_239 = tpu.memref_slice %arg8[%gather3A_236, %gather3A_237, %gather3A_238] : memref<2x128x8xi32, #tpu.memory_space<vmem>> -> memref<1x128x8xi32, #tpu.memory_space<vmem>>
    %gather3A_240 = tpu.memref_squeeze %gather3A_239 : memref<1x128x8xi32, #tpu.memory_space<vmem>> -> memref<128x8xi32, #tpu.memory_space<vmem>>
    %gather3A_241 = tpu.vector_load_idx %gather3A_240[%add3A_235, %and3A_6] : memref<128x8xi32, #tpu.memory_space<vmem>>[vector<16xi32>, vector<16xi32>], vector<16xi32>,
    %swap3A_242 = arith.constant 0 : i32
    %swap3A_243 = arith.constant 1 : i32
    %swap3A_244 = arith.index_cast %swap3A_242 : i32 to index
    %swap3A_245 = arith.index_cast %swap3A_243 : i32 to index
    %swap3A_246 = arith.constant 48 : index
    %swap3A_247 = tpu.vector_load %arg9[%swap3A_244, %swap3A_245, %swap3A_246] {strides = array<i32>} : memref<2x8x128xi32, #tpu.memory_space<vmem>>, vector<16xi32>,
    tpu.vector_store %arg9[%swap3A_244, %swap3A_245, %swap3A_246], %gather3A_241 {strides = array<i32>} : memref<2x8x128xi32, #tpu.memory_space<vmem>>, vector<16xi32>,
    %add3A_248 = arith.constant 24 : i32
    %add3A_249 = vector.broadcast %add3A_248 : i32 to vector<16xi32>
    %add3A_250 = arith.addi %add3A_249, %shift_right_arithmetic3A_4 : vector<16xi32>
    %gather3A_251 = arith.constant 0 : i32
    %gather3A_252 = arith.constant 0 : i32
    %gather3A_253 = arith.constant 0 : i32
    %gather3A_254 = tpu.memref_slice %arg8[%gather3A_251, %gather3A_252, %gather3A_253] : memref<2x128x8xi32, #tpu.memory_space<vmem>> -> memref<1x128x8xi32, #tpu.memory_space<vmem>>
    %gather3A_255 = tpu.memref_squeeze %gather3A_254 : memref<1x128x8xi32, #tpu.memory_space<vmem>> -> memref<128x8xi32, #tpu.memory_space<vmem>>
    %gather3A_256 = tpu.vector_load_idx %gather3A_255[%add3A_250, %and3A_6] : memref<128x8xi32, #tpu.memory_space<vmem>>[vector<16xi32>, vector<16xi32>], vector<16xi32>,
    %swap3A_257 = arith.constant 0 : i32
    %swap3A_258 = arith.constant 1 : i32
    %swap3A_259 = arith.index_cast %swap3A_257 : i32 to index
    %swap3A_260 = arith.index_cast %swap3A_258 : i32 to index
    %swap3A_261 = arith.constant 64 : index
    %swap3A_262 = tpu.vector_load %arg9[%swap3A_259, %swap3A_260, %swap3A_261] {strides = array<i32>} : memref<2x8x128xi32, #tpu.memory_space<vmem>>, vector<16xi32>,
    tpu.vector_store %arg9[%swap3A_259, %swap3A_260, %swap3A_261], %gather3A_256 {strides = array<i32>} : memref<2x8x128xi32, #tpu.memory_space<vmem>>, vector<16xi32>,
    %add3A_263 = arith.constant 26 : i32
    %add3A_264 = vector.broadcast %add3A_263 : i32 to vector<16xi32>
    %add3A_265 = arith.addi %add3A_264, %shift_right_arithmetic3A_4 : vector<16xi32>
    %gather3A_266 = arith.constant 0 : i32
    %gather3A_267 = arith.constant 0 : i32
    %gather3A_268 = arith.constant 0 : i32
    %gather3A_269 = tpu.memref_slice %arg8[%gather3A_266, %gather3A_267, %gather3A_268] : memref<2x128x8xi32, #tpu.memory_space<vmem>> -> memref<1x128x8xi32, #tpu.memory_space<vmem>>
    %gather3A_270 = tpu.memref_squeeze %gather3A_269 : memref<1x128x8xi32, #tpu.memory_space<vmem>> -> memref<128x8xi32, #tpu.memory_space<vmem>>
    %gather3A_271 = tpu.vector_load_idx %gather3A_270[%add3A_265, %and3A_6] : memref<128x8xi32, #tpu.memory_space<vmem>>[vector<16xi32>, vector<16xi32>], vector<16xi32>,
    %swap3A_272 = arith.constant 0 : i32
    %swap3A_273 = arith.constant 1 : i32
    %swap3A_274 = arith.index_cast %swap3A_272 : i32 to index
    %swap3A_275 = arith.index_cast %swap3A_273 : i32 to index
    %swap3A_276 = arith.constant 80 : index
    %swap3A_277 = tpu.vector_load %arg9[%swap3A_274, %swap3A_275, %swap3A_276] {strides = array<i32>} : memref<2x8x128xi32, #tpu.memory_space<vmem>>, vector<16xi32>,
    tpu.vector_store %arg9[%swap3A_274, %swap3A_275, %swap3A_276], %gather3A_271 {strides = array<i32>} : memref<2x8x128xi32, #tpu.memory_space<vmem>>, vector<16xi32>,
    %add3A_278 = arith.constant 28 : i32
    %add3A_279 = vector.broadcast %add3A_278 : i32 to vector<16xi32>
    %add3A_280 = arith.addi %add3A_279, %shift_right_arithmetic3A_4 : vector<16xi32>
    %gather3A_281 = arith.constant 0 : i32
    %gather3A_282 = arith.constant 0 : i32
    %gather3A_283 = arith.constant 0 : i32
    %gather3A_284 = tpu.memref_slice %arg8[%gather3A_281, %gather3A_282, %gather3A_283] : memref<2x128x8xi32, #tpu.memory_space<vmem>> -> memref<1x128x8xi32, #tpu.memory_space<vmem>>
    %gather3A_285 = tpu.memref_squeeze %gather3A_284 : memref<1x128x8xi32, #tpu.memory_space<vmem>> -> memref<128x8xi32, #tpu.memory_space<vmem>>
    %gather3A_286 = tpu.vector_load_idx %gather3A_285[%add3A_280, %and3A_6] : memref<128x8xi32, #tpu.memory_space<vmem>>[vector<16xi32>, vector<16xi32>], vector<16xi32>,
    %swap3A_287 = arith.constant 0 : i32
    %swap3A_288 = arith.constant 1 : i32
    %swap3A_289 = arith.index_cast %swap3A_287 : i32 to index
    %swap3A_290 = arith.index_cast %swap3A_288 : i32 to index
    %swap3A_291 = arith.constant 96 : index
    %swap3A_292 = tpu.vector_load %arg9[%swap3A_289, %swap3A_290, %swap3A_291] {strides = array<i32>} : memref<2x8x128xi32, #tpu.memory_space<vmem>>, vector<16xi32>,
    tpu.vector_store %arg9[%swap3A_289, %swap3A_290, %swap3A_291], %gather3A_286 {strides = array<i32>} : memref<2x8x128xi32, #tpu.memory_space<vmem>>, vector<16xi32>,
    %add3A_293 = arith.constant 30 : i32
    %add3A_294 = vector.broadcast %add3A_293 : i32 to vector<16xi32>
    %add3A_295 = arith.addi %add3A_294, %shift_right_arithmetic3A_4 : vector<16xi32>
    %gather3A_296 = arith.constant 0 : i32
    %gather3A_297 = arith.constant 0 : i32
    %gather3A_298 = arith.constant 0 : i32
    %gather3A_299 = tpu.memref_slice %arg8[%gather3A_296, %gather3A_297, %gather3A_298] : memref<2x128x8xi32, #tpu.memory_space<vmem>> -> memref<1x128x8xi32, #tpu.memory_space<vmem>>
    %gather3A_300 = tpu.memref_squeeze %gather3A_299 : memref<1x128x8xi32, #tpu.memory_space<vmem>> -> memref<128x8xi32, #tpu.memory_space<vmem>>
    %gather3A_301 = tpu.vector_load_idx %gather3A_300[%add3A_295, %and3A_6] : memref<128x8xi32, #tpu.memory_space<vmem>>[vector<16xi32>, vector<16xi32>], vector<16xi32>,
    %swap3A_302 = arith.constant 0 : i32
    %swap3A_303 = arith.constant 1 : i32
    %swap3A_304 = arith.index_cast %swap3A_302 : i32 to index
    %swap3A_305 = arith.index_cast %swap3A_303 : i32 to index
    %swap3A_306 = arith.constant 112 : index
    %swap3A_307 = tpu.vector_load %arg9[%swap3A_304, %swap3A_305, %swap3A_306] {strides = array<i32>} : memref<2x8x128xi32, #tpu.memory_space<vmem>>, vector<16xi32>,
    tpu.vector_store %arg9[%swap3A_304, %swap3A_305, %swap3A_306], %gather3A_301 {strides = array<i32>} : memref<2x8x128xi32, #tpu.memory_space<vmem>>, vector<16xi32>,
    %add3A_308 = arith.constant 32 : i32
    %add3A_309 = vector.broadcast %add3A_308 : i32 to vector<16xi32>
    %add3A_310 = arith.addi %add3A_309, %shift_right_arithmetic3A_4 : vector<16xi32>
    %gather3A_311 = arith.constant 0 : i32
    %gather3A_312 = arith.constant 0 : i32
    %gather3A_313 = arith.constant 0 : i32
    %gather3A_314 = tpu.memref_slice %arg8[%gather3A_311, %gather3A_312, %gather3A_313] : memref<2x128x8xi32, #tpu.memory_space<vmem>> -> memref<1x128x8xi32, #tpu.memory_space<vmem>>
    %gather3A_315 = tpu.memref_squeeze %gather3A_314 : memref<1x128x8xi32, #tpu.memory_space<vmem>> -> memref<128x8xi32, #tpu.memory_space<vmem>>
    %gather3A_316 = tpu.vector_load_idx %gather3A_315[%add3A_310, %and3A_6] : memref<128x8xi32, #tpu.memory_space<vmem>>[vector<16xi32>, vector<16xi32>], vector<16xi32>,
    %swap3A_317 = arith.constant 0 : i32
    %swap3A_318 = arith.constant 2 : i32
    %swap3A_319 = arith.index_cast %swap3A_317 : i32 to index
    %swap3A_320 = arith.index_cast %swap3A_318 : i32 to index
    %swap3A_321 = arith.constant 0 : index
    %swap3A_322 = tpu.vector_load %arg9[%swap3A_319, %swap3A_320, %swap3A_321] {strides = array<i32>} : memref<2x8x128xi32, #tpu.memory_space<vmem>>, vector<16xi32>,
    tpu.vector_store %arg9[%swap3A_319, %swap3A_320, %swap3A_321], %gather3A_316 {strides = array<i32>} : memref<2x8x128xi32, #tpu.memory_space<vmem>>, vector<16xi32>,
    %add3A_323 = arith.constant 34 : i32
    %add3A_324 = vector.broadcast %add3A_323 : i32 to vector<16xi32>
    %add3A_325 = arith.addi %add3A_324, %shift_right_arithmetic3A_4 : vector<16xi32>
    %gather3A_326 = arith.constant 0 : i32
    %gather3A_327 = arith.constant 0 : i32
    %gather3A_328 = arith.constant 0 : i32
    %gather3A_329 = tpu.memref_slice %arg8[%gather3A_326, %gather3A_327, %gather3A_328] : memref<2x128x8xi32, #tpu.memory_space<vmem>> -> memref<1x128x8xi32, #tpu.memory_space<vmem>>
    %gather3A_330 = tpu.memref_squeeze %gather3A_329 : memref<1x128x8xi32, #tpu.memory_space<vmem>> -> memref<128x8xi32, #tpu.memory_space<vmem>>
    %gather3A_331 = tpu.vector_load_idx %gather3A_330[%add3A_325, %and3A_6] : memref<128x8xi32, #tpu.memory_space<vmem>>[vector<16xi32>, vector<16xi32>], vector<16xi32>,
    %swap3A_332 = arith.constant 0 : i32
    %swap3A_333 = arith.constant 2 : i32
    %swap3A_334 = arith.index_cast %swap3A_332 : i32 to index
    %swap3A_335 = arith.index_cast %swap3A_333 : i32 to index
    %swap3A_336 = arith.constant 16 : index
    %swap3A_337 = tpu.vector_load %arg9[%swap3A_334, %swap3A_335, %swap3A_336] {strides = array<i32>} : memref<2x8x128xi32, #tpu.memory_space<vmem>>, vector<16xi32>,
    tpu.vector_store %arg9[%swap3A_334, %swap3A_335, %swap3A_336], %gather3A_331 {strides = array<i32>} : memref<2x8x128xi32, #tpu.memory_space<vmem>>, vector<16xi32>,
    %add3A_338 = arith.constant 36 : i32
    %add3A_339 = vector.broadcast %add3A_338 : i32 to vector<16xi32>
    %add3A_340 = arith.addi %add3A_339, %shift_right_arithmetic3A_4 : vector<16xi32>
    %gather3A_341 = arith.constant 0 : i32
    %gather3A_342 = arith.constant 0 : i32
    %gather3A_343 = arith.constant 0 : i32
    %gather3A_344 = tpu.memref_slice %arg8[%gather3A_341, %gather3A_342, %gather3A_343] : memref<2x128x8xi32, #tpu.memory_space<vmem>> -> memref<1x128x8xi32, #tpu.memory_space<vmem>>
    %gather3A_345 = tpu.memref_squeeze %gather3A_344 : memref<1x128x8xi32, #tpu.memory_space<vmem>> -> memref<128x8xi32, #tpu.memory_space<vmem>>
    %gather3A_346 = tpu.vector_load_idx %gather3A_345[%add3A_340, %and3A_6] : memref<128x8xi32, #tpu.memory_space<vmem>>[vector<16xi32>, vector<16xi32>], vector<16xi32>,
    %swap3A_347 = arith.constant 0 : i32
    %swap3A_348 = arith.constant 2 : i32
    %swap3A_349 = arith.index_cast %swap3A_347 : i32 to index
    %swap3A_350 = arith.index_cast %swap3A_348 : i32 to index
    %swap3A_351 = arith.constant 32 : index
    %swap3A_352 = tpu.vector_load %arg9[%swap3A_349, %swap3A_350, %swap3A_351] {strides = array<i32>} : memref<2x8x128xi32, #tpu.memory_space<vmem>>, vector<16xi32>,
    tpu.vector_store %arg9[%swap3A_349, %swap3A_350, %swap3A_351], %gather3A_346 {strides = array<i32>} : memref<2x8x128xi32, #tpu.memory_space<vmem>>, vector<16xi32>,
    %add3A_353 = arith.constant 38 : i32
    %add3A_354 = vector.broadcast %add3A_353 : i32 to vector<16xi32>
    %add3A_355 = arith.addi %add3A_354, %shift_right_arithmetic3A_4 : vector<16xi32>
    %gather3A_356 = arith.constant 0 : i32
    %gather3A_357 = arith.constant 0 : i32
    %gather3A_358 = arith.constant 0 : i32
    %gather3A_359 = tpu.memref_slice %arg8[%gather3A_356, %gather3A_357, %gather3A_358] : memref<2x128x8xi32, #tpu.memory_space<vmem>> -> memref<1x128x8xi32, #tpu.memory_space<vmem>>
    %gather3A_360 = tpu.memref_squeeze %gather3A_359 : memref<1x128x8xi32, #tpu.memory_space<vmem>> -> memref<128x8xi32, #tpu.memory_space<vmem>>
    %gather3A_361 = tpu.vector_load_idx %gather3A_360[%add3A_355, %and3A_6] : memref<128x8xi32, #tpu.memory_space<vmem>>[vector<16xi32>, vector<16xi32>], vector<16xi32>,
    %swap3A_362 = arith.constant 0 : i32
    %swap3A_363 = arith.constant 2 : i32
    %swap3A_364 = arith.index_cast %swap3A_362 : i32 to index
    %swap3A_365 = arith.index_cast %swap3A_363 : i32 to index
    %swap3A_366 = arith.constant 48 : index
    %swap3A_367 = tpu.vector_load %arg9[%swap3A_364, %swap3A_365, %swap3A_366] {strides = array<i32>} : memref<2x8x128xi32, #tpu.memory_space<vmem>>, vector<16xi32>,
    tpu.vector_store %arg9[%swap3A_364, %swap3A_365, %swap3A_366], %gather3A_361 {strides = array<i32>} : memref<2x8x128xi32, #tpu.memory_space<vmem>>, vector<16xi32>,
    %add3A_368 = arith.constant 40 : i32
    %add3A_369 = vector.broadcast %add3A_368 : i32 to vector<16xi32>
    %add3A_370 = arith.addi %add3A_369, %shift_right_arithmetic3A_4 : vector<16xi32>
    %gather3A_371 = arith.constant 0 : i32
    %gather3A_372 = arith.constant 0 : i32
    %gather3A_373 = arith.constant 0 : i32
    %gather3A_374 = tpu.memref_slice %arg8[%gather3A_371, %gather3A_372, %gather3A_373] : memref<2x128x8xi32, #tpu.memory_space<vmem>> -> memref<1x128x8xi32, #tpu.memory_space<vmem>>
    %gather3A_375 = tpu.memref_squeeze %gather3A_374 : memref<1x128x8xi32, #tpu.memory_space<vmem>> -> memref<128x8xi32, #tpu.memory_space<vmem>>
    %gather3A_376 = tpu.vector_load_idx %gather3A_375[%add3A_370, %and3A_6] : memref<128x8xi32, #tpu.memory_space<vmem>>[vector<16xi32>, vector<16xi32>], vector<16xi32>,
    %swap3A_377 = arith.constant 0 : i32
    %swap3A_378 = arith.constant 2 : i32
    %swap3A_379 = arith.index_cast %swap3A_377 : i32 to index
    %swap3A_380 = arith.index_cast %swap3A_378 : i32 to index
    %swap3A_381 = arith.constant 64 : index
    %swap3A_382 = tpu.vector_load %arg9[%swap3A_379, %swap3A_380, %swap3A_381] {strides = array<i32>} : memref<2x8x128xi32, #tpu.memory_space<vmem>>, vector<16xi32>,
    tpu.vector_store %arg9[%swap3A_379, %swap3A_380, %swap3A_381], %gather3A_376 {strides = array<i32>} : memref<2x8x128xi32, #tpu.memory_space<vmem>>, vector<16xi32>,
    %add3A_383 = arith.constant 42 : i32
    %add3A_384 = vector.broadcast %add3A_383 : i32 to vector<16xi32>
    %add3A_385 = arith.addi %add3A_384, %shift_right_arithmetic3A_4 : vector<16xi32>
    %gather3A_386 = arith.constant 0 : i32
    %gather3A_387 = arith.constant 0 : i32
    %gather3A_388 = arith.constant 0 : i32
    %gather3A_389 = tpu.memref_slice %arg8[%gather3A_386, %gather3A_387, %gather3A_388] : memref<2x128x8xi32, #tpu.memory_space<vmem>> -> memref<1x128x8xi32, #tpu.memory_space<vmem>>
    %gather3A_390 = tpu.memref_squeeze %gather3A_389 : memref<1x128x8xi32, #tpu.memory_space<vmem>> -> memref<128x8xi32, #tpu.memory_space<vmem>>
    %gather3A_391 = tpu.vector_load_idx %gather3A_390[%add3A_385, %and3A_6] : memref<128x8xi32, #tpu.memory_space<vmem>>[vector<16xi32>, vector<16xi32>], vector<16xi32>,
    %swap3A_392 = arith.constant 0 : i32
    %swap3A_393 = arith.constant 2 : i32
    %swap3A_394 = arith.index_cast %swap3A_392 : i32 to index
    %swap3A_395 = arith.index_cast %swap3A_393 : i32 to index
    %swap3A_396 = arith.constant 80 : index
    %swap3A_397 = tpu.vector_load %arg9[%swap3A_394, %swap3A_395, %swap3A_396] {strides = array<i32>} : memref<2x8x128xi32, #tpu.memory_space<vmem>>, vector<16xi32>,
    tpu.vector_store %arg9[%swap3A_394, %swap3A_395, %swap3A_396], %gather3A_391 {strides = array<i32>} : memref<2x8x128xi32, #tpu.memory_space<vmem>>, vector<16xi32>,
    %add3A_398 = arith.constant 44 : i32
    %add3A_399 = vector.broadcast %add3A_398 : i32 to vector<16xi32>
    %add3A_400 = arith.addi %add3A_399, %shift_right_arithmetic3A_4 : vector<16xi32>
    %gather3A_401 = arith.constant 0 : i32
    %gather3A_402 = arith.constant 0 : i32
    %gather3A_403 = arith.constant 0 : i32
    %gather3A_404 = tpu.memref_slice %arg8[%gather3A_401, %gather3A_402, %gather3A_403] : memref<2x128x8xi32, #tpu.memory_space<vmem>> -> memref<1x128x8xi32, #tpu.memory_space<vmem>>
    %gather3A_405 = tpu.memref_squeeze %gather3A_404 : memref<1x128x8xi32, #tpu.memory_space<vmem>> -> memref<128x8xi32, #tpu.memory_space<vmem>>
    %gather3A_406 = tpu.vector_load_idx %gather3A_405[%add3A_400, %and3A_6] : memref<128x8xi32, #tpu.memory_space<vmem>>[vector<16xi32>, vector<16xi32>], vector<16xi32>,
    %swap3A_407 = arith.constant 0 : i32
    %swap3A_408 = arith.constant 2 : i32
    %swap3A_409 = arith.index_cast %swap3A_407 : i32 to index
    %swap3A_410 = arith.index_cast %swap3A_408 : i32 to index
    %swap3A_411 = arith.constant 96 : index
    %swap3A_412 = tpu.vector_load %arg9[%swap3A_409, %swap3A_410, %swap3A_411] {strides = array<i32>} : memref<2x8x128xi32, #tpu.memory_space<vmem>>, vector<16xi32>,
    tpu.vector_store %arg9[%swap3A_409, %swap3A_410, %swap3A_411], %gather3A_406 {strides = array<i32>} : memref<2x8x128xi32, #tpu.memory_space<vmem>>, vector<16xi32>,
    %add3A_413 = arith.constant 46 : i32
    %add3A_414 = vector.broadcast %add3A_413 : i32 to vector<16xi32>
    %add3A_415 = arith.addi %add3A_414, %shift_right_arithmetic3A_4 : vector<16xi32>
    %gather3A_416 = arith.constant 0 : i32
    %gather3A_417 = arith.constant 0 : i32
    %gather3A_418 = arith.constant 0 : i32
    %gather3A_419 = tpu.memref_slice %arg8[%gather3A_416, %gather3A_417, %gather3A_418] : memref<2x128x8xi32, #tpu.memory_space<vmem>> -> memref<1x128x8xi32, #tpu.memory_space<vmem>>
    %gather3A_420 = tpu.memref_squeeze %gather3A_419 : memref<1x128x8xi32, #tpu.memory_space<vmem>> -> memref<128x8xi32, #tpu.memory_space<vmem>>
    %gather3A_421 = tpu.vector_load_idx %gather3A_420[%add3A_415, %and3A_6] : memref<128x8xi32, #tpu.memory_space<vmem>>[vector<16xi32>, vector<16xi32>], vector<16xi32>,
    %swap3A_422 = arith.constant 0 : i32
    %swap3A_423 = arith.constant 2 : i32
    %swap3A_424 = arith.index_cast %swap3A_422 : i32 to index
    %swap3A_425 = arith.index_cast %swap3A_423 : i32 to index
    %swap3A_426 = arith.constant 112 : index
    %swap3A_427 = tpu.vector_load %arg9[%swap3A_424, %swap3A_425, %swap3A_426] {strides = array<i32>} : memref<2x8x128xi32, #tpu.memory_space<vmem>>, vector<16xi32>,
    tpu.vector_store %arg9[%swap3A_424, %swap3A_425, %swap3A_426], %gather3A_421 {strides = array<i32>} : memref<2x8x128xi32, #tpu.memory_space<vmem>>, vector<16xi32>,
    %add3A_428 = arith.constant 48 : i32
    %add3A_429 = vector.broadcast %add3A_428 : i32 to vector<16xi32>
    %add3A_430 = arith.addi %add3A_429, %shift_right_arithmetic3A_4 : vector<16xi32>
    %gather3A_431 = arith.constant 0 : i32
    %gather3A_432 = arith.constant 0 : i32
    %gather3A_433 = arith.constant 0 : i32
    %gather3A_434 = tpu.memref_slice %arg8[%gather3A_431, %gather3A_432, %gather3A_433] : memref<2x128x8xi32, #tpu.memory_space<vmem>> -> memref<1x128x8xi32, #tpu.memory_space<vmem>>
    %gather3A_435 = tpu.memref_squeeze %gather3A_434 : memref<1x128x8xi32, #tpu.memory_space<vmem>> -> memref<128x8xi32, #tpu.memory_space<vmem>>
    %gather3A_436 = tpu.vector_load_idx %gather3A_435[%add3A_430, %and3A_6] : memref<128x8xi32, #tpu.memory_space<vmem>>[vector<16xi32>, vector<16xi32>], vector<16xi32>,
    %swap3A_437 = arith.constant 0 : i32
    %swap3A_438 = arith.constant 3 : i32
    %swap3A_439 = arith.index_cast %swap3A_437 : i32 to index
    %swap3A_440 = arith.index_cast %swap3A_438 : i32 to index
    %swap3A_441 = arith.constant 0 : index
    %swap3A_442 = tpu.vector_load %arg9[%swap3A_439, %swap3A_440, %swap3A_441] {strides = array<i32>} : memref<2x8x128xi32, #tpu.memory_space<vmem>>, vector<16xi32>,
    tpu.vector_store %arg9[%swap3A_439, %swap3A_440, %swap3A_441], %gather3A_436 {strides = array<i32>} : memref<2x8x128xi32, #tpu.memory_space<vmem>>, vector<16xi32>,
    %add3A_443 = arith.constant 50 : i32
    %add3A_444 = vector.broadcast %add3A_443 : i32 to vector<16xi32>
    %add3A_445 = arith.addi %add3A_444, %shift_right_arithmetic3A_4 : vector<16xi32>
    %gather3A_446 = arith.constant 0 : i32
    %gather3A_447 = arith.constant 0 : i32
    %gather3A_448 = arith.constant 0 : i32
    %gather3A_449 = tpu.memref_slice %arg8[%gather3A_446, %gather3A_447, %gather3A_448] : memref<2x128x8xi32, #tpu.memory_space<vmem>> -> memref<1x128x8xi32, #tpu.memory_space<vmem>>
    %gather3A_450 = tpu.memref_squeeze %gather3A_449 : memref<1x128x8xi32, #tpu.memory_space<vmem>> -> memref<128x8xi32, #tpu.memory_space<vmem>>
    %gather3A_451 = tpu.vector_load_idx %gather3A_450[%add3A_445, %and3A_6] : memref<128x8xi32, #tpu.memory_space<vmem>>[vector<16xi32>, vector<16xi32>], vector<16xi32>,
    %swap3A_452 = arith.constant 0 : i32
    %swap3A_453 = arith.constant 3 : i32
    %swap3A_454 = arith.index_cast %swap3A_452 : i32 to index
    %swap3A_455 = arith.index_cast %swap3A_453 : i32 to index
    %swap3A_456 = arith.constant 16 : index
    %swap3A_457 = tpu.vector_load %arg9[%swap3A_454, %swap3A_455, %swap3A_456] {strides = array<i32>} : memref<2x8x128xi32, #tpu.memory_space<vmem>>, vector<16xi32>,
    tpu.vector_store %arg9[%swap3A_454, %swap3A_455, %swap3A_456], %gather3A_451 {strides = array<i32>} : memref<2x8x128xi32, #tpu.memory_space<vmem>>, vector<16xi32>,
    %add3A_458 = arith.constant 52 : i32
    %add3A_459 = vector.broadcast %add3A_458 : i32 to vector<16xi32>
    %add3A_460 = arith.addi %add3A_459, %shift_right_arithmetic3A_4 : vector<16xi32>
    %gather3A_461 = arith.constant 0 : i32
    %gather3A_462 = arith.constant 0 : i32
    %gather3A_463 = arith.constant 0 : i32
    %gather3A_464 = tpu.memref_slice %arg8[%gather3A_461, %gather3A_462, %gather3A_463] : memref<2x128x8xi32, #tpu.memory_space<vmem>> -> memref<1x128x8xi32, #tpu.memory_space<vmem>>
    %gather3A_465 = tpu.memref_squeeze %gather3A_464 : memref<1x128x8xi32, #tpu.memory_space<vmem>> -> memref<128x8xi32, #tpu.memory_space<vmem>>
    %gather3A_466 = tpu.vector_load_idx %gather3A_465[%add3A_460, %and3A_6] : memref<128x8xi32, #tpu.memory_space<vmem>>[vector<16xi32>, vector<16xi32>], vector<16xi32>,
    %swap3A_467 = arith.constant 0 : i32
    %swap3A_468 = arith.constant 3 : i32
    %swap3A_469 = arith.index_cast %swap3A_467 : i32 to index
    %swap3A_470 = arith.index_cast %swap3A_468 : i32 to index
    %swap3A_471 = arith.constant 32 : index
    %swap3A_472 = tpu.vector_load %arg9[%swap3A_469, %swap3A_470, %swap3A_471] {strides = array<i32>} : memref<2x8x128xi32, #tpu.memory_space<vmem>>, vector<16xi32>,
    tpu.vector_store %arg9[%swap3A_469, %swap3A_470, %swap3A_471], %gather3A_466 {strides = array<i32>} : memref<2x8x128xi32, #tpu.memory_space<vmem>>, vector<16xi32>,
    %add3A_473 = arith.constant 54 : i32
    %add3A_474 = vector.broadcast %add3A_473 : i32 to vector<16xi32>
    %add3A_475 = arith.addi %add3A_474, %shift_right_arithmetic3A_4 : vector<16xi32>
    %gather3A_476 = arith.constant 0 : i32
    %gather3A_477 = arith.constant 0 : i32
    %gather3A_478 = arith.constant 0 : i32
    %gather3A_479 = tpu.memref_slice %arg8[%gather3A_476, %gather3A_477, %gather3A_478] : memref<2x128x8xi32, #tpu.memory_space<vmem>> -> memref<1x128x8xi32, #tpu.memory_space<vmem>>
    %gather3A_480 = tpu.memref_squeeze %gather3A_479 : memref<1x128x8xi32, #tpu.memory_space<vmem>> -> memref<128x8xi32, #tpu.memory_space<vmem>>
    %gather3A_481 = tpu.vector_load_idx %gather3A_480[%add3A_475, %and3A_6] : memref<128x8xi32, #tpu.memory_space<vmem>>[vector<16xi32>, vector<16xi32>], vector<16xi32>,
    %swap3A_482 = arith.constant 0 : i32
    %swap3A_483 = arith.constant 3 : i32
    %swap3A_484 = arith.index_cast %swap3A_482 : i32 to index
    %swap3A_485 = arith.index_cast %swap3A_483 : i32 to index
    %swap3A_486 = arith.constant 48 : index
    %swap3A_487 = tpu.vector_load %arg9[%swap3A_484, %swap3A_485, %swap3A_486] {strides = array<i32>} : memref<2x8x128xi32, #tpu.memory_space<vmem>>, vector<16xi32>,
    tpu.vector_store %arg9[%swap3A_484, %swap3A_485, %swap3A_486], %gather3A_481 {strides = array<i32>} : memref<2x8x128xi32, #tpu.memory_space<vmem>>, vector<16xi32>,
    %add3A_488 = arith.constant 56 : i32
    %add3A_489 = vector.broadcast %add3A_488 : i32 to vector<16xi32>
    %add3A_490 = arith.addi %add3A_489, %shift_right_arithmetic3A_4 : vector<16xi32>
    %gather3A_491 = arith.constant 0 : i32
    %gather3A_492 = arith.constant 0 : i32
    %gather3A_493 = arith.constant 0 : i32
    %gather3A_494 = tpu.memref_slice %arg8[%gather3A_491, %gather3A_492, %gather3A_493] : memref<2x128x8xi32, #tpu.memory_space<vmem>> -> memref<1x128x8xi32, #tpu.memory_space<vmem>>
    %gather3A_495 = tpu.memref_squeeze %gather3A_494 : memref<1x128x8xi32, #tpu.memory_space<vmem>> -> memref<128x8xi32, #tpu.memory_space<vmem>>
    %gather3A_496 = tpu.vector_load_idx %gather3A_495[%add3A_490, %and3A_6] : memref<128x8xi32, #tpu.memory_space<vmem>>[vector<16xi32>, vector<16xi32>], vector<16xi32>,
    %swap3A_497 = arith.constant 0 : i32
    %swap3A_498 = arith.constant 3 : i32
    %swap3A_499 = arith.index_cast %swap3A_497 : i32 to index
    %swap3A_500 = arith.index_cast %swap3A_498 : i32 to index
    %swap3A_501 = arith.constant 64 : index
    %swap3A_502 = tpu.vector_load %arg9[%swap3A_499, %swap3A_500, %swap3A_501] {strides = array<i32>} : memref<2x8x128xi32, #tpu.memory_space<vmem>>, vector<16xi32>,
    tpu.vector_store %arg9[%swap3A_499, %swap3A_500, %swap3A_501], %gather3A_496 {strides = array<i32>} : memref<2x8x128xi32, #tpu.memory_space<vmem>>, vector<16xi32>,
    %add3A_503 = arith.constant 58 : i32
    %add3A_504 = vector.broadcast %add3A_503 : i32 to vector<16xi32>
    %add3A_505 = arith.addi %add3A_504, %shift_right_arithmetic3A_4 : vector<16xi32>
    %gather3A_506 = arith.constant 0 : i32
    %gather3A_507 = arith.constant 0 : i32
    %gather3A_508 = arith.constant 0 : i32
    %gather3A_509 = tpu.memref_slice %arg8[%gather3A_506, %gather3A_507, %gather3A_508] : memref<2x128x8xi32, #tpu.memory_space<vmem>> -> memref<1x128x8xi32, #tpu.memory_space<vmem>>
    %gather3A_510 = tpu.memref_squeeze %gather3A_509 : memref<1x128x8xi32, #tpu.memory_space<vmem>> -> memref<128x8xi32, #tpu.memory_space<vmem>>
    %gather3A_511 = tpu.vector_load_idx %gather3A_510[%add3A_505, %and3A_6] : memref<128x8xi32, #tpu.memory_space<vmem>>[vector<16xi32>, vector<16xi32>], vector<16xi32>,
    %swap3A_512 = arith.constant 0 : i32
    %swap3A_513 = arith.constant 3 : i32
    %swap3A_514 = arith.index_cast %swap3A_512 : i32 to index
    %swap3A_515 = arith.index_cast %swap3A_513 : i32 to index
    %swap3A_516 = arith.constant 80 : index
    %swap3A_517 = tpu.vector_load %arg9[%swap3A_514, %swap3A_515, %swap3A_516] {strides = array<i32>} : memref<2x8x128xi32, #tpu.memory_space<vmem>>, vector<16xi32>,
    tpu.vector_store %arg9[%swap3A_514, %swap3A_515, %swap3A_516], %gather3A_511 {strides = array<i32>} : memref<2x8x128xi32, #tpu.memory_space<vmem>>, vector<16xi32>,
    %add3A_518 = arith.constant 60 : i32
    %add3A_519 = vector.broadcast %add3A_518 : i32 to vector<16xi32>
    %add3A_520 = arith.addi %add3A_519, %shift_right_arithmetic3A_4 : vector<16xi32>
    %gather3A_521 = arith.constant 0 : i32
    %gather3A_522 = arith.constant 0 : i32
    %gather3A_523 = arith.constant 0 : i32
    %gather3A_524 = tpu.memref_slice %arg8[%gather3A_521, %gather3A_522, %gather3A_523] : memref<2x128x8xi32, #tpu.memory_space<vmem>> -> memref<1x128x8xi32, #tpu.memory_space<vmem>>
    %gather3A_525 = tpu.memref_squeeze %gather3A_524 : memref<1x128x8xi32, #tpu.memory_space<vmem>> -> memref<128x8xi32, #tpu.memory_space<vmem>>
    %gather3A_526 = tpu.vector_load_idx %gather3A_525[%add3A_520, %and3A_6] : memref<128x8xi32, #tpu.memory_space<vmem>>[vector<16xi32>, vector<16xi32>], vector<16xi32>,
    %swap3A_527 = arith.constant 0 : i32
    %swap3A_528 = arith.constant 3 : i32
    %swap3A_529 = arith.index_cast %swap3A_527 : i32 to index
    %swap3A_530 = arith.index_cast %swap3A_528 : i32 to index
    %swap3A_531 = arith.constant 96 : index
    %swap3A_532 = tpu.vector_load %arg9[%swap3A_529, %swap3A_530, %swap3A_531] {strides = array<i32>} : memref<2x8x128xi32, #tpu.memory_space<vmem>>, vector<16xi32>,
    tpu.vector_store %arg9[%swap3A_529, %swap3A_530, %swap3A_531], %gather3A_526 {strides = array<i32>} : memref<2x8x128xi32, #tpu.memory_space<vmem>>, vector<16xi32>,
    %add3A_533 = arith.constant 62 : i32
    %add3A_534 = vector.broadcast %add3A_533 : i32 to vector<16xi32>
    %add3A_535 = arith.addi %add3A_534, %shift_right_arithmetic3A_4 : vector<16xi32>
    %gather3A_536 = arith.constant 0 : i32
    %gather3A_537 = arith.constant 0 : i32
    %gather3A_538 = arith.constant 0 : i32
    %gather3A_539 = tpu.memref_slice %arg8[%gather3A_536, %gather3A_537, %gather3A_538] : memref<2x128x8xi32, #tpu.memory_space<vmem>> -> memref<1x128x8xi32, #tpu.memory_space<vmem>>
    %gather3A_540 = tpu.memref_squeeze %gather3A_539 : memref<1x128x8xi32, #tpu.memory_space<vmem>> -> memref<128x8xi32, #tpu.memory_space<vmem>>
    %gather3A_541 = tpu.vector_load_idx %gather3A_540[%add3A_535, %and3A_6] : memref<128x8xi32, #tpu.memory_space<vmem>>[vector<16xi32>, vector<16xi32>], vector<16xi32>,
    %swap3A_542 = arith.constant 0 : i32
    %swap3A_543 = arith.constant 3 : i32
    %swap3A_544 = arith.index_cast %swap3A_542 : i32 to index
    %swap3A_545 = arith.index_cast %swap3A_543 : i32 to index
    %swap3A_546 = arith.constant 112 : index
    %swap3A_547 = tpu.vector_load %arg9[%swap3A_544, %swap3A_545, %swap3A_546] {strides = array<i32>} : memref<2x8x128xi32, #tpu.memory_space<vmem>>, vector<16xi32>,
    tpu.vector_store %arg9[%swap3A_544, %swap3A_545, %swap3A_546], %gather3A_541 {strides = array<i32>} : memref<2x8x128xi32, #tpu.memory_space<vmem>>, vector<16xi32>,
    %add3A_548 = arith.constant 64 : i32
    %add3A_549 = vector.broadcast %add3A_548 : i32 to vector<16xi32>
    %add3A_550 = arith.addi %add3A_549, %shift_right_arithmetic3A_4 : vector<16xi32>
    %gather3A_551 = arith.constant 0 : i32
    %gather3A_552 = arith.constant 0 : i32
    %gather3A_553 = arith.constant 0 : i32
    %gather3A_554 = tpu.memref_slice %arg8[%gather3A_551, %gather3A_552, %gather3A_553] : memref<2x128x8xi32, #tpu.memory_space<vmem>> -> memref<1x128x8xi32, #tpu.memory_space<vmem>>
    %gather3A_555 = tpu.memref_squeeze %gather3A_554 : memref<1x128x8xi32, #tpu.memory_space<vmem>> -> memref<128x8xi32, #tpu.memory_space<vmem>>
    %gather3A_556 = tpu.vector_load_idx %gather3A_555[%add3A_550, %and3A_6] : memref<128x8xi32, #tpu.memory_space<vmem>>[vector<16xi32>, vector<16xi32>], vector<16xi32>,
    %swap3A_557 = arith.constant 0 : i32
    %swap3A_558 = arith.constant 4 : i32
    %swap3A_559 = arith.index_cast %swap3A_557 : i32 to index
    %swap3A_560 = arith.index_cast %swap3A_558 : i32 to index
    %swap3A_561 = arith.constant 0 : index
    %swap3A_562 = tpu.vector_load %arg9[%swap3A_559, %swap3A_560, %swap3A_561] {strides = array<i32>} : memref<2x8x128xi32, #tpu.memory_space<vmem>>, vector<16xi32>,
    tpu.vector_store %arg9[%swap3A_559, %swap3A_560, %swap3A_561], %gather3A_556 {strides = array<i32>} : memref<2x8x128xi32, #tpu.memory_space<vmem>>, vector<16xi32>,
    %add3A_563 = arith.constant 66 : i32
    %add3A_564 = vector.broadcast %add3A_563 : i32 to vector<16xi32>
    %add3A_565 = arith.addi %add3A_564, %shift_right_arithmetic3A_4 : vector<16xi32>
    %gather3A_566 = arith.constant 0 : i32
    %gather3A_567 = arith.constant 0 : i32
    %gather3A_568 = arith.constant 0 : i32
    %gather3A_569 = tpu.memref_slice %arg8[%gather3A_566, %gather3A_567, %gather3A_568] : memref<2x128x8xi32, #tpu.memory_space<vmem>> -> memref<1x128x8xi32, #tpu.memory_space<vmem>>
    %gather3A_570 = tpu.memref_squeeze %gather3A_569 : memref<1x128x8xi32, #tpu.memory_space<vmem>> -> memref<128x8xi32, #tpu.memory_space<vmem>>
    %gather3A_571 = tpu.vector_load_idx %gather3A_570[%add3A_565, %and3A_6] : memref<128x8xi32, #tpu.memory_space<vmem>>[vector<16xi32>, vector<16xi32>], vector<16xi32>,
    %swap3A_572 = arith.constant 0 : i32
    %swap3A_573 = arith.constant 4 : i32
    %swap3A_574 = arith.index_cast %swap3A_572 : i32 to index
    %swap3A_575 = arith.index_cast %swap3A_573 : i32 to index
    %swap3A_576 = arith.constant 16 : index
    %swap3A_577 = tpu.vector_load %arg9[%swap3A_574, %swap3A_575, %swap3A_576] {strides = array<i32>} : memref<2x8x128xi32, #tpu.memory_space<vmem>>, vector<16xi32>,
    tpu.vector_store %arg9[%swap3A_574, %swap3A_575, %swap3A_576], %gather3A_571 {strides = array<i32>} : memref<2x8x128xi32, #tpu.memory_space<vmem>>, vector<16xi32>,
    %add3A_578 = arith.constant 68 : i32
    %add3A_579 = vector.broadcast %add3A_578 : i32 to vector<16xi32>
    %add3A_580 = arith.addi %add3A_579, %shift_right_arithmetic3A_4 : vector<16xi32>
    %gather3A_581 = arith.constant 0 : i32
    %gather3A_582 = arith.constant 0 : i32
    %gather3A_583 = arith.constant 0 : i32
    %gather3A_584 = tpu.memref_slice %arg8[%gather3A_581, %gather3A_582, %gather3A_583] : memref<2x128x8xi32, #tpu.memory_space<vmem>> -> memref<1x128x8xi32, #tpu.memory_space<vmem>>
    %gather3A_585 = tpu.memref_squeeze %gather3A_584 : memref<1x128x8xi32, #tpu.memory_space<vmem>> -> memref<128x8xi32, #tpu.memory_space<vmem>>
    %gather3A_586 = tpu.vector_load_idx %gather3A_585[%add3A_580, %and3A_6] : memref<128x8xi32, #tpu.memory_space<vmem>>[vector<16xi32>, vector<16xi32>], vector<16xi32>,
    %swap3A_587 = arith.constant 0 : i32
    %swap3A_588 = arith.constant 4 : i32
    %swap3A_589 = arith.index_cast %swap3A_587 : i32 to index
    %swap3A_590 = arith.index_cast %swap3A_588 : i32 to index
    %swap3A_591 = arith.constant 32 : index
    %swap3A_592 = tpu.vector_load %arg9[%swap3A_589, %swap3A_590, %swap3A_591] {strides = array<i32>} : memref<2x8x128xi32, #tpu.memory_space<vmem>>, vector<16xi32>,
    tpu.vector_store %arg9[%swap3A_589, %swap3A_590, %swap3A_591], %gather3A_586 {strides = array<i32>} : memref<2x8x128xi32, #tpu.memory_space<vmem>>, vector<16xi32>,
    %add3A_593 = arith.constant 70 : i32
    %add3A_594 = vector.broadcast %add3A_593 : i32 to vector<16xi32>
    %add3A_595 = arith.addi %add3A_594, %shift_right_arithmetic3A_4 : vector<16xi32>
    %gather3A_596 = arith.constant 0 : i32
    %gather3A_597 = arith.constant 0 : i32
    %gather3A_598 = arith.constant 0 : i32
    %gather3A_599 = tpu.memref_slice %arg8[%gather3A_596, %gather3A_597, %gather3A_598] : memref<2x128x8xi32, #tpu.memory_space<vmem>> -> memref<1x128x8xi32, #tpu.memory_space<vmem>>
    %gather3A_600 = tpu.memref_squeeze %gather3A_599 : memref<1x128x8xi32, #tpu.memory_space<vmem>> -> memref<128x8xi32, #tpu.memory_space<vmem>>
    %gather3A_601 = tpu.vector_load_idx %gather3A_600[%add3A_595, %and3A_6] : memref<128x8xi32, #tpu.memory_space<vmem>>[vector<16xi32>, vector<16xi32>], vector<16xi32>,
    %swap3A_602 = arith.constant 0 : i32
    %swap3A_603 = arith.constant 4 : i32
    %swap3A_604 = arith.index_cast %swap3A_602 : i32 to index
    %swap3A_605 = arith.index_cast %swap3A_603 : i32 to index
    %swap3A_606 = arith.constant 48 : index
    %swap3A_607 = tpu.vector_load %arg9[%swap3A_604, %swap3A_605, %swap3A_606] {strides = array<i32>} : memref<2x8x128xi32, #tpu.memory_space<vmem>>, vector<16xi32>,
    tpu.vector_store %arg9[%swap3A_604, %swap3A_605, %swap3A_606], %gather3A_601 {strides = array<i32>} : memref<2x8x128xi32, #tpu.memory_space<vmem>>, vector<16xi32>,
    %add3A_608 = arith.constant 72 : i32
    %add3A_609 = vector.broadcast %add3A_608 : i32 to vector<16xi32>
    %add3A_610 = arith.addi %add3A_609, %shift_right_arithmetic3A_4 : vector<16xi32>
    %gather3A_611 = arith.constant 0 : i32
    %gather3A_612 = arith.constant 0 : i32
    %gather3A_613 = arith.constant 0 : i32
    %gather3A_614 = tpu.memref_slice %arg8[%gather3A_611, %gather3A_612, %gather3A_613] : memref<2x128x8xi32, #tpu.memory_space<vmem>> -> memref<1x128x8xi32, #tpu.memory_space<vmem>>
    %gather3A_615 = tpu.memref_squeeze %gather3A_614 : memref<1x128x8xi32, #tpu.memory_space<vmem>> -> memref<128x8xi32, #tpu.memory_space<vmem>>
    %gather3A_616 = tpu.vector_load_idx %gather3A_615[%add3A_610, %and3A_6] : memref<128x8xi32, #tpu.memory_space<vmem>>[vector<16xi32>, vector<16xi32>], vector<16xi32>,
    %swap3A_617 = arith.constant 0 : i32
    %swap3A_618 = arith.constant 4 : i32
    %swap3A_619 = arith.index_cast %swap3A_617 : i32 to index
    %swap3A_620 = arith.index_cast %swap3A_618 : i32 to index
    %swap3A_621 = arith.constant 64 : index
    %swap3A_622 = tpu.vector_load %arg9[%swap3A_619, %swap3A_620, %swap3A_621] {strides = array<i32>} : memref<2x8x128xi32, #tpu.memory_space<vmem>>, vector<16xi32>,
    tpu.vector_store %arg9[%swap3A_619, %swap3A_620, %swap3A_621], %gather3A_616 {strides = array<i32>} : memref<2x8x128xi32, #tpu.memory_space<vmem>>, vector<16xi32>,
    %add3A_623 = arith.constant 74 : i32
    %add3A_624 = vector.broadcast %add3A_623 : i32 to vector<16xi32>
    %add3A_625 = arith.addi %add3A_624, %shift_right_arithmetic3A_4 : vector<16xi32>
    %gather3A_626 = arith.constant 0 : i32
    %gather3A_627 = arith.constant 0 : i32
    %gather3A_628 = arith.constant 0 : i32
    %gather3A_629 = tpu.memref_slice %arg8[%gather3A_626, %gather3A_627, %gather3A_628] : memref<2x128x8xi32, #tpu.memory_space<vmem>> -> memref<1x128x8xi32, #tpu.memory_space<vmem>>
    %gather3A_630 = tpu.memref_squeeze %gather3A_629 : memref<1x128x8xi32, #tpu.memory_space<vmem>> -> memref<128x8xi32, #tpu.memory_space<vmem>>
    %gather3A_631 = tpu.vector_load_idx %gather3A_630[%add3A_625, %and3A_6] : memref<128x8xi32, #tpu.memory_space<vmem>>[vector<16xi32>, vector<16xi32>], vector<16xi32>,
    %swap3A_632 = arith.constant 0 : i32
    %swap3A_633 = arith.constant 4 : i32
    %swap3A_634 = arith.index_cast %swap3A_632 : i32 to index
    %swap3A_635 = arith.index_cast %swap3A_633 : i32 to index
    %swap3A_636 = arith.constant 80 : index
    %swap3A_637 = tpu.vector_load %arg9[%swap3A_634, %swap3A_635, %swap3A_636] {strides = array<i32>} : memref<2x8x128xi32, #tpu.memory_space<vmem>>, vector<16xi32>,
    tpu.vector_store %arg9[%swap3A_634, %swap3A_635, %swap3A_636], %gather3A_631 {strides = array<i32>} : memref<2x8x128xi32, #tpu.memory_space<vmem>>, vector<16xi32>,
    %add3A_638 = arith.constant 76 : i32
    %add3A_639 = vector.broadcast %add3A_638 : i32 to vector<16xi32>
    %add3A_640 = arith.addi %add3A_639, %shift_right_arithmetic3A_4 : vector<16xi32>
    %gather3A_641 = arith.constant 0 : i32
    %gather3A_642 = arith.constant 0 : i32
    %gather3A_643 = arith.constant 0 : i32
    %gather3A_644 = tpu.memref_slice %arg8[%gather3A_641, %gather3A_642, %gather3A_643] : memref<2x128x8xi32, #tpu.memory_space<vmem>> -> memref<1x128x8xi32, #tpu.memory_space<vmem>>
    %gather3A_645 = tpu.memref_squeeze %gather3A_644 : memref<1x128x8xi32, #tpu.memory_space<vmem>> -> memref<128x8xi32, #tpu.memory_space<vmem>>
    %gather3A_646 = tpu.vector_load_idx %gather3A_645[%add3A_640, %and3A_6] : memref<128x8xi32, #tpu.memory_space<vmem>>[vector<16xi32>, vector<16xi32>], vector<16xi32>,
    %swap3A_647 = arith.constant 0 : i32
    %swap3A_648 = arith.constant 4 : i32
    %swap3A_649 = arith.index_cast %swap3A_647 : i32 to index
    %swap3A_650 = arith.index_cast %swap3A_648 : i32 to index
    %swap3A_651 = arith.constant 96 : index
    %swap3A_652 = tpu.vector_load %arg9[%swap3A_649, %swap3A_650, %swap3A_651] {strides = array<i32>} : memref<2x8x128xi32, #tpu.memory_space<vmem>>, vector<16xi32>,
    tpu.vector_store %arg9[%swap3A_649, %swap3A_650, %swap3A_651], %gather3A_646 {strides = array<i32>} : memref<2x8x128xi32, #tpu.memory_space<vmem>>, vector<16xi32>,
    %add3A_653 = arith.constant 78 : i32
    %add3A_654 = vector.broadcast %add3A_653 : i32 to vector<16xi32>
    %add3A_655 = arith.addi %add3A_654, %shift_right_arithmetic3A_4 : vector<16xi32>
    %gather3A_656 = arith.constant 0 : i32
    %gather3A_657 = arith.constant 0 : i32
    %gather3A_658 = arith.constant 0 : i32
    %gather3A_659 = tpu.memref_slice %arg8[%gather3A_656, %gather3A_657, %gather3A_658] : memref<2x128x8xi32, #tpu.memory_space<vmem>> -> memref<1x128x8xi32, #tpu.memory_space<vmem>>
    %gather3A_660 = tpu.memref_squeeze %gather3A_659 : memref<1x128x8xi32, #tpu.memory_space<vmem>> -> memref<128x8xi32, #tpu.memory_space<vmem>>
    %gather3A_661 = tpu.vector_load_idx %gather3A_660[%add3A_655, %and3A_6] : memref<128x8xi32, #tpu.memory_space<vmem>>[vector<16xi32>, vector<16xi32>], vector<16xi32>,
    %swap3A_662 = arith.constant 0 : i32
    %swap3A_663 = arith.constant 4 : i32
    %swap3A_664 = arith.index_cast %swap3A_662 : i32 to index
    %swap3A_665 = arith.index_cast %swap3A_663 : i32 to index
    %swap3A_666 = arith.constant 112 : index
    %swap3A_667 = tpu.vector_load %arg9[%swap3A_664, %swap3A_665, %swap3A_666] {strides = array<i32>} : memref<2x8x128xi32, #tpu.memory_space<vmem>>, vector<16xi32>,
    tpu.vector_store %arg9[%swap3A_664, %swap3A_665, %swap3A_666], %gather3A_661 {strides = array<i32>} : memref<2x8x128xi32, #tpu.memory_space<vmem>>, vector<16xi32>,
    %add3A_668 = arith.constant 80 : i32
    %add3A_669 = vector.broadcast %add3A_668 : i32 to vector<16xi32>
    %add3A_670 = arith.addi %add3A_669, %shift_right_arithmetic3A_4 : vector<16xi32>
    %gather3A_671 = arith.constant 0 : i32
    %gather3A_672 = arith.constant 0 : i32
    %gather3A_673 = arith.constant 0 : i32
    %gather3A_674 = tpu.memref_slice %arg8[%gather3A_671, %gather3A_672, %gather3A_673] : memref<2x128x8xi32, #tpu.memory_space<vmem>> -> memref<1x128x8xi32, #tpu.memory_space<vmem>>
    %gather3A_675 = tpu.memref_squeeze %gather3A_674 : memref<1x128x8xi32, #tpu.memory_space<vmem>> -> memref<128x8xi32, #tpu.memory_space<vmem>>
    %gather3A_676 = tpu.vector_load_idx %gather3A_675[%add3A_670, %and3A_6] : memref<128x8xi32, #tpu.memory_space<vmem>>[vector<16xi32>, vector<16xi32>], vector<16xi32>,
    %swap3A_677 = arith.constant 0 : i32
    %swap3A_678 = arith.constant 5 : i32
    %swap3A_679 = arith.index_cast %swap3A_677 : i32 to index
    %swap3A_680 = arith.index_cast %swap3A_678 : i32 to index
    %swap3A_681 = arith.constant 0 : index
    %swap3A_682 = tpu.vector_load %arg9[%swap3A_679, %swap3A_680, %swap3A_681] {strides = array<i32>} : memref<2x8x128xi32, #tpu.memory_space<vmem>>, vector<16xi32>,
    tpu.vector_store %arg9[%swap3A_679, %swap3A_680, %swap3A_681], %gather3A_676 {strides = array<i32>} : memref<2x8x128xi32, #tpu.memory_space<vmem>>, vector<16xi32>,
    %add3A_683 = arith.constant 82 : i32
    %add3A_684 = vector.broadcast %add3A_683 : i32 to vector<16xi32>
    %add3A_685 = arith.addi %add3A_684, %shift_right_arithmetic3A_4 : vector<16xi32>
    %gather3A_686 = arith.constant 0 : i32
    %gather3A_687 = arith.constant 0 : i32
    %gather3A_688 = arith.constant 0 : i32
    %gather3A_689 = tpu.memref_slice %arg8[%gather3A_686, %gather3A_687, %gather3A_688] : memref<2x128x8xi32, #tpu.memory_space<vmem>> -> memref<1x128x8xi32, #tpu.memory_space<vmem>>
    %gather3A_690 = tpu.memref_squeeze %gather3A_689 : memref<1x128x8xi32, #tpu.memory_space<vmem>> -> memref<128x8xi32, #tpu.memory_space<vmem>>
    %gather3A_691 = tpu.vector_load_idx %gather3A_690[%add3A_685, %and3A_6] : memref<128x8xi32, #tpu.memory_space<vmem>>[vector<16xi32>, vector<16xi32>], vector<16xi32>,
    %swap3A_692 = arith.constant 0 : i32
    %swap3A_693 = arith.constant 5 : i32
    %swap3A_694 = arith.index_cast %swap3A_692 : i32 to index
    %swap3A_695 = arith.index_cast %swap3A_693 : i32 to index
    %swap3A_696 = arith.constant 16 : index
    %swap3A_697 = tpu.vector_load %arg9[%swap3A_694, %swap3A_695, %swap3A_696] {strides = array<i32>} : memref<2x8x128xi32, #tpu.memory_space<vmem>>, vector<16xi32>,
    tpu.vector_store %arg9[%swap3A_694, %swap3A_695, %swap3A_696], %gather3A_691 {strides = array<i32>} : memref<2x8x128xi32, #tpu.memory_space<vmem>>, vector<16xi32>,
    %add3A_698 = arith.constant 84 : i32
    %add3A_699 = vector.broadcast %add3A_698 : i32 to vector<16xi32>
    %add3A_700 = arith.addi %add3A_699, %shift_right_arithmetic3A_4 : vector<16xi32>
    %gather3A_701 = arith.constant 0 : i32
    %gather3A_702 = arith.constant 0 : i32
    %gather3A_703 = arith.constant 0 : i32
    %gather3A_704 = tpu.memref_slice %arg8[%gather3A_701, %gather3A_702, %gather3A_703] : memref<2x128x8xi32, #tpu.memory_space<vmem>> -> memref<1x128x8xi32, #tpu.memory_space<vmem>>
    %gather3A_705 = tpu.memref_squeeze %gather3A_704 : memref<1x128x8xi32, #tpu.memory_space<vmem>> -> memref<128x8xi32, #tpu.memory_space<vmem>>
    %gather3A_706 = tpu.vector_load_idx %gather3A_705[%add3A_700, %and3A_6] : memref<128x8xi32, #tpu.memory_space<vmem>>[vector<16xi32>, vector<16xi32>], vector<16xi32>,
    %swap3A_707 = arith.constant 0 : i32
    %swap3A_708 = arith.constant 5 : i32
    %swap3A_709 = arith.index_cast %swap3A_707 : i32 to index
    %swap3A_710 = arith.index_cast %swap3A_708 : i32 to index
    %swap3A_711 = arith.constant 32 : index
    %swap3A_712 = tpu.vector_load %arg9[%swap3A_709, %swap3A_710, %swap3A_711] {strides = array<i32>} : memref<2x8x128xi32, #tpu.memory_space<vmem>>, vector<16xi32>,
    tpu.vector_store %arg9[%swap3A_709, %swap3A_710, %swap3A_711], %gather3A_706 {strides = array<i32>} : memref<2x8x128xi32, #tpu.memory_space<vmem>>, vector<16xi32>,
    %add3A_713 = arith.constant 86 : i32
    %add3A_714 = vector.broadcast %add3A_713 : i32 to vector<16xi32>
    %add3A_715 = arith.addi %add3A_714, %shift_right_arithmetic3A_4 : vector<16xi32>
    %gather3A_716 = arith.constant 0 : i32
    %gather3A_717 = arith.constant 0 : i32
    %gather3A_718 = arith.constant 0 : i32
    %gather3A_719 = tpu.memref_slice %arg8[%gather3A_716, %gather3A_717, %gather3A_718] : memref<2x128x8xi32, #tpu.memory_space<vmem>> -> memref<1x128x8xi32, #tpu.memory_space<vmem>>
    %gather3A_720 = tpu.memref_squeeze %gather3A_719 : memref<1x128x8xi32, #tpu.memory_space<vmem>> -> memref<128x8xi32, #tpu.memory_space<vmem>>
    %gather3A_721 = tpu.vector_load_idx %gather3A_720[%add3A_715, %and3A_6] : memref<128x8xi32, #tpu.memory_space<vmem>>[vector<16xi32>, vector<16xi32>], vector<16xi32>,
    %swap3A_722 = arith.constant 0 : i32
    %swap3A_723 = arith.constant 5 : i32
    %swap3A_724 = arith.index_cast %swap3A_722 : i32 to index
    %swap3A_725 = arith.index_cast %swap3A_723 : i32 to index
    %swap3A_726 = arith.constant 48 : index
    %swap3A_727 = tpu.vector_load %arg9[%swap3A_724, %swap3A_725, %swap3A_726] {strides = array<i32>} : memref<2x8x128xi32, #tpu.memory_space<vmem>>, vector<16xi32>,
    tpu.vector_store %arg9[%swap3A_724, %swap3A_725, %swap3A_726], %gather3A_721 {strides = array<i32>} : memref<2x8x128xi32, #tpu.memory_space<vmem>>, vector<16xi32>,
    %add3A_728 = arith.constant 88 : i32
    %add3A_729 = vector.broadcast %add3A_728 : i32 to vector<16xi32>
    %add3A_730 = arith.addi %add3A_729, %shift_right_arithmetic3A_4 : vector<16xi32>
    %gather3A_731 = arith.constant 0 : i32
    %gather3A_732 = arith.constant 0 : i32
    %gather3A_733 = arith.constant 0 : i32
    %gather3A_734 = tpu.memref_slice %arg8[%gather3A_731, %gather3A_732, %gather3A_733] : memref<2x128x8xi32, #tpu.memory_space<vmem>> -> memref<1x128x8xi32, #tpu.memory_space<vmem>>
    %gather3A_735 = tpu.memref_squeeze %gather3A_734 : memref<1x128x8xi32, #tpu.memory_space<vmem>> -> memref<128x8xi32, #tpu.memory_space<vmem>>
    %gather3A_736 = tpu.vector_load_idx %gather3A_735[%add3A_730, %and3A_6] : memref<128x8xi32, #tpu.memory_space<vmem>>[vector<16xi32>, vector<16xi32>], vector<16xi32>,
    %swap3A_737 = arith.constant 0 : i32
    %swap3A_738 = arith.constant 5 : i32
    %swap3A_739 = arith.index_cast %swap3A_737 : i32 to index
    %swap3A_740 = arith.index_cast %swap3A_738 : i32 to index
    %swap3A_741 = arith.constant 64 : index
    %swap3A_742 = tpu.vector_load %arg9[%swap3A_739, %swap3A_740, %swap3A_741] {strides = array<i32>} : memref<2x8x128xi32, #tpu.memory_space<vmem>>, vector<16xi32>,
    tpu.vector_store %arg9[%swap3A_739, %swap3A_740, %swap3A_741], %gather3A_736 {strides = array<i32>} : memref<2x8x128xi32, #tpu.memory_space<vmem>>, vector<16xi32>,
    %add3A_743 = arith.constant 90 : i32
    %add3A_744 = vector.broadcast %add3A_743 : i32 to vector<16xi32>
    %add3A_745 = arith.addi %add3A_744, %shift_right_arithmetic3A_4 : vector<16xi32>
    %gather3A_746 = arith.constant 0 : i32
    %gather3A_747 = arith.constant 0 : i32
    %gather3A_748 = arith.constant 0 : i32
    %gather3A_749 = tpu.memref_slice %arg8[%gather3A_746, %gather3A_747, %gather3A_748] : memref<2x128x8xi32, #tpu.memory_space<vmem>> -> memref<1x128x8xi32, #tpu.memory_space<vmem>>
    %gather3A_750 = tpu.memref_squeeze %gather3A_749 : memref<1x128x8xi32, #tpu.memory_space<vmem>> -> memref<128x8xi32, #tpu.memory_space<vmem>>
    %gather3A_751 = tpu.vector_load_idx %gather3A_750[%add3A_745, %and3A_6] : memref<128x8xi32, #tpu.memory_space<vmem>>[vector<16xi32>, vector<16xi32>], vector<16xi32>,
    %swap3A_752 = arith.constant 0 : i32
    %swap3A_753 = arith.constant 5 : i32
    %swap3A_754 = arith.index_cast %swap3A_752 : i32 to index
    %swap3A_755 = arith.index_cast %swap3A_753 : i32 to index
    %swap3A_756 = arith.constant 80 : index
    %swap3A_757 = tpu.vector_load %arg9[%swap3A_754, %swap3A_755, %swap3A_756] {strides = array<i32>} : memref<2x8x128xi32, #tpu.memory_space<vmem>>, vector<16xi32>,
    tpu.vector_store %arg9[%swap3A_754, %swap3A_755, %swap3A_756], %gather3A_751 {strides = array<i32>} : memref<2x8x128xi32, #tpu.memory_space<vmem>>, vector<16xi32>,
    %add3A_758 = arith.constant 92 : i32
    %add3A_759 = vector.broadcast %add3A_758 : i32 to vector<16xi32>
    %add3A_760 = arith.addi %add3A_759, %shift_right_arithmetic3A_4 : vector<16xi32>
    %gather3A_761 = arith.constant 0 : i32
    %gather3A_762 = arith.constant 0 : i32
    %gather3A_763 = arith.constant 0 : i32
    %gather3A_764 = tpu.memref_slice %arg8[%gather3A_761, %gather3A_762, %gather3A_763] : memref<2x128x8xi32, #tpu.memory_space<vmem>> -> memref<1x128x8xi32, #tpu.memory_space<vmem>>
    %gather3A_765 = tpu.memref_squeeze %gather3A_764 : memref<1x128x8xi32, #tpu.memory_space<vmem>> -> memref<128x8xi32, #tpu.memory_space<vmem>>
    %gather3A_766 = tpu.vector_load_idx %gather3A_765[%add3A_760, %and3A_6] : memref<128x8xi32, #tpu.memory_space<vmem>>[vector<16xi32>, vector<16xi32>], vector<16xi32>,
    %swap3A_767 = arith.constant 0 : i32
    %swap3A_768 = arith.constant 5 : i32
    %swap3A_769 = arith.index_cast %swap3A_767 : i32 to index
    %swap3A_770 = arith.index_cast %swap3A_768 : i32 to index
    %swap3A_771 = arith.constant 96 : index
    %swap3A_772 = tpu.vector_load %arg9[%swap3A_769, %swap3A_770, %swap3A_771] {strides = array<i32>} : memref<2x8x128xi32, #tpu.memory_space<vmem>>, vector<16xi32>,
    tpu.vector_store %arg9[%swap3A_769, %swap3A_770, %swap3A_771], %gather3A_766 {strides = array<i32>} : memref<2x8x128xi32, #tpu.memory_space<vmem>>, vector<16xi32>,
    %add3A_773 = arith.constant 94 : i32
    %add3A_774 = vector.broadcast %add3A_773 : i32 to vector<16xi32>
    %add3A_775 = arith.addi %add3A_774, %shift_right_arithmetic3A_4 : vector<16xi32>
    %gather3A_776 = arith.constant 0 : i32
    %gather3A_777 = arith.constant 0 : i32
    %gather3A_778 = arith.constant 0 : i32
    %gather3A_779 = tpu.memref_slice %arg8[%gather3A_776, %gather3A_777, %gather3A_778] : memref<2x128x8xi32, #tpu.memory_space<vmem>> -> memref<1x128x8xi32, #tpu.memory_space<vmem>>
    %gather3A_780 = tpu.memref_squeeze %gather3A_779 : memref<1x128x8xi32, #tpu.memory_space<vmem>> -> memref<128x8xi32, #tpu.memory_space<vmem>>
    %gather3A_781 = tpu.vector_load_idx %gather3A_780[%add3A_775, %and3A_6] : memref<128x8xi32, #tpu.memory_space<vmem>>[vector<16xi32>, vector<16xi32>], vector<16xi32>,
    %swap3A_782 = arith.constant 0 : i32
    %swap3A_783 = arith.constant 5 : i32
    %swap3A_784 = arith.index_cast %swap3A_782 : i32 to index
    %swap3A_785 = arith.index_cast %swap3A_783 : i32 to index
    %swap3A_786 = arith.constant 112 : index
    %swap3A_787 = tpu.vector_load %arg9[%swap3A_784, %swap3A_785, %swap3A_786] {strides = array<i32>} : memref<2x8x128xi32, #tpu.memory_space<vmem>>, vector<16xi32>,
    tpu.vector_store %arg9[%swap3A_784, %swap3A_785, %swap3A_786], %gather3A_781 {strides = array<i32>} : memref<2x8x128xi32, #tpu.memory_space<vmem>>, vector<16xi32>,
    %add3A_788 = arith.constant 96 : i32
    %add3A_789 = vector.broadcast %add3A_788 : i32 to vector<16xi32>
    %add3A_790 = arith.addi %add3A_789, %shift_right_arithmetic3A_4 : vector<16xi32>
    %gather3A_791 = arith.constant 0 : i32
    %gather3A_792 = arith.constant 0 : i32
    %gather3A_793 = arith.constant 0 : i32
    %gather3A_794 = tpu.memref_slice %arg8[%gather3A_791, %gather3A_792, %gather3A_793] : memref<2x128x8xi32, #tpu.memory_space<vmem>> -> memref<1x128x8xi32, #tpu.memory_space<vmem>>
    %gather3A_795 = tpu.memref_squeeze %gather3A_794 : memref<1x128x8xi32, #tpu.memory_space<vmem>> -> memref<128x8xi32, #tpu.memory_space<vmem>>
    %gather3A_796 = tpu.vector_load_idx %gather3A_795[%add3A_790, %and3A_6] : memref<128x8xi32, #tpu.memory_space<vmem>>[vector<16xi32>, vector<16xi32>], vector<16xi32>,
    %swap3A_797 = arith.constant 0 : i32
    %swap3A_798 = arith.constant 6 : i32
    %swap3A_799 = arith.index_cast %swap3A_797 : i32 to index
    %swap3A_800 = arith.index_cast %swap3A_798 : i32 to index
    %swap3A_801 = arith.constant 0 : index
    %swap3A_802 = tpu.vector_load %arg9[%swap3A_799, %swap3A_800, %swap3A_801] {strides = array<i32>} : memref<2x8x128xi32, #tpu.memory_space<vmem>>, vector<16xi32>,
    tpu.vector_store %arg9[%swap3A_799, %swap3A_800, %swap3A_801], %gather3A_796 {strides = array<i32>} : memref<2x8x128xi32, #tpu.memory_space<vmem>>, vector<16xi32>,
    %add3A_803 = arith.constant 98 : i32
    %add3A_804 = vector.broadcast %add3A_803 : i32 to vector<16xi32>
    %add3A_805 = arith.addi %add3A_804, %shift_right_arithmetic3A_4 : vector<16xi32>
    %gather3A_806 = arith.constant 0 : i32
    %gather3A_807 = arith.constant 0 : i32
    %gather3A_808 = arith.constant 0 : i32
    %gather3A_809 = tpu.memref_slice %arg8[%gather3A_806, %gather3A_807, %gather3A_808] : memref<2x128x8xi32, #tpu.memory_space<vmem>> -> memref<1x128x8xi32, #tpu.memory_space<vmem>>
    %gather3A_810 = tpu.memref_squeeze %gather3A_809 : memref<1x128x8xi32, #tpu.memory_space<vmem>> -> memref<128x8xi32, #tpu.memory_space<vmem>>
    %gather3A_811 = tpu.vector_load_idx %gather3A_810[%add3A_805, %and3A_6] : memref<128x8xi32, #tpu.memory_space<vmem>>[vector<16xi32>, vector<16xi32>], vector<16xi32>,
    %swap3A_812 = arith.constant 0 : i32
    %swap3A_813 = arith.constant 6 : i32
    %swap3A_814 = arith.index_cast %swap3A_812 : i32 to index
    %swap3A_815 = arith.index_cast %swap3A_813 : i32 to index
    %swap3A_816 = arith.constant 16 : index
    %swap3A_817 = tpu.vector_load %arg9[%swap3A_814, %swap3A_815, %swap3A_816] {strides = array<i32>} : memref<2x8x128xi32, #tpu.memory_space<vmem>>, vector<16xi32>,
    tpu.vector_store %arg9[%swap3A_814, %swap3A_815, %swap3A_816], %gather3A_811 {strides = array<i32>} : memref<2x8x128xi32, #tpu.memory_space<vmem>>, vector<16xi32>,
    %add3A_818 = arith.constant 100 : i32
    %add3A_819 = vector.broadcast %add3A_818 : i32 to vector<16xi32>
    %add3A_820 = arith.addi %add3A_819, %shift_right_arithmetic3A_4 : vector<16xi32>
    %gather3A_821 = arith.constant 0 : i32
    %gather3A_822 = arith.constant 0 : i32
    %gather3A_823 = arith.constant 0 : i32
    %gather3A_824 = tpu.memref_slice %arg8[%gather3A_821, %gather3A_822, %gather3A_823] : memref<2x128x8xi32, #tpu.memory_space<vmem>> -> memref<1x128x8xi32, #tpu.memory_space<vmem>>
    %gather3A_825 = tpu.memref_squeeze %gather3A_824 : memref<1x128x8xi32, #tpu.memory_space<vmem>> -> memref<128x8xi32, #tpu.memory_space<vmem>>
    %gather3A_826 = tpu.vector_load_idx %gather3A_825[%add3A_820, %and3A_6] : memref<128x8xi32, #tpu.memory_space<vmem>>[vector<16xi32>, vector<16xi32>], vector<16xi32>,
    %swap3A_827 = arith.constant 0 : i32
    %swap3A_828 = arith.constant 6 : i32
    %swap3A_829 = arith.index_cast %swap3A_827 : i32 to index
    %swap3A_830 = arith.index_cast %swap3A_828 : i32 to index
    %swap3A_831 = arith.constant 32 : index
    %swap3A_832 = tpu.vector_load %arg9[%swap3A_829, %swap3A_830, %swap3A_831] {strides = array<i32>} : memref<2x8x128xi32, #tpu.memory_space<vmem>>, vector<16xi32>,
    tpu.vector_store %arg9[%swap3A_829, %swap3A_830, %swap3A_831], %gather3A_826 {strides = array<i32>} : memref<2x8x128xi32, #tpu.memory_space<vmem>>, vector<16xi32>,
    %add3A_833 = arith.constant 102 : i32
    %add3A_834 = vector.broadcast %add3A_833 : i32 to vector<16xi32>
    %add3A_835 = arith.addi %add3A_834, %shift_right_arithmetic3A_4 : vector<16xi32>
    %gather3A_836 = arith.constant 0 : i32
    %gather3A_837 = arith.constant 0 : i32
    %gather3A_838 = arith.constant 0 : i32
    %gather3A_839 = tpu.memref_slice %arg8[%gather3A_836, %gather3A_837, %gather3A_838] : memref<2x128x8xi32, #tpu.memory_space<vmem>> -> memref<1x128x8xi32, #tpu.memory_space<vmem>>
    %gather3A_840 = tpu.memref_squeeze %gather3A_839 : memref<1x128x8xi32, #tpu.memory_space<vmem>> -> memref<128x8xi32, #tpu.memory_space<vmem>>
    %gather3A_841 = tpu.vector_load_idx %gather3A_840[%add3A_835, %and3A_6] : memref<128x8xi32, #tpu.memory_space<vmem>>[vector<16xi32>, vector<16xi32>], vector<16xi32>,
    %swap3A_842 = arith.constant 0 : i32
    %swap3A_843 = arith.constant 6 : i32
    %swap3A_844 = arith.index_cast %swap3A_842 : i32 to index
    %swap3A_845 = arith.index_cast %swap3A_843 : i32 to index
    %swap3A_846 = arith.constant 48 : index
    %swap3A_847 = tpu.vector_load %arg9[%swap3A_844, %swap3A_845, %swap3A_846] {strides = array<i32>} : memref<2x8x128xi32, #tpu.memory_space<vmem>>, vector<16xi32>,
    tpu.vector_store %arg9[%swap3A_844, %swap3A_845, %swap3A_846], %gather3A_841 {strides = array<i32>} : memref<2x8x128xi32, #tpu.memory_space<vmem>>, vector<16xi32>,
    %add3A_848 = arith.constant 104 : i32
    %add3A_849 = vector.broadcast %add3A_848 : i32 to vector<16xi32>
    %add3A_850 = arith.addi %add3A_849, %shift_right_arithmetic3A_4 : vector<16xi32>
    %gather3A_851 = arith.constant 0 : i32
    %gather3A_852 = arith.constant 0 : i32
    %gather3A_853 = arith.constant 0 : i32
    %gather3A_854 = tpu.memref_slice %arg8[%gather3A_851, %gather3A_852, %gather3A_853] : memref<2x128x8xi32, #tpu.memory_space<vmem>> -> memref<1x128x8xi32, #tpu.memory_space<vmem>>
    %gather3A_855 = tpu.memref_squeeze %gather3A_854 : memref<1x128x8xi32, #tpu.memory_space<vmem>> -> memref<128x8xi32, #tpu.memory_space<vmem>>
    %gather3A_856 = tpu.vector_load_idx %gather3A_855[%add3A_850, %and3A_6] : memref<128x8xi32, #tpu.memory_space<vmem>>[vector<16xi32>, vector<16xi32>], vector<16xi32>,
    %swap3A_857 = arith.constant 0 : i32
    %swap3A_858 = arith.constant 6 : i32
    %swap3A_859 = arith.index_cast %swap3A_857 : i32 to index
    %swap3A_860 = arith.index_cast %swap3A_858 : i32 to index
    %swap3A_861 = arith.constant 64 : index
    %swap3A_862 = tpu.vector_load %arg9[%swap3A_859, %swap3A_860, %swap3A_861] {strides = array<i32>} : memref<2x8x128xi32, #tpu.memory_space<vmem>>, vector<16xi32>,
    tpu.vector_store %arg9[%swap3A_859, %swap3A_860, %swap3A_861], %gather3A_856 {strides = array<i32>} : memref<2x8x128xi32, #tpu.memory_space<vmem>>, vector<16xi32>,
    %add3A_863 = arith.constant 106 : i32
    %add3A_864 = vector.broadcast %add3A_863 : i32 to vector<16xi32>
    %add3A_865 = arith.addi %add3A_864, %shift_right_arithmetic3A_4 : vector<16xi32>
    %gather3A_866 = arith.constant 0 : i32
    %gather3A_867 = arith.constant 0 : i32
    %gather3A_868 = arith.constant 0 : i32
    %gather3A_869 = tpu.memref_slice %arg8[%gather3A_866, %gather3A_867, %gather3A_868] : memref<2x128x8xi32, #tpu.memory_space<vmem>> -> memref<1x128x8xi32, #tpu.memory_space<vmem>>
    %gather3A_870 = tpu.memref_squeeze %gather3A_869 : memref<1x128x8xi32, #tpu.memory_space<vmem>> -> memref<128x8xi32, #tpu.memory_space<vmem>>
    %gather3A_871 = tpu.vector_load_idx %gather3A_870[%add3A_865, %and3A_6] : memref<128x8xi32, #tpu.memory_space<vmem>>[vector<16xi32>, vector<16xi32>], vector<16xi32>,
    %swap3A_872 = arith.constant 0 : i32
    %swap3A_873 = arith.constant 6 : i32
    %swap3A_874 = arith.index_cast %swap3A_872 : i32 to index
    %swap3A_875 = arith.index_cast %swap3A_873 : i32 to index
    %swap3A_876 = arith.constant 80 : index
    %swap3A_877 = tpu.vector_load %arg9[%swap3A_874, %swap3A_875, %swap3A_876] {strides = array<i32>} : memref<2x8x128xi32, #tpu.memory_space<vmem>>, vector<16xi32>,
    tpu.vector_store %arg9[%swap3A_874, %swap3A_875, %swap3A_876], %gather3A_871 {strides = array<i32>} : memref<2x8x128xi32, #tpu.memory_space<vmem>>, vector<16xi32>,
    %add3A_878 = arith.constant 108 : i32
    %add3A_879 = vector.broadcast %add3A_878 : i32 to vector<16xi32>
    %add3A_880 = arith.addi %add3A_879, %shift_right_arithmetic3A_4 : vector<16xi32>
    %gather3A_881 = arith.constant 0 : i32
    %gather3A_882 = arith.constant 0 : i32
    %gather3A_883 = arith.constant 0 : i32
    %gather3A_884 = tpu.memref_slice %arg8[%gather3A_881, %gather3A_882, %gather3A_883] : memref<2x128x8xi32, #tpu.memory_space<vmem>> -> memref<1x128x8xi32, #tpu.memory_space<vmem>>
    %gather3A_885 = tpu.memref_squeeze %gather3A_884 : memref<1x128x8xi32, #tpu.memory_space<vmem>> -> memref<128x8xi32, #tpu.memory_space<vmem>>
    %gather3A_886 = tpu.vector_load_idx %gather3A_885[%add3A_880, %and3A_6] : memref<128x8xi32, #tpu.memory_space<vmem>>[vector<16xi32>, vector<16xi32>], vector<16xi32>,
    %swap3A_887 = arith.constant 0 : i32
    %swap3A_888 = arith.constant 6 : i32
    %swap3A_889 = arith.index_cast %swap3A_887 : i32 to index
    %swap3A_890 = arith.index_cast %swap3A_888 : i32 to index
    %swap3A_891 = arith.constant 96 : index
    %swap3A_892 = tpu.vector_load %arg9[%swap3A_889, %swap3A_890, %swap3A_891] {strides = array<i32>} : memref<2x8x128xi32, #tpu.memory_space<vmem>>, vector<16xi32>,
    tpu.vector_store %arg9[%swap3A_889, %swap3A_890, %swap3A_891], %gather3A_886 {strides = array<i32>} : memref<2x8x128xi32, #tpu.memory_space<vmem>>, vector<16xi32>,
    %add3A_893 = arith.constant 110 : i32
    %add3A_894 = vector.broadcast %add3A_893 : i32 to vector<16xi32>
    %add3A_895 = arith.addi %add3A_894, %shift_right_arithmetic3A_4 : vector<16xi32>
    %gather3A_896 = arith.constant 0 : i32
    %gather3A_897 = arith.constant 0 : i32
    %gather3A_898 = arith.constant 0 : i32
    %gather3A_899 = tpu.memref_slice %arg8[%gather3A_896, %gather3A_897, %gather3A_898] : memref<2x128x8xi32, #tpu.memory_space<vmem>> -> memref<1x128x8xi32, #tpu.memory_space<vmem>>
    %gather3A_900 = tpu.memref_squeeze %gather3A_899 : memref<1x128x8xi32, #tpu.memory_space<vmem>> -> memref<128x8xi32, #tpu.memory_space<vmem>>
    %gather3A_901 = tpu.vector_load_idx %gather3A_900[%add3A_895, %and3A_6] : memref<128x8xi32, #tpu.memory_space<vmem>>[vector<16xi32>, vector<16xi32>], vector<16xi32>,
    %swap3A_902 = arith.constant 0 : i32
    %swap3A_903 = arith.constant 6 : i32
    %swap3A_904 = arith.index_cast %swap3A_902 : i32 to index
    %swap3A_905 = arith.index_cast %swap3A_903 : i32 to index
    %swap3A_906 = arith.constant 112 : index
    %swap3A_907 = tpu.vector_load %arg9[%swap3A_904, %swap3A_905, %swap3A_906] {strides = array<i32>} : memref<2x8x128xi32, #tpu.memory_space<vmem>>, vector<16xi32>,
    tpu.vector_store %arg9[%swap3A_904, %swap3A_905, %swap3A_906], %gather3A_901 {strides = array<i32>} : memref<2x8x128xi32, #tpu.memory_space<vmem>>, vector<16xi32>,
    %add3A_908 = arith.constant 112 : i32
    %add3A_909 = vector.broadcast %add3A_908 : i32 to vector<16xi32>
    %add3A_910 = arith.addi %add3A_909, %shift_right_arithmetic3A_4 : vector<16xi32>
    %gather3A_911 = arith.constant 0 : i32
    %gather3A_912 = arith.constant 0 : i32
    %gather3A_913 = arith.constant 0 : i32
    %gather3A_914 = tpu.memref_slice %arg8[%gather3A_911, %gather3A_912, %gather3A_913] : memref<2x128x8xi32, #tpu.memory_space<vmem>> -> memref<1x128x8xi32, #tpu.memory_space<vmem>>
    %gather3A_915 = tpu.memref_squeeze %gather3A_914 : memref<1x128x8xi32, #tpu.memory_space<vmem>> -> memref<128x8xi32, #tpu.memory_space<vmem>>
    %gather3A_916 = tpu.vector_load_idx %gather3A_915[%add3A_910, %and3A_6] : memref<128x8xi32, #tpu.memory_space<vmem>>[vector<16xi32>, vector<16xi32>], vector<16xi32>,
    %swap3A_917 = arith.constant 0 : i32
    %swap3A_918 = arith.constant 7 : i32
    %swap3A_919 = arith.index_cast %swap3A_917 : i32 to index
    %swap3A_920 = arith.index_cast %swap3A_918 : i32 to index
    %swap3A_921 = arith.constant 0 : index
    %swap3A_922 = tpu.vector_load %arg9[%swap3A_919, %swap3A_920, %swap3A_921] {strides = array<i32>} : memref<2x8x128xi32, #tpu.memory_space<vmem>>, vector<16xi32>,
    tpu.vector_store %arg9[%swap3A_919, %swap3A_920, %swap3A_921], %gather3A_916 {strides = array<i32>} : memref<2x8x128xi32, #tpu.memory_space<vmem>>, vector<16xi32>,
    %add3A_923 = arith.constant 114 : i32
    %add3A_924 = vector.broadcast %add3A_923 : i32 to vector<16xi32>
    %add3A_925 = arith.addi %add3A_924, %shift_right_arithmetic3A_4 : vector<16xi32>
    %gather3A_926 = arith.constant 0 : i32
    %gather3A_927 = arith.constant 0 : i32
    %gather3A_928 = arith.constant 0 : i32
    %gather3A_929 = tpu.memref_slice %arg8[%gather3A_926, %gather3A_927, %gather3A_928] : memref<2x128x8xi32, #tpu.memory_space<vmem>> -> memref<1x128x8xi32, #tpu.memory_space<vmem>>
    %gather3A_930 = tpu.memref_squeeze %gather3A_929 : memref<1x128x8xi32, #tpu.memory_space<vmem>> -> memref<128x8xi32, #tpu.memory_space<vmem>>
    %gather3A_931 = tpu.vector_load_idx %gather3A_930[%add3A_925, %and3A_6] : memref<128x8xi32, #tpu.memory_space<vmem>>[vector<16xi32>, vector<16xi32>], vector<16xi32>,
    %swap3A_932 = arith.constant 0 : i32
    %swap3A_933 = arith.constant 7 : i32
    %swap3A_934 = arith.index_cast %swap3A_932 : i32 to index
    %swap3A_935 = arith.index_cast %swap3A_933 : i32 to index
    %swap3A_936 = arith.constant 16 : index
    %swap3A_937 = tpu.vector_load %arg9[%swap3A_934, %swap3A_935, %swap3A_936] {strides = array<i32>} : memref<2x8x128xi32, #tpu.memory_space<vmem>>, vector<16xi32>,
    tpu.vector_store %arg9[%swap3A_934, %swap3A_935, %swap3A_936], %gather3A_931 {strides = array<i32>} : memref<2x8x128xi32, #tpu.memory_space<vmem>>, vector<16xi32>,
    %add3A_938 = arith.constant 116 : i32
    %add3A_939 = vector.broadcast %add3A_938 : i32 to vector<16xi32>
    %add3A_940 = arith.addi %add3A_939, %shift_right_arithmetic3A_4 : vector<16xi32>
    %gather3A_941 = arith.constant 0 : i32
    %gather3A_942 = arith.constant 0 : i32
    %gather3A_943 = arith.constant 0 : i32
    %gather3A_944 = tpu.memref_slice %arg8[%gather3A_941, %gather3A_942, %gather3A_943] : memref<2x128x8xi32, #tpu.memory_space<vmem>> -> memref<1x128x8xi32, #tpu.memory_space<vmem>>
    %gather3A_945 = tpu.memref_squeeze %gather3A_944 : memref<1x128x8xi32, #tpu.memory_space<vmem>> -> memref<128x8xi32, #tpu.memory_space<vmem>>
    %gather3A_946 = tpu.vector_load_idx %gather3A_945[%add3A_940, %and3A_6] : memref<128x8xi32, #tpu.memory_space<vmem>>[vector<16xi32>, vector<16xi32>], vector<16xi32>,
    %swap3A_947 = arith.constant 0 : i32
    %swap3A_948 = arith.constant 7 : i32
    %swap3A_949 = arith.index_cast %swap3A_947 : i32 to index
    %swap3A_950 = arith.index_cast %swap3A_948 : i32 to index
    %swap3A_951 = arith.constant 32 : index
    %swap3A_952 = tpu.vector_load %arg9[%swap3A_949, %swap3A_950, %swap3A_951] {strides = array<i32>} : memref<2x8x128xi32, #tpu.memory_space<vmem>>, vector<16xi32>,
    tpu.vector_store %arg9[%swap3A_949, %swap3A_950, %swap3A_951], %gather3A_946 {strides = array<i32>} : memref<2x8x128xi32, #tpu.memory_space<vmem>>, vector<16xi32>,
    %add3A_953 = arith.constant 118 : i32
    %add3A_954 = vector.broadcast %add3A_953 : i32 to vector<16xi32>
    %add3A_955 = arith.addi %add3A_954, %shift_right_arithmetic3A_4 : vector<16xi32>
    %gather3A_956 = arith.constant 0 : i32
    %gather3A_957 = arith.constant 0 : i32
    %gather3A_958 = arith.constant 0 : i32
    %gather3A_959 = tpu.memref_slice %arg8[%gather3A_956, %gather3A_957, %gather3A_958] : memref<2x128x8xi32, #tpu.memory_space<vmem>> -> memref<1x128x8xi32, #tpu.memory_space<vmem>>
    %gather3A_960 = tpu.memref_squeeze %gather3A_959 : memref<1x128x8xi32, #tpu.memory_space<vmem>> -> memref<128x8xi32, #tpu.memory_space<vmem>>
    %gather3A_961 = tpu.vector_load_idx %gather3A_960[%add3A_955, %and3A_6] : memref<128x8xi32, #tpu.memory_space<vmem>>[vector<16xi32>, vector<16xi32>], vector<16xi32>,
    %swap3A_962 = arith.constant 0 : i32
    %swap3A_963 = arith.constant 7 : i32
    %swap3A_964 = arith.index_cast %swap3A_962 : i32 to index
    %swap3A_965 = arith.index_cast %swap3A_963 : i32 to index
    %swap3A_966 = arith.constant 48 : index
    %swap3A_967 = tpu.vector_load %arg9[%swap3A_964, %swap3A_965, %swap3A_966] {strides = array<i32>} : memref<2x8x128xi32, #tpu.memory_space<vmem>>, vector<16xi32>,
    tpu.vector_store %arg9[%swap3A_964, %swap3A_965, %swap3A_966], %gather3A_961 {strides = array<i32>} : memref<2x8x128xi32, #tpu.memory_space<vmem>>, vector<16xi32>,
    %add3A_968 = arith.constant 120 : i32
    %add3A_969 = vector.broadcast %add3A_968 : i32 to vector<16xi32>
    %add3A_970 = arith.addi %add3A_969, %shift_right_arithmetic3A_4 : vector<16xi32>
    %gather3A_971 = arith.constant 0 : i32
    %gather3A_972 = arith.constant 0 : i32
    %gather3A_973 = arith.constant 0 : i32
    %gather3A_974 = tpu.memref_slice %arg8[%gather3A_971, %gather3A_972, %gather3A_973] : memref<2x128x8xi32, #tpu.memory_space<vmem>> -> memref<1x128x8xi32, #tpu.memory_space<vmem>>
    %gather3A_975 = tpu.memref_squeeze %gather3A_974 : memref<1x128x8xi32, #tpu.memory_space<vmem>> -> memref<128x8xi32, #tpu.memory_space<vmem>>
    %gather3A_976 = tpu.vector_load_idx %gather3A_975[%add3A_970, %and3A_6] : memref<128x8xi32, #tpu.memory_space<vmem>>[vector<16xi32>, vector<16xi32>], vector<16xi32>,
    %swap3A_977 = arith.constant 0 : i32
    %swap3A_978 = arith.constant 7 : i32
    %swap3A_979 = arith.index_cast %swap3A_977 : i32 to index
    %swap3A_980 = arith.index_cast %swap3A_978 : i32 to index
    %swap3A_981 = arith.constant 64 : index
    %swap3A_982 = tpu.vector_load %arg9[%swap3A_979, %swap3A_980, %swap3A_981] {strides = array<i32>} : memref<2x8x128xi32, #tpu.memory_space<vmem>>, vector<16xi32>,
    tpu.vector_store %arg9[%swap3A_979, %swap3A_980, %swap3A_981], %gather3A_976 {strides = array<i32>} : memref<2x8x128xi32, #tpu.memory_space<vmem>>, vector<16xi32>,
    %add3A_983 = arith.constant 122 : i32
    %add3A_984 = vector.broadcast %add3A_983 : i32 to vector<16xi32>
    %add3A_985 = arith.addi %add3A_984, %shift_right_arithmetic3A_4 : vector<16xi32>
    %gather3A_986 = arith.constant 0 : i32
    %gather3A_987 = arith.constant 0 : i32
    %gather3A_988 = arith.constant 0 : i32
    %gather3A_989 = tpu.memref_slice %arg8[%gather3A_986, %gather3A_987, %gather3A_988] : memref<2x128x8xi32, #tpu.memory_space<vmem>> -> memref<1x128x8xi32, #tpu.memory_space<vmem>>
    %gather3A_990 = tpu.memref_squeeze %gather3A_989 : memref<1x128x8xi32, #tpu.memory_space<vmem>> -> memref<128x8xi32, #tpu.memory_space<vmem>>
    %gather3A_991 = tpu.vector_load_idx %gather3A_990[%add3A_985, %and3A_6] : memref<128x8xi32, #tpu.memory_space<vmem>>[vector<16xi32>, vector<16xi32>], vector<16xi32>,
    %swap3A_992 = arith.constant 0 : i32
    %swap3A_993 = arith.constant 7 : i32
    %swap3A_994 = arith.index_cast %swap3A_992 : i32 to index
    %swap3A_995 = arith.index_cast %swap3A_993 : i32 to index
    %swap3A_996 = arith.constant 80 : index
    %swap3A_997 = tpu.vector_load %arg9[%swap3A_994, %swap3A_995, %swap3A_996] {strides = array<i32>} : memref<2x8x128xi32, #tpu.memory_space<vmem>>, vector<16xi32>,
    tpu.vector_store %arg9[%swap3A_994, %swap3A_995, %swap3A_996], %gather3A_991 {strides = array<i32>} : memref<2x8x128xi32, #tpu.memory_space<vmem>>, vector<16xi32>,
    %add3A_998 = arith.constant 124 : i32
    %add3A_999 = vector.broadcast %add3A_998 : i32 to vector<16xi32>
    %add3A_1000 = arith.addi %add3A_999, %shift_right_arithmetic3A_4 : vector<16xi32>
    %gather3A_1001 = arith.constant 0 : i32
    %gather3A_1002 = arith.constant 0 : i32
    %gather3A_1003 = arith.constant 0 : i32
    %gather3A_1004 = tpu.memref_slice %arg8[%gather3A_1001, %gather3A_1002, %gather3A_1003] : memref<2x128x8xi32, #tpu.memory_space<vmem>> -> memref<1x128x8xi32, #tpu.memory_space<vmem>>
    %gather3A_1005 = tpu.memref_squeeze %gather3A_1004 : memref<1x128x8xi32, #tpu.memory_space<vmem>> -> memref<128x8xi32, #tpu.memory_space<vmem>>
    %gather3A_1006 = tpu.vector_load_idx %gather3A_1005[%add3A_1000, %and3A_6] : memref<128x8xi32, #tpu.memory_space<vmem>>[vector<16xi32>, vector<16xi32>], vector<16xi32>,
    %swap3A_1007 = arith.constant 0 : i32
    %swap3A_1008 = arith.constant 7 : i32
    %swap3A_1009 = arith.index_cast %swap3A_1007 : i32 to index
    %swap3A_1010 = arith.index_cast %swap3A_1008 : i32 to index
    %swap3A_1011 = arith.constant 96 : index
    %swap3A_1012 = tpu.vector_load %arg9[%swap3A_1009, %swap3A_1010, %swap3A_1011] {strides = array<i32>} : memref<2x8x128xi32, #tpu.memory_space<vmem>>, vector<16xi32>,
    tpu.vector_store %arg9[%swap3A_1009, %swap3A_1010, %swap3A_1011], %gather3A_1006 {strides = array<i32>} : memref<2x8x128xi32, #tpu.memory_space<vmem>>, vector<16xi32>,
    %add3A_1013 = arith.constant 126 : i32
    %add3A_1014 = vector.broadcast %add3A_1013 : i32 to vector<16xi32>
    %add3A_1015 = arith.addi %add3A_1014, %shift_right_arithmetic3A_4 : vector<16xi32>
    %gather3A_1016 = arith.constant 0 : i32
    %gather3A_1017 = arith.constant 0 : i32
    %gather3A_1018 = arith.constant 0 : i32
    %gather3A_1019 = tpu.memref_slice %arg8[%gather3A_1016, %gather3A_1017, %gather3A_1018] : memref<2x128x8xi32, #tpu.memory_space<vmem>> -> memref<1x128x8xi32, #tpu.memory_space<vmem>>
    %gather3A_1020 = tpu.memref_squeeze %gather3A_1019 : memref<1x128x8xi32, #tpu.memory_space<vmem>> -> memref<128x8xi32, #tpu.memory_space<vmem>>
    %gather3A_1021 = tpu.vector_load_idx %gather3A_1020[%add3A_1015, %and3A_6] : memref<128x8xi32, #tpu.memory_space<vmem>>[vector<16xi32>, vector<16xi32>], vector<16xi32>,
    %swap3A_1022 = arith.constant 0 : i32
    %swap3A_1023 = arith.constant 7 : i32
    %swap3A_1024 = arith.index_cast %swap3A_1022 : i32 to index
    %swap3A_1025 = arith.index_cast %swap3A_1023 : i32 to index
    %swap3A_1026 = arith.constant 112 : index
    %swap3A_1027 = tpu.vector_load %arg9[%swap3A_1024, %swap3A_1025, %swap3A_1026] {strides = array<i32>} : memref<2x8x128xi32, #tpu.memory_space<vmem>>, vector<16xi32>,
    tpu.vector_store %arg9[%swap3A_1024, %swap3A_1025, %swap3A_1026], %gather3A_1021 {strides = array<i32>} : memref<2x8x128xi32, #tpu.memory_space<vmem>>, vector<16xi32>,
    %dma_start3A_1028 = arith.constant 0 : i32
    %dma_start3A_1029 = arith.constant 0 : i32
    %dma_start3A_1030 = arith.constant 0 : i32
    %dma_start3A_1031 = arith.constant 0 : i32
    %dma_start3A_1032 = arith.constant 0 : i32
    %dma_start3A_1033 = arith.constant 0 : i32
    %dma_start3A_1034 = tpu.memref_slice %arg10[%dma_start3A_1030, %dma_start3A_1031, %dma_start3A_1032, %dma_start3A_1033] : memref<2x8x128x32xf32, #tpu.memory_space<vmem>> -> memref<1x1x128x32xf32, #tpu.memory_space<vmem>>
    %dma_start3A_1035 = tpu.memref_squeeze %dma_start3A_1034 : memref<1x1x128x32xf32, #tpu.memory_space<vmem>> -> memref<128x32xf32, #tpu.memory_space<vmem>>
    %dma_start3A_1036 = arith.constant 0 : i32
    %dma_start3A_1037 = tpu.memref_slice %arg9[%dma_start3A_1028, %dma_start3A_1029, %dma_start3A_1036] : memref<2x8x128xi32, #tpu.memory_space<vmem>> -> memref<1x1x128xi32, #tpu.memory_space<vmem>>
    %dma_start3A_1038 = tpu.memref_squeeze %dma_start3A_1037 : memref<1x1x128xi32, #tpu.memory_space<vmem>> -> memref<128xi32, #tpu.memory_space<vmem>>
    %dma_start3A_1039 = arith.constant 0 : i32
    %dma_start3A_1040 = arith.constant 0 : i32
    %dma_start3A_1041 = tpu.memref_slice %arg4[%dma_start3A_1039, %dma_start3A_1040] : memref<600000x32xf32, #tpu.memory_space<hbm>> -> memref<600000x32xf32, #tpu.memory_space<hbm>>
    tpu.enqueue_indirect_dma source(%dma_start3A_1041 : memref<600000x32xf32, #tpu.memory_space<hbm>>) target(%dma_start3A_1035 : memref<128x32xf32, #tpu.memory_space<vmem>>) offsets(%dma_start3A_1038 : memref<128xi32, #tpu.memory_space<vmem>>) semaphore(%arg15 : memref<!tpu.dma_semaphore, #tpu.memory_space<semaphore_mem>>)
    %dma_start3A_1042 = arith.constant 0 : i32
    %dma_start3A_1043 = arith.constant 1 : i32
    %dma_start3A_1044 = arith.constant 0 : i32
    %dma_start3A_1045 = arith.constant 1 : i32
    %dma_start3A_1046 = arith.constant 0 : i32
    %dma_start3A_1047 = arith.constant 0 : i32
    %dma_start3A_1048 = tpu.memref_slice %arg10[%dma_start3A_1044, %dma_start3A_1045, %dma_start3A_1046, %dma_start3A_1047] : memref<2x8x128x32xf32, #tpu.memory_space<vmem>> -> memref<1x1x128x32xf32, #tpu.memory_space<vmem>>
    %dma_start3A_1049 = tpu.memref_squeeze %dma_start3A_1048 : memref<1x1x128x32xf32, #tpu.memory_space<vmem>> -> memref<128x32xf32, #tpu.memory_space<vmem>>
    %dma_start3A_1050 = arith.constant 0 : i32
    %dma_start3A_1051 = tpu.memref_slice %arg9[%dma_start3A_1042, %dma_start3A_1043, %dma_start3A_1050] : memref<2x8x128xi32, #tpu.memory_space<vmem>> -> memref<1x1x128xi32, #tpu.memory_space<vmem>>
    %dma_start3A_1052 = tpu.memref_squeeze %dma_start3A_1051 : memref<1x1x128xi32, #tpu.memory_space<vmem>> -> memref<128xi32, #tpu.memory_space<vmem>>
    %dma_start3A_1053 = arith.constant 0 : i32
    %dma_start3A_1054 = arith.constant 0 : i32
    %dma_start3A_1055 = tpu.memref_slice %arg4[%dma_start3A_1053, %dma_start3A_1054] : memref<600000x32xf32, #tpu.memory_space<hbm>> -> memref<600000x32xf32, #tpu.memory_space<hbm>>
    tpu.enqueue_indirect_dma source(%dma_start3A_1055 : memref<600000x32xf32, #tpu.memory_space<hbm>>) target(%dma_start3A_1049 : memref<128x32xf32, #tpu.memory_space<vmem>>) offsets(%dma_start3A_1052 : memref<128xi32, #tpu.memory_space<vmem>>) semaphore(%arg15 : memref<!tpu.dma_semaphore, #tpu.memory_space<semaphore_mem>>)
    %dma_start3A_1056 = arith.constant 0 : i32
    %dma_start3A_1057 = arith.constant 2 : i32
    %dma_start3A_1058 = arith.constant 0 : i32
    %dma_start3A_1059 = arith.constant 2 : i32
    %dma_start3A_1060 = arith.constant 0 : i32
    %dma_start3A_1061 = arith.constant 0 : i32
    %dma_start3A_1062 = tpu.memref_slice %arg10[%dma_start3A_1058, %dma_start3A_1059, %dma_start3A_1060, %dma_start3A_1061] : memref<2x8x128x32xf32, #tpu.memory_space<vmem>> -> memref<1x1x128x32xf32, #tpu.memory_space<vmem>>
    %dma_start3A_1063 = tpu.memref_squeeze %dma_start3A_1062 : memref<1x1x128x32xf32, #tpu.memory_space<vmem>> -> memref<128x32xf32, #tpu.memory_space<vmem>>
    %dma_start3A_1064 = arith.constant 0 : i32
    %dma_start3A_1065 = tpu.memref_slice %arg9[%dma_start3A_1056, %dma_start3A_1057, %dma_start3A_1064] : memref<2x8x128xi32, #tpu.memory_space<vmem>> -> memref<1x1x128xi32, #tpu.memory_space<vmem>>
    %dma_start3A_1066 = tpu.memref_squeeze %dma_start3A_1065 : memref<1x1x128xi32, #tpu.memory_space<vmem>> -> memref<128xi32, #tpu.memory_space<vmem>>
    %dma_start3A_1067 = arith.constant 0 : i32
    %dma_start3A_1068 = arith.constant 0 : i32
    %dma_start3A_1069 = tpu.memref_slice %arg4[%dma_start3A_1067, %dma_start3A_1068] : memref<600000x32xf32, #tpu.memory_space<hbm>> -> memref<600000x32xf32, #tpu.memory_space<hbm>>
    tpu.enqueue_indirect_dma source(%dma_start3A_1069 : memref<600000x32xf32, #tpu.memory_space<hbm>>) target(%dma_start3A_1063 : memref<128x32xf32, #tpu.memory_space<vmem>>) offsets(%dma_start3A_1066 : memref<128xi32, #tpu.memory_space<vmem>>) semaphore(%arg15 : memref<!tpu.dma_semaphore, #tpu.memory_space<semaphore_mem>>)
    %dma_start3A_1070 = arith.constant 0 : i32
    %dma_start3A_1071 = arith.constant 3 : i32
    %dma_start3A_1072 = arith.constant 0 : i32
    %dma_start3A_1073 = arith.constant 3 : i32
    %dma_start3A_1074 = arith.constant 0 : i32
    %dma_start3A_1075 = arith.constant 0 : i32
    %dma_start3A_1076 = tpu.memref_slice %arg10[%dma_start3A_1072, %dma_start3A_1073, %dma_start3A_1074, %dma_start3A_1075] : memref<2x8x128x32xf32, #tpu.memory_space<vmem>> -> memref<1x1x128x32xf32, #tpu.memory_space<vmem>>
    %dma_start3A_1077 = tpu.memref_squeeze %dma_start3A_1076 : memref<1x1x128x32xf32, #tpu.memory_space<vmem>> -> memref<128x32xf32, #tpu.memory_space<vmem>>
    %dma_start3A_1078 = arith.constant 0 : i32
    %dma_start3A_1079 = tpu.memref_slice %arg9[%dma_start3A_1070, %dma_start3A_1071, %dma_start3A_1078] : memref<2x8x128xi32, #tpu.memory_space<vmem>> -> memref<1x1x128xi32, #tpu.memory_space<vmem>>
    %dma_start3A_1080 = tpu.memref_squeeze %dma_start3A_1079 : memref<1x1x128xi32, #tpu.memory_space<vmem>> -> memref<128xi32, #tpu.memory_space<vmem>>
    %dma_start3A_1081 = arith.constant 0 : i32
    %dma_start3A_1082 = arith.constant 0 : i32
    %dma_start3A_1083 = tpu.memref_slice %arg4[%dma_start3A_1081, %dma_start3A_1082] : memref<600000x32xf32, #tpu.memory_space<hbm>> -> memref<600000x32xf32, #tpu.memory_space<hbm>>
    tpu.enqueue_indirect_dma source(%dma_start3A_1083 : memref<600000x32xf32, #tpu.memory_space<hbm>>) target(%dma_start3A_1077 : memref<128x32xf32, #tpu.memory_space<vmem>>) offsets(%dma_start3A_1080 : memref<128xi32, #tpu.memory_space<vmem>>) semaphore(%arg15 : memref<!tpu.dma_semaphore, #tpu.memory_space<semaphore_mem>>)
    %dma_start3A_1084 = arith.constant 0 : i32
    %dma_start3A_1085 = arith.constant 4 : i32
    %dma_start3A_1086 = arith.constant 0 : i32
    %dma_start3A_1087 = arith.constant 4 : i32
    %dma_start3A_1088 = arith.constant 0 : i32
    %dma_start3A_1089 = arith.constant 0 : i32
    %dma_start3A_1090 = tpu.memref_slice %arg10[%dma_start3A_1086, %dma_start3A_1087, %dma_start3A_1088, %dma_start3A_1089] : memref<2x8x128x32xf32, #tpu.memory_space<vmem>> -> memref<1x1x128x32xf32, #tpu.memory_space<vmem>>
    %dma_start3A_1091 = tpu.memref_squeeze %dma_start3A_1090 : memref<1x1x128x32xf32, #tpu.memory_space<vmem>> -> memref<128x32xf32, #tpu.memory_space<vmem>>
    %dma_start3A_1092 = arith.constant 0 : i32
    %dma_start3A_1093 = tpu.memref_slice %arg9[%dma_start3A_1084, %dma_start3A_1085, %dma_start3A_1092] : memref<2x8x128xi32, #tpu.memory_space<vmem>> -> memref<1x1x128xi32, #tpu.memory_space<vmem>>
    %dma_start3A_1094 = tpu.memref_squeeze %dma_start3A_1093 : memref<1x1x128xi32, #tpu.memory_space<vmem>> -> memref<128xi32, #tpu.memory_space<vmem>>
    %dma_start3A_1095 = arith.constant 0 : i32
    %dma_start3A_1096 = arith.constant 0 : i32
    %dma_start3A_1097 = tpu.memref_slice %arg4[%dma_start3A_1095, %dma_start3A_1096] : memref<600000x32xf32, #tpu.memory_space<hbm>> -> memref<600000x32xf32, #tpu.memory_space<hbm>>
    tpu.enqueue_indirect_dma source(%dma_start3A_1097 : memref<600000x32xf32, #tpu.memory_space<hbm>>) target(%dma_start3A_1091 : memref<128x32xf32, #tpu.memory_space<vmem>>) offsets(%dma_start3A_1094 : memref<128xi32, #tpu.memory_space<vmem>>) semaphore(%arg15 : memref<!tpu.dma_semaphore, #tpu.memory_space<semaphore_mem>>)
    %dma_start3A_1098 = arith.constant 0 : i32
    %dma_start3A_1099 = arith.constant 5 : i32
    %dma_start3A_1100 = arith.constant 0 : i32
    %dma_start3A_1101 = arith.constant 5 : i32
    %dma_start3A_1102 = arith.constant 0 : i32
    %dma_start3A_1103 = arith.constant 0 : i32
    %dma_start3A_1104 = tpu.memref_slice %arg10[%dma_start3A_1100, %dma_start3A_1101, %dma_start3A_1102, %dma_start3A_1103] : memref<2x8x128x32xf32, #tpu.memory_space<vmem>> -> memref<1x1x128x32xf32, #tpu.memory_space<vmem>>
    %dma_start3A_1105 = tpu.memref_squeeze %dma_start3A_1104 : memref<1x1x128x32xf32, #tpu.memory_space<vmem>> -> memref<128x32xf32, #tpu.memory_space<vmem>>
    %dma_start3A_1106 = arith.constant 0 : i32
    %dma_start3A_1107 = tpu.memref_slice %arg9[%dma_start3A_1098, %dma_start3A_1099, %dma_start3A_1106] : memref<2x8x128xi32, #tpu.memory_space<vmem>> -> memref<1x1x128xi32, #tpu.memory_space<vmem>>
    %dma_start3A_1108 = tpu.memref_squeeze %dma_start3A_1107 : memref<1x1x128xi32, #tpu.memory_space<vmem>> -> memref<128xi32, #tpu.memory_space<vmem>>
    %dma_start3A_1109 = arith.constant 0 : i32
    %dma_start3A_1110 = arith.constant 0 : i32
    %dma_start3A_1111 = tpu.memref_slice %arg4[%dma_start3A_1109, %dma_start3A_1110] : memref<600000x32xf32, #tpu.memory_space<hbm>> -> memref<600000x32xf32, #tpu.memory_space<hbm>>
    tpu.enqueue_indirect_dma source(%dma_start3A_1111 : memref<600000x32xf32, #tpu.memory_space<hbm>>) target(%dma_start3A_1105 : memref<128x32xf32, #tpu.memory_space<vmem>>) offsets(%dma_start3A_1108 : memref<128xi32, #tpu.memory_space<vmem>>) semaphore(%arg15 : memref<!tpu.dma_semaphore, #tpu.memory_space<semaphore_mem>>)
    %dma_start3A_1112 = arith.constant 0 : i32
    %dma_start3A_1113 = arith.constant 6 : i32
    %dma_start3A_1114 = arith.constant 0 : i32
    %dma_start3A_1115 = arith.constant 6 : i32
    %dma_start3A_1116 = arith.constant 0 : i32
    %dma_start3A_1117 = arith.constant 0 : i32
    %dma_start3A_1118 = tpu.memref_slice %arg10[%dma_start3A_1114, %dma_start3A_1115, %dma_start3A_1116, %dma_start3A_1117] : memref<2x8x128x32xf32, #tpu.memory_space<vmem>> -> memref<1x1x128x32xf32, #tpu.memory_space<vmem>>
    %dma_start3A_1119 = tpu.memref_squeeze %dma_start3A_1118 : memref<1x1x128x32xf32, #tpu.memory_space<vmem>> -> memref<128x32xf32, #tpu.memory_space<vmem>>
    %dma_start3A_1120 = arith.constant 0 : i32
    %dma_start3A_1121 = tpu.memref_slice %arg9[%dma_start3A_1112, %dma_start3A_1113, %dma_start3A_1120] : memref<2x8x128xi32, #tpu.memory_space<vmem>> -> memref<1x1x128xi32, #tpu.memory_space<vmem>>
    %dma_start3A_1122 = tpu.memref_squeeze %dma_start3A_1121 : memref<1x1x128xi32, #tpu.memory_space<vmem>> -> memref<128xi32, #tpu.memory_space<vmem>>
    %dma_start3A_1123 = arith.constant 0 : i32
    %dma_start3A_1124 = arith.constant 0 : i32
    %dma_start3A_1125 = tpu.memref_slice %arg4[%dma_start3A_1123, %dma_start3A_1124] : memref<600000x32xf32, #tpu.memory_space<hbm>> -> memref<600000x32xf32, #tpu.memory_space<hbm>>
    tpu.enqueue_indirect_dma source(%dma_start3A_1125 : memref<600000x32xf32, #tpu.memory_space<hbm>>) target(%dma_start3A_1119 : memref<128x32xf32, #tpu.memory_space<vmem>>) offsets(%dma_start3A_1122 : memref<128xi32, #tpu.memory_space<vmem>>) semaphore(%arg15 : memref<!tpu.dma_semaphore, #tpu.memory_space<semaphore_mem>>)
    %dma_start3A_1126 = arith.constant 0 : i32
    %dma_start3A_1127 = arith.constant 7 : i32
    %dma_start3A_1128 = arith.constant 0 : i32
    %dma_start3A_1129 = arith.constant 7 : i32
    %dma_start3A_1130 = arith.constant 0 : i32
    %dma_start3A_1131 = arith.constant 0 : i32
    %dma_start3A_1132 = tpu.memref_slice %arg10[%dma_start3A_1128, %dma_start3A_1129, %dma_start3A_1130, %dma_start3A_1131] : memref<2x8x128x32xf32, #tpu.memory_space<vmem>> -> memref<1x1x128x32xf32, #tpu.memory_space<vmem>>
    %dma_start3A_1133 = tpu.memref_squeeze %dma_start3A_1132 : memref<1x1x128x32xf32, #tpu.memory_space<vmem>> -> memref<128x32xf32, #tpu.memory_space<vmem>>
    %dma_start3A_1134 = arith.constant 0 : i32
    %dma_start3A_1135 = tpu.memref_slice %arg9[%dma_start3A_1126, %dma_start3A_1127, %dma_start3A_1134] : memref<2x8x128xi32, #tpu.memory_space<vmem>> -> memref<1x1x128xi32, #tpu.memory_space<vmem>>
    %dma_start3A_1136 = tpu.memref_squeeze %dma_start3A_1135 : memref<1x1x128xi32, #tpu.memory_space<vmem>> -> memref<128xi32, #tpu.memory_space<vmem>>
    %dma_start3A_1137 = arith.constant 0 : i32
    %dma_start3A_1138 = arith.constant 0 : i32
    %dma_start3A_1139 = tpu.memref_slice %arg4[%dma_start3A_1137, %dma_start3A_1138] : memref<600000x32xf32, #tpu.memory_space<hbm>> -> memref<600000x32xf32, #tpu.memory_space<hbm>>
    tpu.enqueue_indirect_dma source(%dma_start3A_1139 : memref<600000x32xf32, #tpu.memory_space<hbm>>) target(%dma_start3A_1133 : memref<128x32xf32, #tpu.memory_space<vmem>>) offsets(%dma_start3A_1136 : memref<128xi32, #tpu.memory_space<vmem>>) semaphore(%arg15 : memref<!tpu.dma_semaphore, #tpu.memory_space<semaphore_mem>>)
    %min3A_1140 = arith.constant 1 : i32
    %min3A_1141 = arith.constant 63 : i32
    %min3A_1142 = arith.minsi %min3A_1140, %min3A_1141 : i32
    %mul3A_1143 = arith.constant 128 : i32
    %mul3A_1144 = arith.muli %min3A_1142, %mul3A_1143 : i32
    %add3A_1145 = arith.addi %mul3A_2, %mul3A_1144 : i32
    %multiple_of3A_1146 = tpu.assume_multiple %add3A_1145, 128 : i32
    %dma_wait3A_1147 = arith.constant 1 : i32
    %dma_wait3A_1148 = arith.constant 0 : i32
    %dma_wait3A_1149 = tpu.memref_slice %arg7[%dma_wait3A_1147, %dma_wait3A_1148] : memref<2x128xi32, #tpu.memory_space<vmem>> -> memref<1x128xi32, #tpu.memory_space<vmem>>
    %dma_wait3A_1150 = tpu.memref_squeeze %dma_wait3A_1149 : memref<1x128xi32, #tpu.memory_space<vmem>> -> memref<128xi32, #tpu.memory_space<vmem>>
    %dma_wait3A_1151 = tpu.memref_slice %arg2[%multiple_of3A_1146] : memref<262144xi32, #tpu.memory_space<hbm>> -> memref<128xi32, #tpu.memory_space<hbm>>
    %dma_wait3A_1152 = arith.constant 0 : i32
    %dma_wait3A_1153 = tpu.memref_slice %arg7[%dma_wait3A_1147, %dma_wait3A_1152] : memref<2x128xi32, #tpu.memory_space<vmem>> -> memref<1x128xi32, #tpu.memory_space<vmem>>
    %dma_wait3A_1154 = tpu.memref_squeeze %dma_wait3A_1153 : memref<1x128xi32, #tpu.memory_space<vmem>> -> memref<128xi32, #tpu.memory_space<vmem>>
    %dma_wait3A_1155 = tpu.memref_slice %arg2[%multiple_of3A_1146] : memref<262144xi32, #tpu.memory_space<hbm>> -> memref<128xi32, #tpu.memory_space<hbm>>
    tpu.wait_dma2 semaphore(%arg13 : memref<!tpu.dma_semaphore, #tpu.memory_space<semaphore_mem>>) src(%dma_wait3A_1155 : memref<128xi32, #tpu.memory_space<hbm>>) dst(%dma_wait3A_1154 : memref<128xi32, #tpu.memory_space<vmem>>)
    %dma_start3A_1156 = arith.constant 1 : i32
    %dma_start3A_1157 = arith.constant 1 : i32
    %dma_start3A_1158 = arith.constant 0 : i32
    %dma_start3A_1159 = arith.constant 0 : i32
    %dma_start3A_1160 = tpu.memref_slice %arg8[%dma_start3A_1157, %dma_start3A_1158, %dma_start3A_1159] : memref<2x128x8xi32, #tpu.memory_space<vmem>> -> memref<1x128x8xi32, #tpu.memory_space<vmem>>
    %dma_start3A_1161 = tpu.memref_squeeze %dma_start3A_1160 : memref<1x128x8xi32, #tpu.memory_space<vmem>> -> memref<128x8xi32, #tpu.memory_space<vmem>>
    %dma_start3A_1162 = arith.constant 0 : i32
    %dma_start3A_1163 = tpu.memref_slice %arg7[%dma_start3A_1156, %dma_start3A_1162] : memref<2x128xi32, #tpu.memory_space<vmem>> -> memref<1x128xi32, #tpu.memory_space<vmem>>
    %dma_start3A_1164 = tpu.memref_squeeze %dma_start3A_1163 : memref<1x128xi32, #tpu.memory_space<vmem>> -> memref<128xi32, #tpu.memory_space<vmem>>
    %dma_start3A_1165 = arith.constant 0 : i32
    %dma_start3A_1166 = arith.constant 0 : i32
    %dma_start3A_1167 = tpu.memref_slice %arg3[%dma_start3A_1165, %dma_start3A_1166] : memref<524288x8xi32, #tpu.memory_space<hbm>> -> memref<524288x8xi32, #tpu.memory_space<hbm>>
    tpu.enqueue_indirect_dma source(%dma_start3A_1167 : memref<524288x8xi32, #tpu.memory_space<hbm>>) target(%dma_start3A_1161 : memref<128x8xi32, #tpu.memory_space<vmem>>) offsets(%dma_start3A_1164 : memref<128xi32, #tpu.memory_space<vmem>>) semaphore(%arg14 : memref<!tpu.dma_semaphore, #tpu.memory_space<semaphore_mem>>)
    %min3A_1168 = arith.constant 2 : i32
    %min3A_1169 = arith.constant 63 : i32
    %min3A_1170 = arith.minsi %min3A_1168, %min3A_1169 : i32
    %mul3A_1171 = arith.constant 128 : i32
    %mul3A_1172 = arith.muli %min3A_1170, %mul3A_1171 : i32
    %add3A_1173 = arith.addi %mul3A_2, %mul3A_1172 : i32
    %multiple_of3A_1174 = tpu.assume_multiple %add3A_1173, 128 : i32
    %dma_start3A_1175 = arith.constant 0 : i32
    %dma_start3A_1176 = arith.constant 0 : i32
    %dma_start3A_1177 = tpu.memref_slice %arg7[%dma_start3A_1175, %dma_start3A_1176] : memref<2x128xi32, #tpu.memory_space<vmem>> -> memref<1x128xi32, #tpu.memory_space<vmem>>
    %dma_start3A_1178 = tpu.memref_squeeze %dma_start3A_1177 : memref<1x128xi32, #tpu.memory_space<vmem>> -> memref<128xi32, #tpu.memory_space<vmem>>
    %dma_start3A_1179 = tpu.memref_slice %arg2[%multiple_of3A_1174] : memref<262144xi32, #tpu.memory_space<hbm>> -> memref<128xi32, #tpu.memory_space<hbm>>
    %dma_start3A_1180 = arith.constant 0 : i32
    %dma_start3A_1181 = tpu.memref_slice %arg7[%dma_start3A_1175, %dma_start3A_1180] : memref<2x128xi32, #tpu.memory_space<vmem>> -> memref<1x128xi32, #tpu.memory_space<vmem>>
    %dma_start3A_1182 = tpu.memref_squeeze %dma_start3A_1181 : memref<1x128xi32, #tpu.memory_space<vmem>> -> memref<128xi32, #tpu.memory_space<vmem>>
    %dma_start3A_1183 = tpu.memref_slice %arg2[%multiple_of3A_1174] : memref<262144xi32, #tpu.memory_space<hbm>> -> memref<128xi32, #tpu.memory_space<hbm>>
    tpu.enqueue_dma source(%dma_start3A_1183 : memref<128xi32, #tpu.memory_space<hbm>>) target(%dma_start3A_1182 : memref<128xi32, #tpu.memory_space<vmem>>) target_semaphore(%arg13 : memref<!tpu.dma_semaphore, #tpu.memory_space<semaphore_mem>>)
    %min3A_1184 = arith.constant 1 : i32
    %min3A_1185 = arith.constant 63 : i32
    %min3A_1186 = arith.minsi %min3A_1184, %min3A_1185 : i32
    %mul3A_1187 = arith.constant 128 : i32
    %mul3A_1188 = arith.muli %min3A_1186, %mul3A_1187 : i32
    %add3A_1189 = arith.addi %mul3A_2, %mul3A_1188 : i32
    %multiple_of3A_1190 = tpu.assume_multiple %add3A_1189, 128 : i32
    %dma_start3A_1191 = arith.constant 1 : i32
    %dma_start3A_1192 = arith.constant 0 : i32
    %dma_start3A_1193 = arith.constant 0 : i32
    %dma_start3A_1194 = tpu.memref_slice %arg11[%dma_start3A_1191, %dma_start3A_1192, %dma_start3A_1193] : memref<2x128x8xf32, #tpu.memory_space<vmem>> -> memref<1x128x8xf32, #tpu.memory_space<vmem>>
    %dma_start3A_1195 = tpu.memref_squeeze %dma_start3A_1194 : memref<1x128x8xf32, #tpu.memory_space<vmem>> -> memref<128x8xf32, #tpu.memory_space<vmem>>
    %dma_start3A_1196 = arith.constant 0 : i32
    %dma_start3A_1197 = tpu.memref_slice %arg5[%multiple_of3A_1190, %dma_start3A_1196] : memref<262144x8xf32, #tpu.memory_space<hbm>> -> memref<128x8xf32, #tpu.memory_space<hbm>>
    %dma_start3A_1198 = arith.constant 0 : i32
    %dma_start3A_1199 = arith.constant 0 : i32
    %dma_start3A_1200 = tpu.memref_slice %arg11[%dma_start3A_1191, %dma_start3A_1198, %dma_start3A_1199] : memref<2x128x8xf32, #tpu.memory_space<vmem>> -> memref<1x128x8xf32, #tpu.memory_space<vmem>>
    %dma_start3A_1201 = tpu.memref_squeeze %dma_start3A_1200 : memref<1x128x8xf32, #tpu.memory_space<vmem>> -> memref<128x8xf32, #tpu.memory_space<vmem>>
    %dma_start3A_1202 = arith.constant 0 : i32
    %dma_start3A_1203 = tpu.memref_slice %arg5[%multiple_of3A_1190, %dma_start3A_1202] : memref<262144x8xf32, #tpu.memory_space<hbm>> -> memref<128x8xf32, #tpu.memory_space<hbm>>
    tpu.enqueue_dma source(%dma_start3A_1203 : memref<128x8xf32, #tpu.memory_space<hbm>>) target(%dma_start3A_1201 : memref<128x8xf32, #tpu.memory_space<vmem>>) target_semaphore(%arg16 : memref<!tpu.dma_semaphore, #tpu.memory_space<semaphore_mem>>)
    %scan3A = arith.constant 0 : i32
    %scan3A_1204 = arith.constant 1 : i32
    %scan3A_1205 = arith.constant 63 : i32
    %scan3A_1206 = arith.addi %scan3A_1204, %scan3A_1205 : i32
    %scan3A_1207 = arith.constant 1 : i32
    %scan3A_1208 = scf.for %scan3A_1404 = %scan3A_1204 to %scan3A_1206 step %scan3A_1207 iter_args(%scan3A_1405 = %scan3A) -> (i32)  : i32 {
      %and3A_1406 = arith.constant 1 : i32
      %and3A_1407 = arith.andi %scan3A_1404, %and3A_1406 : i32
      %dma_wait3A_1408 = arith.constant 0 : i32
      %dma_wait3A_1409 = arith.constant 0 : i32
      %dma_wait3A_1410 = tpu.memref_slice %arg8[%and3A_1407, %dma_wait3A_1408, %dma_wait3A_1409] : memref<2x128x8xi32, #tpu.memory_space<vmem>> -> memref<1x128x8xi32, #tpu.memory_space<vmem>>
      %dma_wait3A_1411 = tpu.memref_squeeze %dma_wait3A_1410 : memref<1x128x8xi32, #tpu.memory_space<vmem>> -> memref<128x8xi32, #tpu.memory_space<vmem>>
      %dma_wait3A_1412 = arith.constant 0 : i32
      %dma_wait3A_1413 = tpu.memref_slice %arg7[%and3A_1407, %dma_wait3A_1412] : memref<2x128xi32, #tpu.memory_space<vmem>> -> memref<1x128xi32, #tpu.memory_space<vmem>>
      %dma_wait3A_1414 = tpu.memref_squeeze %dma_wait3A_1413 : memref<1x128xi32, #tpu.memory_space<vmem>> -> memref<128xi32, #tpu.memory_space<vmem>>
      %dma_wait3A_1415 = arith.constant 0 : i32
      %dma_wait3A_1416 = arith.constant 0 : i32
      %dma_wait3A_1417 = tpu.memref_slice %arg3[%dma_wait3A_1415, %dma_wait3A_1416] : memref<524288x8xi32, #tpu.memory_space<hbm>> -> memref<524288x8xi32, #tpu.memory_space<hbm>>
      tpu.wait_indirect_dma semaphore(%arg14 : memref<!tpu.dma_semaphore, #tpu.memory_space<semaphore_mem>>) src(%dma_wait3A_1417 : memref<524288x8xi32, #tpu.memory_space<hbm>>) dst(%dma_wait3A_1411 : memref<128x8xi32, #tpu.memory_space<vmem>>)
      %add3A_1418 = arith.constant 0 : i32
      %add3A_1419 = vector.broadcast %add3A_1418 : i32 to vector<16xi32>
      %add3A_1420 = arith.addi %add3A_1419, %shift_right_arithmetic3A_4 : vector<16xi32>
      %gather3A_1421 = arith.constant 0 : i32
      %gather3A_1422 = arith.constant 0 : i32
      %gather3A_1423 = tpu.memref_slice %arg8[%and3A_1407, %gather3A_1421, %gather3A_1422] : memref<2x128x8xi32, #tpu.memory_space<vmem>> -> memref<1x128x8xi32, #tpu.memory_space<vmem>>
      %gather3A_1424 = tpu.memref_squeeze %gather3A_1423 : memref<1x128x8xi32, #tpu.memory_space<vmem>> -> memref<128x8xi32, #tpu.memory_space<vmem>>
      %gather3A_1425 = tpu.vector_load_idx %gather3A_1424[%add3A_1420, %and3A_6] : memref<128x8xi32, #tpu.memory_space<vmem>>[vector<16xi32>, vector<16xi32>], vector<16xi32>,
      %swap3A_1426 = arith.constant 0 : i32
      %swap3A_1427 = arith.index_cast %and3A_1407 : i32 to index
      %swap3A_1428 = arith.index_cast %swap3A_1426 : i32 to index
      %swap3A_1429 = arith.constant 0 : index
      %swap3A_1430 = tpu.vector_load %arg9[%swap3A_1427, %swap3A_1428, %swap3A_1429] {strides = array<i32>} : memref<2x8x128xi32, #tpu.memory_space<vmem>>, vector<16xi32>,
      tpu.vector_store %arg9[%swap3A_1427, %swap3A_1428, %swap3A_1429], %gather3A_1425 {strides = array<i32>} : memref<2x8x128xi32, #tpu.memory_space<vmem>>, vector<16xi32>,
      %add3A_1431 = arith.constant 2 : i32
      %add3A_1432 = vector.broadcast %add3A_1431 : i32 to vector<16xi32>
      %add3A_1433 = arith.addi %add3A_1432, %shift_right_arithmetic3A_4 : vector<16xi32>
      %gather3A_1434 = arith.constant 0 : i32
      %gather3A_1435 = arith.constant 0 : i32
      %gather3A_1436 = tpu.memref_slice %arg8[%and3A_1407, %gather3A_1434, %gather3A_1435] : memref<2x128x8xi32, #tpu.memory_space<vmem>> -> memref<1x128x8xi32, #tpu.memory_space<vmem>>
      %gather3A_1437 = tpu.memref_squeeze %gather3A_1436 : memref<1x128x8xi32, #tpu.memory_space<vmem>> -> memref<128x8xi32, #tpu.memory_space<vmem>>
      %gather3A_1438 = tpu.vector_load_idx %gather3A_1437[%add3A_1433, %and3A_6] : memref<128x8xi32, #tpu.memory_space<vmem>>[vector<16xi32>, vector<16xi32>], vector<16xi32>,
      %swap3A_1439 = arith.constant 0 : i32
      %swap3A_1440 = arith.index_cast %and3A_1407 : i32 to index
      %swap3A_1441 = arith.index_cast %swap3A_1439 : i32 to index
      %swap3A_1442 = arith.constant 16 : index
      %swap3A_1443 = tpu.vector_load %arg9[%swap3A_1440, %swap3A_1441, %swap3A_1442] {strides = array<i32>} : memref<2x8x128xi32, #tpu.memory_space<vmem>>, vector<16xi32>,
      tpu.vector_store %arg9[%swap3A_1440, %swap3A_1441, %swap3A_1442], %gather3A_1438 {strides = array<i32>} : memref<2x8x128xi32, #tpu.memory_space<vmem>>, vector<16xi32>,
      %add3A_1444 = arith.constant 4 : i32
      %add3A_1445 = vector.broadcast %add3A_1444 : i32 to vector<16xi32>
      %add3A_1446 = arith.addi %add3A_1445, %shift_right_arithmetic3A_4 : vector<16xi32>
      %gather3A_1447 = arith.constant 0 : i32
      %gather3A_1448 = arith.constant 0 : i32
      %gather3A_1449 = tpu.memref_slice %arg8[%and3A_1407, %gather3A_1447, %gather3A_1448] : memref<2x128x8xi32, #tpu.memory_space<vmem>> -> memref<1x128x8xi32, #tpu.memory_space<vmem>>
      %gather3A_1450 = tpu.memref_squeeze %gather3A_1449 : memref<1x128x8xi32, #tpu.memory_space<vmem>> -> memref<128x8xi32, #tpu.memory_space<vmem>>
      %gather3A_1451 = tpu.vector_load_idx %gather3A_1450[%add3A_1446, %and3A_6] : memref<128x8xi32, #tpu.memory_space<vmem>>[vector<16xi32>, vector<16xi32>], vector<16xi32>,
      %swap3A_1452 = arith.constant 0 : i32
      %swap3A_1453 = arith.index_cast %and3A_1407 : i32 to index
      %swap3A_1454 = arith.index_cast %swap3A_1452 : i32 to index
      %swap3A_1455 = arith.constant 32 : index
      %swap3A_1456 = tpu.vector_load %arg9[%swap3A_1453, %swap3A_1454, %swap3A_1455] {strides = array<i32>} : memref<2x8x128xi32, #tpu.memory_space<vmem>>, vector<16xi32>,
      tpu.vector_store %arg9[%swap3A_1453, %swap3A_1454, %swap3A_1455], %gather3A_1451 {strides = array<i32>} : memref<2x8x128xi32, #tpu.memory_space<vmem>>, vector<16xi32>,
      %add3A_1457 = arith.constant 6 : i32
      %add3A_1458 = vector.broadcast %add3A_1457 : i32 to vector<16xi32>
      %add3A_1459 = arith.addi %add3A_1458, %shift_right_arithmetic3A_4 : vector<16xi32>
      %gather3A_1460 = arith.constant 0 : i32
      %gather3A_1461 = arith.constant 0 : i32
      %gather3A_1462 = tpu.memref_slice %arg8[%and3A_1407, %gather3A_1460, %gather3A_1461] : memref<2x128x8xi32, #tpu.memory_space<vmem>> -> memref<1x128x8xi32, #tpu.memory_space<vmem>>
      %gather3A_1463 = tpu.memref_squeeze %gather3A_1462 : memref<1x128x8xi32, #tpu.memory_space<vmem>> -> memref<128x8xi32, #tpu.memory_space<vmem>>
      %gather3A_1464 = tpu.vector_load_idx %gather3A_1463[%add3A_1459, %and3A_6] : memref<128x8xi32, #tpu.memory_space<vmem>>[vector<16xi32>, vector<16xi32>], vector<16xi32>,
      %swap3A_1465 = arith.constant 0 : i32
      %swap3A_1466 = arith.index_cast %and3A_1407 : i32 to index
      %swap3A_1467 = arith.index_cast %swap3A_1465 : i32 to index
      %swap3A_1468 = arith.constant 48 : index
      %swap3A_1469 = tpu.vector_load %arg9[%swap3A_1466, %swap3A_1467, %swap3A_1468] {strides = array<i32>} : memref<2x8x128xi32, #tpu.memory_space<vmem>>, vector<16xi32>,
      tpu.vector_store %arg9[%swap3A_1466, %swap3A_1467, %swap3A_1468], %gather3A_1464 {strides = array<i32>} : memref<2x8x128xi32, #tpu.memory_space<vmem>>, vector<16xi32>,
      %add3A_1470 = arith.constant 8 : i32
      %add3A_1471 = vector.broadcast %add3A_1470 : i32 to vector<16xi32>
      %add3A_1472 = arith.addi %add3A_1471, %shift_right_arithmetic3A_4 : vector<16xi32>
      %gather3A_1473 = arith.constant 0 : i32
      %gather3A_1474 = arith.constant 0 : i32
      %gather3A_1475 = tpu.memref_slice %arg8[%and3A_1407, %gather3A_1473, %gather3A_1474] : memref<2x128x8xi32, #tpu.memory_space<vmem>> -> memref<1x128x8xi32, #tpu.memory_space<vmem>>
      %gather3A_1476 = tpu.memref_squeeze %gather3A_1475 : memref<1x128x8xi32, #tpu.memory_space<vmem>> -> memref<128x8xi32, #tpu.memory_space<vmem>>
      %gather3A_1477 = tpu.vector_load_idx %gather3A_1476[%add3A_1472, %and3A_6] : memref<128x8xi32, #tpu.memory_space<vmem>>[vector<16xi32>, vector<16xi32>], vector<16xi32>,
      %swap3A_1478 = arith.constant 0 : i32
      %swap3A_1479 = arith.index_cast %and3A_1407 : i32 to index
      %swap3A_1480 = arith.index_cast %swap3A_1478 : i32 to index
      %swap3A_1481 = arith.constant 64 : index
      %swap3A_1482 = tpu.vector_load %arg9[%swap3A_1479, %swap3A_1480, %swap3A_1481] {strides = array<i32>} : memref<2x8x128xi32, #tpu.memory_space<vmem>>, vector<16xi32>,
      tpu.vector_store %arg9[%swap3A_1479, %swap3A_1480, %swap3A_1481], %gather3A_1477 {strides = array<i32>} : memref<2x8x128xi32, #tpu.memory_space<vmem>>, vector<16xi32>,
      %add3A_1483 = arith.constant 10 : i32
      %add3A_1484 = vector.broadcast %add3A_1483 : i32 to vector<16xi32>
      %add3A_1485 = arith.addi %add3A_1484, %shift_right_arithmetic3A_4 : vector<16xi32>
      %gather3A_1486 = arith.constant 0 : i32
      %gather3A_1487 = arith.constant 0 : i32
      %gather3A_1488 = tpu.memref_slice %arg8[%and3A_1407, %gather3A_1486, %gather3A_1487] : memref<2x128x8xi32, #tpu.memory_space<vmem>> -> memref<1x128x8xi32, #tpu.memory_space<vmem>>
      %gather3A_1489 = tpu.memref_squeeze %gather3A_1488 : memref<1x128x8xi32, #tpu.memory_space<vmem>> -> memref<128x8xi32, #tpu.memory_space<vmem>>
      %gather3A_1490 = tpu.vector_load_idx %gather3A_1489[%add3A_1485, %and3A_6] : memref<128x8xi32, #tpu.memory_space<vmem>>[vector<16xi32>, vector<16xi32>], vector<16xi32>,
      %swap3A_1491 = arith.constant 0 : i32
      %swap3A_1492 = arith.index_cast %and3A_1407 : i32 to index
      %swap3A_1493 = arith.index_cast %swap3A_1491 : i32 to index
      %swap3A_1494 = arith.constant 80 : index
      %swap3A_1495 = tpu.vector_load %arg9[%swap3A_1492, %swap3A_1493, %swap3A_1494] {strides = array<i32>} : memref<2x8x128xi32, #tpu.memory_space<vmem>>, vector<16xi32>,
      tpu.vector_store %arg9[%swap3A_1492, %swap3A_1493, %swap3A_1494], %gather3A_1490 {strides = array<i32>} : memref<2x8x128xi32, #tpu.memory_space<vmem>>, vector<16xi32>,
      %add3A_1496 = arith.constant 12 : i32
      %add3A_1497 = vector.broadcast %add3A_1496 : i32 to vector<16xi32>
      %add3A_1498 = arith.addi %add3A_1497, %shift_right_arithmetic3A_4 : vector<16xi32>
      %gather3A_1499 = arith.constant 0 : i32
      %gather3A_1500 = arith.constant 0 : i32
      %gather3A_1501 = tpu.memref_slice %arg8[%and3A_1407, %gather3A_1499, %gather3A_1500] : memref<2x128x8xi32, #tpu.memory_space<vmem>> -> memref<1x128x8xi32, #tpu.memory_space<vmem>>
      %gather3A_1502 = tpu.memref_squeeze %gather3A_1501 : memref<1x128x8xi32, #tpu.memory_space<vmem>> -> memref<128x8xi32, #tpu.memory_space<vmem>>
      %gather3A_1503 = tpu.vector_load_idx %gather3A_1502[%add3A_1498, %and3A_6] : memref<128x8xi32, #tpu.memory_space<vmem>>[vector<16xi32>, vector<16xi32>], vector<16xi32>,
      %swap3A_1504 = arith.constant 0 : i32
      %swap3A_1505 = arith.index_cast %and3A_1407 : i32 to index
      %swap3A_1506 = arith.index_cast %swap3A_1504 : i32 to index
      %swap3A_1507 = arith.constant 96 : index
      %swap3A_1508 = tpu.vector_load %arg9[%swap3A_1505, %swap3A_1506, %swap3A_1507] {strides = array<i32>} : memref<2x8x128xi32, #tpu.memory_space<vmem>>, vector<16xi32>,
      tpu.vector_store %arg9[%swap3A_1505, %swap3A_1506, %swap3A_1507], %gather3A_1503 {strides = array<i32>} : memref<2x8x128xi32, #tpu.memory_space<vmem>>, vector<16xi32>,
      %add3A_1509 = arith.constant 14 : i32
      %add3A_1510 = vector.broadcast %add3A_1509 : i32 to vector<16xi32>
      %add3A_1511 = arith.addi %add3A_1510, %shift_right_arithmetic3A_4 : vector<16xi32>
      %gather3A_1512 = arith.constant 0 : i32
      %gather3A_1513 = arith.constant 0 : i32
      %gather3A_1514 = tpu.memref_slice %arg8[%and3A_1407, %gather3A_1512, %gather3A_1513] : memref<2x128x8xi32, #tpu.memory_space<vmem>> -> memref<1x128x8xi32, #tpu.memory_space<vmem>>
      %gather3A_1515 = tpu.memref_squeeze %gather3A_1514 : memref<1x128x8xi32, #tpu.memory_space<vmem>> -> memref<128x8xi32, #tpu.memory_space<vmem>>
      %gather3A_1516 = tpu.vector_load_idx %gather3A_1515[%add3A_1511, %and3A_6] : memref<128x8xi32, #tpu.memory_space<vmem>>[vector<16xi32>, vector<16xi32>], vector<16xi32>,
      %swap3A_1517 = arith.constant 0 : i32
      %swap3A_1518 = arith.index_cast %and3A_1407 : i32 to index
      %swap3A_1519 = arith.index_cast %swap3A_1517 : i32 to index
      %swap3A_1520 = arith.constant 112 : index
      %swap3A_1521 = tpu.vector_load %arg9[%swap3A_1518, %swap3A_1519, %swap3A_1520] {strides = array<i32>} : memref<2x8x128xi32, #tpu.memory_space<vmem>>, vector<16xi32>,
      tpu.vector_store %arg9[%swap3A_1518, %swap3A_1519, %swap3A_1520], %gather3A_1516 {strides = array<i32>} : memref<2x8x128xi32, #tpu.memory_space<vmem>>, vector<16xi32>,
      %add3A_1522 = arith.constant 16 : i32
      %add3A_1523 = vector.broadcast %add3A_1522 : i32 to vector<16xi32>
      %add3A_1524 = arith.addi %add3A_1523, %shift_right_arithmetic3A_4 : vector<16xi32>
      %gather3A_1525 = arith.constant 0 : i32
      %gather3A_1526 = arith.constant 0 : i32
      %gather3A_1527 = tpu.memref_slice %arg8[%and3A_1407, %gather3A_1525, %gather3A_1526] : memref<2x128x8xi32, #tpu.memory_space<vmem>> -> memref<1x128x8xi32, #tpu.memory_space<vmem>>
      %gather3A_1528 = tpu.memref_squeeze %gather3A_1527 : memref<1x128x8xi32, #tpu.memory_space<vmem>> -> memref<128x8xi32, #tpu.memory_space<vmem>>
      %gather3A_1529 = tpu.vector_load_idx %gather3A_1528[%add3A_1524, %and3A_6] : memref<128x8xi32, #tpu.memory_space<vmem>>[vector<16xi32>, vector<16xi32>], vector<16xi32>,
      %swap3A_1530 = arith.constant 1 : i32
      %swap3A_1531 = arith.index_cast %and3A_1407 : i32 to index
      %swap3A_1532 = arith.index_cast %swap3A_1530 : i32 to index
      %swap3A_1533 = arith.constant 0 : index
      %swap3A_1534 = tpu.vector_load %arg9[%swap3A_1531, %swap3A_1532, %swap3A_1533] {strides = array<i32>} : memref<2x8x128xi32, #tpu.memory_space<vmem>>, vector<16xi32>,
      tpu.vector_store %arg9[%swap3A_1531, %swap3A_1532, %swap3A_1533], %gather3A_1529 {strides = array<i32>} : memref<2x8x128xi32, #tpu.memory_space<vmem>>, vector<16xi32>,
      %add3A_1535 = arith.constant 18 : i32
      %add3A_1536 = vector.broadcast %add3A_1535 : i32 to vector<16xi32>
      %add3A_1537 = arith.addi %add3A_1536, %shift_right_arithmetic3A_4 : vector<16xi32>
      %gather3A_1538 = arith.constant 0 : i32
      %gather3A_1539 = arith.constant 0 : i32
      %gather3A_1540 = tpu.memref_slice %arg8[%and3A_1407, %gather3A_1538, %gather3A_1539] : memref<2x128x8xi32, #tpu.memory_space<vmem>> -> memref<1x128x8xi32, #tpu.memory_space<vmem>>
      %gather3A_1541 = tpu.memref_squeeze %gather3A_1540 : memref<1x128x8xi32, #tpu.memory_space<vmem>> -> memref<128x8xi32, #tpu.memory_space<vmem>>
      %gather3A_1542 = tpu.vector_load_idx %gather3A_1541[%add3A_1537, %and3A_6] : memref<128x8xi32, #tpu.memory_space<vmem>>[vector<16xi32>, vector<16xi32>], vector<16xi32>,
      %swap3A_1543 = arith.constant 1 : i32
      %swap3A_1544 = arith.index_cast %and3A_1407 : i32 to index
      %swap3A_1545 = arith.index_cast %swap3A_1543 : i32 to index
      %swap3A_1546 = arith.constant 16 : index
      %swap3A_1547 = tpu.vector_load %arg9[%swap3A_1544, %swap3A_1545, %swap3A_1546] {strides = array<i32>} : memref<2x8x128xi32, #tpu.memory_space<vmem>>, vector<16xi32>,
      tpu.vector_store %arg9[%swap3A_1544, %swap3A_1545, %swap3A_1546], %gather3A_1542 {strides = array<i32>} : memref<2x8x128xi32, #tpu.memory_space<vmem>>, vector<16xi32>,
      %add3A_1548 = arith.constant 20 : i32
      %add3A_1549 = vector.broadcast %add3A_1548 : i32 to vector<16xi32>
      %add3A_1550 = arith.addi %add3A_1549, %shift_right_arithmetic3A_4 : vector<16xi32>
      %gather3A_1551 = arith.constant 0 : i32
      %gather3A_1552 = arith.constant 0 : i32
      %gather3A_1553 = tpu.memref_slice %arg8[%and3A_1407, %gather3A_1551, %gather3A_1552] : memref<2x128x8xi32, #tpu.memory_space<vmem>> -> memref<1x128x8xi32, #tpu.memory_space<vmem>>
      %gather3A_1554 = tpu.memref_squeeze %gather3A_1553 : memref<1x128x8xi32, #tpu.memory_space<vmem>> -> memref<128x8xi32, #tpu.memory_space<vmem>>
      %gather3A_1555 = tpu.vector_load_idx %gather3A_1554[%add3A_1550, %and3A_6] : memref<128x8xi32, #tpu.memory_space<vmem>>[vector<16xi32>, vector<16xi32>], vector<16xi32>,
      %swap3A_1556 = arith.constant 1 : i32
      %swap3A_1557 = arith.index_cast %and3A_1407 : i32 to index
      %swap3A_1558 = arith.index_cast %swap3A_1556 : i32 to index
      %swap3A_1559 = arith.constant 32 : index
      %swap3A_1560 = tpu.vector_load %arg9[%swap3A_1557, %swap3A_1558, %swap3A_1559] {strides = array<i32>} : memref<2x8x128xi32, #tpu.memory_space<vmem>>, vector<16xi32>,
      tpu.vector_store %arg9[%swap3A_1557, %swap3A_1558, %swap3A_1559], %gather3A_1555 {strides = array<i32>} : memref<2x8x128xi32, #tpu.memory_space<vmem>>, vector<16xi32>,
      %add3A_1561 = arith.constant 22 : i32
      %add3A_1562 = vector.broadcast %add3A_1561 : i32 to vector<16xi32>
      %add3A_1563 = arith.addi %add3A_1562, %shift_right_arithmetic3A_4 : vector<16xi32>
      %gather3A_1564 = arith.constant 0 : i32
      %gather3A_1565 = arith.constant 0 : i32
      %gather3A_1566 = tpu.memref_slice %arg8[%and3A_1407, %gather3A_1564, %gather3A_1565] : memref<2x128x8xi32, #tpu.memory_space<vmem>> -> memref<1x128x8xi32, #tpu.memory_space<vmem>>
      %gather3A_1567 = tpu.memref_squeeze %gather3A_1566 : memref<1x128x8xi32, #tpu.memory_space<vmem>> -> memref<128x8xi32, #tpu.memory_space<vmem>>
      %gather3A_1568 = tpu.vector_load_idx %gather3A_1567[%add3A_1563, %and3A_6] : memref<128x8xi32, #tpu.memory_space<vmem>>[vector<16xi32>, vector<16xi32>], vector<16xi32>,
      %swap3A_1569 = arith.constant 1 : i32
      %swap3A_1570 = arith.index_cast %and3A_1407 : i32 to index
      %swap3A_1571 = arith.index_cast %swap3A_1569 : i32 to index
      %swap3A_1572 = arith.constant 48 : index
      %swap3A_1573 = tpu.vector_load %arg9[%swap3A_1570, %swap3A_1571, %swap3A_1572] {strides = array<i32>} : memref<2x8x128xi32, #tpu.memory_space<vmem>>, vector<16xi32>,
      tpu.vector_store %arg9[%swap3A_1570, %swap3A_1571, %swap3A_1572], %gather3A_1568 {strides = array<i32>} : memref<2x8x128xi32, #tpu.memory_space<vmem>>, vector<16xi32>,
      %add3A_1574 = arith.constant 24 : i32
      %add3A_1575 = vector.broadcast %add3A_1574 : i32 to vector<16xi32>
      %add3A_1576 = arith.addi %add3A_1575, %shift_right_arithmetic3A_4 : vector<16xi32>
      %gather3A_1577 = arith.constant 0 : i32
      %gather3A_1578 = arith.constant 0 : i32
      %gather3A_1579 = tpu.memref_slice %arg8[%and3A_1407, %gather3A_1577, %gather3A_1578] : memref<2x128x8xi32, #tpu.memory_space<vmem>> -> memref<1x128x8xi32, #tpu.memory_space<vmem>>
      %gather3A_1580 = tpu.memref_squeeze %gather3A_1579 : memref<1x128x8xi32, #tpu.memory_space<vmem>> -> memref<128x8xi32, #tpu.memory_space<vmem>>
      %gather3A_1581 = tpu.vector_load_idx %gather3A_1580[%add3A_1576, %and3A_6] : memref<128x8xi32, #tpu.memory_space<vmem>>[vector<16xi32>, vector<16xi32>], vector<16xi32>,
      %swap3A_1582 = arith.constant 1 : i32
      %swap3A_1583 = arith.index_cast %and3A_1407 : i32 to index
      %swap3A_1584 = arith.index_cast %swap3A_1582 : i32 to index
      %swap3A_1585 = arith.constant 64 : index
      %swap3A_1586 = tpu.vector_load %arg9[%swap3A_1583, %swap3A_1584, %swap3A_1585] {strides = array<i32>} : memref<2x8x128xi32, #tpu.memory_space<vmem>>, vector<16xi32>,
      tpu.vector_store %arg9[%swap3A_1583, %swap3A_1584, %swap3A_1585], %gather3A_1581 {strides = array<i32>} : memref<2x8x128xi32, #tpu.memory_space<vmem>>, vector<16xi32>,
      %add3A_1587 = arith.constant 26 : i32
      %add3A_1588 = vector.broadcast %add3A_1587 : i32 to vector<16xi32>
      %add3A_1589 = arith.addi %add3A_1588, %shift_right_arithmetic3A_4 : vector<16xi32>
      %gather3A_1590 = arith.constant 0 : i32
      %gather3A_1591 = arith.constant 0 : i32
      %gather3A_1592 = tpu.memref_slice %arg8[%and3A_1407, %gather3A_1590, %gather3A_1591] : memref<2x128x8xi32, #tpu.memory_space<vmem>> -> memref<1x128x8xi32, #tpu.memory_space<vmem>>
      %gather3A_1593 = tpu.memref_squeeze %gather3A_1592 : memref<1x128x8xi32, #tpu.memory_space<vmem>> -> memref<128x8xi32, #tpu.memory_space<vmem>>
      %gather3A_1594 = tpu.vector_load_idx %gather3A_1593[%add3A_1589, %and3A_6] : memref<128x8xi32, #tpu.memory_space<vmem>>[vector<16xi32>, vector<16xi32>], vector<16xi32>,
      %swap3A_1595 = arith.constant 1 : i32
      %swap3A_1596 = arith.index_cast %and3A_1407 : i32 to index
      %swap3A_1597 = arith.index_cast %swap3A_1595 : i32 to index
      %swap3A_1598 = arith.constant 80 : index
      %swap3A_1599 = tpu.vector_load %arg9[%swap3A_1596, %swap3A_1597, %swap3A_1598] {strides = array<i32>} : memref<2x8x128xi32, #tpu.memory_space<vmem>>, vector<16xi32>,
      tpu.vector_store %arg9[%swap3A_1596, %swap3A_1597, %swap3A_1598], %gather3A_1594 {strides = array<i32>} : memref<2x8x128xi32, #tpu.memory_space<vmem>>, vector<16xi32>,
      %add3A_1600 = arith.constant 28 : i32
      %add3A_1601 = vector.broadcast %add3A_1600 : i32 to vector<16xi32>
      %add3A_1602 = arith.addi %add3A_1601, %shift_right_arithmetic3A_4 : vector<16xi32>
      %gather3A_1603 = arith.constant 0 : i32
      %gather3A_1604 = arith.constant 0 : i32
      %gather3A_1605 = tpu.memref_slice %arg8[%and3A_1407, %gather3A_1603, %gather3A_1604] : memref<2x128x8xi32, #tpu.memory_space<vmem>> -> memref<1x128x8xi32, #tpu.memory_space<vmem>>
      %gather3A_1606 = tpu.memref_squeeze %gather3A_1605 : memref<1x128x8xi32, #tpu.memory_space<vmem>> -> memref<128x8xi32, #tpu.memory_space<vmem>>
      %gather3A_1607 = tpu.vector_load_idx %gather3A_1606[%add3A_1602, %and3A_6] : memref<128x8xi32, #tpu.memory_space<vmem>>[vector<16xi32>, vector<16xi32>], vector<16xi32>,
      %swap3A_1608 = arith.constant 1 : i32
      %swap3A_1609 = arith.index_cast %and3A_1407 : i32 to index
      %swap3A_1610 = arith.index_cast %swap3A_1608 : i32 to index
      %swap3A_1611 = arith.constant 96 : index
      %swap3A_1612 = tpu.vector_load %arg9[%swap3A_1609, %swap3A_1610, %swap3A_1611] {strides = array<i32>} : memref<2x8x128xi32, #tpu.memory_space<vmem>>, vector<16xi32>,
      tpu.vector_store %arg9[%swap3A_1609, %swap3A_1610, %swap3A_1611], %gather3A_1607 {strides = array<i32>} : memref<2x8x128xi32, #tpu.memory_space<vmem>>, vector<16xi32>,
      %add3A_1613 = arith.constant 30 : i32
      %add3A_1614 = vector.broadcast %add3A_1613 : i32 to vector<16xi32>
      %add3A_1615 = arith.addi %add3A_1614, %shift_right_arithmetic3A_4 : vector<16xi32>
      %gather3A_1616 = arith.constant 0 : i32
      %gather3A_1617 = arith.constant 0 : i32
      %gather3A_1618 = tpu.memref_slice %arg8[%and3A_1407, %gather3A_1616, %gather3A_1617] : memref<2x128x8xi32, #tpu.memory_space<vmem>> -> memref<1x128x8xi32, #tpu.memory_space<vmem>>
      %gather3A_1619 = tpu.memref_squeeze %gather3A_1618 : memref<1x128x8xi32, #tpu.memory_space<vmem>> -> memref<128x8xi32, #tpu.memory_space<vmem>>
      %gather3A_1620 = tpu.vector_load_idx %gather3A_1619[%add3A_1615, %and3A_6] : memref<128x8xi32, #tpu.memory_space<vmem>>[vector<16xi32>, vector<16xi32>], vector<16xi32>,
      %swap3A_1621 = arith.constant 1 : i32
      %swap3A_1622 = arith.index_cast %and3A_1407 : i32 to index
      %swap3A_1623 = arith.index_cast %swap3A_1621 : i32 to index
      %swap3A_1624 = arith.constant 112 : index
      %swap3A_1625 = tpu.vector_load %arg9[%swap3A_1622, %swap3A_1623, %swap3A_1624] {strides = array<i32>} : memref<2x8x128xi32, #tpu.memory_space<vmem>>, vector<16xi32>,
      tpu.vector_store %arg9[%swap3A_1622, %swap3A_1623, %swap3A_1624], %gather3A_1620 {strides = array<i32>} : memref<2x8x128xi32, #tpu.memory_space<vmem>>, vector<16xi32>,
      %add3A_1626 = arith.constant 32 : i32
      %add3A_1627 = vector.broadcast %add3A_1626 : i32 to vector<16xi32>
      %add3A_1628 = arith.addi %add3A_1627, %shift_right_arithmetic3A_4 : vector<16xi32>
      %gather3A_1629 = arith.constant 0 : i32
      %gather3A_1630 = arith.constant 0 : i32
      %gather3A_1631 = tpu.memref_slice %arg8[%and3A_1407, %gather3A_1629, %gather3A_1630] : memref<2x128x8xi32, #tpu.memory_space<vmem>> -> memref<1x128x8xi32, #tpu.memory_space<vmem>>
      %gather3A_1632 = tpu.memref_squeeze %gather3A_1631 : memref<1x128x8xi32, #tpu.memory_space<vmem>> -> memref<128x8xi32, #tpu.memory_space<vmem>>
      %gather3A_1633 = tpu.vector_load_idx %gather3A_1632[%add3A_1628, %and3A_6] : memref<128x8xi32, #tpu.memory_space<vmem>>[vector<16xi32>, vector<16xi32>], vector<16xi32>,
      %swap3A_1634 = arith.constant 2 : i32
      %swap3A_1635 = arith.index_cast %and3A_1407 : i32 to index
      %swap3A_1636 = arith.index_cast %swap3A_1634 : i32 to index
      %swap3A_1637 = arith.constant 0 : index
      %swap3A_1638 = tpu.vector_load %arg9[%swap3A_1635, %swap3A_1636, %swap3A_1637] {strides = array<i32>} : memref<2x8x128xi32, #tpu.memory_space<vmem>>, vector<16xi32>,
      tpu.vector_store %arg9[%swap3A_1635, %swap3A_1636, %swap3A_1637], %gather3A_1633 {strides = array<i32>} : memref<2x8x128xi32, #tpu.memory_space<vmem>>, vector<16xi32>,
      %add3A_1639 = arith.constant 34 : i32
      %add3A_1640 = vector.broadcast %add3A_1639 : i32 to vector<16xi32>
      %add3A_1641 = arith.addi %add3A_1640, %shift_right_arithmetic3A_4 : vector<16xi32>
      %gather3A_1642 = arith.constant 0 : i32
      %gather3A_1643 = arith.constant 0 : i32
      %gather3A_1644 = tpu.memref_slice %arg8[%and3A_1407, %gather3A_1642, %gather3A_1643] : memref<2x128x8xi32, #tpu.memory_space<vmem>> -> memref<1x128x8xi32, #tpu.memory_space<vmem>>
      %gather3A_1645 = tpu.memref_squeeze %gather3A_1644 : memref<1x128x8xi32, #tpu.memory_space<vmem>> -> memref<128x8xi32, #tpu.memory_space<vmem>>
      %gather3A_1646 = tpu.vector_load_idx %gather3A_1645[%add3A_1641, %and3A_6] : memref<128x8xi32, #tpu.memory_space<vmem>>[vector<16xi32>, vector<16xi32>], vector<16xi32>,
      %swap3A_1647 = arith.constant 2 : i32
      %swap3A_1648 = arith.index_cast %and3A_1407 : i32 to index
      %swap3A_1649 = arith.index_cast %swap3A_1647 : i32 to index
      %swap3A_1650 = arith.constant 16 : index
      %swap3A_1651 = tpu.vector_load %arg9[%swap3A_1648, %swap3A_1649, %swap3A_1650] {strides = array<i32>} : memref<2x8x128xi32, #tpu.memory_space<vmem>>, vector<16xi32>,
      tpu.vector_store %arg9[%swap3A_1648, %swap3A_1649, %swap3A_1650], %gather3A_1646 {strides = array<i32>} : memref<2x8x128xi32, #tpu.memory_space<vmem>>, vector<16xi32>,
      %add3A_1652 = arith.constant 36 : i32
      %add3A_1653 = vector.broadcast %add3A_1652 : i32 to vector<16xi32>
      %add3A_1654 = arith.addi %add3A_1653, %shift_right_arithmetic3A_4 : vector<16xi32>
      %gather3A_1655 = arith.constant 0 : i32
      %gather3A_1656 = arith.constant 0 : i32
      %gather3A_1657 = tpu.memref_slice %arg8[%and3A_1407, %gather3A_1655, %gather3A_1656] : memref<2x128x8xi32, #tpu.memory_space<vmem>> -> memref<1x128x8xi32, #tpu.memory_space<vmem>>
      %gather3A_1658 = tpu.memref_squeeze %gather3A_1657 : memref<1x128x8xi32, #tpu.memory_space<vmem>> -> memref<128x8xi32, #tpu.memory_space<vmem>>
      %gather3A_1659 = tpu.vector_load_idx %gather3A_1658[%add3A_1654, %and3A_6] : memref<128x8xi32, #tpu.memory_space<vmem>>[vector<16xi32>, vector<16xi32>], vector<16xi32>,
      %swap3A_1660 = arith.constant 2 : i32
      %swap3A_1661 = arith.index_cast %and3A_1407 : i32 to index
      %swap3A_1662 = arith.index_cast %swap3A_1660 : i32 to index
      %swap3A_1663 = arith.constant 32 : index
      %swap3A_1664 = tpu.vector_load %arg9[%swap3A_1661, %swap3A_1662, %swap3A_1663] {strides = array<i32>} : memref<2x8x128xi32, #tpu.memory_space<vmem>>, vector<16xi32>,
      tpu.vector_store %arg9[%swap3A_1661, %swap3A_1662, %swap3A_1663], %gather3A_1659 {strides = array<i32>} : memref<2x8x128xi32, #tpu.memory_space<vmem>>, vector<16xi32>,
      %add3A_1665 = arith.constant 38 : i32
      %add3A_1666 = vector.broadcast %add3A_1665 : i32 to vector<16xi32>
      %add3A_1667 = arith.addi %add3A_1666, %shift_right_arithmetic3A_4 : vector<16xi32>
      %gather3A_1668 = arith.constant 0 : i32
      %gather3A_1669 = arith.constant 0 : i32
      %gather3A_1670 = tpu.memref_slice %arg8[%and3A_1407, %gather3A_1668, %gather3A_1669] : memref<2x128x8xi32, #tpu.memory_space<vmem>> -> memref<1x128x8xi32, #tpu.memory_space<vmem>>
      %gather3A_1671 = tpu.memref_squeeze %gather3A_1670 : memref<1x128x8xi32, #tpu.memory_space<vmem>> -> memref<128x8xi32, #tpu.memory_space<vmem>>
      %gather3A_1672 = tpu.vector_load_idx %gather3A_1671[%add3A_1667, %and3A_6] : memref<128x8xi32, #tpu.memory_space<vmem>>[vector<16xi32>, vector<16xi32>], vector<16xi32>,
      %swap3A_1673 = arith.constant 2 : i32
      %swap3A_1674 = arith.index_cast %and3A_1407 : i32 to index
      %swap3A_1675 = arith.index_cast %swap3A_1673 : i32 to index
      %swap3A_1676 = arith.constant 48 : index
      %swap3A_1677 = tpu.vector_load %arg9[%swap3A_1674, %swap3A_1675, %swap3A_1676] {strides = array<i32>} : memref<2x8x128xi32, #tpu.memory_space<vmem>>, vector<16xi32>,
      tpu.vector_store %arg9[%swap3A_1674, %swap3A_1675, %swap3A_1676], %gather3A_1672 {strides = array<i32>} : memref<2x8x128xi32, #tpu.memory_space<vmem>>, vector<16xi32>,
      %add3A_1678 = arith.constant 40 : i32
      %add3A_1679 = vector.broadcast %add3A_1678 : i32 to vector<16xi32>
      %add3A_1680 = arith.addi %add3A_1679, %shift_right_arithmetic3A_4 : vector<16xi32>
      %gather3A_1681 = arith.constant 0 : i32
      %gather3A_1682 = arith.constant 0 : i32
      %gather3A_1683 = tpu.memref_slice %arg8[%and3A_1407, %gather3A_1681, %gather3A_1682] : memref<2x128x8xi32, #tpu.memory_space<vmem>> -> memref<1x128x8xi32, #tpu.memory_space<vmem>>
      %gather3A_1684 = tpu.memref_squeeze %gather3A_1683 : memref<1x128x8xi32, #tpu.memory_space<vmem>> -> memref<128x8xi32, #tpu.memory_space<vmem>>
      %gather3A_1685 = tpu.vector_load_idx %gather3A_1684[%add3A_1680, %and3A_6] : memref<128x8xi32, #tpu.memory_space<vmem>>[vector<16xi32>, vector<16xi32>], vector<16xi32>,
      %swap3A_1686 = arith.constant 2 : i32
      %swap3A_1687 = arith.index_cast %and3A_1407 : i32 to index
      %swap3A_1688 = arith.index_cast %swap3A_1686 : i32 to index
      %swap3A_1689 = arith.constant 64 : index
      %swap3A_1690 = tpu.vector_load %arg9[%swap3A_1687, %swap3A_1688, %swap3A_1689] {strides = array<i32>} : memref<2x8x128xi32, #tpu.memory_space<vmem>>, vector<16xi32>,
      tpu.vector_store %arg9[%swap3A_1687, %swap3A_1688, %swap3A_1689], %gather3A_1685 {strides = array<i32>} : memref<2x8x128xi32, #tpu.memory_space<vmem>>, vector<16xi32>,
      %add3A_1691 = arith.constant 42 : i32
      %add3A_1692 = vector.broadcast %add3A_1691 : i32 to vector<16xi32>
      %add3A_1693 = arith.addi %add3A_1692, %shift_right_arithmetic3A_4 : vector<16xi32>
      %gather3A_1694 = arith.constant 0 : i32
      %gather3A_1695 = arith.constant 0 : i32
      %gather3A_1696 = tpu.memref_slice %arg8[%and3A_1407, %gather3A_1694, %gather3A_1695] : memref<2x128x8xi32, #tpu.memory_space<vmem>> -> memref<1x128x8xi32, #tpu.memory_space<vmem>>
      %gather3A_1697 = tpu.memref_squeeze %gather3A_1696 : memref<1x128x8xi32, #tpu.memory_space<vmem>> -> memref<128x8xi32, #tpu.memory_space<vmem>>
      %gather3A_1698 = tpu.vector_load_idx %gather3A_1697[%add3A_1693, %and3A_6] : memref<128x8xi32, #tpu.memory_space<vmem>>[vector<16xi32>, vector<16xi32>], vector<16xi32>,
      %swap3A_1699 = arith.constant 2 : i32
      %swap3A_1700 = arith.index_cast %and3A_1407 : i32 to index
      %swap3A_1701 = arith.index_cast %swap3A_1699 : i32 to index
      %swap3A_1702 = arith.constant 80 : index
      %swap3A_1703 = tpu.vector_load %arg9[%swap3A_1700, %swap3A_1701, %swap3A_1702] {strides = array<i32>} : memref<2x8x128xi32, #tpu.memory_space<vmem>>, vector<16xi32>,
      tpu.vector_store %arg9[%swap3A_1700, %swap3A_1701, %swap3A_1702], %gather3A_1698 {strides = array<i32>} : memref<2x8x128xi32, #tpu.memory_space<vmem>>, vector<16xi32>,
      %add3A_1704 = arith.constant 44 : i32
      %add3A_1705 = vector.broadcast %add3A_1704 : i32 to vector<16xi32>
      %add3A_1706 = arith.addi %add3A_1705, %shift_right_arithmetic3A_4 : vector<16xi32>
      %gather3A_1707 = arith.constant 0 : i32
      %gather3A_1708 = arith.constant 0 : i32
      %gather3A_1709 = tpu.memref_slice %arg8[%and3A_1407, %gather3A_1707, %gather3A_1708] : memref<2x128x8xi32, #tpu.memory_space<vmem>> -> memref<1x128x8xi32, #tpu.memory_space<vmem>>
      %gather3A_1710 = tpu.memref_squeeze %gather3A_1709 : memref<1x128x8xi32, #tpu.memory_space<vmem>> -> memref<128x8xi32, #tpu.memory_space<vmem>>
      %gather3A_1711 = tpu.vector_load_idx %gather3A_1710[%add3A_1706, %and3A_6] : memref<128x8xi32, #tpu.memory_space<vmem>>[vector<16xi32>, vector<16xi32>], vector<16xi32>,
      %swap3A_1712 = arith.constant 2 : i32
      %swap3A_1713 = arith.index_cast %and3A_1407 : i32 to index
      %swap3A_1714 = arith.index_cast %swap3A_1712 : i32 to index
      %swap3A_1715 = arith.constant 96 : index
      %swap3A_1716 = tpu.vector_load %arg9[%swap3A_1713, %swap3A_1714, %swap3A_1715] {strides = array<i32>} : memref<2x8x128xi32, #tpu.memory_space<vmem>>, vector<16xi32>,
      tpu.vector_store %arg9[%swap3A_1713, %swap3A_1714, %swap3A_1715], %gather3A_1711 {strides = array<i32>} : memref<2x8x128xi32, #tpu.memory_space<vmem>>, vector<16xi32>,
      %add3A_1717 = arith.constant 46 : i32
      %add3A_1718 = vector.broadcast %add3A_1717 : i32 to vector<16xi32>
      %add3A_1719 = arith.addi %add3A_1718, %shift_right_arithmetic3A_4 : vector<16xi32>
      %gather3A_1720 = arith.constant 0 : i32
      %gather3A_1721 = arith.constant 0 : i32
      %gather3A_1722 = tpu.memref_slice %arg8[%and3A_1407, %gather3A_1720, %gather3A_1721] : memref<2x128x8xi32, #tpu.memory_space<vmem>> -> memref<1x128x8xi32, #tpu.memory_space<vmem>>
      %gather3A_1723 = tpu.memref_squeeze %gather3A_1722 : memref<1x128x8xi32, #tpu.memory_space<vmem>> -> memref<128x8xi32, #tpu.memory_space<vmem>>
      %gather3A_1724 = tpu.vector_load_idx %gather3A_1723[%add3A_1719, %and3A_6] : memref<128x8xi32, #tpu.memory_space<vmem>>[vector<16xi32>, vector<16xi32>], vector<16xi32>,
      %swap3A_1725 = arith.constant 2 : i32
      %swap3A_1726 = arith.index_cast %and3A_1407 : i32 to index
      %swap3A_1727 = arith.index_cast %swap3A_1725 : i32 to index
      %swap3A_1728 = arith.constant 112 : index
      %swap3A_1729 = tpu.vector_load %arg9[%swap3A_1726, %swap3A_1727, %swap3A_1728] {strides = array<i32>} : memref<2x8x128xi32, #tpu.memory_space<vmem>>, vector<16xi32>,
      tpu.vector_store %arg9[%swap3A_1726, %swap3A_1727, %swap3A_1728], %gather3A_1724 {strides = array<i32>} : memref<2x8x128xi32, #tpu.memory_space<vmem>>, vector<16xi32>,
      %add3A_1730 = arith.constant 48 : i32
      %add3A_1731 = vector.broadcast %add3A_1730 : i32 to vector<16xi32>
      %add3A_1732 = arith.addi %add3A_1731, %shift_right_arithmetic3A_4 : vector<16xi32>
      %gather3A_1733 = arith.constant 0 : i32
      %gather3A_1734 = arith.constant 0 : i32
      %gather3A_1735 = tpu.memref_slice %arg8[%and3A_1407, %gather3A_1733, %gather3A_1734] : memref<2x128x8xi32, #tpu.memory_space<vmem>> -> memref<1x128x8xi32, #tpu.memory_space<vmem>>
      %gather3A_1736 = tpu.memref_squeeze %gather3A_1735 : memref<1x128x8xi32, #tpu.memory_space<vmem>> -> memref<128x8xi32, #tpu.memory_space<vmem>>
      %gather3A_1737 = tpu.vector_load_idx %gather3A_1736[%add3A_1732, %and3A_6] : memref<128x8xi32, #tpu.memory_space<vmem>>[vector<16xi32>, vector<16xi32>], vector<16xi32>,
      %swap3A_1738 = arith.constant 3 : i32
      %swap3A_1739 = arith.index_cast %and3A_1407 : i32 to index
      %swap3A_1740 = arith.index_cast %swap3A_1738 : i32 to index
      %swap3A_1741 = arith.constant 0 : index
      %swap3A_1742 = tpu.vector_load %arg9[%swap3A_1739, %swap3A_1740, %swap3A_1741] {strides = array<i32>} : memref<2x8x128xi32, #tpu.memory_space<vmem>>, vector<16xi32>,
      tpu.vector_store %arg9[%swap3A_1739, %swap3A_1740, %swap3A_1741], %gather3A_1737 {strides = array<i32>} : memref<2x8x128xi32, #tpu.memory_space<vmem>>, vector<16xi32>,
      %add3A_1743 = arith.constant 50 : i32
      %add3A_1744 = vector.broadcast %add3A_1743 : i32 to vector<16xi32>
      %add3A_1745 = arith.addi %add3A_1744, %shift_right_arithmetic3A_4 : vector<16xi32>
      %gather3A_1746 = arith.constant 0 : i32
      %gather3A_1747 = arith.constant 0 : i32
      %gather3A_1748 = tpu.memref_slice %arg8[%and3A_1407, %gather3A_1746, %gather3A_1747] : memref<2x128x8xi32, #tpu.memory_space<vmem>> -> memref<1x128x8xi32, #tpu.memory_space<vmem>>
      %gather3A_1749 = tpu.memref_squeeze %gather3A_1748 : memref<1x128x8xi32, #tpu.memory_space<vmem>> -> memref<128x8xi32, #tpu.memory_space<vmem>>
      %gather3A_1750 = tpu.vector_load_idx %gather3A_1749[%add3A_1745, %and3A_6] : memref<128x8xi32, #tpu.memory_space<vmem>>[vector<16xi32>, vector<16xi32>], vector<16xi32>,
      %swap3A_1751 = arith.constant 3 : i32
      %swap3A_1752 = arith.index_cast %and3A_1407 : i32 to index
      %swap3A_1753 = arith.index_cast %swap3A_1751 : i32 to index
      %swap3A_1754 = arith.constant 16 : index
      %swap3A_1755 = tpu.vector_load %arg9[%swap3A_1752, %swap3A_1753, %swap3A_1754] {strides = array<i32>} : memref<2x8x128xi32, #tpu.memory_space<vmem>>, vector<16xi32>,
      tpu.vector_store %arg9[%swap3A_1752, %swap3A_1753, %swap3A_1754], %gather3A_1750 {strides = array<i32>} : memref<2x8x128xi32, #tpu.memory_space<vmem>>, vector<16xi32>,
      %add3A_1756 = arith.constant 52 : i32
      %add3A_1757 = vector.broadcast %add3A_1756 : i32 to vector<16xi32>
      %add3A_1758 = arith.addi %add3A_1757, %shift_right_arithmetic3A_4 : vector<16xi32>
      %gather3A_1759 = arith.constant 0 : i32
      %gather3A_1760 = arith.constant 0 : i32
      %gather3A_1761 = tpu.memref_slice %arg8[%and3A_1407, %gather3A_1759, %gather3A_1760] : memref<2x128x8xi32, #tpu.memory_space<vmem>> -> memref<1x128x8xi32, #tpu.memory_space<vmem>>
      %gather3A_1762 = tpu.memref_squeeze %gather3A_1761 : memref<1x128x8xi32, #tpu.memory_space<vmem>> -> memref<128x8xi32, #tpu.memory_space<vmem>>
      %gather3A_1763 = tpu.vector_load_idx %gather3A_1762[%add3A_1758, %and3A_6] : memref<128x8xi32, #tpu.memory_space<vmem>>[vector<16xi32>, vector<16xi32>], vector<16xi32>,
      %swap3A_1764 = arith.constant 3 : i32
      %swap3A_1765 = arith.index_cast %and3A_1407 : i32 to index
      %swap3A_1766 = arith.index_cast %swap3A_1764 : i32 to index
      %swap3A_1767 = arith.constant 32 : index
      %swap3A_1768 = tpu.vector_load %arg9[%swap3A_1765, %swap3A_1766, %swap3A_1767] {strides = array<i32>} : memref<2x8x128xi32, #tpu.memory_space<vmem>>, vector<16xi32>,
      tpu.vector_store %arg9[%swap3A_1765, %swap3A_1766, %swap3A_1767], %gather3A_1763 {strides = array<i32>} : memref<2x8x128xi32, #tpu.memory_space<vmem>>, vector<16xi32>,
      %add3A_1769 = arith.constant 54 : i32
      %add3A_1770 = vector.broadcast %add3A_1769 : i32 to vector<16xi32>
      %add3A_1771 = arith.addi %add3A_1770, %shift_right_arithmetic3A_4 : vector<16xi32>
      %gather3A_1772 = arith.constant 0 : i32
      %gather3A_1773 = arith.constant 0 : i32
      %gather3A_1774 = tpu.memref_slice %arg8[%and3A_1407, %gather3A_1772, %gather3A_1773] : memref<2x128x8xi32, #tpu.memory_space<vmem>> -> memref<1x128x8xi32, #tpu.memory_space<vmem>>
      %gather3A_1775 = tpu.memref_squeeze %gather3A_1774 : memref<1x128x8xi32, #tpu.memory_space<vmem>> -> memref<128x8xi32, #tpu.memory_space<vmem>>
      %gather3A_1776 = tpu.vector_load_idx %gather3A_1775[%add3A_1771, %and3A_6] : memref<128x8xi32, #tpu.memory_space<vmem>>[vector<16xi32>, vector<16xi32>], vector<16xi32>,
      %swap3A_1777 = arith.constant 3 : i32
      %swap3A_1778 = arith.index_cast %and3A_1407 : i32 to index
      %swap3A_1779 = arith.index_cast %swap3A_1777 : i32 to index
      %swap3A_1780 = arith.constant 48 : index
      %swap3A_1781 = tpu.vector_load %arg9[%swap3A_1778, %swap3A_1779, %swap3A_1780] {strides = array<i32>} : memref<2x8x128xi32, #tpu.memory_space<vmem>>, vector<16xi32>,
      tpu.vector_store %arg9[%swap3A_1778, %swap3A_1779, %swap3A_1780], %gather3A_1776 {strides = array<i32>} : memref<2x8x128xi32, #tpu.memory_space<vmem>>, vector<16xi32>,
      %add3A_1782 = arith.constant 56 : i32
      %add3A_1783 = vector.broadcast %add3A_1782 : i32 to vector<16xi32>
      %add3A_1784 = arith.addi %add3A_1783, %shift_right_arithmetic3A_4 : vector<16xi32>
      %gather3A_1785 = arith.constant 0 : i32
      %gather3A_1786 = arith.constant 0 : i32
      %gather3A_1787 = tpu.memref_slice %arg8[%and3A_1407, %gather3A_1785, %gather3A_1786] : memref<2x128x8xi32, #tpu.memory_space<vmem>> -> memref<1x128x8xi32, #tpu.memory_space<vmem>>
      %gather3A_1788 = tpu.memref_squeeze %gather3A_1787 : memref<1x128x8xi32, #tpu.memory_space<vmem>> -> memref<128x8xi32, #tpu.memory_space<vmem>>
      %gather3A_1789 = tpu.vector_load_idx %gather3A_1788[%add3A_1784, %and3A_6] : memref<128x8xi32, #tpu.memory_space<vmem>>[vector<16xi32>, vector<16xi32>], vector<16xi32>,
      %swap3A_1790 = arith.constant 3 : i32
      %swap3A_1791 = arith.index_cast %and3A_1407 : i32 to index
      %swap3A_1792 = arith.index_cast %swap3A_1790 : i32 to index
      %swap3A_1793 = arith.constant 64 : index
      %swap3A_1794 = tpu.vector_load %arg9[%swap3A_1791, %swap3A_1792, %swap3A_1793] {strides = array<i32>} : memref<2x8x128xi32, #tpu.memory_space<vmem>>, vector<16xi32>,
      tpu.vector_store %arg9[%swap3A_1791, %swap3A_1792, %swap3A_1793], %gather3A_1789 {strides = array<i32>} : memref<2x8x128xi32, #tpu.memory_space<vmem>>, vector<16xi32>,
      %add3A_1795 = arith.constant 58 : i32
      %add3A_1796 = vector.broadcast %add3A_1795 : i32 to vector<16xi32>
      %add3A_1797 = arith.addi %add3A_1796, %shift_right_arithmetic3A_4 : vector<16xi32>
      %gather3A_1798 = arith.constant 0 : i32
      %gather3A_1799 = arith.constant 0 : i32
      %gather3A_1800 = tpu.memref_slice %arg8[%and3A_1407, %gather3A_1798, %gather3A_1799] : memref<2x128x8xi32, #tpu.memory_space<vmem>> -> memref<1x128x8xi32, #tpu.memory_space<vmem>>
      %gather3A_1801 = tpu.memref_squeeze %gather3A_1800 : memref<1x128x8xi32, #tpu.memory_space<vmem>> -> memref<128x8xi32, #tpu.memory_space<vmem>>
      %gather3A_1802 = tpu.vector_load_idx %gather3A_1801[%add3A_1797, %and3A_6] : memref<128x8xi32, #tpu.memory_space<vmem>>[vector<16xi32>, vector<16xi32>], vector<16xi32>,
      %swap3A_1803 = arith.constant 3 : i32
      %swap3A_1804 = arith.index_cast %and3A_1407 : i32 to index
      %swap3A_1805 = arith.index_cast %swap3A_1803 : i32 to index
      %swap3A_1806 = arith.constant 80 : index
      %swap3A_1807 = tpu.vector_load %arg9[%swap3A_1804, %swap3A_1805, %swap3A_1806] {strides = array<i32>} : memref<2x8x128xi32, #tpu.memory_space<vmem>>, vector<16xi32>,
      tpu.vector_store %arg9[%swap3A_1804, %swap3A_1805, %swap3A_1806], %gather3A_1802 {strides = array<i32>} : memref<2x8x128xi32, #tpu.memory_space<vmem>>, vector<16xi32>,
      %add3A_1808 = arith.constant 60 : i32
      %add3A_1809 = vector.broadcast %add3A_1808 : i32 to vector<16xi32>
      %add3A_1810 = arith.addi %add3A_1809, %shift_right_arithmetic3A_4 : vector<16xi32>
      %gather3A_1811 = arith.constant 0 : i32
      %gather3A_1812 = arith.constant 0 : i32
      %gather3A_1813 = tpu.memref_slice %arg8[%and3A_1407, %gather3A_1811, %gather3A_1812] : memref<2x128x8xi32, #tpu.memory_space<vmem>> -> memref<1x128x8xi32, #tpu.memory_space<vmem>>
      %gather3A_1814 = tpu.memref_squeeze %gather3A_1813 : memref<1x128x8xi32, #tpu.memory_space<vmem>> -> memref<128x8xi32, #tpu.memory_space<vmem>>
      %gather3A_1815 = tpu.vector_load_idx %gather3A_1814[%add3A_1810, %and3A_6] : memref<128x8xi32, #tpu.memory_space<vmem>>[vector<16xi32>, vector<16xi32>], vector<16xi32>,
      %swap3A_1816 = arith.constant 3 : i32
      %swap3A_1817 = arith.index_cast %and3A_1407 : i32 to index
      %swap3A_1818 = arith.index_cast %swap3A_1816 : i32 to index
      %swap3A_1819 = arith.constant 96 : index
      %swap3A_1820 = tpu.vector_load %arg9[%swap3A_1817, %swap3A_1818, %swap3A_1819] {strides = array<i32>} : memref<2x8x128xi32, #tpu.memory_space<vmem>>, vector<16xi32>,
      tpu.vector_store %arg9[%swap3A_1817, %swap3A_1818, %swap3A_1819], %gather3A_1815 {strides = array<i32>} : memref<2x8x128xi32, #tpu.memory_space<vmem>>, vector<16xi32>,
      %add3A_1821 = arith.constant 62 : i32
      %add3A_1822 = vector.broadcast %add3A_1821 : i32 to vector<16xi32>
      %add3A_1823 = arith.addi %add3A_1822, %shift_right_arithmetic3A_4 : vector<16xi32>
      %gather3A_1824 = arith.constant 0 : i32
      %gather3A_1825 = arith.constant 0 : i32
      %gather3A_1826 = tpu.memref_slice %arg8[%and3A_1407, %gather3A_1824, %gather3A_1825] : memref<2x128x8xi32, #tpu.memory_space<vmem>> -> memref<1x128x8xi32, #tpu.memory_space<vmem>>
      %gather3A_1827 = tpu.memref_squeeze %gather3A_1826 : memref<1x128x8xi32, #tpu.memory_space<vmem>> -> memref<128x8xi32, #tpu.memory_space<vmem>>
      %gather3A_1828 = tpu.vector_load_idx %gather3A_1827[%add3A_1823, %and3A_6] : memref<128x8xi32, #tpu.memory_space<vmem>>[vector<16xi32>, vector<16xi32>], vector<16xi32>,
      %swap3A_1829 = arith.constant 3 : i32
      %swap3A_1830 = arith.index_cast %and3A_1407 : i32 to index
      %swap3A_1831 = arith.index_cast %swap3A_1829 : i32 to index
      %swap3A_1832 = arith.constant 112 : index
      %swap3A_1833 = tpu.vector_load %arg9[%swap3A_1830, %swap3A_1831, %swap3A_1832] {strides = array<i32>} : memref<2x8x128xi32, #tpu.memory_space<vmem>>, vector<16xi32>,
      tpu.vector_store %arg9[%swap3A_1830, %swap3A_1831, %swap3A_1832], %gather3A_1828 {strides = array<i32>} : memref<2x8x128xi32, #tpu.memory_space<vmem>>, vector<16xi32>,
      %add3A_1834 = arith.constant 64 : i32
      %add3A_1835 = vector.broadcast %add3A_1834 : i32 to vector<16xi32>
      %add3A_1836 = arith.addi %add3A_1835, %shift_right_arithmetic3A_4 : vector<16xi32>
      %gather3A_1837 = arith.constant 0 : i32
      %gather3A_1838 = arith.constant 0 : i32
      %gather3A_1839 = tpu.memref_slice %arg8[%and3A_1407, %gather3A_1837, %gather3A_1838] : memref<2x128x8xi32, #tpu.memory_space<vmem>> -> memref<1x128x8xi32, #tpu.memory_space<vmem>>
      %gather3A_1840 = tpu.memref_squeeze %gather3A_1839 : memref<1x128x8xi32, #tpu.memory_space<vmem>> -> memref<128x8xi32, #tpu.memory_space<vmem>>
      %gather3A_1841 = tpu.vector_load_idx %gather3A_1840[%add3A_1836, %and3A_6] : memref<128x8xi32, #tpu.memory_space<vmem>>[vector<16xi32>, vector<16xi32>], vector<16xi32>,
      %swap3A_1842 = arith.constant 4 : i32
      %swap3A_1843 = arith.index_cast %and3A_1407 : i32 to index
      %swap3A_1844 = arith.index_cast %swap3A_1842 : i32 to index
      %swap3A_1845 = arith.constant 0 : index
      %swap3A_1846 = tpu.vector_load %arg9[%swap3A_1843, %swap3A_1844, %swap3A_1845] {strides = array<i32>} : memref<2x8x128xi32, #tpu.memory_space<vmem>>, vector<16xi32>,
      tpu.vector_store %arg9[%swap3A_1843, %swap3A_1844, %swap3A_1845], %gather3A_1841 {strides = array<i32>} : memref<2x8x128xi32, #tpu.memory_space<vmem>>, vector<16xi32>,
      %add3A_1847 = arith.constant 66 : i32
      %add3A_1848 = vector.broadcast %add3A_1847 : i32 to vector<16xi32>
      %add3A_1849 = arith.addi %add3A_1848, %shift_right_arithmetic3A_4 : vector<16xi32>
      %gather3A_1850 = arith.constant 0 : i32
      %gather3A_1851 = arith.constant 0 : i32
      %gather3A_1852 = tpu.memref_slice %arg8[%and3A_1407, %gather3A_1850, %gather3A_1851] : memref<2x128x8xi32, #tpu.memory_space<vmem>> -> memref<1x128x8xi32, #tpu.memory_space<vmem>>
      %gather3A_1853 = tpu.memref_squeeze %gather3A_1852 : memref<1x128x8xi32, #tpu.memory_space<vmem>> -> memref<128x8xi32, #tpu.memory_space<vmem>>
      %gather3A_1854 = tpu.vector_load_idx %gather3A_1853[%add3A_1849, %and3A_6] : memref<128x8xi32, #tpu.memory_space<vmem>>[vector<16xi32>, vector<16xi32>], vector<16xi32>,
      %swap3A_1855 = arith.constant 4 : i32
      %swap3A_1856 = arith.index_cast %and3A_1407 : i32 to index
      %swap3A_1857 = arith.index_cast %swap3A_1855 : i32 to index
      %swap3A_1858 = arith.constant 16 : index
      %swap3A_1859 = tpu.vector_load %arg9[%swap3A_1856, %swap3A_1857, %swap3A_1858] {strides = array<i32>} : memref<2x8x128xi32, #tpu.memory_space<vmem>>, vector<16xi32>,
      tpu.vector_store %arg9[%swap3A_1856, %swap3A_1857, %swap3A_1858], %gather3A_1854 {strides = array<i32>} : memref<2x8x128xi32, #tpu.memory_space<vmem>>, vector<16xi32>,
      %add3A_1860 = arith.constant 68 : i32
      %add3A_1861 = vector.broadcast %add3A_1860 : i32 to vector<16xi32>
      %add3A_1862 = arith.addi %add3A_1861, %shift_right_arithmetic3A_4 : vector<16xi32>
      %gather3A_1863 = arith.constant 0 : i32
      %gather3A_1864 = arith.constant 0 : i32
      %gather3A_1865 = tpu.memref_slice %arg8[%and3A_1407, %gather3A_1863, %gather3A_1864] : memref<2x128x8xi32, #tpu.memory_space<vmem>> -> memref<1x128x8xi32, #tpu.memory_space<vmem>>
      %gather3A_1866 = tpu.memref_squeeze %gather3A_1865 : memref<1x128x8xi32, #tpu.memory_space<vmem>> -> memref<128x8xi32, #tpu.memory_space<vmem>>
      %gather3A_1867 = tpu.vector_load_idx %gather3A_1866[%add3A_1862, %and3A_6] : memref<128x8xi32, #tpu.memory_space<vmem>>[vector<16xi32>, vector<16xi32>], vector<16xi32>,
      %swap3A_1868 = arith.constant 4 : i32
      %swap3A_1869 = arith.index_cast %and3A_1407 : i32 to index
      %swap3A_1870 = arith.index_cast %swap3A_1868 : i32 to index
      %swap3A_1871 = arith.constant 32 : index
      %swap3A_1872 = tpu.vector_load %arg9[%swap3A_1869, %swap3A_1870, %swap3A_1871] {strides = array<i32>} : memref<2x8x128xi32, #tpu.memory_space<vmem>>, vector<16xi32>,
      tpu.vector_store %arg9[%swap3A_1869, %swap3A_1870, %swap3A_1871], %gather3A_1867 {strides = array<i32>} : memref<2x8x128xi32, #tpu.memory_space<vmem>>, vector<16xi32>,
      %add3A_1873 = arith.constant 70 : i32
      %add3A_1874 = vector.broadcast %add3A_1873 : i32 to vector<16xi32>
      %add3A_1875 = arith.addi %add3A_1874, %shift_right_arithmetic3A_4 : vector<16xi32>
      %gather3A_1876 = arith.constant 0 : i32
      %gather3A_1877 = arith.constant 0 : i32
      %gather3A_1878 = tpu.memref_slice %arg8[%and3A_1407, %gather3A_1876, %gather3A_1877] : memref<2x128x8xi32, #tpu.memory_space<vmem>> -> memref<1x128x8xi32, #tpu.memory_space<vmem>>
      %gather3A_1879 = tpu.memref_squeeze %gather3A_1878 : memref<1x128x8xi32, #tpu.memory_space<vmem>> -> memref<128x8xi32, #tpu.memory_space<vmem>>
      %gather3A_1880 = tpu.vector_load_idx %gather3A_1879[%add3A_1875, %and3A_6] : memref<128x8xi32, #tpu.memory_space<vmem>>[vector<16xi32>, vector<16xi32>], vector<16xi32>,
      %swap3A_1881 = arith.constant 4 : i32
      %swap3A_1882 = arith.index_cast %and3A_1407 : i32 to index
      %swap3A_1883 = arith.index_cast %swap3A_1881 : i32 to index
      %swap3A_1884 = arith.constant 48 : index
      %swap3A_1885 = tpu.vector_load %arg9[%swap3A_1882, %swap3A_1883, %swap3A_1884] {strides = array<i32>} : memref<2x8x128xi32, #tpu.memory_space<vmem>>, vector<16xi32>,
      tpu.vector_store %arg9[%swap3A_1882, %swap3A_1883, %swap3A_1884], %gather3A_1880 {strides = array<i32>} : memref<2x8x128xi32, #tpu.memory_space<vmem>>, vector<16xi32>,
      %add3A_1886 = arith.constant 72 : i32
      %add3A_1887 = vector.broadcast %add3A_1886 : i32 to vector<16xi32>
      %add3A_1888 = arith.addi %add3A_1887, %shift_right_arithmetic3A_4 : vector<16xi32>
      %gather3A_1889 = arith.constant 0 : i32
      %gather3A_1890 = arith.constant 0 : i32
      %gather3A_1891 = tpu.memref_slice %arg8[%and3A_1407, %gather3A_1889, %gather3A_1890] : memref<2x128x8xi32, #tpu.memory_space<vmem>> -> memref<1x128x8xi32, #tpu.memory_space<vmem>>
      %gather3A_1892 = tpu.memref_squeeze %gather3A_1891 : memref<1x128x8xi32, #tpu.memory_space<vmem>> -> memref<128x8xi32, #tpu.memory_space<vmem>>
      %gather3A_1893 = tpu.vector_load_idx %gather3A_1892[%add3A_1888, %and3A_6] : memref<128x8xi32, #tpu.memory_space<vmem>>[vector<16xi32>, vector<16xi32>], vector<16xi32>,
      %swap3A_1894 = arith.constant 4 : i32
      %swap3A_1895 = arith.index_cast %and3A_1407 : i32 to index
      %swap3A_1896 = arith.index_cast %swap3A_1894 : i32 to index
      %swap3A_1897 = arith.constant 64 : index
      %swap3A_1898 = tpu.vector_load %arg9[%swap3A_1895, %swap3A_1896, %swap3A_1897] {strides = array<i32>} : memref<2x8x128xi32, #tpu.memory_space<vmem>>, vector<16xi32>,
      tpu.vector_store %arg9[%swap3A_1895, %swap3A_1896, %swap3A_1897], %gather3A_1893 {strides = array<i32>} : memref<2x8x128xi32, #tpu.memory_space<vmem>>, vector<16xi32>,
      %add3A_1899 = arith.constant 74 : i32
      %add3A_1900 = vector.broadcast %add3A_1899 : i32 to vector<16xi32>
      %add3A_1901 = arith.addi %add3A_1900, %shift_right_arithmetic3A_4 : vector<16xi32>
      %gather3A_1902 = arith.constant 0 : i32
      %gather3A_1903 = arith.constant 0 : i32
      %gather3A_1904 = tpu.memref_slice %arg8[%and3A_1407, %gather3A_1902, %gather3A_1903] : memref<2x128x8xi32, #tpu.memory_space<vmem>> -> memref<1x128x8xi32, #tpu.memory_space<vmem>>
      %gather3A_1905 = tpu.memref_squeeze %gather3A_1904 : memref<1x128x8xi32, #tpu.memory_space<vmem>> -> memref<128x8xi32, #tpu.memory_space<vmem>>
      %gather3A_1906 = tpu.vector_load_idx %gather3A_1905[%add3A_1901, %and3A_6] : memref<128x8xi32, #tpu.memory_space<vmem>>[vector<16xi32>, vector<16xi32>], vector<16xi32>,
      %swap3A_1907 = arith.constant 4 : i32
      %swap3A_1908 = arith.index_cast %and3A_1407 : i32 to index
      %swap3A_1909 = arith.index_cast %swap3A_1907 : i32 to index
      %swap3A_1910 = arith.constant 80 : index
      %swap3A_1911 = tpu.vector_load %arg9[%swap3A_1908, %swap3A_1909, %swap3A_1910] {strides = array<i32>} : memref<2x8x128xi32, #tpu.memory_space<vmem>>, vector<16xi32>,
      tpu.vector_store %arg9[%swap3A_1908, %swap3A_1909, %swap3A_1910], %gather3A_1906 {strides = array<i32>} : memref<2x8x128xi32, #tpu.memory_space<vmem>>, vector<16xi32>,
      %add3A_1912 = arith.constant 76 : i32
      %add3A_1913 = vector.broadcast %add3A_1912 : i32 to vector<16xi32>
      %add3A_1914 = arith.addi %add3A_1913, %shift_right_arithmetic3A_4 : vector<16xi32>
      %gather3A_1915 = arith.constant 0 : i32
      %gather3A_1916 = arith.constant 0 : i32
      %gather3A_1917 = tpu.memref_slice %arg8[%and3A_1407, %gather3A_1915, %gather3A_1916] : memref<2x128x8xi32, #tpu.memory_space<vmem>> -> memref<1x128x8xi32, #tpu.memory_space<vmem>>
      %gather3A_1918 = tpu.memref_squeeze %gather3A_1917 : memref<1x128x8xi32, #tpu.memory_space<vmem>> -> memref<128x8xi32, #tpu.memory_space<vmem>>
      %gather3A_1919 = tpu.vector_load_idx %gather3A_1918[%add3A_1914, %and3A_6] : memref<128x8xi32, #tpu.memory_space<vmem>>[vector<16xi32>, vector<16xi32>], vector<16xi32>,
      %swap3A_1920 = arith.constant 4 : i32
      %swap3A_1921 = arith.index_cast %and3A_1407 : i32 to index
      %swap3A_1922 = arith.index_cast %swap3A_1920 : i32 to index
      %swap3A_1923 = arith.constant 96 : index
      %swap3A_1924 = tpu.vector_load %arg9[%swap3A_1921, %swap3A_1922, %swap3A_1923] {strides = array<i32>} : memref<2x8x128xi32, #tpu.memory_space<vmem>>, vector<16xi32>,
      tpu.vector_store %arg9[%swap3A_1921, %swap3A_1922, %swap3A_1923], %gather3A_1919 {strides = array<i32>} : memref<2x8x128xi32, #tpu.memory_space<vmem>>, vector<16xi32>,
      %add3A_1925 = arith.constant 78 : i32
      %add3A_1926 = vector.broadcast %add3A_1925 : i32 to vector<16xi32>
      %add3A_1927 = arith.addi %add3A_1926, %shift_right_arithmetic3A_4 : vector<16xi32>
      %gather3A_1928 = arith.constant 0 : i32
      %gather3A_1929 = arith.constant 0 : i32
      %gather3A_1930 = tpu.memref_slice %arg8[%and3A_1407, %gather3A_1928, %gather3A_1929] : memref<2x128x8xi32, #tpu.memory_space<vmem>> -> memref<1x128x8xi32, #tpu.memory_space<vmem>>
      %gather3A_1931 = tpu.memref_squeeze %gather3A_1930 : memref<1x128x8xi32, #tpu.memory_space<vmem>> -> memref<128x8xi32, #tpu.memory_space<vmem>>
      %gather3A_1932 = tpu.vector_load_idx %gather3A_1931[%add3A_1927, %and3A_6] : memref<128x8xi32, #tpu.memory_space<vmem>>[vector<16xi32>, vector<16xi32>], vector<16xi32>,
      %swap3A_1933 = arith.constant 4 : i32
      %swap3A_1934 = arith.index_cast %and3A_1407 : i32 to index
      %swap3A_1935 = arith.index_cast %swap3A_1933 : i32 to index
      %swap3A_1936 = arith.constant 112 : index
      %swap3A_1937 = tpu.vector_load %arg9[%swap3A_1934, %swap3A_1935, %swap3A_1936] {strides = array<i32>} : memref<2x8x128xi32, #tpu.memory_space<vmem>>, vector<16xi32>,
      tpu.vector_store %arg9[%swap3A_1934, %swap3A_1935, %swap3A_1936], %gather3A_1932 {strides = array<i32>} : memref<2x8x128xi32, #tpu.memory_space<vmem>>, vector<16xi32>,
      %add3A_1938 = arith.constant 80 : i32
      %add3A_1939 = vector.broadcast %add3A_1938 : i32 to vector<16xi32>
      %add3A_1940 = arith.addi %add3A_1939, %shift_right_arithmetic3A_4 : vector<16xi32>
      %gather3A_1941 = arith.constant 0 : i32
      %gather3A_1942 = arith.constant 0 : i32
      %gather3A_1943 = tpu.memref_slice %arg8[%and3A_1407, %gather3A_1941, %gather3A_1942] : memref<2x128x8xi32, #tpu.memory_space<vmem>> -> memref<1x128x8xi32, #tpu.memory_space<vmem>>
      %gather3A_1944 = tpu.memref_squeeze %gather3A_1943 : memref<1x128x8xi32, #tpu.memory_space<vmem>> -> memref<128x8xi32, #tpu.memory_space<vmem>>
      %gather3A_1945 = tpu.vector_load_idx %gather3A_1944[%add3A_1940, %and3A_6] : memref<128x8xi32, #tpu.memory_space<vmem>>[vector<16xi32>, vector<16xi32>], vector<16xi32>,
      %swap3A_1946 = arith.constant 5 : i32
      %swap3A_1947 = arith.index_cast %and3A_1407 : i32 to index
      %swap3A_1948 = arith.index_cast %swap3A_1946 : i32 to index
      %swap3A_1949 = arith.constant 0 : index
      %swap3A_1950 = tpu.vector_load %arg9[%swap3A_1947, %swap3A_1948, %swap3A_1949] {strides = array<i32>} : memref<2x8x128xi32, #tpu.memory_space<vmem>>, vector<16xi32>,
      tpu.vector_store %arg9[%swap3A_1947, %swap3A_1948, %swap3A_1949], %gather3A_1945 {strides = array<i32>} : memref<2x8x128xi32, #tpu.memory_space<vmem>>, vector<16xi32>,
      %add3A_1951 = arith.constant 82 : i32
      %add3A_1952 = vector.broadcast %add3A_1951 : i32 to vector<16xi32>
      %add3A_1953 = arith.addi %add3A_1952, %shift_right_arithmetic3A_4 : vector<16xi32>
      %gather3A_1954 = arith.constant 0 : i32
      %gather3A_1955 = arith.constant 0 : i32
      %gather3A_1956 = tpu.memref_slice %arg8[%and3A_1407, %gather3A_1954, %gather3A_1955] : memref<2x128x8xi32, #tpu.memory_space<vmem>> -> memref<1x128x8xi32, #tpu.memory_space<vmem>>
      %gather3A_1957 = tpu.memref_squeeze %gather3A_1956 : memref<1x128x8xi32, #tpu.memory_space<vmem>> -> memref<128x8xi32, #tpu.memory_space<vmem>>
      %gather3A_1958 = tpu.vector_load_idx %gather3A_1957[%add3A_1953, %and3A_6] : memref<128x8xi32, #tpu.memory_space<vmem>>[vector<16xi32>, vector<16xi32>], vector<16xi32>,
      %swap3A_1959 = arith.constant 5 : i32
      %swap3A_1960 = arith.index_cast %and3A_1407 : i32 to index
      %swap3A_1961 = arith.index_cast %swap3A_1959 : i32 to index
      %swap3A_1962 = arith.constant 16 : index
      %swap3A_1963 = tpu.vector_load %arg9[%swap3A_1960, %swap3A_1961, %swap3A_1962] {strides = array<i32>} : memref<2x8x128xi32, #tpu.memory_space<vmem>>, vector<16xi32>,
      tpu.vector_store %arg9[%swap3A_1960, %swap3A_1961, %swap3A_1962], %gather3A_1958 {strides = array<i32>} : memref<2x8x128xi32, #tpu.memory_space<vmem>>, vector<16xi32>,
      %add3A_1964 = arith.constant 84 : i32
      %add3A_1965 = vector.broadcast %add3A_1964 : i32 to vector<16xi32>
      %add3A_1966 = arith.addi %add3A_1965, %shift_right_arithmetic3A_4 : vector<16xi32>
      %gather3A_1967 = arith.constant 0 : i32
      %gather3A_1968 = arith.constant 0 : i32
      %gather3A_1969 = tpu.memref_slice %arg8[%and3A_1407, %gather3A_1967, %gather3A_1968] : memref<2x128x8xi32, #tpu.memory_space<vmem>> -> memref<1x128x8xi32, #tpu.memory_space<vmem>>
      %gather3A_1970 = tpu.memref_squeeze %gather3A_1969 : memref<1x128x8xi32, #tpu.memory_space<vmem>> -> memref<128x8xi32, #tpu.memory_space<vmem>>
      %gather3A_1971 = tpu.vector_load_idx %gather3A_1970[%add3A_1966, %and3A_6] : memref<128x8xi32, #tpu.memory_space<vmem>>[vector<16xi32>, vector<16xi32>], vector<16xi32>,
      %swap3A_1972 = arith.constant 5 : i32
      %swap3A_1973 = arith.index_cast %and3A_1407 : i32 to index
      %swap3A_1974 = arith.index_cast %swap3A_1972 : i32 to index
      %swap3A_1975 = arith.constant 32 : index
      %swap3A_1976 = tpu.vector_load %arg9[%swap3A_1973, %swap3A_1974, %swap3A_1975] {strides = array<i32>} : memref<2x8x128xi32, #tpu.memory_space<vmem>>, vector<16xi32>,
      tpu.vector_store %arg9[%swap3A_1973, %swap3A_1974, %swap3A_1975], %gather3A_1971 {strides = array<i32>} : memref<2x8x128xi32, #tpu.memory_space<vmem>>, vector<16xi32>,
      %add3A_1977 = arith.constant 86 : i32
      %add3A_1978 = vector.broadcast %add3A_1977 : i32 to vector<16xi32>
      %add3A_1979 = arith.addi %add3A_1978, %shift_right_arithmetic3A_4 : vector<16xi32>
      %gather3A_1980 = arith.constant 0 : i32
      %gather3A_1981 = arith.constant 0 : i32
      %gather3A_1982 = tpu.memref_slice %arg8[%and3A_1407, %gather3A_1980, %gather3A_1981] : memref<2x128x8xi32, #tpu.memory_space<vmem>> -> memref<1x128x8xi32, #tpu.memory_space<vmem>>
      %gather3A_1983 = tpu.memref_squeeze %gather3A_1982 : memref<1x128x8xi32, #tpu.memory_space<vmem>> -> memref<128x8xi32, #tpu.memory_space<vmem>>
      %gather3A_1984 = tpu.vector_load_idx %gather3A_1983[%add3A_1979, %and3A_6] : memref<128x8xi32, #tpu.memory_space<vmem>>[vector<16xi32>, vector<16xi32>], vector<16xi32>,
      %swap3A_1985 = arith.constant 5 : i32
      %swap3A_1986 = arith.index_cast %and3A_1407 : i32 to index
      %swap3A_1987 = arith.index_cast %swap3A_1985 : i32 to index
      %swap3A_1988 = arith.constant 48 : index
      %swap3A_1989 = tpu.vector_load %arg9[%swap3A_1986, %swap3A_1987, %swap3A_1988] {strides = array<i32>} : memref<2x8x128xi32, #tpu.memory_space<vmem>>, vector<16xi32>,
      tpu.vector_store %arg9[%swap3A_1986, %swap3A_1987, %swap3A_1988], %gather3A_1984 {strides = array<i32>} : memref<2x8x128xi32, #tpu.memory_space<vmem>>, vector<16xi32>,
      %add3A_1990 = arith.constant 88 : i32
      %add3A_1991 = vector.broadcast %add3A_1990 : i32 to vector<16xi32>
      %add3A_1992 = arith.addi %add3A_1991, %shift_right_arithmetic3A_4 : vector<16xi32>
      %gather3A_1993 = arith.constant 0 : i32
      %gather3A_1994 = arith.constant 0 : i32
      %gather3A_1995 = tpu.memref_slice %arg8[%and3A_1407, %gather3A_1993, %gather3A_1994] : memref<2x128x8xi32, #tpu.memory_space<vmem>> -> memref<1x128x8xi32, #tpu.memory_space<vmem>>
      %gather3A_1996 = tpu.memref_squeeze %gather3A_1995 : memref<1x128x8xi32, #tpu.memory_space<vmem>> -> memref<128x8xi32, #tpu.memory_space<vmem>>
      %gather3A_1997 = tpu.vector_load_idx %gather3A_1996[%add3A_1992, %and3A_6] : memref<128x8xi32, #tpu.memory_space<vmem>>[vector<16xi32>, vector<16xi32>], vector<16xi32>,
      %swap3A_1998 = arith.constant 5 : i32
      %swap3A_1999 = arith.index_cast %and3A_1407 : i32 to index
      %swap3A_2000 = arith.index_cast %swap3A_1998 : i32 to index
      %swap3A_2001 = arith.constant 64 : index
      %swap3A_2002 = tpu.vector_load %arg9[%swap3A_1999, %swap3A_2000, %swap3A_2001] {strides = array<i32>} : memref<2x8x128xi32, #tpu.memory_space<vmem>>, vector<16xi32>,
      tpu.vector_store %arg9[%swap3A_1999, %swap3A_2000, %swap3A_2001], %gather3A_1997 {strides = array<i32>} : memref<2x8x128xi32, #tpu.memory_space<vmem>>, vector<16xi32>,
      %add3A_2003 = arith.constant 90 : i32
      %add3A_2004 = vector.broadcast %add3A_2003 : i32 to vector<16xi32>
      %add3A_2005 = arith.addi %add3A_2004, %shift_right_arithmetic3A_4 : vector<16xi32>
      %gather3A_2006 = arith.constant 0 : i32
      %gather3A_2007 = arith.constant 0 : i32
      %gather3A_2008 = tpu.memref_slice %arg8[%and3A_1407, %gather3A_2006, %gather3A_2007] : memref<2x128x8xi32, #tpu.memory_space<vmem>> -> memref<1x128x8xi32, #tpu.memory_space<vmem>>
      %gather3A_2009 = tpu.memref_squeeze %gather3A_2008 : memref<1x128x8xi32, #tpu.memory_space<vmem>> -> memref<128x8xi32, #tpu.memory_space<vmem>>
      %gather3A_2010 = tpu.vector_load_idx %gather3A_2009[%add3A_2005, %and3A_6] : memref<128x8xi32, #tpu.memory_space<vmem>>[vector<16xi32>, vector<16xi32>], vector<16xi32>,
      %swap3A_2011 = arith.constant 5 : i32
      %swap3A_2012 = arith.index_cast %and3A_1407 : i32 to index
      %swap3A_2013 = arith.index_cast %swap3A_2011 : i32 to index
      %swap3A_2014 = arith.constant 80 : index
      %swap3A_2015 = tpu.vector_load %arg9[%swap3A_2012, %swap3A_2013, %swap3A_2014] {strides = array<i32>} : memref<2x8x128xi32, #tpu.memory_space<vmem>>, vector<16xi32>,
      tpu.vector_store %arg9[%swap3A_2012, %swap3A_2013, %swap3A_2014], %gather3A_2010 {strides = array<i32>} : memref<2x8x128xi32, #tpu.memory_space<vmem>>, vector<16xi32>,
      %add3A_2016 = arith.constant 92 : i32
      %add3A_2017 = vector.broadcast %add3A_2016 : i32 to vector<16xi32>
      %add3A_2018 = arith.addi %add3A_2017, %shift_right_arithmetic3A_4 : vector<16xi32>
      %gather3A_2019 = arith.constant 0 : i32
      %gather3A_2020 = arith.constant 0 : i32
      %gather3A_2021 = tpu.memref_slice %arg8[%and3A_1407, %gather3A_2019, %gather3A_2020] : memref<2x128x8xi32, #tpu.memory_space<vmem>> -> memref<1x128x8xi32, #tpu.memory_space<vmem>>
      %gather3A_2022 = tpu.memref_squeeze %gather3A_2021 : memref<1x128x8xi32, #tpu.memory_space<vmem>> -> memref<128x8xi32, #tpu.memory_space<vmem>>
      %gather3A_2023 = tpu.vector_load_idx %gather3A_2022[%add3A_2018, %and3A_6] : memref<128x8xi32, #tpu.memory_space<vmem>>[vector<16xi32>, vector<16xi32>], vector<16xi32>,
      %swap3A_2024 = arith.constant 5 : i32
      %swap3A_2025 = arith.index_cast %and3A_1407 : i32 to index
      %swap3A_2026 = arith.index_cast %swap3A_2024 : i32 to index
      %swap3A_2027 = arith.constant 96 : index
      %swap3A_2028 = tpu.vector_load %arg9[%swap3A_2025, %swap3A_2026, %swap3A_2027] {strides = array<i32>} : memref<2x8x128xi32, #tpu.memory_space<vmem>>, vector<16xi32>,
      tpu.vector_store %arg9[%swap3A_2025, %swap3A_2026, %swap3A_2027], %gather3A_2023 {strides = array<i32>} : memref<2x8x128xi32, #tpu.memory_space<vmem>>, vector<16xi32>,
      %add3A_2029 = arith.constant 94 : i32
      %add3A_2030 = vector.broadcast %add3A_2029 : i32 to vector<16xi32>
      %add3A_2031 = arith.addi %add3A_2030, %shift_right_arithmetic3A_4 : vector<16xi32>
      %gather3A_2032 = arith.constant 0 : i32
      %gather3A_2033 = arith.constant 0 : i32
      %gather3A_2034 = tpu.memref_slice %arg8[%and3A_1407, %gather3A_2032, %gather3A_2033] : memref<2x128x8xi32, #tpu.memory_space<vmem>> -> memref<1x128x8xi32, #tpu.memory_space<vmem>>
      %gather3A_2035 = tpu.memref_squeeze %gather3A_2034 : memref<1x128x8xi32, #tpu.memory_space<vmem>> -> memref<128x8xi32, #tpu.memory_space<vmem>>
      %gather3A_2036 = tpu.vector_load_idx %gather3A_2035[%add3A_2031, %and3A_6] : memref<128x8xi32, #tpu.memory_space<vmem>>[vector<16xi32>, vector<16xi32>], vector<16xi32>,
      %swap3A_2037 = arith.constant 5 : i32
      %swap3A_2038 = arith.index_cast %and3A_1407 : i32 to index
      %swap3A_2039 = arith.index_cast %swap3A_2037 : i32 to index
      %swap3A_2040 = arith.constant 112 : index
      %swap3A_2041 = tpu.vector_load %arg9[%swap3A_2038, %swap3A_2039, %swap3A_2040] {strides = array<i32>} : memref<2x8x128xi32, #tpu.memory_space<vmem>>, vector<16xi32>,
      tpu.vector_store %arg9[%swap3A_2038, %swap3A_2039, %swap3A_2040], %gather3A_2036 {strides = array<i32>} : memref<2x8x128xi32, #tpu.memory_space<vmem>>, vector<16xi32>,
      %add3A_2042 = arith.constant 96 : i32
      %add3A_2043 = vector.broadcast %add3A_2042 : i32 to vector<16xi32>
      %add3A_2044 = arith.addi %add3A_2043, %shift_right_arithmetic3A_4 : vector<16xi32>
      %gather3A_2045 = arith.constant 0 : i32
      %gather3A_2046 = arith.constant 0 : i32
      %gather3A_2047 = tpu.memref_slice %arg8[%and3A_1407, %gather3A_2045, %gather3A_2046] : memref<2x128x8xi32, #tpu.memory_space<vmem>> -> memref<1x128x8xi32, #tpu.memory_space<vmem>>
      %gather3A_2048 = tpu.memref_squeeze %gather3A_2047 : memref<1x128x8xi32, #tpu.memory_space<vmem>> -> memref<128x8xi32, #tpu.memory_space<vmem>>
      %gather3A_2049 = tpu.vector_load_idx %gather3A_2048[%add3A_2044, %and3A_6] : memref<128x8xi32, #tpu.memory_space<vmem>>[vector<16xi32>, vector<16xi32>], vector<16xi32>,
      %swap3A_2050 = arith.constant 6 : i32
      %swap3A_2051 = arith.index_cast %and3A_1407 : i32 to index
      %swap3A_2052 = arith.index_cast %swap3A_2050 : i32 to index
      %swap3A_2053 = arith.constant 0 : index
      %swap3A_2054 = tpu.vector_load %arg9[%swap3A_2051, %swap3A_2052, %swap3A_2053] {strides = array<i32>} : memref<2x8x128xi32, #tpu.memory_space<vmem>>, vector<16xi32>,
      tpu.vector_store %arg9[%swap3A_2051, %swap3A_2052, %swap3A_2053], %gather3A_2049 {strides = array<i32>} : memref<2x8x128xi32, #tpu.memory_space<vmem>>, vector<16xi32>,
      %add3A_2055 = arith.constant 98 : i32
      %add3A_2056 = vector.broadcast %add3A_2055 : i32 to vector<16xi32>
      %add3A_2057 = arith.addi %add3A_2056, %shift_right_arithmetic3A_4 : vector<16xi32>
      %gather3A_2058 = arith.constant 0 : i32
      %gather3A_2059 = arith.constant 0 : i32
      %gather3A_2060 = tpu.memref_slice %arg8[%and3A_1407, %gather3A_2058, %gather3A_2059] : memref<2x128x8xi32, #tpu.memory_space<vmem>> -> memref<1x128x8xi32, #tpu.memory_space<vmem>>
      %gather3A_2061 = tpu.memref_squeeze %gather3A_2060 : memref<1x128x8xi32, #tpu.memory_space<vmem>> -> memref<128x8xi32, #tpu.memory_space<vmem>>
      %gather3A_2062 = tpu.vector_load_idx %gather3A_2061[%add3A_2057, %and3A_6] : memref<128x8xi32, #tpu.memory_space<vmem>>[vector<16xi32>, vector<16xi32>], vector<16xi32>,
      %swap3A_2063 = arith.constant 6 : i32
      %swap3A_2064 = arith.index_cast %and3A_1407 : i32 to index
      %swap3A_2065 = arith.index_cast %swap3A_2063 : i32 to index
      %swap3A_2066 = arith.constant 16 : index
      %swap3A_2067 = tpu.vector_load %arg9[%swap3A_2064, %swap3A_2065, %swap3A_2066] {strides = array<i32>} : memref<2x8x128xi32, #tpu.memory_space<vmem>>, vector<16xi32>,
      tpu.vector_store %arg9[%swap3A_2064, %swap3A_2065, %swap3A_2066], %gather3A_2062 {strides = array<i32>} : memref<2x8x128xi32, #tpu.memory_space<vmem>>, vector<16xi32>,
      %add3A_2068 = arith.constant 100 : i32
      %add3A_2069 = vector.broadcast %add3A_2068 : i32 to vector<16xi32>
      %add3A_2070 = arith.addi %add3A_2069, %shift_right_arithmetic3A_4 : vector<16xi32>
      %gather3A_2071 = arith.constant 0 : i32
      %gather3A_2072 = arith.constant 0 : i32
      %gather3A_2073 = tpu.memref_slice %arg8[%and3A_1407, %gather3A_2071, %gather3A_2072] : memref<2x128x8xi32, #tpu.memory_space<vmem>> -> memref<1x128x8xi32, #tpu.memory_space<vmem>>
      %gather3A_2074 = tpu.memref_squeeze %gather3A_2073 : memref<1x128x8xi32, #tpu.memory_space<vmem>> -> memref<128x8xi32, #tpu.memory_space<vmem>>
      %gather3A_2075 = tpu.vector_load_idx %gather3A_2074[%add3A_2070, %and3A_6] : memref<128x8xi32, #tpu.memory_space<vmem>>[vector<16xi32>, vector<16xi32>], vector<16xi32>,
      %swap3A_2076 = arith.constant 6 : i32
      %swap3A_2077 = arith.index_cast %and3A_1407 : i32 to index
      %swap3A_2078 = arith.index_cast %swap3A_2076 : i32 to index
      %swap3A_2079 = arith.constant 32 : index
      %swap3A_2080 = tpu.vector_load %arg9[%swap3A_2077, %swap3A_2078, %swap3A_2079] {strides = array<i32>} : memref<2x8x128xi32, #tpu.memory_space<vmem>>, vector<16xi32>,
      tpu.vector_store %arg9[%swap3A_2077, %swap3A_2078, %swap3A_2079], %gather3A_2075 {strides = array<i32>} : memref<2x8x128xi32, #tpu.memory_space<vmem>>, vector<16xi32>,
      %add3A_2081 = arith.constant 102 : i32
      %add3A_2082 = vector.broadcast %add3A_2081 : i32 to vector<16xi32>
      %add3A_2083 = arith.addi %add3A_2082, %shift_right_arithmetic3A_4 : vector<16xi32>
      %gather3A_2084 = arith.constant 0 : i32
      %gather3A_2085 = arith.constant 0 : i32
      %gather3A_2086 = tpu.memref_slice %arg8[%and3A_1407, %gather3A_2084, %gather3A_2085] : memref<2x128x8xi32, #tpu.memory_space<vmem>> -> memref<1x128x8xi32, #tpu.memory_space<vmem>>
      %gather3A_2087 = tpu.memref_squeeze %gather3A_2086 : memref<1x128x8xi32, #tpu.memory_space<vmem>> -> memref<128x8xi32, #tpu.memory_space<vmem>>
      %gather3A_2088 = tpu.vector_load_idx %gather3A_2087[%add3A_2083, %and3A_6] : memref<128x8xi32, #tpu.memory_space<vmem>>[vector<16xi32>, vector<16xi32>], vector<16xi32>,
      %swap3A_2089 = arith.constant 6 : i32
      %swap3A_2090 = arith.index_cast %and3A_1407 : i32 to index
      %swap3A_2091 = arith.index_cast %swap3A_2089 : i32 to index
      %swap3A_2092 = arith.constant 48 : index
      %swap3A_2093 = tpu.vector_load %arg9[%swap3A_2090, %swap3A_2091, %swap3A_2092] {strides = array<i32>} : memref<2x8x128xi32, #tpu.memory_space<vmem>>, vector<16xi32>,
      tpu.vector_store %arg9[%swap3A_2090, %swap3A_2091, %swap3A_2092], %gather3A_2088 {strides = array<i32>} : memref<2x8x128xi32, #tpu.memory_space<vmem>>, vector<16xi32>,
      %add3A_2094 = arith.constant 104 : i32
      %add3A_2095 = vector.broadcast %add3A_2094 : i32 to vector<16xi32>
      %add3A_2096 = arith.addi %add3A_2095, %shift_right_arithmetic3A_4 : vector<16xi32>
      %gather3A_2097 = arith.constant 0 : i32
      %gather3A_2098 = arith.constant 0 : i32
      %gather3A_2099 = tpu.memref_slice %arg8[%and3A_1407, %gather3A_2097, %gather3A_2098] : memref<2x128x8xi32, #tpu.memory_space<vmem>> -> memref<1x128x8xi32, #tpu.memory_space<vmem>>
      %gather3A_2100 = tpu.memref_squeeze %gather3A_2099 : memref<1x128x8xi32, #tpu.memory_space<vmem>> -> memref<128x8xi32, #tpu.memory_space<vmem>>
      %gather3A_2101 = tpu.vector_load_idx %gather3A_2100[%add3A_2096, %and3A_6] : memref<128x8xi32, #tpu.memory_space<vmem>>[vector<16xi32>, vector<16xi32>], vector<16xi32>,
      %swap3A_2102 = arith.constant 6 : i32
      %swap3A_2103 = arith.index_cast %and3A_1407 : i32 to index
      %swap3A_2104 = arith.index_cast %swap3A_2102 : i32 to index
      %swap3A_2105 = arith.constant 64 : index
      %swap3A_2106 = tpu.vector_load %arg9[%swap3A_2103, %swap3A_2104, %swap3A_2105] {strides = array<i32>} : memref<2x8x128xi32, #tpu.memory_space<vmem>>, vector<16xi32>,
      tpu.vector_store %arg9[%swap3A_2103, %swap3A_2104, %swap3A_2105], %gather3A_2101 {strides = array<i32>} : memref<2x8x128xi32, #tpu.memory_space<vmem>>, vector<16xi32>,
      %add3A_2107 = arith.constant 106 : i32
      %add3A_2108 = vector.broadcast %add3A_2107 : i32 to vector<16xi32>
      %add3A_2109 = arith.addi %add3A_2108, %shift_right_arithmetic3A_4 : vector<16xi32>
      %gather3A_2110 = arith.constant 0 : i32
      %gather3A_2111 = arith.constant 0 : i32
      %gather3A_2112 = tpu.memref_slice %arg8[%and3A_1407, %gather3A_2110, %gather3A_2111] : memref<2x128x8xi32, #tpu.memory_space<vmem>> -> memref<1x128x8xi32, #tpu.memory_space<vmem>>
      %gather3A_2113 = tpu.memref_squeeze %gather3A_2112 : memref<1x128x8xi32, #tpu.memory_space<vmem>> -> memref<128x8xi32, #tpu.memory_space<vmem>>
      %gather3A_2114 = tpu.vector_load_idx %gather3A_2113[%add3A_2109, %and3A_6] : memref<128x8xi32, #tpu.memory_space<vmem>>[vector<16xi32>, vector<16xi32>], vector<16xi32>,
      %swap3A_2115 = arith.constant 6 : i32
      %swap3A_2116 = arith.index_cast %and3A_1407 : i32 to index
      %swap3A_2117 = arith.index_cast %swap3A_2115 : i32 to index
      %swap3A_2118 = arith.constant 80 : index
      %swap3A_2119 = tpu.vector_load %arg9[%swap3A_2116, %swap3A_2117, %swap3A_2118] {strides = array<i32>} : memref<2x8x128xi32, #tpu.memory_space<vmem>>, vector<16xi32>,
      tpu.vector_store %arg9[%swap3A_2116, %swap3A_2117, %swap3A_2118], %gather3A_2114 {strides = array<i32>} : memref<2x8x128xi32, #tpu.memory_space<vmem>>, vector<16xi32>,
      %add3A_2120 = arith.constant 108 : i32
      %add3A_2121 = vector.broadcast %add3A_2120 : i32 to vector<16xi32>
      %add3A_2122 = arith.addi %add3A_2121, %shift_right_arithmetic3A_4 : vector<16xi32>
      %gather3A_2123 = arith.constant 0 : i32
      %gather3A_2124 = arith.constant 0 : i32
      %gather3A_2125 = tpu.memref_slice %arg8[%and3A_1407, %gather3A_2123, %gather3A_2124] : memref<2x128x8xi32, #tpu.memory_space<vmem>> -> memref<1x128x8xi32, #tpu.memory_space<vmem>>
      %gather3A_2126 = tpu.memref_squeeze %gather3A_2125 : memref<1x128x8xi32, #tpu.memory_space<vmem>> -> memref<128x8xi32, #tpu.memory_space<vmem>>
      %gather3A_2127 = tpu.vector_load_idx %gather3A_2126[%add3A_2122, %and3A_6] : memref<128x8xi32, #tpu.memory_space<vmem>>[vector<16xi32>, vector<16xi32>], vector<16xi32>,
      %swap3A_2128 = arith.constant 6 : i32
      %swap3A_2129 = arith.index_cast %and3A_1407 : i32 to index
      %swap3A_2130 = arith.index_cast %swap3A_2128 : i32 to index
      %swap3A_2131 = arith.constant 96 : index
      %swap3A_2132 = tpu.vector_load %arg9[%swap3A_2129, %swap3A_2130, %swap3A_2131] {strides = array<i32>} : memref<2x8x128xi32, #tpu.memory_space<vmem>>, vector<16xi32>,
      tpu.vector_store %arg9[%swap3A_2129, %swap3A_2130, %swap3A_2131], %gather3A_2127 {strides = array<i32>} : memref<2x8x128xi32, #tpu.memory_space<vmem>>, vector<16xi32>,
      %add3A_2133 = arith.constant 110 : i32
      %add3A_2134 = vector.broadcast %add3A_2133 : i32 to vector<16xi32>
      %add3A_2135 = arith.addi %add3A_2134, %shift_right_arithmetic3A_4 : vector<16xi32>
      %gather3A_2136 = arith.constant 0 : i32
      %gather3A_2137 = arith.constant 0 : i32
      %gather3A_2138 = tpu.memref_slice %arg8[%and3A_1407, %gather3A_2136, %gather3A_2137] : memref<2x128x8xi32, #tpu.memory_space<vmem>> -> memref<1x128x8xi32, #tpu.memory_space<vmem>>
      %gather3A_2139 = tpu.memref_squeeze %gather3A_2138 : memref<1x128x8xi32, #tpu.memory_space<vmem>> -> memref<128x8xi32, #tpu.memory_space<vmem>>
      %gather3A_2140 = tpu.vector_load_idx %gather3A_2139[%add3A_2135, %and3A_6] : memref<128x8xi32, #tpu.memory_space<vmem>>[vector<16xi32>, vector<16xi32>], vector<16xi32>,
      %swap3A_2141 = arith.constant 6 : i32
      %swap3A_2142 = arith.index_cast %and3A_1407 : i32 to index
      %swap3A_2143 = arith.index_cast %swap3A_2141 : i32 to index
      %swap3A_2144 = arith.constant 112 : index
      %swap3A_2145 = tpu.vector_load %arg9[%swap3A_2142, %swap3A_2143, %swap3A_2144] {strides = array<i32>} : memref<2x8x128xi32, #tpu.memory_space<vmem>>, vector<16xi32>,
      tpu.vector_store %arg9[%swap3A_2142, %swap3A_2143, %swap3A_2144], %gather3A_2140 {strides = array<i32>} : memref<2x8x128xi32, #tpu.memory_space<vmem>>, vector<16xi32>,
      %add3A_2146 = arith.constant 112 : i32
      %add3A_2147 = vector.broadcast %add3A_2146 : i32 to vector<16xi32>
      %add3A_2148 = arith.addi %add3A_2147, %shift_right_arithmetic3A_4 : vector<16xi32>
      %gather3A_2149 = arith.constant 0 : i32
      %gather3A_2150 = arith.constant 0 : i32
      %gather3A_2151 = tpu.memref_slice %arg8[%and3A_1407, %gather3A_2149, %gather3A_2150] : memref<2x128x8xi32, #tpu.memory_space<vmem>> -> memref<1x128x8xi32, #tpu.memory_space<vmem>>
      %gather3A_2152 = tpu.memref_squeeze %gather3A_2151 : memref<1x128x8xi32, #tpu.memory_space<vmem>> -> memref<128x8xi32, #tpu.memory_space<vmem>>
      %gather3A_2153 = tpu.vector_load_idx %gather3A_2152[%add3A_2148, %and3A_6] : memref<128x8xi32, #tpu.memory_space<vmem>>[vector<16xi32>, vector<16xi32>], vector<16xi32>,
      %swap3A_2154 = arith.constant 7 : i32
      %swap3A_2155 = arith.index_cast %and3A_1407 : i32 to index
      %swap3A_2156 = arith.index_cast %swap3A_2154 : i32 to index
      %swap3A_2157 = arith.constant 0 : index
      %swap3A_2158 = tpu.vector_load %arg9[%swap3A_2155, %swap3A_2156, %swap3A_2157] {strides = array<i32>} : memref<2x8x128xi32, #tpu.memory_space<vmem>>, vector<16xi32>,
      tpu.vector_store %arg9[%swap3A_2155, %swap3A_2156, %swap3A_2157], %gather3A_2153 {strides = array<i32>} : memref<2x8x128xi32, #tpu.memory_space<vmem>>, vector<16xi32>,
      %add3A_2159 = arith.constant 114 : i32
      %add3A_2160 = vector.broadcast %add3A_2159 : i32 to vector<16xi32>
      %add3A_2161 = arith.addi %add3A_2160, %shift_right_arithmetic3A_4 : vector<16xi32>
      %gather3A_2162 = arith.constant 0 : i32
      %gather3A_2163 = arith.constant 0 : i32
      %gather3A_2164 = tpu.memref_slice %arg8[%and3A_1407, %gather3A_2162, %gather3A_2163] : memref<2x128x8xi32, #tpu.memory_space<vmem>> -> memref<1x128x8xi32, #tpu.memory_space<vmem>>
      %gather3A_2165 = tpu.memref_squeeze %gather3A_2164 : memref<1x128x8xi32, #tpu.memory_space<vmem>> -> memref<128x8xi32, #tpu.memory_space<vmem>>
      %gather3A_2166 = tpu.vector_load_idx %gather3A_2165[%add3A_2161, %and3A_6] : memref<128x8xi32, #tpu.memory_space<vmem>>[vector<16xi32>, vector<16xi32>], vector<16xi32>,
      %swap3A_2167 = arith.constant 7 : i32
      %swap3A_2168 = arith.index_cast %and3A_1407 : i32 to index
      %swap3A_2169 = arith.index_cast %swap3A_2167 : i32 to index
      %swap3A_2170 = arith.constant 16 : index
      %swap3A_2171 = tpu.vector_load %arg9[%swap3A_2168, %swap3A_2169, %swap3A_2170] {strides = array<i32>} : memref<2x8x128xi32, #tpu.memory_space<vmem>>, vector<16xi32>,
      tpu.vector_store %arg9[%swap3A_2168, %swap3A_2169, %swap3A_2170], %gather3A_2166 {strides = array<i32>} : memref<2x8x128xi32, #tpu.memory_space<vmem>>, vector<16xi32>,
      %add3A_2172 = arith.constant 116 : i32
      %add3A_2173 = vector.broadcast %add3A_2172 : i32 to vector<16xi32>
      %add3A_2174 = arith.addi %add3A_2173, %shift_right_arithmetic3A_4 : vector<16xi32>
      %gather3A_2175 = arith.constant 0 : i32
      %gather3A_2176 = arith.constant 0 : i32
      %gather3A_2177 = tpu.memref_slice %arg8[%and3A_1407, %gather3A_2175, %gather3A_2176] : memref<2x128x8xi32, #tpu.memory_space<vmem>> -> memref<1x128x8xi32, #tpu.memory_space<vmem>>
      %gather3A_2178 = tpu.memref_squeeze %gather3A_2177 : memref<1x128x8xi32, #tpu.memory_space<vmem>> -> memref<128x8xi32, #tpu.memory_space<vmem>>
      %gather3A_2179 = tpu.vector_load_idx %gather3A_2178[%add3A_2174, %and3A_6] : memref<128x8xi32, #tpu.memory_space<vmem>>[vector<16xi32>, vector<16xi32>], vector<16xi32>,
      %swap3A_2180 = arith.constant 7 : i32
      %swap3A_2181 = arith.index_cast %and3A_1407 : i32 to index
      %swap3A_2182 = arith.index_cast %swap3A_2180 : i32 to index
      %swap3A_2183 = arith.constant 32 : index
      %swap3A_2184 = tpu.vector_load %arg9[%swap3A_2181, %swap3A_2182, %swap3A_2183] {strides = array<i32>} : memref<2x8x128xi32, #tpu.memory_space<vmem>>, vector<16xi32>,
      tpu.vector_store %arg9[%swap3A_2181, %swap3A_2182, %swap3A_2183], %gather3A_2179 {strides = array<i32>} : memref<2x8x128xi32, #tpu.memory_space<vmem>>, vector<16xi32>,
      %add3A_2185 = arith.constant 118 : i32
      %add3A_2186 = vector.broadcast %add3A_2185 : i32 to vector<16xi32>
      %add3A_2187 = arith.addi %add3A_2186, %shift_right_arithmetic3A_4 : vector<16xi32>
      %gather3A_2188 = arith.constant 0 : i32
      %gather3A_2189 = arith.constant 0 : i32
      %gather3A_2190 = tpu.memref_slice %arg8[%and3A_1407, %gather3A_2188, %gather3A_2189] : memref<2x128x8xi32, #tpu.memory_space<vmem>> -> memref<1x128x8xi32, #tpu.memory_space<vmem>>
      %gather3A_2191 = tpu.memref_squeeze %gather3A_2190 : memref<1x128x8xi32, #tpu.memory_space<vmem>> -> memref<128x8xi32, #tpu.memory_space<vmem>>
      %gather3A_2192 = tpu.vector_load_idx %gather3A_2191[%add3A_2187, %and3A_6] : memref<128x8xi32, #tpu.memory_space<vmem>>[vector<16xi32>, vector<16xi32>], vector<16xi32>,
      %swap3A_2193 = arith.constant 7 : i32
      %swap3A_2194 = arith.index_cast %and3A_1407 : i32 to index
      %swap3A_2195 = arith.index_cast %swap3A_2193 : i32 to index
      %swap3A_2196 = arith.constant 48 : index
      %swap3A_2197 = tpu.vector_load %arg9[%swap3A_2194, %swap3A_2195, %swap3A_2196] {strides = array<i32>} : memref<2x8x128xi32, #tpu.memory_space<vmem>>, vector<16xi32>,
      tpu.vector_store %arg9[%swap3A_2194, %swap3A_2195, %swap3A_2196], %gather3A_2192 {strides = array<i32>} : memref<2x8x128xi32, #tpu.memory_space<vmem>>, vector<16xi32>,
      %add3A_2198 = arith.constant 120 : i32
      %add3A_2199 = vector.broadcast %add3A_2198 : i32 to vector<16xi32>
      %add3A_2200 = arith.addi %add3A_2199, %shift_right_arithmetic3A_4 : vector<16xi32>
      %gather3A_2201 = arith.constant 0 : i32
      %gather3A_2202 = arith.constant 0 : i32
      %gather3A_2203 = tpu.memref_slice %arg8[%and3A_1407, %gather3A_2201, %gather3A_2202] : memref<2x128x8xi32, #tpu.memory_space<vmem>> -> memref<1x128x8xi32, #tpu.memory_space<vmem>>
      %gather3A_2204 = tpu.memref_squeeze %gather3A_2203 : memref<1x128x8xi32, #tpu.memory_space<vmem>> -> memref<128x8xi32, #tpu.memory_space<vmem>>
      %gather3A_2205 = tpu.vector_load_idx %gather3A_2204[%add3A_2200, %and3A_6] : memref<128x8xi32, #tpu.memory_space<vmem>>[vector<16xi32>, vector<16xi32>], vector<16xi32>,
      %swap3A_2206 = arith.constant 7 : i32
      %swap3A_2207 = arith.index_cast %and3A_1407 : i32 to index
      %swap3A_2208 = arith.index_cast %swap3A_2206 : i32 to index
      %swap3A_2209 = arith.constant 64 : index
      %swap3A_2210 = tpu.vector_load %arg9[%swap3A_2207, %swap3A_2208, %swap3A_2209] {strides = array<i32>} : memref<2x8x128xi32, #tpu.memory_space<vmem>>, vector<16xi32>,
      tpu.vector_store %arg9[%swap3A_2207, %swap3A_2208, %swap3A_2209], %gather3A_2205 {strides = array<i32>} : memref<2x8x128xi32, #tpu.memory_space<vmem>>, vector<16xi32>,
      %add3A_2211 = arith.constant 122 : i32
      %add3A_2212 = vector.broadcast %add3A_2211 : i32 to vector<16xi32>
      %add3A_2213 = arith.addi %add3A_2212, %shift_right_arithmetic3A_4 : vector<16xi32>
      %gather3A_2214 = arith.constant 0 : i32
      %gather3A_2215 = arith.constant 0 : i32
      %gather3A_2216 = tpu.memref_slice %arg8[%and3A_1407, %gather3A_2214, %gather3A_2215] : memref<2x128x8xi32, #tpu.memory_space<vmem>> -> memref<1x128x8xi32, #tpu.memory_space<vmem>>
      %gather3A_2217 = tpu.memref_squeeze %gather3A_2216 : memref<1x128x8xi32, #tpu.memory_space<vmem>> -> memref<128x8xi32, #tpu.memory_space<vmem>>
      %gather3A_2218 = tpu.vector_load_idx %gather3A_2217[%add3A_2213, %and3A_6] : memref<128x8xi32, #tpu.memory_space<vmem>>[vector<16xi32>, vector<16xi32>], vector<16xi32>,
      %swap3A_2219 = arith.constant 7 : i32
      %swap3A_2220 = arith.index_cast %and3A_1407 : i32 to index
      %swap3A_2221 = arith.index_cast %swap3A_2219 : i32 to index
      %swap3A_2222 = arith.constant 80 : index
      %swap3A_2223 = tpu.vector_load %arg9[%swap3A_2220, %swap3A_2221, %swap3A_2222] {strides = array<i32>} : memref<2x8x128xi32, #tpu.memory_space<vmem>>, vector<16xi32>,
      tpu.vector_store %arg9[%swap3A_2220, %swap3A_2221, %swap3A_2222], %gather3A_2218 {strides = array<i32>} : memref<2x8x128xi32, #tpu.memory_space<vmem>>, vector<16xi32>,
      %add3A_2224 = arith.constant 124 : i32
      %add3A_2225 = vector.broadcast %add3A_2224 : i32 to vector<16xi32>
      %add3A_2226 = arith.addi %add3A_2225, %shift_right_arithmetic3A_4 : vector<16xi32>
      %gather3A_2227 = arith.constant 0 : i32
      %gather3A_2228 = arith.constant 0 : i32
      %gather3A_2229 = tpu.memref_slice %arg8[%and3A_1407, %gather3A_2227, %gather3A_2228] : memref<2x128x8xi32, #tpu.memory_space<vmem>> -> memref<1x128x8xi32, #tpu.memory_space<vmem>>
      %gather3A_2230 = tpu.memref_squeeze %gather3A_2229 : memref<1x128x8xi32, #tpu.memory_space<vmem>> -> memref<128x8xi32, #tpu.memory_space<vmem>>
      %gather3A_2231 = tpu.vector_load_idx %gather3A_2230[%add3A_2226, %and3A_6] : memref<128x8xi32, #tpu.memory_space<vmem>>[vector<16xi32>, vector<16xi32>], vector<16xi32>,
      %swap3A_2232 = arith.constant 7 : i32
      %swap3A_2233 = arith.index_cast %and3A_1407 : i32 to index
      %swap3A_2234 = arith.index_cast %swap3A_2232 : i32 to index
      %swap3A_2235 = arith.constant 96 : index
      %swap3A_2236 = tpu.vector_load %arg9[%swap3A_2233, %swap3A_2234, %swap3A_2235] {strides = array<i32>} : memref<2x8x128xi32, #tpu.memory_space<vmem>>, vector<16xi32>,
      tpu.vector_store %arg9[%swap3A_2233, %swap3A_2234, %swap3A_2235], %gather3A_2231 {strides = array<i32>} : memref<2x8x128xi32, #tpu.memory_space<vmem>>, vector<16xi32>,
      %add3A_2237 = arith.constant 126 : i32
      %add3A_2238 = vector.broadcast %add3A_2237 : i32 to vector<16xi32>
      %add3A_2239 = arith.addi %add3A_2238, %shift_right_arithmetic3A_4 : vector<16xi32>
      %gather3A_2240 = arith.constant 0 : i32
      %gather3A_2241 = arith.constant 0 : i32
      %gather3A_2242 = tpu.memref_slice %arg8[%and3A_1407, %gather3A_2240, %gather3A_2241] : memref<2x128x8xi32, #tpu.memory_space<vmem>> -> memref<1x128x8xi32, #tpu.memory_space<vmem>>
      %gather3A_2243 = tpu.memref_squeeze %gather3A_2242 : memref<1x128x8xi32, #tpu.memory_space<vmem>> -> memref<128x8xi32, #tpu.memory_space<vmem>>
      %gather3A_2244 = tpu.vector_load_idx %gather3A_2243[%add3A_2239, %and3A_6] : memref<128x8xi32, #tpu.memory_space<vmem>>[vector<16xi32>, vector<16xi32>], vector<16xi32>,
      %swap3A_2245 = arith.constant 7 : i32
      %swap3A_2246 = arith.index_cast %and3A_1407 : i32 to index
      %swap3A_2247 = arith.index_cast %swap3A_2245 : i32 to index
      %swap3A_2248 = arith.constant 112 : index
      %swap3A_2249 = tpu.vector_load %arg9[%swap3A_2246, %swap3A_2247, %swap3A_2248] {strides = array<i32>} : memref<2x8x128xi32, #tpu.memory_space<vmem>>, vector<16xi32>,
      tpu.vector_store %arg9[%swap3A_2246, %swap3A_2247, %swap3A_2248], %gather3A_2244 {strides = array<i32>} : memref<2x8x128xi32, #tpu.memory_space<vmem>>, vector<16xi32>,
      %sub3A = arith.constant 1 : i32
      %sub3A_2250 = arith.subi %sub3A, %and3A_1407 : i32
      %dma_wait3A_2251 = arith.constant 0 : i32
      %dma_wait3A_2252 = arith.constant 0 : i32
      %dma_wait3A_2253 = arith.constant 0 : i32
      %dma_wait3A_2254 = arith.constant 0 : i32
      %dma_wait3A_2255 = tpu.memref_slice %arg10[%sub3A_2250, %dma_wait3A_2252, %dma_wait3A_2253, %dma_wait3A_2254] : memref<2x8x128x32xf32, #tpu.memory_space<vmem>> -> memref<1x1x128x32xf32, #tpu.memory_space<vmem>>
      %dma_wait3A_2256 = tpu.memref_squeeze %dma_wait3A_2255 : memref<1x1x128x32xf32, #tpu.memory_space<vmem>> -> memref<128x32xf32, #tpu.memory_space<vmem>>
      %dma_wait3A_2257 = arith.constant 0 : i32
      %dma_wait3A_2258 = tpu.memref_slice %arg9[%sub3A_2250, %dma_wait3A_2251, %dma_wait3A_2257] : memref<2x8x128xi32, #tpu.memory_space<vmem>> -> memref<1x1x128xi32, #tpu.memory_space<vmem>>
      %dma_wait3A_2259 = tpu.memref_squeeze %dma_wait3A_2258 : memref<1x1x128xi32, #tpu.memory_space<vmem>> -> memref<128xi32, #tpu.memory_space<vmem>>
      %dma_wait3A_2260 = arith.constant 0 : i32
      %dma_wait3A_2261 = arith.constant 0 : i32
      %dma_wait3A_2262 = tpu.memref_slice %arg4[%dma_wait3A_2260, %dma_wait3A_2261] : memref<600000x32xf32, #tpu.memory_space<hbm>> -> memref<600000x32xf32, #tpu.memory_space<hbm>>
      tpu.wait_indirect_dma semaphore(%arg15 : memref<!tpu.dma_semaphore, #tpu.memory_space<semaphore_mem>>) src(%dma_wait3A_2262 : memref<600000x32xf32, #tpu.memory_space<hbm>>) dst(%dma_wait3A_2256 : memref<128x32xf32, #tpu.memory_space<vmem>>)
      %dma_wait3A_2263 = arith.constant 1 : i32
      %dma_wait3A_2264 = arith.constant 1 : i32
      %dma_wait3A_2265 = arith.constant 0 : i32
      %dma_wait3A_2266 = arith.constant 0 : i32
      %dma_wait3A_2267 = tpu.memref_slice %arg10[%sub3A_2250, %dma_wait3A_2264, %dma_wait3A_2265, %dma_wait3A_2266] : memref<2x8x128x32xf32, #tpu.memory_space<vmem>> -> memref<1x1x128x32xf32, #tpu.memory_space<vmem>>
      %dma_wait3A_2268 = tpu.memref_squeeze %dma_wait3A_2267 : memref<1x1x128x32xf32, #tpu.memory_space<vmem>> -> memref<128x32xf32, #tpu.memory_space<vmem>>
      %dma_wait3A_2269 = arith.constant 0 : i32
      %dma_wait3A_2270 = tpu.memref_slice %arg9[%sub3A_2250, %dma_wait3A_2263, %dma_wait3A_2269] : memref<2x8x128xi32, #tpu.memory_space<vmem>> -> memref<1x1x128xi32, #tpu.memory_space<vmem>>
      %dma_wait3A_2271 = tpu.memref_squeeze %dma_wait3A_2270 : memref<1x1x128xi32, #tpu.memory_space<vmem>> -> memref<128xi32, #tpu.memory_space<vmem>>
      %dma_wait3A_2272 = arith.constant 0 : i32
      %dma_wait3A_2273 = arith.constant 0 : i32
      %dma_wait3A_2274 = tpu.memref_slice %arg4[%dma_wait3A_2272, %dma_wait3A_2273] : memref<600000x32xf32, #tpu.memory_space<hbm>> -> memref<600000x32xf32, #tpu.memory_space<hbm>>
      tpu.wait_indirect_dma semaphore(%arg15 : memref<!tpu.dma_semaphore, #tpu.memory_space<semaphore_mem>>) src(%dma_wait3A_2274 : memref<600000x32xf32, #tpu.memory_space<hbm>>) dst(%dma_wait3A_2268 : memref<128x32xf32, #tpu.memory_space<vmem>>)
      %dma_wait3A_2275 = arith.constant 2 : i32
      %dma_wait3A_2276 = arith.constant 2 : i32
      %dma_wait3A_2277 = arith.constant 0 : i32
      %dma_wait3A_2278 = arith.constant 0 : i32
      %dma_wait3A_2279 = tpu.memref_slice %arg10[%sub3A_2250, %dma_wait3A_2276, %dma_wait3A_2277, %dma_wait3A_2278] : memref<2x8x128x32xf32, #tpu.memory_space<vmem>> -> memref<1x1x128x32xf32, #tpu.memory_space<vmem>>
      %dma_wait3A_2280 = tpu.memref_squeeze %dma_wait3A_2279 : memref<1x1x128x32xf32, #tpu.memory_space<vmem>> -> memref<128x32xf32, #tpu.memory_space<vmem>>
      %dma_wait3A_2281 = arith.constant 0 : i32
      %dma_wait3A_2282 = tpu.memref_slice %arg9[%sub3A_2250, %dma_wait3A_2275, %dma_wait3A_2281] : memref<2x8x128xi32, #tpu.memory_space<vmem>> -> memref<1x1x128xi32, #tpu.memory_space<vmem>>
      %dma_wait3A_2283 = tpu.memref_squeeze %dma_wait3A_2282 : memref<1x1x128xi32, #tpu.memory_space<vmem>> -> memref<128xi32, #tpu.memory_space<vmem>>
      %dma_wait3A_2284 = arith.constant 0 : i32
      %dma_wait3A_2285 = arith.constant 0 : i32
      %dma_wait3A_2286 = tpu.memref_slice %arg4[%dma_wait3A_2284, %dma_wait3A_2285] : memref<600000x32xf32, #tpu.memory_space<hbm>> -> memref<600000x32xf32, #tpu.memory_space<hbm>>
      tpu.wait_indirect_dma semaphore(%arg15 : memref<!tpu.dma_semaphore, #tpu.memory_space<semaphore_mem>>) src(%dma_wait3A_2286 : memref<600000x32xf32, #tpu.memory_space<hbm>>) dst(%dma_wait3A_2280 : memref<128x32xf32, #tpu.memory_space<vmem>>)
      %dma_wait3A_2287 = arith.constant 3 : i32
      %dma_wait3A_2288 = arith.constant 3 : i32
      %dma_wait3A_2289 = arith.constant 0 : i32
      %dma_wait3A_2290 = arith.constant 0 : i32
      %dma_wait3A_2291 = tpu.memref_slice %arg10[%sub3A_2250, %dma_wait3A_2288, %dma_wait3A_2289, %dma_wait3A_2290] : memref<2x8x128x32xf32, #tpu.memory_space<vmem>> -> memref<1x1x128x32xf32, #tpu.memory_space<vmem>>
      %dma_wait3A_2292 = tpu.memref_squeeze %dma_wait3A_2291 : memref<1x1x128x32xf32, #tpu.memory_space<vmem>> -> memref<128x32xf32, #tpu.memory_space<vmem>>
      %dma_wait3A_2293 = arith.constant 0 : i32
      %dma_wait3A_2294 = tpu.memref_slice %arg9[%sub3A_2250, %dma_wait3A_2287, %dma_wait3A_2293] : memref<2x8x128xi32, #tpu.memory_space<vmem>> -> memref<1x1x128xi32, #tpu.memory_space<vmem>>
      %dma_wait3A_2295 = tpu.memref_squeeze %dma_wait3A_2294 : memref<1x1x128xi32, #tpu.memory_space<vmem>> -> memref<128xi32, #tpu.memory_space<vmem>>
      %dma_wait3A_2296 = arith.constant 0 : i32
      %dma_wait3A_2297 = arith.constant 0 : i32
      %dma_wait3A_2298 = tpu.memref_slice %arg4[%dma_wait3A_2296, %dma_wait3A_2297] : memref<600000x32xf32, #tpu.memory_space<hbm>> -> memref<600000x32xf32, #tpu.memory_space<hbm>>
      tpu.wait_indirect_dma semaphore(%arg15 : memref<!tpu.dma_semaphore, #tpu.memory_space<semaphore_mem>>) src(%dma_wait3A_2298 : memref<600000x32xf32, #tpu.memory_space<hbm>>) dst(%dma_wait3A_2292 : memref<128x32xf32, #tpu.memory_space<vmem>>)
      %dma_wait3A_2299 = arith.constant 4 : i32
      %dma_wait3A_2300 = arith.constant 4 : i32
      %dma_wait3A_2301 = arith.constant 0 : i32
      %dma_wait3A_2302 = arith.constant 0 : i32
      %dma_wait3A_2303 = tpu.memref_slice %arg10[%sub3A_2250, %dma_wait3A_2300, %dma_wait3A_2301, %dma_wait3A_2302] : memref<2x8x128x32xf32, #tpu.memory_space<vmem>> -> memref<1x1x128x32xf32, #tpu.memory_space<vmem>>
      %dma_wait3A_2304 = tpu.memref_squeeze %dma_wait3A_2303 : memref<1x1x128x32xf32, #tpu.memory_space<vmem>> -> memref<128x32xf32, #tpu.memory_space<vmem>>
      %dma_wait3A_2305 = arith.constant 0 : i32
      %dma_wait3A_2306 = tpu.memref_slice %arg9[%sub3A_2250, %dma_wait3A_2299, %dma_wait3A_2305] : memref<2x8x128xi32, #tpu.memory_space<vmem>> -> memref<1x1x128xi32, #tpu.memory_space<vmem>>
      %dma_wait3A_2307 = tpu.memref_squeeze %dma_wait3A_2306 : memref<1x1x128xi32, #tpu.memory_space<vmem>> -> memref<128xi32, #tpu.memory_space<vmem>>
      %dma_wait3A_2308 = arith.constant 0 : i32
      %dma_wait3A_2309 = arith.constant 0 : i32
      %dma_wait3A_2310 = tpu.memref_slice %arg4[%dma_wait3A_2308, %dma_wait3A_2309] : memref<600000x32xf32, #tpu.memory_space<hbm>> -> memref<600000x32xf32, #tpu.memory_space<hbm>>
      tpu.wait_indirect_dma semaphore(%arg15 : memref<!tpu.dma_semaphore, #tpu.memory_space<semaphore_mem>>) src(%dma_wait3A_2310 : memref<600000x32xf32, #tpu.memory_space<hbm>>) dst(%dma_wait3A_2304 : memref<128x32xf32, #tpu.memory_space<vmem>>)
      %dma_wait3A_2311 = arith.constant 5 : i32
      %dma_wait3A_2312 = arith.constant 5 : i32
      %dma_wait3A_2313 = arith.constant 0 : i32
      %dma_wait3A_2314 = arith.constant 0 : i32
      %dma_wait3A_2315 = tpu.memref_slice %arg10[%sub3A_2250, %dma_wait3A_2312, %dma_wait3A_2313, %dma_wait3A_2314] : memref<2x8x128x32xf32, #tpu.memory_space<vmem>> -> memref<1x1x128x32xf32, #tpu.memory_space<vmem>>
      %dma_wait3A_2316 = tpu.memref_squeeze %dma_wait3A_2315 : memref<1x1x128x32xf32, #tpu.memory_space<vmem>> -> memref<128x32xf32, #tpu.memory_space<vmem>>
      %dma_wait3A_2317 = arith.constant 0 : i32
      %dma_wait3A_2318 = tpu.memref_slice %arg9[%sub3A_2250, %dma_wait3A_2311, %dma_wait3A_2317] : memref<2x8x128xi32, #tpu.memory_space<vmem>> -> memref<1x1x128xi32, #tpu.memory_space<vmem>>
      %dma_wait3A_2319 = tpu.memref_squeeze %dma_wait3A_2318 : memref<1x1x128xi32, #tpu.memory_space<vmem>> -> memref<128xi32, #tpu.memory_space<vmem>>
      %dma_wait3A_2320 = arith.constant 0 : i32
      %dma_wait3A_2321 = arith.constant 0 : i32
      %dma_wait3A_2322 = tpu.memref_slice %arg4[%dma_wait3A_2320, %dma_wait3A_2321] : memref<600000x32xf32, #tpu.memory_space<hbm>> -> memref<600000x32xf32, #tpu.memory_space<hbm>>
      tpu.wait_indirect_dma semaphore(%arg15 : memref<!tpu.dma_semaphore, #tpu.memory_space<semaphore_mem>>) src(%dma_wait3A_2322 : memref<600000x32xf32, #tpu.memory_space<hbm>>) dst(%dma_wait3A_2316 : memref<128x32xf32, #tpu.memory_space<vmem>>)
      %dma_wait3A_2323 = arith.constant 6 : i32
      %dma_wait3A_2324 = arith.constant 6 : i32
      %dma_wait3A_2325 = arith.constant 0 : i32
      %dma_wait3A_2326 = arith.constant 0 : i32
      %dma_wait3A_2327 = tpu.memref_slice %arg10[%sub3A_2250, %dma_wait3A_2324, %dma_wait3A_2325, %dma_wait3A_2326] : memref<2x8x128x32xf32, #tpu.memory_space<vmem>> -> memref<1x1x128x32xf32, #tpu.memory_space<vmem>>
      %dma_wait3A_2328 = tpu.memref_squeeze %dma_wait3A_2327 : memref<1x1x128x32xf32, #tpu.memory_space<vmem>> -> memref<128x32xf32, #tpu.memory_space<vmem>>
      %dma_wait3A_2329 = arith.constant 0 : i32
      %dma_wait3A_2330 = tpu.memref_slice %arg9[%sub3A_2250, %dma_wait3A_2323, %dma_wait3A_2329] : memref<2x8x128xi32, #tpu.memory_space<vmem>> -> memref<1x1x128xi32, #tpu.memory_space<vmem>>
      %dma_wait3A_2331 = tpu.memref_squeeze %dma_wait3A_2330 : memref<1x1x128xi32, #tpu.memory_space<vmem>> -> memref<128xi32, #tpu.memory_space<vmem>>
      %dma_wait3A_2332 = arith.constant 0 : i32
      %dma_wait3A_2333 = arith.constant 0 : i32
      %dma_wait3A_2334 = tpu.memref_slice %arg4[%dma_wait3A_2332, %dma_wait3A_2333] : memref<600000x32xf32, #tpu.memory_space<hbm>> -> memref<600000x32xf32, #tpu.memory_space<hbm>>
      tpu.wait_indirect_dma semaphore(%arg15 : memref<!tpu.dma_semaphore, #tpu.memory_space<semaphore_mem>>) src(%dma_wait3A_2334 : memref<600000x32xf32, #tpu.memory_space<hbm>>) dst(%dma_wait3A_2328 : memref<128x32xf32, #tpu.memory_space<vmem>>)
      %dma_wait3A_2335 = arith.constant 7 : i32
      %dma_wait3A_2336 = arith.constant 7 : i32
      %dma_wait3A_2337 = arith.constant 0 : i32
      %dma_wait3A_2338 = arith.constant 0 : i32
      %dma_wait3A_2339 = tpu.memref_slice %arg10[%sub3A_2250, %dma_wait3A_2336, %dma_wait3A_2337, %dma_wait3A_2338] : memref<2x8x128x32xf32, #tpu.memory_space<vmem>> -> memref<1x1x128x32xf32, #tpu.memory_space<vmem>>
      %dma_wait3A_2340 = tpu.memref_squeeze %dma_wait3A_2339 : memref<1x1x128x32xf32, #tpu.memory_space<vmem>> -> memref<128x32xf32, #tpu.memory_space<vmem>>
      %dma_wait3A_2341 = arith.constant 0 : i32
      %dma_wait3A_2342 = tpu.memref_slice %arg9[%sub3A_2250, %dma_wait3A_2335, %dma_wait3A_2341] : memref<2x8x128xi32, #tpu.memory_space<vmem>> -> memref<1x1x128xi32, #tpu.memory_space<vmem>>
      %dma_wait3A_2343 = tpu.memref_squeeze %dma_wait3A_2342 : memref<1x1x128xi32, #tpu.memory_space<vmem>> -> memref<128xi32, #tpu.memory_space<vmem>>
      %dma_wait3A_2344 = arith.constant 0 : i32
      %dma_wait3A_2345 = arith.constant 0 : i32
      %dma_wait3A_2346 = tpu.memref_slice %arg4[%dma_wait3A_2344, %dma_wait3A_2345] : memref<600000x32xf32, #tpu.memory_space<hbm>> -> memref<600000x32xf32, #tpu.memory_space<hbm>>
      tpu.wait_indirect_dma semaphore(%arg15 : memref<!tpu.dma_semaphore, #tpu.memory_space<semaphore_mem>>) src(%dma_wait3A_2346 : memref<600000x32xf32, #tpu.memory_space<hbm>>) dst(%dma_wait3A_2340 : memref<128x32xf32, #tpu.memory_space<vmem>>)
      %dma_start3A_2347 = arith.constant 0 : i32
      %dma_start3A_2348 = arith.constant 0 : i32
      %dma_start3A_2349 = arith.constant 0 : i32
      %dma_start3A_2350 = arith.constant 0 : i32
      %dma_start3A_2351 = tpu.memref_slice %arg10[%and3A_1407, %dma_start3A_2348, %dma_start3A_2349, %dma_start3A_2350] : memref<2x8x128x32xf32, #tpu.memory_space<vmem>> -> memref<1x1x128x32xf32, #tpu.memory_space<vmem>>
      %dma_start3A_2352 = tpu.memref_squeeze %dma_start3A_2351 : memref<1x1x128x32xf32, #tpu.memory_space<vmem>> -> memref<128x32xf32, #tpu.memory_space<vmem>>
      %dma_start3A_2353 = arith.constant 0 : i32
      %dma_start3A_2354 = tpu.memref_slice %arg9[%and3A_1407, %dma_start3A_2347, %dma_start3A_2353] : memref<2x8x128xi32, #tpu.memory_space<vmem>> -> memref<1x1x128xi32, #tpu.memory_space<vmem>>
      %dma_start3A_2355 = tpu.memref_squeeze %dma_start3A_2354 : memref<1x1x128xi32, #tpu.memory_space<vmem>> -> memref<128xi32, #tpu.memory_space<vmem>>
      %dma_start3A_2356 = arith.constant 0 : i32
      %dma_start3A_2357 = arith.constant 0 : i32
      %dma_start3A_2358 = tpu.memref_slice %arg4[%dma_start3A_2356, %dma_start3A_2357] : memref<600000x32xf32, #tpu.memory_space<hbm>> -> memref<600000x32xf32, #tpu.memory_space<hbm>>
      tpu.enqueue_indirect_dma source(%dma_start3A_2358 : memref<600000x32xf32, #tpu.memory_space<hbm>>) target(%dma_start3A_2352 : memref<128x32xf32, #tpu.memory_space<vmem>>) offsets(%dma_start3A_2355 : memref<128xi32, #tpu.memory_space<vmem>>) semaphore(%arg15 : memref<!tpu.dma_semaphore, #tpu.memory_space<semaphore_mem>>)
      %dma_start3A_2359 = arith.constant 1 : i32
      %dma_start3A_2360 = arith.constant 1 : i32
      %dma_start3A_2361 = arith.constant 0 : i32
      %dma_start3A_2362 = arith.constant 0 : i32
      %dma_start3A_2363 = tpu.memref_slice %arg10[%and3A_1407, %dma_start3A_2360, %dma_start3A_2361, %dma_start3A_2362] : memref<2x8x128x32xf32, #tpu.memory_space<vmem>> -> memref<1x1x128x32xf32, #tpu.memory_space<vmem>>
      %dma_start3A_2364 = tpu.memref_squeeze %dma_start3A_2363 : memref<1x1x128x32xf32, #tpu.memory_space<vmem>> -> memref<128x32xf32, #tpu.memory_space<vmem>>
      %dma_start3A_2365 = arith.constant 0 : i32
      %dma_start3A_2366 = tpu.memref_slice %arg9[%and3A_1407, %dma_start3A_2359, %dma_start3A_2365] : memref<2x8x128xi32, #tpu.memory_space<vmem>> -> memref<1x1x128xi32, #tpu.memory_space<vmem>>
      %dma_start3A_2367 = tpu.memref_squeeze %dma_start3A_2366 : memref<1x1x128xi32, #tpu.memory_space<vmem>> -> memref<128xi32, #tpu.memory_space<vmem>>
      %dma_start3A_2368 = arith.constant 0 : i32
      %dma_start3A_2369 = arith.constant 0 : i32
      %dma_start3A_2370 = tpu.memref_slice %arg4[%dma_start3A_2368, %dma_start3A_2369] : memref<600000x32xf32, #tpu.memory_space<hbm>> -> memref<600000x32xf32, #tpu.memory_space<hbm>>
      tpu.enqueue_indirect_dma source(%dma_start3A_2370 : memref<600000x32xf32, #tpu.memory_space<hbm>>) target(%dma_start3A_2364 : memref<128x32xf32, #tpu.memory_space<vmem>>) offsets(%dma_start3A_2367 : memref<128xi32, #tpu.memory_space<vmem>>) semaphore(%arg15 : memref<!tpu.dma_semaphore, #tpu.memory_space<semaphore_mem>>)
      %dma_start3A_2371 = arith.constant 2 : i32
      %dma_start3A_2372 = arith.constant 2 : i32
      %dma_start3A_2373 = arith.constant 0 : i32
      %dma_start3A_2374 = arith.constant 0 : i32
      %dma_start3A_2375 = tpu.memref_slice %arg10[%and3A_1407, %dma_start3A_2372, %dma_start3A_2373, %dma_start3A_2374] : memref<2x8x128x32xf32, #tpu.memory_space<vmem>> -> memref<1x1x128x32xf32, #tpu.memory_space<vmem>>
      %dma_start3A_2376 = tpu.memref_squeeze %dma_start3A_2375 : memref<1x1x128x32xf32, #tpu.memory_space<vmem>> -> memref<128x32xf32, #tpu.memory_space<vmem>>
      %dma_start3A_2377 = arith.constant 0 : i32
      %dma_start3A_2378 = tpu.memref_slice %arg9[%and3A_1407, %dma_start3A_2371, %dma_start3A_2377] : memref<2x8x128xi32, #tpu.memory_space<vmem>> -> memref<1x1x128xi32, #tpu.memory_space<vmem>>
      %dma_start3A_2379 = tpu.memref_squeeze %dma_start3A_2378 : memref<1x1x128xi32, #tpu.memory_space<vmem>> -> memref<128xi32, #tpu.memory_space<vmem>>
      %dma_start3A_2380 = arith.constant 0 : i32
      %dma_start3A_2381 = arith.constant 0 : i32
      %dma_start3A_2382 = tpu.memref_slice %arg4[%dma_start3A_2380, %dma_start3A_2381] : memref<600000x32xf32, #tpu.memory_space<hbm>> -> memref<600000x32xf32, #tpu.memory_space<hbm>>
      tpu.enqueue_indirect_dma source(%dma_start3A_2382 : memref<600000x32xf32, #tpu.memory_space<hbm>>) target(%dma_start3A_2376 : memref<128x32xf32, #tpu.memory_space<vmem>>) offsets(%dma_start3A_2379 : memref<128xi32, #tpu.memory_space<vmem>>) semaphore(%arg15 : memref<!tpu.dma_semaphore, #tpu.memory_space<semaphore_mem>>)
      %dma_start3A_2383 = arith.constant 3 : i32
      %dma_start3A_2384 = arith.constant 3 : i32
      %dma_start3A_2385 = arith.constant 0 : i32
      %dma_start3A_2386 = arith.constant 0 : i32
      %dma_start3A_2387 = tpu.memref_slice %arg10[%and3A_1407, %dma_start3A_2384, %dma_start3A_2385, %dma_start3A_2386] : memref<2x8x128x32xf32, #tpu.memory_space<vmem>> -> memref<1x1x128x32xf32, #tpu.memory_space<vmem>>
      %dma_start3A_2388 = tpu.memref_squeeze %dma_start3A_2387 : memref<1x1x128x32xf32, #tpu.memory_space<vmem>> -> memref<128x32xf32, #tpu.memory_space<vmem>>
      %dma_start3A_2389 = arith.constant 0 : i32
      %dma_start3A_2390 = tpu.memref_slice %arg9[%and3A_1407, %dma_start3A_2383, %dma_start3A_2389] : memref<2x8x128xi32, #tpu.memory_space<vmem>> -> memref<1x1x128xi32, #tpu.memory_space<vmem>>
      %dma_start3A_2391 = tpu.memref_squeeze %dma_start3A_2390 : memref<1x1x128xi32, #tpu.memory_space<vmem>> -> memref<128xi32, #tpu.memory_space<vmem>>
      %dma_start3A_2392 = arith.constant 0 : i32
      %dma_start3A_2393 = arith.constant 0 : i32
      %dma_start3A_2394 = tpu.memref_slice %arg4[%dma_start3A_2392, %dma_start3A_2393] : memref<600000x32xf32, #tpu.memory_space<hbm>> -> memref<600000x32xf32, #tpu.memory_space<hbm>>
      tpu.enqueue_indirect_dma source(%dma_start3A_2394 : memref<600000x32xf32, #tpu.memory_space<hbm>>) target(%dma_start3A_2388 : memref<128x32xf32, #tpu.memory_space<vmem>>) offsets(%dma_start3A_2391 : memref<128xi32, #tpu.memory_space<vmem>>) semaphore(%arg15 : memref<!tpu.dma_semaphore, #tpu.memory_space<semaphore_mem>>)
      %dma_start3A_2395 = arith.constant 4 : i32
      %dma_start3A_2396 = arith.constant 4 : i32
      %dma_start3A_2397 = arith.constant 0 : i32
      %dma_start3A_2398 = arith.constant 0 : i32
      %dma_start3A_2399 = tpu.memref_slice %arg10[%and3A_1407, %dma_start3A_2396, %dma_start3A_2397, %dma_start3A_2398] : memref<2x8x128x32xf32, #tpu.memory_space<vmem>> -> memref<1x1x128x32xf32, #tpu.memory_space<vmem>>
      %dma_start3A_2400 = tpu.memref_squeeze %dma_start3A_2399 : memref<1x1x128x32xf32, #tpu.memory_space<vmem>> -> memref<128x32xf32, #tpu.memory_space<vmem>>
      %dma_start3A_2401 = arith.constant 0 : i32
      %dma_start3A_2402 = tpu.memref_slice %arg9[%and3A_1407, %dma_start3A_2395, %dma_start3A_2401] : memref<2x8x128xi32, #tpu.memory_space<vmem>> -> memref<1x1x128xi32, #tpu.memory_space<vmem>>
      %dma_start3A_2403 = tpu.memref_squeeze %dma_start3A_2402 : memref<1x1x128xi32, #tpu.memory_space<vmem>> -> memref<128xi32, #tpu.memory_space<vmem>>
      %dma_start3A_2404 = arith.constant 0 : i32
      %dma_start3A_2405 = arith.constant 0 : i32
      %dma_start3A_2406 = tpu.memref_slice %arg4[%dma_start3A_2404, %dma_start3A_2405] : memref<600000x32xf32, #tpu.memory_space<hbm>> -> memref<600000x32xf32, #tpu.memory_space<hbm>>
      tpu.enqueue_indirect_dma source(%dma_start3A_2406 : memref<600000x32xf32, #tpu.memory_space<hbm>>) target(%dma_start3A_2400 : memref<128x32xf32, #tpu.memory_space<vmem>>) offsets(%dma_start3A_2403 : memref<128xi32, #tpu.memory_space<vmem>>) semaphore(%arg15 : memref<!tpu.dma_semaphore, #tpu.memory_space<semaphore_mem>>)
      %dma_start3A_2407 = arith.constant 5 : i32
      %dma_start3A_2408 = arith.constant 5 : i32
      %dma_start3A_2409 = arith.constant 0 : i32
      %dma_start3A_2410 = arith.constant 0 : i32
      %dma_start3A_2411 = tpu.memref_slice %arg10[%and3A_1407, %dma_start3A_2408, %dma_start3A_2409, %dma_start3A_2410] : memref<2x8x128x32xf32, #tpu.memory_space<vmem>> -> memref<1x1x128x32xf32, #tpu.memory_space<vmem>>
      %dma_start3A_2412 = tpu.memref_squeeze %dma_start3A_2411 : memref<1x1x128x32xf32, #tpu.memory_space<vmem>> -> memref<128x32xf32, #tpu.memory_space<vmem>>
      %dma_start3A_2413 = arith.constant 0 : i32
      %dma_start3A_2414 = tpu.memref_slice %arg9[%and3A_1407, %dma_start3A_2407, %dma_start3A_2413] : memref<2x8x128xi32, #tpu.memory_space<vmem>> -> memref<1x1x128xi32, #tpu.memory_space<vmem>>
      %dma_start3A_2415 = tpu.memref_squeeze %dma_start3A_2414 : memref<1x1x128xi32, #tpu.memory_space<vmem>> -> memref<128xi32, #tpu.memory_space<vmem>>
      %dma_start3A_2416 = arith.constant 0 : i32
      %dma_start3A_2417 = arith.constant 0 : i32
      %dma_start3A_2418 = tpu.memref_slice %arg4[%dma_start3A_2416, %dma_start3A_2417] : memref<600000x32xf32, #tpu.memory_space<hbm>> -> memref<600000x32xf32, #tpu.memory_space<hbm>>
      tpu.enqueue_indirect_dma source(%dma_start3A_2418 : memref<600000x32xf32, #tpu.memory_space<hbm>>) target(%dma_start3A_2412 : memref<128x32xf32, #tpu.memory_space<vmem>>) offsets(%dma_start3A_2415 : memref<128xi32, #tpu.memory_space<vmem>>) semaphore(%arg15 : memref<!tpu.dma_semaphore, #tpu.memory_space<semaphore_mem>>)
      %dma_start3A_2419 = arith.constant 6 : i32
      %dma_start3A_2420 = arith.constant 6 : i32
      %dma_start3A_2421 = arith.constant 0 : i32
      %dma_start3A_2422 = arith.constant 0 : i32
      %dma_start3A_2423 = tpu.memref_slice %arg10[%and3A_1407, %dma_start3A_2420, %dma_start3A_2421, %dma_start3A_2422] : memref<2x8x128x32xf32, #tpu.memory_space<vmem>> -> memref<1x1x128x32xf32, #tpu.memory_space<vmem>>
      %dma_start3A_2424 = tpu.memref_squeeze %dma_start3A_2423 : memref<1x1x128x32xf32, #tpu.memory_space<vmem>> -> memref<128x32xf32, #tpu.memory_space<vmem>>
      %dma_start3A_2425 = arith.constant 0 : i32
      %dma_start3A_2426 = tpu.memref_slice %arg9[%and3A_1407, %dma_start3A_2419, %dma_start3A_2425] : memref<2x8x128xi32, #tpu.memory_space<vmem>> -> memref<1x1x128xi32, #tpu.memory_space<vmem>>
      %dma_start3A_2427 = tpu.memref_squeeze %dma_start3A_2426 : memref<1x1x128xi32, #tpu.memory_space<vmem>> -> memref<128xi32, #tpu.memory_space<vmem>>
      %dma_start3A_2428 = arith.constant 0 : i32
      %dma_start3A_2429 = arith.constant 0 : i32
      %dma_start3A_2430 = tpu.memref_slice %arg4[%dma_start3A_2428, %dma_start3A_2429] : memref<600000x32xf32, #tpu.memory_space<hbm>> -> memref<600000x32xf32, #tpu.memory_space<hbm>>
      tpu.enqueue_indirect_dma source(%dma_start3A_2430 : memref<600000x32xf32, #tpu.memory_space<hbm>>) target(%dma_start3A_2424 : memref<128x32xf32, #tpu.memory_space<vmem>>) offsets(%dma_start3A_2427 : memref<128xi32, #tpu.memory_space<vmem>>) semaphore(%arg15 : memref<!tpu.dma_semaphore, #tpu.memory_space<semaphore_mem>>)
      %dma_start3A_2431 = arith.constant 7 : i32
      %dma_start3A_2432 = arith.constant 7 : i32
      %dma_start3A_2433 = arith.constant 0 : i32
      %dma_start3A_2434 = arith.constant 0 : i32
      %dma_start3A_2435 = tpu.memref_slice %arg10[%and3A_1407, %dma_start3A_2432, %dma_start3A_2433, %dma_start3A_2434] : memref<2x8x128x32xf32, #tpu.memory_space<vmem>> -> memref<1x1x128x32xf32, #tpu.memory_space<vmem>>
      %dma_start3A_2436 = tpu.memref_squeeze %dma_start3A_2435 : memref<1x1x128x32xf32, #tpu.memory_space<vmem>> -> memref<128x32xf32, #tpu.memory_space<vmem>>
      %dma_start3A_2437 = arith.constant 0 : i32
      %dma_start3A_2438 = tpu.memref_slice %arg9[%and3A_1407, %dma_start3A_2431, %dma_start3A_2437] : memref<2x8x128xi32, #tpu.memory_space<vmem>> -> memref<1x1x128xi32, #tpu.memory_space<vmem>>
      %dma_start3A_2439 = tpu.memref_squeeze %dma_start3A_2438 : memref<1x1x128xi32, #tpu.memory_space<vmem>> -> memref<128xi32, #tpu.memory_space<vmem>>
      %dma_start3A_2440 = arith.constant 0 : i32
      %dma_start3A_2441 = arith.constant 0 : i32
      %dma_start3A_2442 = tpu.memref_slice %arg4[%dma_start3A_2440, %dma_start3A_2441] : memref<600000x32xf32, #tpu.memory_space<hbm>> -> memref<600000x32xf32, #tpu.memory_space<hbm>>
      tpu.enqueue_indirect_dma source(%dma_start3A_2442 : memref<600000x32xf32, #tpu.memory_space<hbm>>) target(%dma_start3A_2436 : memref<128x32xf32, #tpu.memory_space<vmem>>) offsets(%dma_start3A_2439 : memref<128xi32, #tpu.memory_space<vmem>>) semaphore(%arg15 : memref<!tpu.dma_semaphore, #tpu.memory_space<semaphore_mem>>)
      %add3A_2443 = arith.constant 1 : i32
      %add3A_2444 = arith.addi %scan3A_1404, %add3A_2443 : i32
      %sub3A_2445 = arith.constant 1 : i32
      %sub3A_2446 = arith.subi %sub3A_2445, %and3A_1407 : i32
      %min3A_2447 = arith.constant 63 : i32
      %min3A_2448 = arith.minsi %add3A_2444, %min3A_2447 : i32
      %mul3A_2449 = arith.constant 128 : i32
      %mul3A_2450 = arith.muli %min3A_2448, %mul3A_2449 : i32
      %add3A_2451 = arith.addi %mul3A_2, %mul3A_2450 : i32
      %multiple_of3A_2452 = tpu.assume_multiple %add3A_2451, 128 : i32
      %dma_wait3A_2453 = arith.constant 0 : i32
      %dma_wait3A_2454 = tpu.memref_slice %arg7[%sub3A_2446, %dma_wait3A_2453] : memref<2x128xi32, #tpu.memory_space<vmem>> -> memref<1x128xi32, #tpu.memory_space<vmem>>
      %dma_wait3A_2455 = tpu.memref_squeeze %dma_wait3A_2454 : memref<1x128xi32, #tpu.memory_space<vmem>> -> memref<128xi32, #tpu.memory_space<vmem>>
      %dma_wait3A_2456 = tpu.memref_slice %arg2[%multiple_of3A_2452] : memref<262144xi32, #tpu.memory_space<hbm>> -> memref<128xi32, #tpu.memory_space<hbm>>
      %dma_wait3A_2457 = arith.constant 0 : i32
      %dma_wait3A_2458 = tpu.memref_slice %arg7[%sub3A_2446, %dma_wait3A_2457] : memref<2x128xi32, #tpu.memory_space<vmem>> -> memref<1x128xi32, #tpu.memory_space<vmem>>
      %dma_wait3A_2459 = tpu.memref_squeeze %dma_wait3A_2458 : memref<1x128xi32, #tpu.memory_space<vmem>> -> memref<128xi32, #tpu.memory_space<vmem>>
      %dma_wait3A_2460 = tpu.memref_slice %arg2[%multiple_of3A_2452] : memref<262144xi32, #tpu.memory_space<hbm>> -> memref<128xi32, #tpu.memory_space<hbm>>
      tpu.wait_dma2 semaphore(%arg13 : memref<!tpu.dma_semaphore, #tpu.memory_space<semaphore_mem>>) src(%dma_wait3A_2460 : memref<128xi32, #tpu.memory_space<hbm>>) dst(%dma_wait3A_2459 : memref<128xi32, #tpu.memory_space<vmem>>)
      %add3A_2461 = arith.constant 1 : i32
      %add3A_2462 = arith.addi %scan3A_1404, %add3A_2461 : i32
      %sub3A_2463 = arith.constant 1 : i32
      %sub3A_2464 = arith.subi %sub3A_2463, %and3A_1407 : i32
      %dma_start3A_2465 = arith.constant 0 : i32
      %dma_start3A_2466 = arith.constant 0 : i32
      %dma_start3A_2467 = tpu.memref_slice %arg8[%sub3A_2464, %dma_start3A_2465, %dma_start3A_2466] : memref<2x128x8xi32, #tpu.memory_space<vmem>> -> memref<1x128x8xi32, #tpu.memory_space<vmem>>
      %dma_start3A_2468 = tpu.memref_squeeze %dma_start3A_2467 : memref<1x128x8xi32, #tpu.memory_space<vmem>> -> memref<128x8xi32, #tpu.memory_space<vmem>>
      %dma_start3A_2469 = arith.constant 0 : i32
      %dma_start3A_2470 = tpu.memref_slice %arg7[%sub3A_2464, %dma_start3A_2469] : memref<2x128xi32, #tpu.memory_space<vmem>> -> memref<1x128xi32, #tpu.memory_space<vmem>>
      %dma_start3A_2471 = tpu.memref_squeeze %dma_start3A_2470 : memref<1x128xi32, #tpu.memory_space<vmem>> -> memref<128xi32, #tpu.memory_space<vmem>>
      %dma_start3A_2472 = arith.constant 0 : i32
      %dma_start3A_2473 = arith.constant 0 : i32
      %dma_start3A_2474 = tpu.memref_slice %arg3[%dma_start3A_2472, %dma_start3A_2473] : memref<524288x8xi32, #tpu.memory_space<hbm>> -> memref<524288x8xi32, #tpu.memory_space<hbm>>
      tpu.enqueue_indirect_dma source(%dma_start3A_2474 : memref<524288x8xi32, #tpu.memory_space<hbm>>) target(%dma_start3A_2468 : memref<128x8xi32, #tpu.memory_space<vmem>>) offsets(%dma_start3A_2471 : memref<128xi32, #tpu.memory_space<vmem>>) semaphore(%arg14 : memref<!tpu.dma_semaphore, #tpu.memory_space<semaphore_mem>>)
      %add3A_2475 = arith.constant 2 : i32
      %add3A_2476 = arith.addi %scan3A_1404, %add3A_2475 : i32
      %min3A_2477 = arith.constant 63 : i32
      %min3A_2478 = arith.minsi %add3A_2476, %min3A_2477 : i32
      %mul3A_2479 = arith.constant 128 : i32
      %mul3A_2480 = arith.muli %min3A_2478, %mul3A_2479 : i32
      %add3A_2481 = arith.addi %mul3A_2, %mul3A_2480 : i32
      %multiple_of3A_2482 = tpu.assume_multiple %add3A_2481, 128 : i32
      %dma_start3A_2483 = arith.constant 0 : i32
      %dma_start3A_2484 = tpu.memref_slice %arg7[%and3A_1407, %dma_start3A_2483] : memref<2x128xi32, #tpu.memory_space<vmem>> -> memref<1x128xi32, #tpu.memory_space<vmem>>
      %dma_start3A_2485 = tpu.memref_squeeze %dma_start3A_2484 : memref<1x128xi32, #tpu.memory_space<vmem>> -> memref<128xi32, #tpu.memory_space<vmem>>
      %dma_start3A_2486 = tpu.memref_slice %arg2[%multiple_of3A_2482] : memref<262144xi32, #tpu.memory_space<hbm>> -> memref<128xi32, #tpu.memory_space<hbm>>
      %dma_start3A_2487 = arith.constant 0 : i32
      %dma_start3A_2488 = tpu.memref_slice %arg7[%and3A_1407, %dma_start3A_2487] : memref<2x128xi32, #tpu.memory_space<vmem>> -> memref<1x128xi32, #tpu.memory_space<vmem>>
      %dma_start3A_2489 = tpu.memref_squeeze %dma_start3A_2488 : memref<1x128xi32, #tpu.memory_space<vmem>> -> memref<128xi32, #tpu.memory_space<vmem>>
      %dma_start3A_2490 = tpu.memref_slice %arg2[%multiple_of3A_2482] : memref<262144xi32, #tpu.memory_space<hbm>> -> memref<128xi32, #tpu.memory_space<hbm>>
      tpu.enqueue_dma source(%dma_start3A_2490 : memref<128xi32, #tpu.memory_space<hbm>>) target(%dma_start3A_2489 : memref<128xi32, #tpu.memory_space<vmem>>) target_semaphore(%arg13 : memref<!tpu.dma_semaphore, #tpu.memory_space<semaphore_mem>>)
      %sub3A_2491 = arith.constant 1 : i32
      %sub3A_2492 = arith.subi %scan3A_1404, %sub3A_2491 : i32
      %sub3A_2493 = arith.constant 1 : i32
      %sub3A_2494 = arith.subi %sub3A_2493, %and3A_1407 : i32
      %min3A_2495 = arith.constant 63 : i32
      %min3A_2496 = arith.minsi %sub3A_2492, %min3A_2495 : i32
      %mul3A_2497 = arith.constant 128 : i32
      %mul3A_2498 = arith.muli %min3A_2496, %mul3A_2497 : i32
      %add3A_2499 = arith.addi %mul3A_2, %mul3A_2498 : i32
      %multiple_of3A_2500 = tpu.assume_multiple %add3A_2499, 128 : i32
      %dma_wait3A_2501 = arith.constant 0 : i32
      %dma_wait3A_2502 = arith.constant 0 : i32
      %dma_wait3A_2503 = tpu.memref_slice %arg11[%sub3A_2494, %dma_wait3A_2501, %dma_wait3A_2502] : memref<2x128x8xf32, #tpu.memory_space<vmem>> -> memref<1x128x8xf32, #tpu.memory_space<vmem>>
      %dma_wait3A_2504 = tpu.memref_squeeze %dma_wait3A_2503 : memref<1x128x8xf32, #tpu.memory_space<vmem>> -> memref<128x8xf32, #tpu.memory_space<vmem>>
      %dma_wait3A_2505 = arith.constant 0 : i32
      %dma_wait3A_2506 = tpu.memref_slice %arg5[%multiple_of3A_2500, %dma_wait3A_2505] : memref<262144x8xf32, #tpu.memory_space<hbm>> -> memref<128x8xf32, #tpu.memory_space<hbm>>
      %dma_wait3A_2507 = arith.constant 0 : i32
      %dma_wait3A_2508 = arith.constant 0 : i32
      %dma_wait3A_2509 = tpu.memref_slice %arg11[%sub3A_2494, %dma_wait3A_2507, %dma_wait3A_2508] : memref<2x128x8xf32, #tpu.memory_space<vmem>> -> memref<1x128x8xf32, #tpu.memory_space<vmem>>
      %dma_wait3A_2510 = tpu.memref_squeeze %dma_wait3A_2509 : memref<1x128x8xf32, #tpu.memory_space<vmem>> -> memref<128x8xf32, #tpu.memory_space<vmem>>
      %dma_wait3A_2511 = arith.constant 0 : i32
      %dma_wait3A_2512 = tpu.memref_slice %arg5[%multiple_of3A_2500, %dma_wait3A_2511] : memref<262144x8xf32, #tpu.memory_space<hbm>> -> memref<128x8xf32, #tpu.memory_space<hbm>>
      tpu.wait_dma2 semaphore(%arg16 : memref<!tpu.dma_semaphore, #tpu.memory_space<semaphore_mem>>) src(%dma_wait3A_2512 : memref<128x8xf32, #tpu.memory_space<hbm>>) dst(%dma_wait3A_2510 : memref<128x8xf32, #tpu.memory_space<vmem>>)
      %sub3A_2513 = arith.constant 1 : i32
      %sub3A_2514 = arith.subi %scan3A_1404, %sub3A_2513 : i32
      %sub3A_2515 = arith.constant 1 : i32
      %sub3A_2516 = arith.subi %sub3A_2515, %and3A_1407 : i32
      %scan3A_2517 = arith.constant 0 : i32
      %scan3A_2518 = arith.constant 0 : i32
      %scan3A_2519 = arith.constant 64 : i32
      %scan3A_2520 = arith.addi %scan3A_2518, %scan3A_2519 : i32
      %scan3A_2521 = arith.constant 1 : i32
      %scan3A_2522 = scf.for %scan3A_2553 = %scan3A_2518 to %scan3A_2520 step %scan3A_2521 iter_args(%scan3A_2554 = %scan3A_2517) -> (i32)  : i32 {
        %jit3A = arith.constant 8 : i32
        %div3A = arith.divsi %scan3A_2553, %jit3A : i32
        %sign3A = arith.constant 0 : i32
        %sign3A_2555 = arith.cmpi sgt, %scan3A_2553, %sign3A : i32
        %sign3A_2556 = arith.extui %sign3A_2555 : i1 to i32
        %sign3A_2557 = arith.constant 0 : i32
        %sign3A_2558 = arith.cmpi slt, %scan3A_2553, %sign3A_2557 : i32
        %sign3A_2559 = arith.extui %sign3A_2558 : i1 to i32
        %sign3A_2560 = arith.subi %sign3A_2556, %sign3A_2559 : i32
        %sign3A_2561 = arith.constant 0 : i32
        %sign3A_2562 = arith.cmpi sgt, %jit3A, %sign3A_2561 : i32
        %sign3A_2563 = arith.extui %sign3A_2562 : i1 to i32
        %sign3A_2564 = arith.constant 0 : i32
        %sign3A_2565 = arith.cmpi slt, %jit3A, %sign3A_2564 : i32
        %sign3A_2566 = arith.extui %sign3A_2565 : i1 to i32
        %sign3A_2567 = arith.subi %sign3A_2563, %sign3A_2566 : i32
        %ne3A = arith.cmpi ne, %sign3A_2560, %sign3A_2567 : i32
        %rem3A = arith.remsi %scan3A_2553, %jit3A : i32
        %ne3A_2568 = arith.constant 0 : i32
        %ne3A_2569 = arith.cmpi ne, %rem3A, %ne3A_2568 : i32
        %and3A_2570 = arith.andi %ne3A, %ne3A_2569 : i1
        %sub3A_2571 = arith.constant 1 : i32
        %sub3A_2572 = arith.subi %div3A, %sub3A_2571 : i32
        %select_n3A = arith.select %and3A_2570, %sub3A_2572, %div3A : i32
        %jit3A_2573 = arith.constant 8 : i32
        %eq3A = arith.constant 0 : i32
        %eq3A_2574 = arith.cmpi eq, %jit3A_2573, %eq3A : i32
        %jit3A_2575 = arith.constant 1 : i32
        %select_n3A_2576 = arith.select %eq3A_2574, %jit3A_2575, %jit3A_2573 : i32
        %rem3A_2577 = arith.remsi %scan3A_2553, %select_n3A_2576 : i32
        %ne3A_2578 = arith.constant 0 : i32
        %ne3A_2579 = arith.cmpi ne, %rem3A_2577, %ne3A_2578 : i32
        %lt3A = arith.constant 0 : i32
        %lt3A_2580 = arith.cmpi slt, %rem3A_2577, %lt3A : i32
        %lt3A_2581 = arith.constant 0 : i32
        %lt3A_2582 = arith.cmpi slt, %select_n3A_2576, %lt3A_2581 : i32
        %ne3A_2583 = arith.xori %lt3A_2580, %lt3A_2582 : i1
        %and3A_2584 = arith.andi %ne3A_2583, %ne3A_2579 : i1
        %add3A_2585 = arith.addi %rem3A_2577, %select_n3A_2576 : i32
        %select_n3A_2586 = arith.select %and3A_2584, %add3A_2585, %rem3A_2577 : i32
        %mul3A_2587 = arith.constant 16 : i32
        %mul3A_2588 = arith.muli %select_n3A_2586, %mul3A_2587 : i32
        %mul3A_2589 = arith.constant 2 : i32
        %mul3A_2590 = arith.muli %mul3A_2589, %scan3A_2553 : i32
        %add3A_2591 = vector.broadcast %mul3A_2590 : i32 to vector<16xi32>
        %add3A_2592 = arith.addi %add3A_2591, %shift_right_arithmetic3A_4 : vector<16xi32>
        %gather3A_2593 = arith.constant 0 : i32
        %gather3A_2594 = arith.constant 0 : i32
        %gather3A_2595 = tpu.memref_slice %arg11[%sub3A_2516, %gather3A_2593, %gather3A_2594] : memref<2x128x8xf32, #tpu.memory_space<vmem>> -> memref<1x128x8xf32, #tpu.memory_space<vmem>>
        %gather3A_2596 = tpu.memref_squeeze %gather3A_2595 : memref<1x128x8xf32, #tpu.memory_space<vmem>> -> memref<128x8xf32, #tpu.memory_space<vmem>>
        %gather3A_2597 = tpu.vector_load_idx %gather3A_2596[%add3A_2592, %and3A_6] : memref<128x8xf32, #tpu.memory_space<vmem>>[vector<16xi32>, vector<16xi32>], vector<16xf32>,
        %mul3A_2598 = arith.constant 2 : i32
        %mul3A_2599 = arith.muli %mul3A_2598, %scan3A_2553 : i32
        %mul3A_2600 = arith.constant 2 : i32
        %mul3A_2601 = arith.muli %mul3A_2600, %scan3A_2553 : i32
        %add3A_2602 = arith.constant 1 : i32
        %add3A_2603 = arith.addi %mul3A_2601, %add3A_2602 : i32
        %slice3A = vector.extract_strided_slice %gather3A_2597 {offsets = [0], sizes = [1], strides = [1]} : vector<16xf32> to vector<1xf32>
        %squeeze3A = vector.extract %slice3A[0] : f32 from vector<1xf32>
        %add3A_2604 = arith.constant 0 : i32
        %add3A_2605 = arith.addi %mul3A_2588, %add3A_2604 : i32
        %get3A = arith.index_cast %sub3A_2516 : i32 to index
        %get3A_2606 = arith.index_cast %select_n3A : i32 to index
        %get3A_2607 = arith.index_cast %add3A_2605 : i32 to index
        %get3A_2608 = arith.constant 0 : index
        %get3A_2609 = tpu.vector_load %arg10[%get3A, %get3A_2606, %get3A_2607, %get3A_2608] {strides = array<i32>} : memref<2x8x128x32xf32, #tpu.memory_space<vmem>>, vector<16xf32>,
        %mul3A_2610 = vector.broadcast %squeeze3A : f32 to vector<16xf32>
        %mul3A_2611 = arith.mulf %mul3A_2610, %get3A_2609 : vector<16xf32>
        %add3A_2612 = arith.constant 0 : i32
        %add3A_2613 = arith.addi %mul3A_2588, %add3A_2612 : i32
        %get3A_2614 = arith.index_cast %sub3A_2516 : i32 to index
        %get3A_2615 = arith.index_cast %select_n3A : i32 to index
        %get3A_2616 = arith.index_cast %add3A_2613 : i32 to index
        %get3A_2617 = arith.constant 12 : index
        %get3A_2618 = tpu.vector_load %arg10[%get3A_2614, %get3A_2615, %get3A_2616, %get3A_2617] {strides = array<i32>} : memref<2x8x128x32xf32, #tpu.memory_space<vmem>>, vector<16xf32>,
        %mul3A_2619 = vector.broadcast %squeeze3A : f32 to vector<16xf32>
        %mul3A_2620 = arith.mulf %mul3A_2619, %get3A_2618 : vector<16xf32>
        %slice3A_2621 = vector.extract_strided_slice %gather3A_2597 {offsets = [1], sizes = [1], strides = [1]} : vector<16xf32> to vector<1xf32>
        %squeeze3A_2622 = vector.extract %slice3A_2621[0] : f32 from vector<1xf32>
        %add3A_2623 = arith.constant 0 : i32
        %add3A_2624 = arith.addi %mul3A_2588, %add3A_2623 : i32
        %add3A_2625 = arith.constant 1 : i32
        %add3A_2626 = arith.addi %add3A_2624, %add3A_2625 : i32
        %get3A_2627 = arith.index_cast %sub3A_2516 : i32 to index
        %get3A_2628 = arith.index_cast %select_n3A : i32 to index
        %get3A_2629 = arith.index_cast %add3A_2626 : i32 to index
        %get3A_2630 = arith.constant 0 : index
        %get3A_2631 = tpu.vector_load %arg10[%get3A_2627, %get3A_2628, %get3A_2629, %get3A_2630] {strides = array<i32>} : memref<2x8x128x32xf32, #tpu.memory_space<vmem>>, vector<16xf32>,
        %mul3A_2632 = vector.broadcast %squeeze3A_2622 : f32 to vector<16xf32>
        %mul3A_2633 = arith.mulf %mul3A_2632, %get3A_2631 : vector<16xf32>
        %add3A_2634 = arith.addf %mul3A_2611, %mul3A_2633 : vector<16xf32>
        %add3A_2635 = arith.constant 0 : i32
        %add3A_2636 = arith.addi %mul3A_2588, %add3A_2635 : i32
        %add3A_2637 = arith.constant 1 : i32
        %add3A_2638 = arith.addi %add3A_2636, %add3A_2637 : i32
        %get3A_2639 = arith.index_cast %sub3A_2516 : i32 to index
        %get3A_2640 = arith.index_cast %select_n3A : i32 to index
        %get3A_2641 = arith.index_cast %add3A_2638 : i32 to index
        %get3A_2642 = arith.constant 12 : index
        %get3A_2643 = tpu.vector_load %arg10[%get3A_2639, %get3A_2640, %get3A_2641, %get3A_2642] {strides = array<i32>} : memref<2x8x128x32xf32, #tpu.memory_space<vmem>>, vector<16xf32>,
        %mul3A_2644 = vector.broadcast %squeeze3A_2622 : f32 to vector<16xf32>
        %mul3A_2645 = arith.mulf %mul3A_2644, %get3A_2643 : vector<16xf32>
        %add3A_2646 = arith.addf %mul3A_2620, %mul3A_2645 : vector<16xf32>
        %slice3A_2647 = vector.extract_strided_slice %gather3A_2597 {offsets = [2], sizes = [1], strides = [1]} : vector<16xf32> to vector<1xf32>
        %squeeze3A_2648 = vector.extract %slice3A_2647[0] : f32 from vector<1xf32>
        %add3A_2649 = arith.constant 0 : i32
        %add3A_2650 = arith.addi %mul3A_2588, %add3A_2649 : i32
        %add3A_2651 = arith.constant 2 : i32
        %add3A_2652 = arith.addi %add3A_2650, %add3A_2651 : i32
        %get3A_2653 = arith.index_cast %sub3A_2516 : i32 to index
        %get3A_2654 = arith.index_cast %select_n3A : i32 to index
        %get3A_2655 = arith.index_cast %add3A_2652 : i32 to index
        %get3A_2656 = arith.constant 0 : index
        %get3A_2657 = tpu.vector_load %arg10[%get3A_2653, %get3A_2654, %get3A_2655, %get3A_2656] {strides = array<i32>} : memref<2x8x128x32xf32, #tpu.memory_space<vmem>>, vector<16xf32>,
        %mul3A_2658 = vector.broadcast %squeeze3A_2648 : f32 to vector<16xf32>
        %mul3A_2659 = arith.mulf %mul3A_2658, %get3A_2657 : vector<16xf32>
        %add3A_2660 = arith.addf %add3A_2634, %mul3A_2659 : vector<16xf32>
        %add3A_2661 = arith.constant 0 : i32
        %add3A_2662 = arith.addi %mul3A_2588, %add3A_2661 : i32
        %add3A_2663 = arith.constant 2 : i32
        %add3A_2664 = arith.addi %add3A_2662, %add3A_2663 : i32
        %get3A_2665 = arith.index_cast %sub3A_2516 : i32 to index
        %get3A_2666 = arith.index_cast %select_n3A : i32 to index
        %get3A_2667 = arith.index_cast %add3A_2664 : i32 to index
        %get3A_2668 = arith.constant 12 : index
        %get3A_2669 = tpu.vector_load %arg10[%get3A_2665, %get3A_2666, %get3A_2667, %get3A_2668] {strides = array<i32>} : memref<2x8x128x32xf32, #tpu.memory_space<vmem>>, vector<16xf32>,
        %mul3A_2670 = vector.broadcast %squeeze3A_2648 : f32 to vector<16xf32>
        %mul3A_2671 = arith.mulf %mul3A_2670, %get3A_2669 : vector<16xf32>
        %add3A_2672 = arith.addf %add3A_2646, %mul3A_2671 : vector<16xf32>
        %slice3A_2673 = vector.extract_strided_slice %gather3A_2597 {offsets = [3], sizes = [1], strides = [1]} : vector<16xf32> to vector<1xf32>
        %squeeze3A_2674 = vector.extract %slice3A_2673[0] : f32 from vector<1xf32>
        %add3A_2675 = arith.constant 0 : i32
        %add3A_2676 = arith.addi %mul3A_2588, %add3A_2675 : i32
        %add3A_2677 = arith.constant 3 : i32
        %add3A_2678 = arith.addi %add3A_2676, %add3A_2677 : i32
        %get3A_2679 = arith.index_cast %sub3A_2516 : i32 to index
        %get3A_2680 = arith.index_cast %select_n3A : i32 to index
        %get3A_2681 = arith.index_cast %add3A_2678 : i32 to index
        %get3A_2682 = arith.constant 0 : index
        %get3A_2683 = tpu.vector_load %arg10[%get3A_2679, %get3A_2680, %get3A_2681, %get3A_2682] {strides = array<i32>} : memref<2x8x128x32xf32, #tpu.memory_space<vmem>>, vector<16xf32>,
        %mul3A_2684 = vector.broadcast %squeeze3A_2674 : f32 to vector<16xf32>
        %mul3A_2685 = arith.mulf %mul3A_2684, %get3A_2683 : vector<16xf32>
        %add3A_2686 = arith.addf %add3A_2660, %mul3A_2685 : vector<16xf32>
        %add3A_2687 = arith.constant 0 : i32
        %add3A_2688 = arith.addi %mul3A_2588, %add3A_2687 : i32
        %add3A_2689 = arith.constant 3 : i32
        %add3A_2690 = arith.addi %add3A_2688, %add3A_2689 : i32
        %get3A_2691 = arith.index_cast %sub3A_2516 : i32 to index
        %get3A_2692 = arith.index_cast %select_n3A : i32 to index
        %get3A_2693 = arith.index_cast %add3A_2690 : i32 to index
        %get3A_2694 = arith.constant 12 : index
        %get3A_2695 = tpu.vector_load %arg10[%get3A_2691, %get3A_2692, %get3A_2693, %get3A_2694] {strides = array<i32>} : memref<2x8x128x32xf32, #tpu.memory_space<vmem>>, vector<16xf32>,
        %mul3A_2696 = vector.broadcast %squeeze3A_2674 : f32 to vector<16xf32>
        %mul3A_2697 = arith.mulf %mul3A_2696, %get3A_2695 : vector<16xf32>
        %add3A_2698 = arith.addf %add3A_2672, %mul3A_2697 : vector<16xf32>
        %slice3A_2699 = vector.extract_strided_slice %gather3A_2597 {offsets = [4], sizes = [1], strides = [1]} : vector<16xf32> to vector<1xf32>
        %squeeze3A_2700 = vector.extract %slice3A_2699[0] : f32 from vector<1xf32>
        %add3A_2701 = arith.constant 0 : i32
        %add3A_2702 = arith.addi %mul3A_2588, %add3A_2701 : i32
        %add3A_2703 = arith.constant 4 : i32
        %add3A_2704 = arith.addi %add3A_2702, %add3A_2703 : i32
        %get3A_2705 = arith.index_cast %sub3A_2516 : i32 to index
        %get3A_2706 = arith.index_cast %select_n3A : i32 to index
        %get3A_2707 = arith.index_cast %add3A_2704 : i32 to index
        %get3A_2708 = arith.constant 0 : index
        %get3A_2709 = tpu.vector_load %arg10[%get3A_2705, %get3A_2706, %get3A_2707, %get3A_2708] {strides = array<i32>} : memref<2x8x128x32xf32, #tpu.memory_space<vmem>>, vector<16xf32>,
        %mul3A_2710 = vector.broadcast %squeeze3A_2700 : f32 to vector<16xf32>
        %mul3A_2711 = arith.mulf %mul3A_2710, %get3A_2709 : vector<16xf32>
        %add3A_2712 = arith.addf %add3A_2686, %mul3A_2711 : vector<16xf32>
        %add3A_2713 = arith.constant 0 : i32
        %add3A_2714 = arith.addi %mul3A_2588, %add3A_2713 : i32
        %add3A_2715 = arith.constant 4 : i32
        %add3A_2716 = arith.addi %add3A_2714, %add3A_2715 : i32
        %get3A_2717 = arith.index_cast %sub3A_2516 : i32 to index
        %get3A_2718 = arith.index_cast %select_n3A : i32 to index
        %get3A_2719 = arith.index_cast %add3A_2716 : i32 to index
        %get3A_2720 = arith.constant 12 : index
        %get3A_2721 = tpu.vector_load %arg10[%get3A_2717, %get3A_2718, %get3A_2719, %get3A_2720] {strides = array<i32>} : memref<2x8x128x32xf32, #tpu.memory_space<vmem>>, vector<16xf32>,
        %mul3A_2722 = vector.broadcast %squeeze3A_2700 : f32 to vector<16xf32>
        %mul3A_2723 = arith.mulf %mul3A_2722, %get3A_2721 : vector<16xf32>
        %add3A_2724 = arith.addf %add3A_2698, %mul3A_2723 : vector<16xf32>
        %slice3A_2725 = vector.extract_strided_slice %gather3A_2597 {offsets = [5], sizes = [1], strides = [1]} : vector<16xf32> to vector<1xf32>
        %squeeze3A_2726 = vector.extract %slice3A_2725[0] : f32 from vector<1xf32>
        %add3A_2727 = arith.constant 0 : i32
        %add3A_2728 = arith.addi %mul3A_2588, %add3A_2727 : i32
        %add3A_2729 = arith.constant 5 : i32
        %add3A_2730 = arith.addi %add3A_2728, %add3A_2729 : i32
        %get3A_2731 = arith.index_cast %sub3A_2516 : i32 to index
        %get3A_2732 = arith.index_cast %select_n3A : i32 to index
        %get3A_2733 = arith.index_cast %add3A_2730 : i32 to index
        %get3A_2734 = arith.constant 0 : index
        %get3A_2735 = tpu.vector_load %arg10[%get3A_2731, %get3A_2732, %get3A_2733, %get3A_2734] {strides = array<i32>} : memref<2x8x128x32xf32, #tpu.memory_space<vmem>>, vector<16xf32>,
        %mul3A_2736 = vector.broadcast %squeeze3A_2726 : f32 to vector<16xf32>
        %mul3A_2737 = arith.mulf %mul3A_2736, %get3A_2735 : vector<16xf32>
        %add3A_2738 = arith.addf %add3A_2712, %mul3A_2737 : vector<16xf32>
        %add3A_2739 = arith.constant 0 : i32
        %add3A_2740 = arith.addi %mul3A_2588, %add3A_2739 : i32
        %add3A_2741 = arith.constant 5 : i32
        %add3A_2742 = arith.addi %add3A_2740, %add3A_2741 : i32
        %get3A_2743 = arith.index_cast %sub3A_2516 : i32 to index
        %get3A_2744 = arith.index_cast %select_n3A : i32 to index
        %get3A_2745 = arith.index_cast %add3A_2742 : i32 to index
        %get3A_2746 = arith.constant 12 : index
        %get3A_2747 = tpu.vector_load %arg10[%get3A_2743, %get3A_2744, %get3A_2745, %get3A_2746] {strides = array<i32>} : memref<2x8x128x32xf32, #tpu.memory_space<vmem>>, vector<16xf32>,
        %mul3A_2748 = vector.broadcast %squeeze3A_2726 : f32 to vector<16xf32>
        %mul3A_2749 = arith.mulf %mul3A_2748, %get3A_2747 : vector<16xf32>
        %add3A_2750 = arith.addf %add3A_2724, %mul3A_2749 : vector<16xf32>
        %slice3A_2751 = vector.extract_strided_slice %gather3A_2597 {offsets = [6], sizes = [1], strides = [1]} : vector<16xf32> to vector<1xf32>
        %squeeze3A_2752 = vector.extract %slice3A_2751[0] : f32 from vector<1xf32>
        %add3A_2753 = arith.constant 0 : i32
        %add3A_2754 = arith.addi %mul3A_2588, %add3A_2753 : i32
        %add3A_2755 = arith.constant 6 : i32
        %add3A_2756 = arith.addi %add3A_2754, %add3A_2755 : i32
        %get3A_2757 = arith.index_cast %sub3A_2516 : i32 to index
        %get3A_2758 = arith.index_cast %select_n3A : i32 to index
        %get3A_2759 = arith.index_cast %add3A_2756 : i32 to index
        %get3A_2760 = arith.constant 0 : index
        %get3A_2761 = tpu.vector_load %arg10[%get3A_2757, %get3A_2758, %get3A_2759, %get3A_2760] {strides = array<i32>} : memref<2x8x128x32xf32, #tpu.memory_space<vmem>>, vector<16xf32>,
        %mul3A_2762 = vector.broadcast %squeeze3A_2752 : f32 to vector<16xf32>
        %mul3A_2763 = arith.mulf %mul3A_2762, %get3A_2761 : vector<16xf32>
        %add3A_2764 = arith.addf %add3A_2738, %mul3A_2763 : vector<16xf32>
        %add3A_2765 = arith.constant 0 : i32
        %add3A_2766 = arith.addi %mul3A_2588, %add3A_2765 : i32
        %add3A_2767 = arith.constant 6 : i32
        %add3A_2768 = arith.addi %add3A_2766, %add3A_2767 : i32
        %get3A_2769 = arith.index_cast %sub3A_2516 : i32 to index
        %get3A_2770 = arith.index_cast %select_n3A : i32 to index
        %get3A_2771 = arith.index_cast %add3A_2768 : i32 to index
        %get3A_2772 = arith.constant 12 : index
        %get3A_2773 = tpu.vector_load %arg10[%get3A_2769, %get3A_2770, %get3A_2771, %get3A_2772] {strides = array<i32>} : memref<2x8x128x32xf32, #tpu.memory_space<vmem>>, vector<16xf32>,
        %mul3A_2774 = vector.broadcast %squeeze3A_2752 : f32 to vector<16xf32>
        %mul3A_2775 = arith.mulf %mul3A_2774, %get3A_2773 : vector<16xf32>
        %add3A_2776 = arith.addf %add3A_2750, %mul3A_2775 : vector<16xf32>
        %slice3A_2777 = vector.extract_strided_slice %gather3A_2597 {offsets = [7], sizes = [1], strides = [1]} : vector<16xf32> to vector<1xf32>
        %squeeze3A_2778 = vector.extract %slice3A_2777[0] : f32 from vector<1xf32>
        %add3A_2779 = arith.constant 0 : i32
        %add3A_2780 = arith.addi %mul3A_2588, %add3A_2779 : i32
        %add3A_2781 = arith.constant 7 : i32
        %add3A_2782 = arith.addi %add3A_2780, %add3A_2781 : i32
        %get3A_2783 = arith.index_cast %sub3A_2516 : i32 to index
        %get3A_2784 = arith.index_cast %select_n3A : i32 to index
        %get3A_2785 = arith.index_cast %add3A_2782 : i32 to index
        %get3A_2786 = arith.constant 0 : index
        %get3A_2787 = tpu.vector_load %arg10[%get3A_2783, %get3A_2784, %get3A_2785, %get3A_2786] {strides = array<i32>} : memref<2x8x128x32xf32, #tpu.memory_space<vmem>>, vector<16xf32>,
        %mul3A_2788 = vector.broadcast %squeeze3A_2778 : f32 to vector<16xf32>
        %mul3A_2789 = arith.mulf %mul3A_2788, %get3A_2787 : vector<16xf32>
        %add3A_2790 = arith.addf %add3A_2764, %mul3A_2789 : vector<16xf32>
        %add3A_2791 = arith.constant 0 : i32
        %add3A_2792 = arith.addi %mul3A_2588, %add3A_2791 : i32
        %add3A_2793 = arith.constant 7 : i32
        %add3A_2794 = arith.addi %add3A_2792, %add3A_2793 : i32
        %get3A_2795 = arith.index_cast %sub3A_2516 : i32 to index
        %get3A_2796 = arith.index_cast %select_n3A : i32 to index
        %get3A_2797 = arith.index_cast %add3A_2794 : i32 to index
        %get3A_2798 = arith.constant 12 : index
        %get3A_2799 = tpu.vector_load %arg10[%get3A_2795, %get3A_2796, %get3A_2797, %get3A_2798] {strides = array<i32>} : memref<2x8x128x32xf32, #tpu.memory_space<vmem>>, vector<16xf32>,
        %mul3A_2800 = vector.broadcast %squeeze3A_2778 : f32 to vector<16xf32>
        %mul3A_2801 = arith.mulf %mul3A_2800, %get3A_2799 : vector<16xf32>
        %add3A_2802 = arith.addf %add3A_2776, %mul3A_2801 : vector<16xf32>
        %swap3A_2803 = arith.index_cast %mul3A_2599 : i32 to index
        %swap3A_2804 = arith.constant 0 : index
        %swap3A_2805 = tpu.vector_load %arg12[%swap3A_2803, %swap3A_2804] {strides = array<i32>} : memref<128x28xf32, #tpu.memory_space<vmem>>, vector<16xf32>,
        tpu.vector_store %arg12[%swap3A_2803, %swap3A_2804], %add3A_2790 {strides = array<i32>} : memref<128x28xf32, #tpu.memory_space<vmem>>, vector<16xf32>,
        %swap3A_2806 = arith.index_cast %mul3A_2599 : i32 to index
        %swap3A_2807 = arith.constant 12 : index
        %swap3A_2808 = tpu.vector_load %arg12[%swap3A_2806, %swap3A_2807] {strides = array<i32>} : memref<128x28xf32, #tpu.memory_space<vmem>>, vector<16xf32>,
        tpu.vector_store %arg12[%swap3A_2806, %swap3A_2807], %add3A_2802 {strides = array<i32>} : memref<128x28xf32, #tpu.memory_space<vmem>>, vector<16xf32>,
        %slice3A_2809 = vector.extract_strided_slice %gather3A_2597 {offsets = [8], sizes = [1], strides = [1]} : vector<16xf32> to vector<1xf32>
        %squeeze3A_2810 = vector.extract %slice3A_2809[0] : f32 from vector<1xf32>
        %add3A_2811 = arith.constant 8 : i32
        %add3A_2812 = arith.addi %mul3A_2588, %add3A_2811 : i32
        %get3A_2813 = arith.index_cast %sub3A_2516 : i32 to index
        %get3A_2814 = arith.index_cast %select_n3A : i32 to index
        %get3A_2815 = arith.index_cast %add3A_2812 : i32 to index
        %get3A_2816 = arith.constant 0 : index
        %get3A_2817 = tpu.vector_load %arg10[%get3A_2813, %get3A_2814, %get3A_2815, %get3A_2816] {strides = array<i32>} : memref<2x8x128x32xf32, #tpu.memory_space<vmem>>, vector<16xf32>,
        %mul3A_2818 = vector.broadcast %squeeze3A_2810 : f32 to vector<16xf32>
        %mul3A_2819 = arith.mulf %mul3A_2818, %get3A_2817 : vector<16xf32>
        %add3A_2820 = arith.constant 8 : i32
        %add3A_2821 = arith.addi %mul3A_2588, %add3A_2820 : i32
        %get3A_2822 = arith.index_cast %sub3A_2516 : i32 to index
        %get3A_2823 = arith.index_cast %select_n3A : i32 to index
        %get3A_2824 = arith.index_cast %add3A_2821 : i32 to index
        %get3A_2825 = arith.constant 12 : index
        %get3A_2826 = tpu.vector_load %arg10[%get3A_2822, %get3A_2823, %get3A_2824, %get3A_2825] {strides = array<i32>} : memref<2x8x128x32xf32, #tpu.memory_space<vmem>>, vector<16xf32>,
        %mul3A_2827 = vector.broadcast %squeeze3A_2810 : f32 to vector<16xf32>
        %mul3A_2828 = arith.mulf %mul3A_2827, %get3A_2826 : vector<16xf32>
        %slice3A_2829 = vector.extract_strided_slice %gather3A_2597 {offsets = [9], sizes = [1], strides = [1]} : vector<16xf32> to vector<1xf32>
        %squeeze3A_2830 = vector.extract %slice3A_2829[0] : f32 from vector<1xf32>
        %add3A_2831 = arith.constant 8 : i32
        %add3A_2832 = arith.addi %mul3A_2588, %add3A_2831 : i32
        %add3A_2833 = arith.constant 1 : i32
        %add3A_2834 = arith.addi %add3A_2832, %add3A_2833 : i32
        %get3A_2835 = arith.index_cast %sub3A_2516 : i32 to index
        %get3A_2836 = arith.index_cast %select_n3A : i32 to index
        %get3A_2837 = arith.index_cast %add3A_2834 : i32 to index
        %get3A_2838 = arith.constant 0 : index
        %get3A_2839 = tpu.vector_load %arg10[%get3A_2835, %get3A_2836, %get3A_2837, %get3A_2838] {strides = array<i32>} : memref<2x8x128x32xf32, #tpu.memory_space<vmem>>, vector<16xf32>,
        %mul3A_2840 = vector.broadcast %squeeze3A_2830 : f32 to vector<16xf32>
        %mul3A_2841 = arith.mulf %mul3A_2840, %get3A_2839 : vector<16xf32>
        %add3A_2842 = arith.addf %mul3A_2819, %mul3A_2841 : vector<16xf32>
        %add3A_2843 = arith.constant 8 : i32
        %add3A_2844 = arith.addi %mul3A_2588, %add3A_2843 : i32
        %add3A_2845 = arith.constant 1 : i32
        %add3A_2846 = arith.addi %add3A_2844, %add3A_2845 : i32
        %get3A_2847 = arith.index_cast %sub3A_2516 : i32 to index
        %get3A_2848 = arith.index_cast %select_n3A : i32 to index
        %get3A_2849 = arith.index_cast %add3A_2846 : i32 to index
        %get3A_2850 = arith.constant 12 : index
        %get3A_2851 = tpu.vector_load %arg10[%get3A_2847, %get3A_2848, %get3A_2849, %get3A_2850] {strides = array<i32>} : memref<2x8x128x32xf32, #tpu.memory_space<vmem>>, vector<16xf32>,
        %mul3A_2852 = vector.broadcast %squeeze3A_2830 : f32 to vector<16xf32>
        %mul3A_2853 = arith.mulf %mul3A_2852, %get3A_2851 : vector<16xf32>
        %add3A_2854 = arith.addf %mul3A_2828, %mul3A_2853 : vector<16xf32>
        %slice3A_2855 = vector.extract_strided_slice %gather3A_2597 {offsets = [10], sizes = [1], strides = [1]} : vector<16xf32> to vector<1xf32>
        %squeeze3A_2856 = vector.extract %slice3A_2855[0] : f32 from vector<1xf32>
        %add3A_2857 = arith.constant 8 : i32
        %add3A_2858 = arith.addi %mul3A_2588, %add3A_2857 : i32
        %add3A_2859 = arith.constant 2 : i32
        %add3A_2860 = arith.addi %add3A_2858, %add3A_2859 : i32
        %get3A_2861 = arith.index_cast %sub3A_2516 : i32 to index
        %get3A_2862 = arith.index_cast %select_n3A : i32 to index
        %get3A_2863 = arith.index_cast %add3A_2860 : i32 to index
        %get3A_2864 = arith.constant 0 : index
        %get3A_2865 = tpu.vector_load %arg10[%get3A_2861, %get3A_2862, %get3A_2863, %get3A_2864] {strides = array<i32>} : memref<2x8x128x32xf32, #tpu.memory_space<vmem>>, vector<16xf32>,
        %mul3A_2866 = vector.broadcast %squeeze3A_2856 : f32 to vector<16xf32>
        %mul3A_2867 = arith.mulf %mul3A_2866, %get3A_2865 : vector<16xf32>
        %add3A_2868 = arith.addf %add3A_2842, %mul3A_2867 : vector<16xf32>
        %add3A_2869 = arith.constant 8 : i32
        %add3A_2870 = arith.addi %mul3A_2588, %add3A_2869 : i32
        %add3A_2871 = arith.constant 2 : i32
        %add3A_2872 = arith.addi %add3A_2870, %add3A_2871 : i32
        %get3A_2873 = arith.index_cast %sub3A_2516 : i32 to index
        %get3A_2874 = arith.index_cast %select_n3A : i32 to index
        %get3A_2875 = arith.index_cast %add3A_2872 : i32 to index
        %get3A_2876 = arith.constant 12 : index
        %get3A_2877 = tpu.vector_load %arg10[%get3A_2873, %get3A_2874, %get3A_2875, %get3A_2876] {strides = array<i32>} : memref<2x8x128x32xf32, #tpu.memory_space<vmem>>, vector<16xf32>,
        %mul3A_2878 = vector.broadcast %squeeze3A_2856 : f32 to vector<16xf32>
        %mul3A_2879 = arith.mulf %mul3A_2878, %get3A_2877 : vector<16xf32>
        %add3A_2880 = arith.addf %add3A_2854, %mul3A_2879 : vector<16xf32>
        %slice3A_2881 = vector.extract_strided_slice %gather3A_2597 {offsets = [11], sizes = [1], strides = [1]} : vector<16xf32> to vector<1xf32>
        %squeeze3A_2882 = vector.extract %slice3A_2881[0] : f32 from vector<1xf32>
        %add3A_2883 = arith.constant 8 : i32
        %add3A_2884 = arith.addi %mul3A_2588, %add3A_2883 : i32
        %add3A_2885 = arith.constant 3 : i32
        %add3A_2886 = arith.addi %add3A_2884, %add3A_2885 : i32
        %get3A_2887 = arith.index_cast %sub3A_2516 : i32 to index
        %get3A_2888 = arith.index_cast %select_n3A : i32 to index
        %get3A_2889 = arith.index_cast %add3A_2886 : i32 to index
        %get3A_2890 = arith.constant 0 : index
        %get3A_2891 = tpu.vector_load %arg10[%get3A_2887, %get3A_2888, %get3A_2889, %get3A_2890] {strides = array<i32>} : memref<2x8x128x32xf32, #tpu.memory_space<vmem>>, vector<16xf32>,
        %mul3A_2892 = vector.broadcast %squeeze3A_2882 : f32 to vector<16xf32>
        %mul3A_2893 = arith.mulf %mul3A_2892, %get3A_2891 : vector<16xf32>
        %add3A_2894 = arith.addf %add3A_2868, %mul3A_2893 : vector<16xf32>
        %add3A_2895 = arith.constant 8 : i32
        %add3A_2896 = arith.addi %mul3A_2588, %add3A_2895 : i32
        %add3A_2897 = arith.constant 3 : i32
        %add3A_2898 = arith.addi %add3A_2896, %add3A_2897 : i32
        %get3A_2899 = arith.index_cast %sub3A_2516 : i32 to index
        %get3A_2900 = arith.index_cast %select_n3A : i32 to index
        %get3A_2901 = arith.index_cast %add3A_2898 : i32 to index
        %get3A_2902 = arith.constant 12 : index
        %get3A_2903 = tpu.vector_load %arg10[%get3A_2899, %get3A_2900, %get3A_2901, %get3A_2902] {strides = array<i32>} : memref<2x8x128x32xf32, #tpu.memory_space<vmem>>, vector<16xf32>,
        %mul3A_2904 = vector.broadcast %squeeze3A_2882 : f32 to vector<16xf32>
        %mul3A_2905 = arith.mulf %mul3A_2904, %get3A_2903 : vector<16xf32>
        %add3A_2906 = arith.addf %add3A_2880, %mul3A_2905 : vector<16xf32>
        %slice3A_2907 = vector.extract_strided_slice %gather3A_2597 {offsets = [12], sizes = [1], strides = [1]} : vector<16xf32> to vector<1xf32>
        %squeeze3A_2908 = vector.extract %slice3A_2907[0] : f32 from vector<1xf32>
        %add3A_2909 = arith.constant 8 : i32
        %add3A_2910 = arith.addi %mul3A_2588, %add3A_2909 : i32
        %add3A_2911 = arith.constant 4 : i32
        %add3A_2912 = arith.addi %add3A_2910, %add3A_2911 : i32
        %get3A_2913 = arith.index_cast %sub3A_2516 : i32 to index
        %get3A_2914 = arith.index_cast %select_n3A : i32 to index
        %get3A_2915 = arith.index_cast %add3A_2912 : i32 to index
        %get3A_2916 = arith.constant 0 : index
        %get3A_2917 = tpu.vector_load %arg10[%get3A_2913, %get3A_2914, %get3A_2915, %get3A_2916] {strides = array<i32>} : memref<2x8x128x32xf32, #tpu.memory_space<vmem>>, vector<16xf32>,
        %mul3A_2918 = vector.broadcast %squeeze3A_2908 : f32 to vector<16xf32>
        %mul3A_2919 = arith.mulf %mul3A_2918, %get3A_2917 : vector<16xf32>
        %add3A_2920 = arith.addf %add3A_2894, %mul3A_2919 : vector<16xf32>
        %add3A_2921 = arith.constant 8 : i32
        %add3A_2922 = arith.addi %mul3A_2588, %add3A_2921 : i32
        %add3A_2923 = arith.constant 4 : i32
        %add3A_2924 = arith.addi %add3A_2922, %add3A_2923 : i32
        %get3A_2925 = arith.index_cast %sub3A_2516 : i32 to index
        %get3A_2926 = arith.index_cast %select_n3A : i32 to index
        %get3A_2927 = arith.index_cast %add3A_2924 : i32 to index
        %get3A_2928 = arith.constant 12 : index
        %get3A_2929 = tpu.vector_load %arg10[%get3A_2925, %get3A_2926, %get3A_2927, %get3A_2928] {strides = array<i32>} : memref<2x8x128x32xf32, #tpu.memory_space<vmem>>, vector<16xf32>,
        %mul3A_2930 = vector.broadcast %squeeze3A_2908 : f32 to vector<16xf32>
        %mul3A_2931 = arith.mulf %mul3A_2930, %get3A_2929 : vector<16xf32>
        %add3A_2932 = arith.addf %add3A_2906, %mul3A_2931 : vector<16xf32>
        %slice3A_2933 = vector.extract_strided_slice %gather3A_2597 {offsets = [13], sizes = [1], strides = [1]} : vector<16xf32> to vector<1xf32>
        %squeeze3A_2934 = vector.extract %slice3A_2933[0] : f32 from vector<1xf32>
        %add3A_2935 = arith.constant 8 : i32
        %add3A_2936 = arith.addi %mul3A_2588, %add3A_2935 : i32
        %add3A_2937 = arith.constant 5 : i32
        %add3A_2938 = arith.addi %add3A_2936, %add3A_2937 : i32
        %get3A_2939 = arith.index_cast %sub3A_2516 : i32 to index
        %get3A_2940 = arith.index_cast %select_n3A : i32 to index
        %get3A_2941 = arith.index_cast %add3A_2938 : i32 to index
        %get3A_2942 = arith.constant 0 : index
        %get3A_2943 = tpu.vector_load %arg10[%get3A_2939, %get3A_2940, %get3A_2941, %get3A_2942] {strides = array<i32>} : memref<2x8x128x32xf32, #tpu.memory_space<vmem>>, vector<16xf32>,
        %mul3A_2944 = vector.broadcast %squeeze3A_2934 : f32 to vector<16xf32>
        %mul3A_2945 = arith.mulf %mul3A_2944, %get3A_2943 : vector<16xf32>
        %add3A_2946 = arith.addf %add3A_2920, %mul3A_2945 : vector<16xf32>
        %add3A_2947 = arith.constant 8 : i32
        %add3A_2948 = arith.addi %mul3A_2588, %add3A_2947 : i32
        %add3A_2949 = arith.constant 5 : i32
        %add3A_2950 = arith.addi %add3A_2948, %add3A_2949 : i32
        %get3A_2951 = arith.index_cast %sub3A_2516 : i32 to index
        %get3A_2952 = arith.index_cast %select_n3A : i32 to index
        %get3A_2953 = arith.index_cast %add3A_2950 : i32 to index
        %get3A_2954 = arith.constant 12 : index
        %get3A_2955 = tpu.vector_load %arg10[%get3A_2951, %get3A_2952, %get3A_2953, %get3A_2954] {strides = array<i32>} : memref<2x8x128x32xf32, #tpu.memory_space<vmem>>, vector<16xf32>,
        %mul3A_2956 = vector.broadcast %squeeze3A_2934 : f32 to vector<16xf32>
        %mul3A_2957 = arith.mulf %mul3A_2956, %get3A_2955 : vector<16xf32>
        %add3A_2958 = arith.addf %add3A_2932, %mul3A_2957 : vector<16xf32>
        %slice3A_2959 = vector.extract_strided_slice %gather3A_2597 {offsets = [14], sizes = [1], strides = [1]} : vector<16xf32> to vector<1xf32>
        %squeeze3A_2960 = vector.extract %slice3A_2959[0] : f32 from vector<1xf32>
        %add3A_2961 = arith.constant 8 : i32
        %add3A_2962 = arith.addi %mul3A_2588, %add3A_2961 : i32
        %add3A_2963 = arith.constant 6 : i32
        %add3A_2964 = arith.addi %add3A_2962, %add3A_2963 : i32
        %get3A_2965 = arith.index_cast %sub3A_2516 : i32 to index
        %get3A_2966 = arith.index_cast %select_n3A : i32 to index
        %get3A_2967 = arith.index_cast %add3A_2964 : i32 to index
        %get3A_2968 = arith.constant 0 : index
        %get3A_2969 = tpu.vector_load %arg10[%get3A_2965, %get3A_2966, %get3A_2967, %get3A_2968] {strides = array<i32>} : memref<2x8x128x32xf32, #tpu.memory_space<vmem>>, vector<16xf32>,
        %mul3A_2970 = vector.broadcast %squeeze3A_2960 : f32 to vector<16xf32>
        %mul3A_2971 = arith.mulf %mul3A_2970, %get3A_2969 : vector<16xf32>
        %add3A_2972 = arith.addf %add3A_2946, %mul3A_2971 : vector<16xf32>
        %add3A_2973 = arith.constant 8 : i32
        %add3A_2974 = arith.addi %mul3A_2588, %add3A_2973 : i32
        %add3A_2975 = arith.constant 6 : i32
        %add3A_2976 = arith.addi %add3A_2974, %add3A_2975 : i32
        %get3A_2977 = arith.index_cast %sub3A_2516 : i32 to index
        %get3A_2978 = arith.index_cast %select_n3A : i32 to index
        %get3A_2979 = arith.index_cast %add3A_2976 : i32 to index
        %get3A_2980 = arith.constant 12 : index
        %get3A_2981 = tpu.vector_load %arg10[%get3A_2977, %get3A_2978, %get3A_2979, %get3A_2980] {strides = array<i32>} : memref<2x8x128x32xf32, #tpu.memory_space<vmem>>, vector<16xf32>,
        %mul3A_2982 = vector.broadcast %squeeze3A_2960 : f32 to vector<16xf32>
        %mul3A_2983 = arith.mulf %mul3A_2982, %get3A_2981 : vector<16xf32>
        %add3A_2984 = arith.addf %add3A_2958, %mul3A_2983 : vector<16xf32>
        %slice3A_2985 = vector.extract_strided_slice %gather3A_2597 {offsets = [15], sizes = [1], strides = [1]} : vector<16xf32> to vector<1xf32>
        %squeeze3A_2986 = vector.extract %slice3A_2985[0] : f32 from vector<1xf32>
        %add3A_2987 = arith.constant 8 : i32
        %add3A_2988 = arith.addi %mul3A_2588, %add3A_2987 : i32
        %add3A_2989 = arith.constant 7 : i32
        %add3A_2990 = arith.addi %add3A_2988, %add3A_2989 : i32
        %get3A_2991 = arith.index_cast %sub3A_2516 : i32 to index
        %get3A_2992 = arith.index_cast %select_n3A : i32 to index
        %get3A_2993 = arith.index_cast %add3A_2990 : i32 to index
        %get3A_2994 = arith.constant 0 : index
        %get3A_2995 = tpu.vector_load %arg10[%get3A_2991, %get3A_2992, %get3A_2993, %get3A_2994] {strides = array<i32>} : memref<2x8x128x32xf32, #tpu.memory_space<vmem>>, vector<16xf32>,
        %mul3A_2996 = vector.broadcast %squeeze3A_2986 : f32 to vector<16xf32>
        %mul3A_2997 = arith.mulf %mul3A_2996, %get3A_2995 : vector<16xf32>
        %add3A_2998 = arith.addf %add3A_2972, %mul3A_2997 : vector<16xf32>
        %add3A_2999 = arith.constant 8 : i32
        %add3A_3000 = arith.addi %mul3A_2588, %add3A_2999 : i32
        %add3A_3001 = arith.constant 7 : i32
        %add3A_3002 = arith.addi %add3A_3000, %add3A_3001 : i32
        %get3A_3003 = arith.index_cast %sub3A_2516 : i32 to index
        %get3A_3004 = arith.index_cast %select_n3A : i32 to index
        %get3A_3005 = arith.index_cast %add3A_3002 : i32 to index
        %get3A_3006 = arith.constant 12 : index
        %get3A_3007 = tpu.vector_load %arg10[%get3A_3003, %get3A_3004, %get3A_3005, %get3A_3006] {strides = array<i32>} : memref<2x8x128x32xf32, #tpu.memory_space<vmem>>, vector<16xf32>,
        %mul3A_3008 = vector.broadcast %squeeze3A_2986 : f32 to vector<16xf32>
        %mul3A_3009 = arith.mulf %mul3A_3008, %get3A_3007 : vector<16xf32>
        %add3A_3010 = arith.addf %add3A_2984, %mul3A_3009 : vector<16xf32>
        %swap3A_3011 = arith.index_cast %add3A_2603 : i32 to index
        %swap3A_3012 = arith.constant 0 : index
        %swap3A_3013 = tpu.vector_load %arg12[%swap3A_3011, %swap3A_3012] {strides = array<i32>} : memref<128x28xf32, #tpu.memory_space<vmem>>, vector<16xf32>,
        tpu.vector_store %arg12[%swap3A_3011, %swap3A_3012], %add3A_2998 {strides = array<i32>} : memref<128x28xf32, #tpu.memory_space<vmem>>, vector<16xf32>,
        %swap3A_3014 = arith.index_cast %add3A_2603 : i32 to index
        %swap3A_3015 = arith.constant 12 : index
        %swap3A_3016 = tpu.vector_load %arg12[%swap3A_3014, %swap3A_3015] {strides = array<i32>} : memref<128x28xf32, #tpu.memory_space<vmem>>, vector<16xf32>,
        tpu.vector_store %arg12[%swap3A_3014, %swap3A_3015], %add3A_3010 {strides = array<i32>} : memref<128x28xf32, #tpu.memory_space<vmem>>, vector<16xf32>,
        %scan3A_3017 = arith.constant 0 : i32
        scf.yield %scan3A_3017 : i32
      }
      %scan3A_2523 = arith.constant 64 : i32
      %min3A_2524 = arith.constant 63 : i32
      %min3A_2525 = arith.minsi %sub3A_2514, %min3A_2524 : i32
      %mul3A_2526 = arith.constant 128 : i32
      %mul3A_2527 = arith.muli %min3A_2525, %mul3A_2526 : i32
      %add3A_2528 = arith.addi %mul3A_2, %mul3A_2527 : i32
      %multiple_of3A_2529 = tpu.assume_multiple %add3A_2528, 128 : i32
      "tpu.region"() ({
        %run_scoped3A_2553 = tpu.sem_alloc : memref<!tpu.dma_semaphore, #tpu.memory_space<semaphore_mem>>
        %dma_start3A_2554 = arith.constant 0 : i32
        %dma_start3A_2555 = tpu.memref_slice %arg6[%multiple_of3A_2529, %dma_start3A_2554] : memref<262144x28xf32, #tpu.memory_space<hbm>> -> memref<128x28xf32, #tpu.memory_space<hbm>>
        %dma_start3A_2556 = arith.constant 0 : i32
        %dma_start3A_2557 = tpu.memref_slice %arg6[%multiple_of3A_2529, %dma_start3A_2556] : memref<262144x28xf32, #tpu.memory_space<hbm>> -> memref<128x28xf32, #tpu.memory_space<hbm>>
        tpu.enqueue_dma source(%arg12 : memref<128x28xf32, #tpu.memory_space<vmem>>) target(%dma_start3A_2557 : memref<128x28xf32, #tpu.memory_space<hbm>>) target_semaphore(%run_scoped3A_2553 : memref<!tpu.dma_semaphore, #tpu.memory_space<semaphore_mem>>)
        %dma_wait3A_2558 = arith.constant 0 : i32
        %dma_wait3A_2559 = tpu.memref_slice %arg6[%multiple_of3A_2529, %dma_wait3A_2558] : memref<262144x28xf32, #tpu.memory_space<hbm>> -> memref<128x28xf32, #tpu.memory_space<hbm>>
        %dma_wait3A_2560 = arith.constant 0 : i32
        %dma_wait3A_2561 = tpu.memref_slice %arg6[%multiple_of3A_2529, %dma_wait3A_2560] : memref<262144x28xf32, #tpu.memory_space<hbm>> -> memref<128x28xf32, #tpu.memory_space<hbm>>
        tpu.wait_dma2 semaphore(%run_scoped3A_2553 : memref<!tpu.dma_semaphore, #tpu.memory_space<semaphore_mem>>) src(%arg12 : memref<128x28xf32, #tpu.memory_space<vmem>>) dst(%dma_wait3A_2561 : memref<128x28xf32, #tpu.memory_space<hbm>>)
        tpu.yield
      }) : () -> ()
      %add3A_2530 = arith.constant 1 : i32
      %add3A_2531 = arith.addi %scan3A_1404, %add3A_2530 : i32
      %sub3A_2532 = arith.constant 1 : i32
      %sub3A_2533 = arith.subi %sub3A_2532, %and3A_1407 : i32
      %min3A_2534 = arith.constant 63 : i32
      %min3A_2535 = arith.minsi %add3A_2531, %min3A_2534 : i32
      %mul3A_2536 = arith.constant 128 : i32
      %mul3A_2537 = arith.muli %min3A_2535, %mul3A_2536 : i32
      %add3A_2538 = arith.addi %mul3A_2, %mul3A_2537 : i32
      %multiple_of3A_2539 = tpu.assume_multiple %add3A_2538, 128 : i32
      %dma_start3A_2540 = arith.constant 0 : i32
      %dma_start3A_2541 = arith.constant 0 : i32
      %dma_start3A_2542 = tpu.memref_slice %arg11[%sub3A_2533, %dma_start3A_2540, %dma_start3A_2541] : memref<2x128x8xf32, #tpu.memory_space<vmem>> -> memref<1x128x8xf32, #tpu.memory_space<vmem>>
      %dma_start3A_2543 = tpu.memref_squeeze %dma_start3A_2542 : memref<1x128x8xf32, #tpu.memory_space<vmem>> -> memref<128x8xf32, #tpu.memory_space<vmem>>
      %dma_start3A_2544 = arith.constant 0 : i32
      %dma_start3A_2545 = tpu.memref_slice %arg5[%multiple_of3A_2539, %dma_start3A_2544] : memref<262144x8xf32, #tpu.memory_space<hbm>> -> memref<128x8xf32, #tpu.memory_space<hbm>>
      %dma_start3A_2546 = arith.constant 0 : i32
      %dma_start3A_2547 = arith.constant 0 : i32
      %dma_start3A_2548 = tpu.memref_slice %arg11[%sub3A_2533, %dma_start3A_2546, %dma_start3A_2547] : memref<2x128x8xf32, #tpu.memory_space<vmem>> -> memref<1x128x8xf32, #tpu.memory_space<vmem>>
      %dma_start3A_2549 = tpu.memref_squeeze %dma_start3A_2548 : memref<1x128x8xf32, #tpu.memory_space<vmem>> -> memref<128x8xf32, #tpu.memory_space<vmem>>
      %dma_start3A_2550 = arith.constant 0 : i32
      %dma_start3A_2551 = tpu.memref_slice %arg5[%multiple_of3A_2539, %dma_start3A_2550] : memref<262144x8xf32, #tpu.memory_space<hbm>> -> memref<128x8xf32, #tpu.memory_space<hbm>>
      tpu.enqueue_dma source(%dma_start3A_2551 : memref<128x8xf32, #tpu.memory_space<hbm>>) target(%dma_start3A_2549 : memref<128x8xf32, #tpu.memory_space<vmem>>) target_semaphore(%arg16 : memref<!tpu.dma_semaphore, #tpu.memory_space<semaphore_mem>>)
      %scan3A_2552 = arith.constant 0 : i32
      scf.yield %scan3A_2552 : i32
    }
    %scan3A_1209 = arith.constant 63 : i32
    %dma_wait3A_1210 = arith.constant 1 : i32
    %dma_wait3A_1211 = arith.constant 0 : i32
    %dma_wait3A_1212 = arith.constant 1 : i32
    %dma_wait3A_1213 = arith.constant 0 : i32
    %dma_wait3A_1214 = arith.constant 0 : i32
    %dma_wait3A_1215 = arith.constant 0 : i32
    %dma_wait3A_1216 = tpu.memref_slice %arg10[%dma_wait3A_1212, %dma_wait3A_1213, %dma_wait3A_1214, %dma_wait3A_1215] : memref<2x8x128x32xf32, #tpu.memory_space<vmem>> -> memref<1x1x128x32xf32, #tpu.memory_space<vmem>>
    %dma_wait3A_1217 = tpu.memref_squeeze %dma_wait3A_1216 : memref<1x1x128x32xf32, #tpu.memory_space<vmem>> -> memref<128x32xf32, #tpu.memory_space<vmem>>
    %dma_wait3A_1218 = arith.constant 0 : i32
    %dma_wait3A_1219 = tpu.memref_slice %arg9[%dma_wait3A_1210, %dma_wait3A_1211, %dma_wait3A_1218] : memref<2x8x128xi32, #tpu.memory_space<vmem>> -> memref<1x1x128xi32, #tpu.memory_space<vmem>>
    %dma_wait3A_1220 = tpu.memref_squeeze %dma_wait3A_1219 : memref<1x1x128xi32, #tpu.memory_space<vmem>> -> memref<128xi32, #tpu.memory_space<vmem>>
    %dma_wait3A_1221 = arith.constant 0 : i32
    %dma_wait3A_1222 = arith.constant 0 : i32
    %dma_wait3A_1223 = tpu.memref_slice %arg4[%dma_wait3A_1221, %dma_wait3A_1222] : memref<600000x32xf32, #tpu.memory_space<hbm>> -> memref<600000x32xf32, #tpu.memory_space<hbm>>
    tpu.wait_indirect_dma semaphore(%arg15 : memref<!tpu.dma_semaphore, #tpu.memory_space<semaphore_mem>>) src(%dma_wait3A_1223 : memref<600000x32xf32, #tpu.memory_space<hbm>>) dst(%dma_wait3A_1217 : memref<128x32xf32, #tpu.memory_space<vmem>>)
    %dma_wait3A_1224 = arith.constant 1 : i32
    %dma_wait3A_1225 = arith.constant 1 : i32
    %dma_wait3A_1226 = arith.constant 1 : i32
    %dma_wait3A_1227 = arith.constant 1 : i32
    %dma_wait3A_1228 = arith.constant 0 : i32
    %dma_wait3A_1229 = arith.constant 0 : i32
    %dma_wait3A_1230 = tpu.memref_slice %arg10[%dma_wait3A_1226, %dma_wait3A_1227, %dma_wait3A_1228, %dma_wait3A_1229] : memref<2x8x128x32xf32, #tpu.memory_space<vmem>> -> memref<1x1x128x32xf32, #tpu.memory_space<vmem>>
    %dma_wait3A_1231 = tpu.memref_squeeze %dma_wait3A_1230 : memref<1x1x128x32xf32, #tpu.memory_space<vmem>> -> memref<128x32xf32, #tpu.memory_space<vmem>>
    %dma_wait3A_1232 = arith.constant 0 : i32
    %dma_wait3A_1233 = tpu.memref_slice %arg9[%dma_wait3A_1224, %dma_wait3A_1225, %dma_wait3A_1232] : memref<2x8x128xi32, #tpu.memory_space<vmem>> -> memref<1x1x128xi32, #tpu.memory_space<vmem>>
    %dma_wait3A_1234 = tpu.memref_squeeze %dma_wait3A_1233 : memref<1x1x128xi32, #tpu.memory_space<vmem>> -> memref<128xi32, #tpu.memory_space<vmem>>
    %dma_wait3A_1235 = arith.constant 0 : i32
    %dma_wait3A_1236 = arith.constant 0 : i32
    %dma_wait3A_1237 = tpu.memref_slice %arg4[%dma_wait3A_1235, %dma_wait3A_1236] : memref<600000x32xf32, #tpu.memory_space<hbm>> -> memref<600000x32xf32, #tpu.memory_space<hbm>>
    tpu.wait_indirect_dma semaphore(%arg15 : memref<!tpu.dma_semaphore, #tpu.memory_space<semaphore_mem>>) src(%dma_wait3A_1237 : memref<600000x32xf32, #tpu.memory_space<hbm>>) dst(%dma_wait3A_1231 : memref<128x32xf32, #tpu.memory_space<vmem>>)
    %dma_wait3A_1238 = arith.constant 1 : i32
    %dma_wait3A_1239 = arith.constant 2 : i32
    %dma_wait3A_1240 = arith.constant 1 : i32
    %dma_wait3A_1241 = arith.constant 2 : i32
    %dma_wait3A_1242 = arith.constant 0 : i32
    %dma_wait3A_1243 = arith.constant 0 : i32
    %dma_wait3A_1244 = tpu.memref_slice %arg10[%dma_wait3A_1240, %dma_wait3A_1241, %dma_wait3A_1242, %dma_wait3A_1243] : memref<2x8x128x32xf32, #tpu.memory_space<vmem>> -> memref<1x1x128x32xf32, #tpu.memory_space<vmem>>
    %dma_wait3A_1245 = tpu.memref_squeeze %dma_wait3A_1244 : memref<1x1x128x32xf32, #tpu.memory_space<vmem>> -> memref<128x32xf32, #tpu.memory_space<vmem>>
    %dma_wait3A_1246 = arith.constant 0 : i32
    %dma_wait3A_1247 = tpu.memref_slice %arg9[%dma_wait3A_1238, %dma_wait3A_1239, %dma_wait3A_1246] : memref<2x8x128xi32, #tpu.memory_space<vmem>> -> memref<1x1x128xi32, #tpu.memory_space<vmem>>
    %dma_wait3A_1248 = tpu.memref_squeeze %dma_wait3A_1247 : memref<1x1x128xi32, #tpu.memory_space<vmem>> -> memref<128xi32, #tpu.memory_space<vmem>>
    %dma_wait3A_1249 = arith.constant 0 : i32
    %dma_wait3A_1250 = arith.constant 0 : i32
    %dma_wait3A_1251 = tpu.memref_slice %arg4[%dma_wait3A_1249, %dma_wait3A_1250] : memref<600000x32xf32, #tpu.memory_space<hbm>> -> memref<600000x32xf32, #tpu.memory_space<hbm>>
    tpu.wait_indirect_dma semaphore(%arg15 : memref<!tpu.dma_semaphore, #tpu.memory_space<semaphore_mem>>) src(%dma_wait3A_1251 : memref<600000x32xf32, #tpu.memory_space<hbm>>) dst(%dma_wait3A_1245 : memref<128x32xf32, #tpu.memory_space<vmem>>)
    %dma_wait3A_1252 = arith.constant 1 : i32
    %dma_wait3A_1253 = arith.constant 3 : i32
    %dma_wait3A_1254 = arith.constant 1 : i32
    %dma_wait3A_1255 = arith.constant 3 : i32
    %dma_wait3A_1256 = arith.constant 0 : i32
    %dma_wait3A_1257 = arith.constant 0 : i32
    %dma_wait3A_1258 = tpu.memref_slice %arg10[%dma_wait3A_1254, %dma_wait3A_1255, %dma_wait3A_1256, %dma_wait3A_1257] : memref<2x8x128x32xf32, #tpu.memory_space<vmem>> -> memref<1x1x128x32xf32, #tpu.memory_space<vmem>>
    %dma_wait3A_1259 = tpu.memref_squeeze %dma_wait3A_1258 : memref<1x1x128x32xf32, #tpu.memory_space<vmem>> -> memref<128x32xf32, #tpu.memory_space<vmem>>
    %dma_wait3A_1260 = arith.constant 0 : i32
    %dma_wait3A_1261 = tpu.memref_slice %arg9[%dma_wait3A_1252, %dma_wait3A_1253, %dma_wait3A_1260] : memref<2x8x128xi32, #tpu.memory_space<vmem>> -> memref<1x1x128xi32, #tpu.memory_space<vmem>>
    %dma_wait3A_1262 = tpu.memref_squeeze %dma_wait3A_1261 : memref<1x1x128xi32, #tpu.memory_space<vmem>> -> memref<128xi32, #tpu.memory_space<vmem>>
    %dma_wait3A_1263 = arith.constant 0 : i32
    %dma_wait3A_1264 = arith.constant 0 : i32
    %dma_wait3A_1265 = tpu.memref_slice %arg4[%dma_wait3A_1263, %dma_wait3A_1264] : memref<600000x32xf32, #tpu.memory_space<hbm>> -> memref<600000x32xf32, #tpu.memory_space<hbm>>
    tpu.wait_indirect_dma semaphore(%arg15 : memref<!tpu.dma_semaphore, #tpu.memory_space<semaphore_mem>>) src(%dma_wait3A_1265 : memref<600000x32xf32, #tpu.memory_space<hbm>>) dst(%dma_wait3A_1259 : memref<128x32xf32, #tpu.memory_space<vmem>>)
    %dma_wait3A_1266 = arith.constant 1 : i32
    %dma_wait3A_1267 = arith.constant 4 : i32
    %dma_wait3A_1268 = arith.constant 1 : i32
    %dma_wait3A_1269 = arith.constant 4 : i32
    %dma_wait3A_1270 = arith.constant 0 : i32
    %dma_wait3A_1271 = arith.constant 0 : i32
    %dma_wait3A_1272 = tpu.memref_slice %arg10[%dma_wait3A_1268, %dma_wait3A_1269, %dma_wait3A_1270, %dma_wait3A_1271] : memref<2x8x128x32xf32, #tpu.memory_space<vmem>> -> memref<1x1x128x32xf32, #tpu.memory_space<vmem>>
    %dma_wait3A_1273 = tpu.memref_squeeze %dma_wait3A_1272 : memref<1x1x128x32xf32, #tpu.memory_space<vmem>> -> memref<128x32xf32, #tpu.memory_space<vmem>>
    %dma_wait3A_1274 = arith.constant 0 : i32
    %dma_wait3A_1275 = tpu.memref_slice %arg9[%dma_wait3A_1266, %dma_wait3A_1267, %dma_wait3A_1274] : memref<2x8x128xi32, #tpu.memory_space<vmem>> -> memref<1x1x128xi32, #tpu.memory_space<vmem>>
    %dma_wait3A_1276 = tpu.memref_squeeze %dma_wait3A_1275 : memref<1x1x128xi32, #tpu.memory_space<vmem>> -> memref<128xi32, #tpu.memory_space<vmem>>
    %dma_wait3A_1277 = arith.constant 0 : i32
    %dma_wait3A_1278 = arith.constant 0 : i32
    %dma_wait3A_1279 = tpu.memref_slice %arg4[%dma_wait3A_1277, %dma_wait3A_1278] : memref<600000x32xf32, #tpu.memory_space<hbm>> -> memref<600000x32xf32, #tpu.memory_space<hbm>>
    tpu.wait_indirect_dma semaphore(%arg15 : memref<!tpu.dma_semaphore, #tpu.memory_space<semaphore_mem>>) src(%dma_wait3A_1279 : memref<600000x32xf32, #tpu.memory_space<hbm>>) dst(%dma_wait3A_1273 : memref<128x32xf32, #tpu.memory_space<vmem>>)
    %dma_wait3A_1280 = arith.constant 1 : i32
    %dma_wait3A_1281 = arith.constant 5 : i32
    %dma_wait3A_1282 = arith.constant 1 : i32
    %dma_wait3A_1283 = arith.constant 5 : i32
    %dma_wait3A_1284 = arith.constant 0 : i32
    %dma_wait3A_1285 = arith.constant 0 : i32
    %dma_wait3A_1286 = tpu.memref_slice %arg10[%dma_wait3A_1282, %dma_wait3A_1283, %dma_wait3A_1284, %dma_wait3A_1285] : memref<2x8x128x32xf32, #tpu.memory_space<vmem>> -> memref<1x1x128x32xf32, #tpu.memory_space<vmem>>
    %dma_wait3A_1287 = tpu.memref_squeeze %dma_wait3A_1286 : memref<1x1x128x32xf32, #tpu.memory_space<vmem>> -> memref<128x32xf32, #tpu.memory_space<vmem>>
    %dma_wait3A_1288 = arith.constant 0 : i32
    %dma_wait3A_1289 = tpu.memref_slice %arg9[%dma_wait3A_1280, %dma_wait3A_1281, %dma_wait3A_1288] : memref<2x8x128xi32, #tpu.memory_space<vmem>> -> memref<1x1x128xi32, #tpu.memory_space<vmem>>
    %dma_wait3A_1290 = tpu.memref_squeeze %dma_wait3A_1289 : memref<1x1x128xi32, #tpu.memory_space<vmem>> -> memref<128xi32, #tpu.memory_space<vmem>>
    %dma_wait3A_1291 = arith.constant 0 : i32
    %dma_wait3A_1292 = arith.constant 0 : i32
    %dma_wait3A_1293 = tpu.memref_slice %arg4[%dma_wait3A_1291, %dma_wait3A_1292] : memref<600000x32xf32, #tpu.memory_space<hbm>> -> memref<600000x32xf32, #tpu.memory_space<hbm>>
    tpu.wait_indirect_dma semaphore(%arg15 : memref<!tpu.dma_semaphore, #tpu.memory_space<semaphore_mem>>) src(%dma_wait3A_1293 : memref<600000x32xf32, #tpu.memory_space<hbm>>) dst(%dma_wait3A_1287 : memref<128x32xf32, #tpu.memory_space<vmem>>)
    %dma_wait3A_1294 = arith.constant 1 : i32
    %dma_wait3A_1295 = arith.constant 6 : i32
    %dma_wait3A_1296 = arith.constant 1 : i32
    %dma_wait3A_1297 = arith.constant 6 : i32
    %dma_wait3A_1298 = arith.constant 0 : i32
    %dma_wait3A_1299 = arith.constant 0 : i32
    %dma_wait3A_1300 = tpu.memref_slice %arg10[%dma_wait3A_1296, %dma_wait3A_1297, %dma_wait3A_1298, %dma_wait3A_1299] : memref<2x8x128x32xf32, #tpu.memory_space<vmem>> -> memref<1x1x128x32xf32, #tpu.memory_space<vmem>>
    %dma_wait3A_1301 = tpu.memref_squeeze %dma_wait3A_1300 : memref<1x1x128x32xf32, #tpu.memory_space<vmem>> -> memref<128x32xf32, #tpu.memory_space<vmem>>
    %dma_wait3A_1302 = arith.constant 0 : i32
    %dma_wait3A_1303 = tpu.memref_slice %arg9[%dma_wait3A_1294, %dma_wait3A_1295, %dma_wait3A_1302] : memref<2x8x128xi32, #tpu.memory_space<vmem>> -> memref<1x1x128xi32, #tpu.memory_space<vmem>>
    %dma_wait3A_1304 = tpu.memref_squeeze %dma_wait3A_1303 : memref<1x1x128xi32, #tpu.memory_space<vmem>> -> memref<128xi32, #tpu.memory_space<vmem>>
    %dma_wait3A_1305 = arith.constant 0 : i32
    %dma_wait3A_1306 = arith.constant 0 : i32
    %dma_wait3A_1307 = tpu.memref_slice %arg4[%dma_wait3A_1305, %dma_wait3A_1306] : memref<600000x32xf32, #tpu.memory_space<hbm>> -> memref<600000x32xf32, #tpu.memory_space<hbm>>
    tpu.wait_indirect_dma semaphore(%arg15 : memref<!tpu.dma_semaphore, #tpu.memory_space<semaphore_mem>>) src(%dma_wait3A_1307 : memref<600000x32xf32, #tpu.memory_space<hbm>>) dst(%dma_wait3A_1301 : memref<128x32xf32, #tpu.memory_space<vmem>>)
    %dma_wait3A_1308 = arith.constant 1 : i32
    %dma_wait3A_1309 = arith.constant 7 : i32
    %dma_wait3A_1310 = arith.constant 1 : i32
    %dma_wait3A_1311 = arith.constant 7 : i32
    %dma_wait3A_1312 = arith.constant 0 : i32
    %dma_wait3A_1313 = arith.constant 0 : i32
    %dma_wait3A_1314 = tpu.memref_slice %arg10[%dma_wait3A_1310, %dma_wait3A_1311, %dma_wait3A_1312, %dma_wait3A_1313] : memref<2x8x128x32xf32, #tpu.memory_space<vmem>> -> memref<1x1x128x32xf32, #tpu.memory_space<vmem>>
    %dma_wait3A_1315 = tpu.memref_squeeze %dma_wait3A_1314 : memref<1x1x128x32xf32, #tpu.memory_space<vmem>> -> memref<128x32xf32, #tpu.memory_space<vmem>>
    %dma_wait3A_1316 = arith.constant 0 : i32
    %dma_wait3A_1317 = tpu.memref_slice %arg9[%dma_wait3A_1308, %dma_wait3A_1309, %dma_wait3A_1316] : memref<2x8x128xi32, #tpu.memory_space<vmem>> -> memref<1x1x128xi32, #tpu.memory_space<vmem>>
    %dma_wait3A_1318 = tpu.memref_squeeze %dma_wait3A_1317 : memref<1x1x128xi32, #tpu.memory_space<vmem>> -> memref<128xi32, #tpu.memory_space<vmem>>
    %dma_wait3A_1319 = arith.constant 0 : i32
    %dma_wait3A_1320 = arith.constant 0 : i32
    %dma_wait3A_1321 = tpu.memref_slice %arg4[%dma_wait3A_1319, %dma_wait3A_1320] : memref<600000x32xf32, #tpu.memory_space<hbm>> -> memref<600000x32xf32, #tpu.memory_space<hbm>>
    tpu.wait_indirect_dma semaphore(%arg15 : memref<!tpu.dma_semaphore, #tpu.memory_space<semaphore_mem>>) src(%dma_wait3A_1321 : memref<600000x32xf32, #tpu.memory_space<hbm>>) dst(%dma_wait3A_1315 : memref<128x32xf32, #tpu.memory_space<vmem>>)
    %min3A_1322 = arith.constant 63 : i32
    %min3A_1323 = arith.constant 63 : i32
    %min3A_1324 = arith.minsi %min3A_1322, %min3A_1323 : i32
    %mul3A_1325 = arith.constant 128 : i32
    %mul3A_1326 = arith.muli %min3A_1324, %mul3A_1325 : i32
    %add3A_1327 = arith.addi %mul3A_2, %mul3A_1326 : i32
    %multiple_of3A_1328 = tpu.assume_multiple %add3A_1327, 128 : i32
    %dma_wait3A_1329 = arith.constant 1 : i32
    %dma_wait3A_1330 = arith.constant 0 : i32
    %dma_wait3A_1331 = arith.constant 0 : i32
    %dma_wait3A_1332 = tpu.memref_slice %arg11[%dma_wait3A_1329, %dma_wait3A_1330, %dma_wait3A_1331] : memref<2x128x8xf32, #tpu.memory_space<vmem>> -> memref<1x128x8xf32, #tpu.memory_space<vmem>>
    %dma_wait3A_1333 = tpu.memref_squeeze %dma_wait3A_1332 : memref<1x128x8xf32, #tpu.memory_space<vmem>> -> memref<128x8xf32, #tpu.memory_space<vmem>>
    %dma_wait3A_1334 = arith.constant 0 : i32
    %dma_wait3A_1335 = tpu.memref_slice %arg5[%multiple_of3A_1328, %dma_wait3A_1334] : memref<262144x8xf32, #tpu.memory_space<hbm>> -> memref<128x8xf32, #tpu.memory_space<hbm>>
    %dma_wait3A_1336 = arith.constant 0 : i32
    %dma_wait3A_1337 = arith.constant 0 : i32
    %dma_wait3A_1338 = tpu.memref_slice %arg11[%dma_wait3A_1329, %dma_wait3A_1336, %dma_wait3A_1337] : memref<2x128x8xf32, #tpu.memory_space<vmem>> -> memref<1x128x8xf32, #tpu.memory_space<vmem>>
    %dma_wait3A_1339 = tpu.memref_squeeze %dma_wait3A_1338 : memref<1x128x8xf32, #tpu.memory_space<vmem>> -> memref<128x8xf32, #tpu.memory_space<vmem>>
    %dma_wait3A_1340 = arith.constant 0 : i32
    %dma_wait3A_1341 = tpu.memref_slice %arg5[%multiple_of3A_1328, %dma_wait3A_1340] : memref<262144x8xf32, #tpu.memory_space<hbm>> -> memref<128x8xf32, #tpu.memory_space<hbm>>
    tpu.wait_dma2 semaphore(%arg16 : memref<!tpu.dma_semaphore, #tpu.memory_space<semaphore_mem>>) src(%dma_wait3A_1341 : memref<128x8xf32, #tpu.memory_space<hbm>>) dst(%dma_wait3A_1339 : memref<128x8xf32, #tpu.memory_space<vmem>>)
    %scan3A_1342 = arith.constant 0 : i32
    %scan3A_1343 = arith.constant 0 : i32
    %scan3A_1344 = arith.constant 64 : i32
    %scan3A_1345 = arith.addi %scan3A_1343, %scan3A_1344 : i32
    %scan3A_1346 = arith.constant 1 : i32
    %scan3A_1347 = scf.for %scan3A_1404 = %scan3A_1343 to %scan3A_1345 step %scan3A_1346 iter_args(%scan3A_1405 = %scan3A_1342) -> (i32)  : i32 {
      %jit3A = arith.constant 8 : i32
      %div3A = arith.divsi %scan3A_1404, %jit3A : i32
      %sign3A = arith.constant 0 : i32
      %sign3A_1406 = arith.cmpi sgt, %scan3A_1404, %sign3A : i32
      %sign3A_1407 = arith.extui %sign3A_1406 : i1 to i32
      %sign3A_1408 = arith.constant 0 : i32
      %sign3A_1409 = arith.cmpi slt, %scan3A_1404, %sign3A_1408 : i32
      %sign3A_1410 = arith.extui %sign3A_1409 : i1 to i32
      %sign3A_1411 = arith.subi %sign3A_1407, %sign3A_1410 : i32
      %sign3A_1412 = arith.constant 0 : i32
      %sign3A_1413 = arith.cmpi sgt, %jit3A, %sign3A_1412 : i32
      %sign3A_1414 = arith.extui %sign3A_1413 : i1 to i32
      %sign3A_1415 = arith.constant 0 : i32
      %sign3A_1416 = arith.cmpi slt, %jit3A, %sign3A_1415 : i32
      %sign3A_1417 = arith.extui %sign3A_1416 : i1 to i32
      %sign3A_1418 = arith.subi %sign3A_1414, %sign3A_1417 : i32
      %ne3A = arith.cmpi ne, %sign3A_1411, %sign3A_1418 : i32
      %rem3A = arith.remsi %scan3A_1404, %jit3A : i32
      %ne3A_1419 = arith.constant 0 : i32
      %ne3A_1420 = arith.cmpi ne, %rem3A, %ne3A_1419 : i32
      %and3A_1421 = arith.andi %ne3A, %ne3A_1420 : i1
      %sub3A = arith.constant 1 : i32
      %sub3A_1422 = arith.subi %div3A, %sub3A : i32
      %select_n3A = arith.select %and3A_1421, %sub3A_1422, %div3A : i32
      %jit3A_1423 = arith.constant 8 : i32
      %eq3A = arith.constant 0 : i32
      %eq3A_1424 = arith.cmpi eq, %jit3A_1423, %eq3A : i32
      %jit3A_1425 = arith.constant 1 : i32
      %select_n3A_1426 = arith.select %eq3A_1424, %jit3A_1425, %jit3A_1423 : i32
      %rem3A_1427 = arith.remsi %scan3A_1404, %select_n3A_1426 : i32
      %ne3A_1428 = arith.constant 0 : i32
      %ne3A_1429 = arith.cmpi ne, %rem3A_1427, %ne3A_1428 : i32
      %lt3A = arith.constant 0 : i32
      %lt3A_1430 = arith.cmpi slt, %rem3A_1427, %lt3A : i32
      %lt3A_1431 = arith.constant 0 : i32
      %lt3A_1432 = arith.cmpi slt, %select_n3A_1426, %lt3A_1431 : i32
      %ne3A_1433 = arith.xori %lt3A_1430, %lt3A_1432 : i1
      %and3A_1434 = arith.andi %ne3A_1433, %ne3A_1429 : i1
      %add3A_1435 = arith.addi %rem3A_1427, %select_n3A_1426 : i32
      %select_n3A_1436 = arith.select %and3A_1434, %add3A_1435, %rem3A_1427 : i32
      %mul3A_1437 = arith.constant 16 : i32
      %mul3A_1438 = arith.muli %select_n3A_1436, %mul3A_1437 : i32
      %mul3A_1439 = arith.constant 2 : i32
      %mul3A_1440 = arith.muli %mul3A_1439, %scan3A_1404 : i32
      %add3A_1441 = vector.broadcast %mul3A_1440 : i32 to vector<16xi32>
      %add3A_1442 = arith.addi %add3A_1441, %shift_right_arithmetic3A_4 : vector<16xi32>
      %gather3A_1443 = arith.constant 1 : i32
      %gather3A_1444 = arith.constant 0 : i32
      %gather3A_1445 = arith.constant 0 : i32
      %gather3A_1446 = tpu.memref_slice %arg11[%gather3A_1443, %gather3A_1444, %gather3A_1445] : memref<2x128x8xf32, #tpu.memory_space<vmem>> -> memref<1x128x8xf32, #tpu.memory_space<vmem>>
      %gather3A_1447 = tpu.memref_squeeze %gather3A_1446 : memref<1x128x8xf32, #tpu.memory_space<vmem>> -> memref<128x8xf32, #tpu.memory_space<vmem>>
      %gather3A_1448 = tpu.vector_load_idx %gather3A_1447[%add3A_1442, %and3A_6] : memref<128x8xf32, #tpu.memory_space<vmem>>[vector<16xi32>, vector<16xi32>], vector<16xf32>,
      %mul3A_1449 = arith.constant 2 : i32
      %mul3A_1450 = arith.muli %mul3A_1449, %scan3A_1404 : i32
      %mul3A_1451 = arith.constant 2 : i32
      %mul3A_1452 = arith.muli %mul3A_1451, %scan3A_1404 : i32
      %add3A_1453 = arith.constant 1 : i32
      %add3A_1454 = arith.addi %mul3A_1452, %add3A_1453 : i32
      %slice3A = vector.extract_strided_slice %gather3A_1448 {offsets = [0], sizes = [1], strides = [1]} : vector<16xf32> to vector<1xf32>
      %squeeze3A = vector.extract %slice3A[0] : f32 from vector<1xf32>
      %add3A_1455 = arith.constant 0 : i32
      %add3A_1456 = arith.addi %mul3A_1438, %add3A_1455 : i32
      %get3A = arith.constant 1 : i32
      %get3A_1457 = arith.index_cast %get3A : i32 to index
      %get3A_1458 = arith.index_cast %select_n3A : i32 to index
      %get3A_1459 = arith.index_cast %add3A_1456 : i32 to index
      %get3A_1460 = arith.constant 0 : index
      %get3A_1461 = tpu.vector_load %arg10[%get3A_1457, %get3A_1458, %get3A_1459, %get3A_1460] {strides = array<i32>} : memref<2x8x128x32xf32, #tpu.memory_space<vmem>>, vector<16xf32>,
      %mul3A_1462 = vector.broadcast %squeeze3A : f32 to vector<16xf32>
      %mul3A_1463 = arith.mulf %mul3A_1462, %get3A_1461 : vector<16xf32>
      %add3A_1464 = arith.constant 0 : i32
      %add3A_1465 = arith.addi %mul3A_1438, %add3A_1464 : i32
      %get3A_1466 = arith.constant 1 : i32
      %get3A_1467 = arith.index_cast %get3A_1466 : i32 to index
      %get3A_1468 = arith.index_cast %select_n3A : i32 to index
      %get3A_1469 = arith.index_cast %add3A_1465 : i32 to index
      %get3A_1470 = arith.constant 12 : index
      %get3A_1471 = tpu.vector_load %arg10[%get3A_1467, %get3A_1468, %get3A_1469, %get3A_1470] {strides = array<i32>} : memref<2x8x128x32xf32, #tpu.memory_space<vmem>>, vector<16xf32>,
      %mul3A_1472 = vector.broadcast %squeeze3A : f32 to vector<16xf32>
      %mul3A_1473 = arith.mulf %mul3A_1472, %get3A_1471 : vector<16xf32>
      %slice3A_1474 = vector.extract_strided_slice %gather3A_1448 {offsets = [1], sizes = [1], strides = [1]} : vector<16xf32> to vector<1xf32>
      %squeeze3A_1475 = vector.extract %slice3A_1474[0] : f32 from vector<1xf32>
      %add3A_1476 = arith.constant 0 : i32
      %add3A_1477 = arith.addi %mul3A_1438, %add3A_1476 : i32
      %add3A_1478 = arith.constant 1 : i32
      %add3A_1479 = arith.addi %add3A_1477, %add3A_1478 : i32
      %get3A_1480 = arith.constant 1 : i32
      %get3A_1481 = arith.index_cast %get3A_1480 : i32 to index
      %get3A_1482 = arith.index_cast %select_n3A : i32 to index
      %get3A_1483 = arith.index_cast %add3A_1479 : i32 to index
      %get3A_1484 = arith.constant 0 : index
      %get3A_1485 = tpu.vector_load %arg10[%get3A_1481, %get3A_1482, %get3A_1483, %get3A_1484] {strides = array<i32>} : memref<2x8x128x32xf32, #tpu.memory_space<vmem>>, vector<16xf32>,
      %mul3A_1486 = vector.broadcast %squeeze3A_1475 : f32 to vector<16xf32>
      %mul3A_1487 = arith.mulf %mul3A_1486, %get3A_1485 : vector<16xf32>
      %add3A_1488 = arith.addf %mul3A_1463, %mul3A_1487 : vector<16xf32>
      %add3A_1489 = arith.constant 0 : i32
      %add3A_1490 = arith.addi %mul3A_1438, %add3A_1489 : i32
      %add3A_1491 = arith.constant 1 : i32
      %add3A_1492 = arith.addi %add3A_1490, %add3A_1491 : i32
      %get3A_1493 = arith.constant 1 : i32
      %get3A_1494 = arith.index_cast %get3A_1493 : i32 to index
      %get3A_1495 = arith.index_cast %select_n3A : i32 to index
      %get3A_1496 = arith.index_cast %add3A_1492 : i32 to index
      %get3A_1497 = arith.constant 12 : index
      %get3A_1498 = tpu.vector_load %arg10[%get3A_1494, %get3A_1495, %get3A_1496, %get3A_1497] {strides = array<i32>} : memref<2x8x128x32xf32, #tpu.memory_space<vmem>>, vector<16xf32>,
      %mul3A_1499 = vector.broadcast %squeeze3A_1475 : f32 to vector<16xf32>
      %mul3A_1500 = arith.mulf %mul3A_1499, %get3A_1498 : vector<16xf32>
      %add3A_1501 = arith.addf %mul3A_1473, %mul3A_1500 : vector<16xf32>
      %slice3A_1502 = vector.extract_strided_slice %gather3A_1448 {offsets = [2], sizes = [1], strides = [1]} : vector<16xf32> to vector<1xf32>
      %squeeze3A_1503 = vector.extract %slice3A_1502[0] : f32 from vector<1xf32>
      %add3A_1504 = arith.constant 0 : i32
      %add3A_1505 = arith.addi %mul3A_1438, %add3A_1504 : i32
      %add3A_1506 = arith.constant 2 : i32
      %add3A_1507 = arith.addi %add3A_1505, %add3A_1506 : i32
      %get3A_1508 = arith.constant 1 : i32
      %get3A_1509 = arith.index_cast %get3A_1508 : i32 to index
      %get3A_1510 = arith.index_cast %select_n3A : i32 to index
      %get3A_1511 = arith.index_cast %add3A_1507 : i32 to index
      %get3A_1512 = arith.constant 0 : index
      %get3A_1513 = tpu.vector_load %arg10[%get3A_1509, %get3A_1510, %get3A_1511, %get3A_1512] {strides = array<i32>} : memref<2x8x128x32xf32, #tpu.memory_space<vmem>>, vector<16xf32>,
      %mul3A_1514 = vector.broadcast %squeeze3A_1503 : f32 to vector<16xf32>
      %mul3A_1515 = arith.mulf %mul3A_1514, %get3A_1513 : vector<16xf32>
      %add3A_1516 = arith.addf %add3A_1488, %mul3A_1515 : vector<16xf32>
      %add3A_1517 = arith.constant 0 : i32
      %add3A_1518 = arith.addi %mul3A_1438, %add3A_1517 : i32
      %add3A_1519 = arith.constant 2 : i32
      %add3A_1520 = arith.addi %add3A_1518, %add3A_1519 : i32
      %get3A_1521 = arith.constant 1 : i32
      %get3A_1522 = arith.index_cast %get3A_1521 : i32 to index
      %get3A_1523 = arith.index_cast %select_n3A : i32 to index
      %get3A_1524 = arith.index_cast %add3A_1520 : i32 to index
      %get3A_1525 = arith.constant 12 : index
      %get3A_1526 = tpu.vector_load %arg10[%get3A_1522, %get3A_1523, %get3A_1524, %get3A_1525] {strides = array<i32>} : memref<2x8x128x32xf32, #tpu.memory_space<vmem>>, vector<16xf32>,
      %mul3A_1527 = vector.broadcast %squeeze3A_1503 : f32 to vector<16xf32>
      %mul3A_1528 = arith.mulf %mul3A_1527, %get3A_1526 : vector<16xf32>
      %add3A_1529 = arith.addf %add3A_1501, %mul3A_1528 : vector<16xf32>
      %slice3A_1530 = vector.extract_strided_slice %gather3A_1448 {offsets = [3], sizes = [1], strides = [1]} : vector<16xf32> to vector<1xf32>
      %squeeze3A_1531 = vector.extract %slice3A_1530[0] : f32 from vector<1xf32>
      %add3A_1532 = arith.constant 0 : i32
      %add3A_1533 = arith.addi %mul3A_1438, %add3A_1532 : i32
      %add3A_1534 = arith.constant 3 : i32
      %add3A_1535 = arith.addi %add3A_1533, %add3A_1534 : i32
      %get3A_1536 = arith.constant 1 : i32
      %get3A_1537 = arith.index_cast %get3A_1536 : i32 to index
      %get3A_1538 = arith.index_cast %select_n3A : i32 to index
      %get3A_1539 = arith.index_cast %add3A_1535 : i32 to index
      %get3A_1540 = arith.constant 0 : index
      %get3A_1541 = tpu.vector_load %arg10[%get3A_1537, %get3A_1538, %get3A_1539, %get3A_1540] {strides = array<i32>} : memref<2x8x128x32xf32, #tpu.memory_space<vmem>>, vector<16xf32>,
      %mul3A_1542 = vector.broadcast %squeeze3A_1531 : f32 to vector<16xf32>
      %mul3A_1543 = arith.mulf %mul3A_1542, %get3A_1541 : vector<16xf32>
      %add3A_1544 = arith.addf %add3A_1516, %mul3A_1543 : vector<16xf32>
      %add3A_1545 = arith.constant 0 : i32
      %add3A_1546 = arith.addi %mul3A_1438, %add3A_1545 : i32
      %add3A_1547 = arith.constant 3 : i32
      %add3A_1548 = arith.addi %add3A_1546, %add3A_1547 : i32
      %get3A_1549 = arith.constant 1 : i32
      %get3A_1550 = arith.index_cast %get3A_1549 : i32 to index
      %get3A_1551 = arith.index_cast %select_n3A : i32 to index
      %get3A_1552 = arith.index_cast %add3A_1548 : i32 to index
      %get3A_1553 = arith.constant 12 : index
      %get3A_1554 = tpu.vector_load %arg10[%get3A_1550, %get3A_1551, %get3A_1552, %get3A_1553] {strides = array<i32>} : memref<2x8x128x32xf32, #tpu.memory_space<vmem>>, vector<16xf32>,
      %mul3A_1555 = vector.broadcast %squeeze3A_1531 : f32 to vector<16xf32>
      %mul3A_1556 = arith.mulf %mul3A_1555, %get3A_1554 : vector<16xf32>
      %add3A_1557 = arith.addf %add3A_1529, %mul3A_1556 : vector<16xf32>
      %slice3A_1558 = vector.extract_strided_slice %gather3A_1448 {offsets = [4], sizes = [1], strides = [1]} : vector<16xf32> to vector<1xf32>
      %squeeze3A_1559 = vector.extract %slice3A_1558[0] : f32 from vector<1xf32>
      %add3A_1560 = arith.constant 0 : i32
      %add3A_1561 = arith.addi %mul3A_1438, %add3A_1560 : i32
      %add3A_1562 = arith.constant 4 : i32
      %add3A_1563 = arith.addi %add3A_1561, %add3A_1562 : i32
      %get3A_1564 = arith.constant 1 : i32
      %get3A_1565 = arith.index_cast %get3A_1564 : i32 to index
      %get3A_1566 = arith.index_cast %select_n3A : i32 to index
      %get3A_1567 = arith.index_cast %add3A_1563 : i32 to index
      %get3A_1568 = arith.constant 0 : index
      %get3A_1569 = tpu.vector_load %arg10[%get3A_1565, %get3A_1566, %get3A_1567, %get3A_1568] {strides = array<i32>} : memref<2x8x128x32xf32, #tpu.memory_space<vmem>>, vector<16xf32>,
      %mul3A_1570 = vector.broadcast %squeeze3A_1559 : f32 to vector<16xf32>
      %mul3A_1571 = arith.mulf %mul3A_1570, %get3A_1569 : vector<16xf32>
      %add3A_1572 = arith.addf %add3A_1544, %mul3A_1571 : vector<16xf32>
      %add3A_1573 = arith.constant 0 : i32
      %add3A_1574 = arith.addi %mul3A_1438, %add3A_1573 : i32
      %add3A_1575 = arith.constant 4 : i32
      %add3A_1576 = arith.addi %add3A_1574, %add3A_1575 : i32
      %get3A_1577 = arith.constant 1 : i32
      %get3A_1578 = arith.index_cast %get3A_1577 : i32 to index
      %get3A_1579 = arith.index_cast %select_n3A : i32 to index
      %get3A_1580 = arith.index_cast %add3A_1576 : i32 to index
      %get3A_1581 = arith.constant 12 : index
      %get3A_1582 = tpu.vector_load %arg10[%get3A_1578, %get3A_1579, %get3A_1580, %get3A_1581] {strides = array<i32>} : memref<2x8x128x32xf32, #tpu.memory_space<vmem>>, vector<16xf32>,
      %mul3A_1583 = vector.broadcast %squeeze3A_1559 : f32 to vector<16xf32>
      %mul3A_1584 = arith.mulf %mul3A_1583, %get3A_1582 : vector<16xf32>
      %add3A_1585 = arith.addf %add3A_1557, %mul3A_1584 : vector<16xf32>
      %slice3A_1586 = vector.extract_strided_slice %gather3A_1448 {offsets = [5], sizes = [1], strides = [1]} : vector<16xf32> to vector<1xf32>
      %squeeze3A_1587 = vector.extract %slice3A_1586[0] : f32 from vector<1xf32>
      %add3A_1588 = arith.constant 0 : i32
      %add3A_1589 = arith.addi %mul3A_1438, %add3A_1588 : i32
      %add3A_1590 = arith.constant 5 : i32
      %add3A_1591 = arith.addi %add3A_1589, %add3A_1590 : i32
      %get3A_1592 = arith.constant 1 : i32
      %get3A_1593 = arith.index_cast %get3A_1592 : i32 to index
      %get3A_1594 = arith.index_cast %select_n3A : i32 to index
      %get3A_1595 = arith.index_cast %add3A_1591 : i32 to index
      %get3A_1596 = arith.constant 0 : index
      %get3A_1597 = tpu.vector_load %arg10[%get3A_1593, %get3A_1594, %get3A_1595, %get3A_1596] {strides = array<i32>} : memref<2x8x128x32xf32, #tpu.memory_space<vmem>>, vector<16xf32>,
      %mul3A_1598 = vector.broadcast %squeeze3A_1587 : f32 to vector<16xf32>
      %mul3A_1599 = arith.mulf %mul3A_1598, %get3A_1597 : vector<16xf32>
      %add3A_1600 = arith.addf %add3A_1572, %mul3A_1599 : vector<16xf32>
      %add3A_1601 = arith.constant 0 : i32
      %add3A_1602 = arith.addi %mul3A_1438, %add3A_1601 : i32
      %add3A_1603 = arith.constant 5 : i32
      %add3A_1604 = arith.addi %add3A_1602, %add3A_1603 : i32
      %get3A_1605 = arith.constant 1 : i32
      %get3A_1606 = arith.index_cast %get3A_1605 : i32 to index
      %get3A_1607 = arith.index_cast %select_n3A : i32 to index
      %get3A_1608 = arith.index_cast %add3A_1604 : i32 to index
      %get3A_1609 = arith.constant 12 : index
      %get3A_1610 = tpu.vector_load %arg10[%get3A_1606, %get3A_1607, %get3A_1608, %get3A_1609] {strides = array<i32>} : memref<2x8x128x32xf32, #tpu.memory_space<vmem>>, vector<16xf32>,
      %mul3A_1611 = vector.broadcast %squeeze3A_1587 : f32 to vector<16xf32>
      %mul3A_1612 = arith.mulf %mul3A_1611, %get3A_1610 : vector<16xf32>
      %add3A_1613 = arith.addf %add3A_1585, %mul3A_1612 : vector<16xf32>
      %slice3A_1614 = vector.extract_strided_slice %gather3A_1448 {offsets = [6], sizes = [1], strides = [1]} : vector<16xf32> to vector<1xf32>
      %squeeze3A_1615 = vector.extract %slice3A_1614[0] : f32 from vector<1xf32>
      %add3A_1616 = arith.constant 0 : i32
      %add3A_1617 = arith.addi %mul3A_1438, %add3A_1616 : i32
      %add3A_1618 = arith.constant 6 : i32
      %add3A_1619 = arith.addi %add3A_1617, %add3A_1618 : i32
      %get3A_1620 = arith.constant 1 : i32
      %get3A_1621 = arith.index_cast %get3A_1620 : i32 to index
      %get3A_1622 = arith.index_cast %select_n3A : i32 to index
      %get3A_1623 = arith.index_cast %add3A_1619 : i32 to index
      %get3A_1624 = arith.constant 0 : index
      %get3A_1625 = tpu.vector_load %arg10[%get3A_1621, %get3A_1622, %get3A_1623, %get3A_1624] {strides = array<i32>} : memref<2x8x128x32xf32, #tpu.memory_space<vmem>>, vector<16xf32>,
      %mul3A_1626 = vector.broadcast %squeeze3A_1615 : f32 to vector<16xf32>
      %mul3A_1627 = arith.mulf %mul3A_1626, %get3A_1625 : vector<16xf32>
      %add3A_1628 = arith.addf %add3A_1600, %mul3A_1627 : vector<16xf32>
      %add3A_1629 = arith.constant 0 : i32
      %add3A_1630 = arith.addi %mul3A_1438, %add3A_1629 : i32
      %add3A_1631 = arith.constant 6 : i32
      %add3A_1632 = arith.addi %add3A_1630, %add3A_1631 : i32
      %get3A_1633 = arith.constant 1 : i32
      %get3A_1634 = arith.index_cast %get3A_1633 : i32 to index
      %get3A_1635 = arith.index_cast %select_n3A : i32 to index
      %get3A_1636 = arith.index_cast %add3A_1632 : i32 to index
      %get3A_1637 = arith.constant 12 : index
      %get3A_1638 = tpu.vector_load %arg10[%get3A_1634, %get3A_1635, %get3A_1636, %get3A_1637] {strides = array<i32>} : memref<2x8x128x32xf32, #tpu.memory_space<vmem>>, vector<16xf32>,
      %mul3A_1639 = vector.broadcast %squeeze3A_1615 : f32 to vector<16xf32>
      %mul3A_1640 = arith.mulf %mul3A_1639, %get3A_1638 : vector<16xf32>
      %add3A_1641 = arith.addf %add3A_1613, %mul3A_1640 : vector<16xf32>
      %slice3A_1642 = vector.extract_strided_slice %gather3A_1448 {offsets = [7], sizes = [1], strides = [1]} : vector<16xf32> to vector<1xf32>
      %squeeze3A_1643 = vector.extract %slice3A_1642[0] : f32 from vector<1xf32>
      %add3A_1644 = arith.constant 0 : i32
      %add3A_1645 = arith.addi %mul3A_1438, %add3A_1644 : i32
      %add3A_1646 = arith.constant 7 : i32
      %add3A_1647 = arith.addi %add3A_1645, %add3A_1646 : i32
      %get3A_1648 = arith.constant 1 : i32
      %get3A_1649 = arith.index_cast %get3A_1648 : i32 to index
      %get3A_1650 = arith.index_cast %select_n3A : i32 to index
      %get3A_1651 = arith.index_cast %add3A_1647 : i32 to index
      %get3A_1652 = arith.constant 0 : index
      %get3A_1653 = tpu.vector_load %arg10[%get3A_1649, %get3A_1650, %get3A_1651, %get3A_1652] {strides = array<i32>} : memref<2x8x128x32xf32, #tpu.memory_space<vmem>>, vector<16xf32>,
      %mul3A_1654 = vector.broadcast %squeeze3A_1643 : f32 to vector<16xf32>
      %mul3A_1655 = arith.mulf %mul3A_1654, %get3A_1653 : vector<16xf32>
      %add3A_1656 = arith.addf %add3A_1628, %mul3A_1655 : vector<16xf32>
      %add3A_1657 = arith.constant 0 : i32
      %add3A_1658 = arith.addi %mul3A_1438, %add3A_1657 : i32
      %add3A_1659 = arith.constant 7 : i32
      %add3A_1660 = arith.addi %add3A_1658, %add3A_1659 : i32
      %get3A_1661 = arith.constant 1 : i32
      %get3A_1662 = arith.index_cast %get3A_1661 : i32 to index
      %get3A_1663 = arith.index_cast %select_n3A : i32 to index
      %get3A_1664 = arith.index_cast %add3A_1660 : i32 to index
      %get3A_1665 = arith.constant 12 : index
      %get3A_1666 = tpu.vector_load %arg10[%get3A_1662, %get3A_1663, %get3A_1664, %get3A_1665] {strides = array<i32>} : memref<2x8x128x32xf32, #tpu.memory_space<vmem>>, vector<16xf32>,
      %mul3A_1667 = vector.broadcast %squeeze3A_1643 : f32 to vector<16xf32>
      %mul3A_1668 = arith.mulf %mul3A_1667, %get3A_1666 : vector<16xf32>
      %add3A_1669 = arith.addf %add3A_1641, %mul3A_1668 : vector<16xf32>
      %swap3A_1670 = arith.index_cast %mul3A_1450 : i32 to index
      %swap3A_1671 = arith.constant 0 : index
      %swap3A_1672 = tpu.vector_load %arg12[%swap3A_1670, %swap3A_1671] {strides = array<i32>} : memref<128x28xf32, #tpu.memory_space<vmem>>, vector<16xf32>,
      tpu.vector_store %arg12[%swap3A_1670, %swap3A_1671], %add3A_1656 {strides = array<i32>} : memref<128x28xf32, #tpu.memory_space<vmem>>, vector<16xf32>,
      %swap3A_1673 = arith.index_cast %mul3A_1450 : i32 to index
      %swap3A_1674 = arith.constant 12 : index
      %swap3A_1675 = tpu.vector_load %arg12[%swap3A_1673, %swap3A_1674] {strides = array<i32>} : memref<128x28xf32, #tpu.memory_space<vmem>>, vector<16xf32>,
      tpu.vector_store %arg12[%swap3A_1673, %swap3A_1674], %add3A_1669 {strides = array<i32>} : memref<128x28xf32, #tpu.memory_space<vmem>>, vector<16xf32>,
      %slice3A_1676 = vector.extract_strided_slice %gather3A_1448 {offsets = [8], sizes = [1], strides = [1]} : vector<16xf32> to vector<1xf32>
      %squeeze3A_1677 = vector.extract %slice3A_1676[0] : f32 from vector<1xf32>
      %add3A_1678 = arith.constant 8 : i32
      %add3A_1679 = arith.addi %mul3A_1438, %add3A_1678 : i32
      %get3A_1680 = arith.constant 1 : i32
      %get3A_1681 = arith.index_cast %get3A_1680 : i32 to index
      %get3A_1682 = arith.index_cast %select_n3A : i32 to index
      %get3A_1683 = arith.index_cast %add3A_1679 : i32 to index
      %get3A_1684 = arith.constant 0 : index
      %get3A_1685 = tpu.vector_load %arg10[%get3A_1681, %get3A_1682, %get3A_1683, %get3A_1684] {strides = array<i32>} : memref<2x8x128x32xf32, #tpu.memory_space<vmem>>, vector<16xf32>,
      %mul3A_1686 = vector.broadcast %squeeze3A_1677 : f32 to vector<16xf32>
      %mul3A_1687 = arith.mulf %mul3A_1686, %get3A_1685 : vector<16xf32>
      %add3A_1688 = arith.constant 8 : i32
      %add3A_1689 = arith.addi %mul3A_1438, %add3A_1688 : i32
      %get3A_1690 = arith.constant 1 : i32
      %get3A_1691 = arith.index_cast %get3A_1690 : i32 to index
      %get3A_1692 = arith.index_cast %select_n3A : i32 to index
      %get3A_1693 = arith.index_cast %add3A_1689 : i32 to index
      %get3A_1694 = arith.constant 12 : index
      %get3A_1695 = tpu.vector_load %arg10[%get3A_1691, %get3A_1692, %get3A_1693, %get3A_1694] {strides = array<i32>} : memref<2x8x128x32xf32, #tpu.memory_space<vmem>>, vector<16xf32>,
      %mul3A_1696 = vector.broadcast %squeeze3A_1677 : f32 to vector<16xf32>
      %mul3A_1697 = arith.mulf %mul3A_1696, %get3A_1695 : vector<16xf32>
      %slice3A_1698 = vector.extract_strided_slice %gather3A_1448 {offsets = [9], sizes = [1], strides = [1]} : vector<16xf32> to vector<1xf32>
      %squeeze3A_1699 = vector.extract %slice3A_1698[0] : f32 from vector<1xf32>
      %add3A_1700 = arith.constant 8 : i32
      %add3A_1701 = arith.addi %mul3A_1438, %add3A_1700 : i32
      %add3A_1702 = arith.constant 1 : i32
      %add3A_1703 = arith.addi %add3A_1701, %add3A_1702 : i32
      %get3A_1704 = arith.constant 1 : i32
      %get3A_1705 = arith.index_cast %get3A_1704 : i32 to index
      %get3A_1706 = arith.index_cast %select_n3A : i32 to index
      %get3A_1707 = arith.index_cast %add3A_1703 : i32 to index
      %get3A_1708 = arith.constant 0 : index
      %get3A_1709 = tpu.vector_load %arg10[%get3A_1705, %get3A_1706, %get3A_1707, %get3A_1708] {strides = array<i32>} : memref<2x8x128x32xf32, #tpu.memory_space<vmem>>, vector<16xf32>,
      %mul3A_1710 = vector.broadcast %squeeze3A_1699 : f32 to vector<16xf32>
      %mul3A_1711 = arith.mulf %mul3A_1710, %get3A_1709 : vector<16xf32>
      %add3A_1712 = arith.addf %mul3A_1687, %mul3A_1711 : vector<16xf32>
      %add3A_1713 = arith.constant 8 : i32
      %add3A_1714 = arith.addi %mul3A_1438, %add3A_1713 : i32
      %add3A_1715 = arith.constant 1 : i32
      %add3A_1716 = arith.addi %add3A_1714, %add3A_1715 : i32
      %get3A_1717 = arith.constant 1 : i32
      %get3A_1718 = arith.index_cast %get3A_1717 : i32 to index
      %get3A_1719 = arith.index_cast %select_n3A : i32 to index
      %get3A_1720 = arith.index_cast %add3A_1716 : i32 to index
      %get3A_1721 = arith.constant 12 : index
      %get3A_1722 = tpu.vector_load %arg10[%get3A_1718, %get3A_1719, %get3A_1720, %get3A_1721] {strides = array<i32>} : memref<2x8x128x32xf32, #tpu.memory_space<vmem>>, vector<16xf32>,
      %mul3A_1723 = vector.broadcast %squeeze3A_1699 : f32 to vector<16xf32>
      %mul3A_1724 = arith.mulf %mul3A_1723, %get3A_1722 : vector<16xf32>
      %add3A_1725 = arith.addf %mul3A_1697, %mul3A_1724 : vector<16xf32>
      %slice3A_1726 = vector.extract_strided_slice %gather3A_1448 {offsets = [10], sizes = [1], strides = [1]} : vector<16xf32> to vector<1xf32>
      %squeeze3A_1727 = vector.extract %slice3A_1726[0] : f32 from vector<1xf32>
      %add3A_1728 = arith.constant 8 : i32
      %add3A_1729 = arith.addi %mul3A_1438, %add3A_1728 : i32
      %add3A_1730 = arith.constant 2 : i32
      %add3A_1731 = arith.addi %add3A_1729, %add3A_1730 : i32
      %get3A_1732 = arith.constant 1 : i32
      %get3A_1733 = arith.index_cast %get3A_1732 : i32 to index
      %get3A_1734 = arith.index_cast %select_n3A : i32 to index
      %get3A_1735 = arith.index_cast %add3A_1731 : i32 to index
      %get3A_1736 = arith.constant 0 : index
      %get3A_1737 = tpu.vector_load %arg10[%get3A_1733, %get3A_1734, %get3A_1735, %get3A_1736] {strides = array<i32>} : memref<2x8x128x32xf32, #tpu.memory_space<vmem>>, vector<16xf32>,
      %mul3A_1738 = vector.broadcast %squeeze3A_1727 : f32 to vector<16xf32>
      %mul3A_1739 = arith.mulf %mul3A_1738, %get3A_1737 : vector<16xf32>
      %add3A_1740 = arith.addf %add3A_1712, %mul3A_1739 : vector<16xf32>
      %add3A_1741 = arith.constant 8 : i32
      %add3A_1742 = arith.addi %mul3A_1438, %add3A_1741 : i32
      %add3A_1743 = arith.constant 2 : i32
      %add3A_1744 = arith.addi %add3A_1742, %add3A_1743 : i32
      %get3A_1745 = arith.constant 1 : i32
      %get3A_1746 = arith.index_cast %get3A_1745 : i32 to index
      %get3A_1747 = arith.index_cast %select_n3A : i32 to index
      %get3A_1748 = arith.index_cast %add3A_1744 : i32 to index
      %get3A_1749 = arith.constant 12 : index
      %get3A_1750 = tpu.vector_load %arg10[%get3A_1746, %get3A_1747, %get3A_1748, %get3A_1749] {strides = array<i32>} : memref<2x8x128x32xf32, #tpu.memory_space<vmem>>, vector<16xf32>,
      %mul3A_1751 = vector.broadcast %squeeze3A_1727 : f32 to vector<16xf32>
      %mul3A_1752 = arith.mulf %mul3A_1751, %get3A_1750 : vector<16xf32>
      %add3A_1753 = arith.addf %add3A_1725, %mul3A_1752 : vector<16xf32>
      %slice3A_1754 = vector.extract_strided_slice %gather3A_1448 {offsets = [11], sizes = [1], strides = [1]} : vector<16xf32> to vector<1xf32>
      %squeeze3A_1755 = vector.extract %slice3A_1754[0] : f32 from vector<1xf32>
      %add3A_1756 = arith.constant 8 : i32
      %add3A_1757 = arith.addi %mul3A_1438, %add3A_1756 : i32
      %add3A_1758 = arith.constant 3 : i32
      %add3A_1759 = arith.addi %add3A_1757, %add3A_1758 : i32
      %get3A_1760 = arith.constant 1 : i32
      %get3A_1761 = arith.index_cast %get3A_1760 : i32 to index
      %get3A_1762 = arith.index_cast %select_n3A : i32 to index
      %get3A_1763 = arith.index_cast %add3A_1759 : i32 to index
      %get3A_1764 = arith.constant 0 : index
      %get3A_1765 = tpu.vector_load %arg10[%get3A_1761, %get3A_1762, %get3A_1763, %get3A_1764] {strides = array<i32>} : memref<2x8x128x32xf32, #tpu.memory_space<vmem>>, vector<16xf32>,
      %mul3A_1766 = vector.broadcast %squeeze3A_1755 : f32 to vector<16xf32>
      %mul3A_1767 = arith.mulf %mul3A_1766, %get3A_1765 : vector<16xf32>
      %add3A_1768 = arith.addf %add3A_1740, %mul3A_1767 : vector<16xf32>
      %add3A_1769 = arith.constant 8 : i32
      %add3A_1770 = arith.addi %mul3A_1438, %add3A_1769 : i32
      %add3A_1771 = arith.constant 3 : i32
      %add3A_1772 = arith.addi %add3A_1770, %add3A_1771 : i32
      %get3A_1773 = arith.constant 1 : i32
      %get3A_1774 = arith.index_cast %get3A_1773 : i32 to index
      %get3A_1775 = arith.index_cast %select_n3A : i32 to index
      %get3A_1776 = arith.index_cast %add3A_1772 : i32 to index
      %get3A_1777 = arith.constant 12 : index
      %get3A_1778 = tpu.vector_load %arg10[%get3A_1774, %get3A_1775, %get3A_1776, %get3A_1777] {strides = array<i32>} : memref<2x8x128x32xf32, #tpu.memory_space<vmem>>, vector<16xf32>,
      %mul3A_1779 = vector.broadcast %squeeze3A_1755 : f32 to vector<16xf32>
      %mul3A_1780 = arith.mulf %mul3A_1779, %get3A_1778 : vector<16xf32>
      %add3A_1781 = arith.addf %add3A_1753, %mul3A_1780 : vector<16xf32>
      %slice3A_1782 = vector.extract_strided_slice %gather3A_1448 {offsets = [12], sizes = [1], strides = [1]} : vector<16xf32> to vector<1xf32>
      %squeeze3A_1783 = vector.extract %slice3A_1782[0] : f32 from vector<1xf32>
      %add3A_1784 = arith.constant 8 : i32
      %add3A_1785 = arith.addi %mul3A_1438, %add3A_1784 : i32
      %add3A_1786 = arith.constant 4 : i32
      %add3A_1787 = arith.addi %add3A_1785, %add3A_1786 : i32
      %get3A_1788 = arith.constant 1 : i32
      %get3A_1789 = arith.index_cast %get3A_1788 : i32 to index
      %get3A_1790 = arith.index_cast %select_n3A : i32 to index
      %get3A_1791 = arith.index_cast %add3A_1787 : i32 to index
      %get3A_1792 = arith.constant 0 : index
      %get3A_1793 = tpu.vector_load %arg10[%get3A_1789, %get3A_1790, %get3A_1791, %get3A_1792] {strides = array<i32>} : memref<2x8x128x32xf32, #tpu.memory_space<vmem>>, vector<16xf32>,
      %mul3A_1794 = vector.broadcast %squeeze3A_1783 : f32 to vector<16xf32>
      %mul3A_1795 = arith.mulf %mul3A_1794, %get3A_1793 : vector<16xf32>
      %add3A_1796 = arith.addf %add3A_1768, %mul3A_1795 : vector<16xf32>
      %add3A_1797 = arith.constant 8 : i32
      %add3A_1798 = arith.addi %mul3A_1438, %add3A_1797 : i32
      %add3A_1799 = arith.constant 4 : i32
      %add3A_1800 = arith.addi %add3A_1798, %add3A_1799 : i32
      %get3A_1801 = arith.constant 1 : i32
      %get3A_1802 = arith.index_cast %get3A_1801 : i32 to index
      %get3A_1803 = arith.index_cast %select_n3A : i32 to index
      %get3A_1804 = arith.index_cast %add3A_1800 : i32 to index
      %get3A_1805 = arith.constant 12 : index
      %get3A_1806 = tpu.vector_load %arg10[%get3A_1802, %get3A_1803, %get3A_1804, %get3A_1805] {strides = array<i32>} : memref<2x8x128x32xf32, #tpu.memory_space<vmem>>, vector<16xf32>,
      %mul3A_1807 = vector.broadcast %squeeze3A_1783 : f32 to vector<16xf32>
      %mul3A_1808 = arith.mulf %mul3A_1807, %get3A_1806 : vector<16xf32>
      %add3A_1809 = arith.addf %add3A_1781, %mul3A_1808 : vector<16xf32>
      %slice3A_1810 = vector.extract_strided_slice %gather3A_1448 {offsets = [13], sizes = [1], strides = [1]} : vector<16xf32> to vector<1xf32>
      %squeeze3A_1811 = vector.extract %slice3A_1810[0] : f32 from vector<1xf32>
      %add3A_1812 = arith.constant 8 : i32
      %add3A_1813 = arith.addi %mul3A_1438, %add3A_1812 : i32
      %add3A_1814 = arith.constant 5 : i32
      %add3A_1815 = arith.addi %add3A_1813, %add3A_1814 : i32
      %get3A_1816 = arith.constant 1 : i32
      %get3A_1817 = arith.index_cast %get3A_1816 : i32 to index
      %get3A_1818 = arith.index_cast %select_n3A : i32 to index
      %get3A_1819 = arith.index_cast %add3A_1815 : i32 to index
      %get3A_1820 = arith.constant 0 : index
      %get3A_1821 = tpu.vector_load %arg10[%get3A_1817, %get3A_1818, %get3A_1819, %get3A_1820] {strides = array<i32>} : memref<2x8x128x32xf32, #tpu.memory_space<vmem>>, vector<16xf32>,
      %mul3A_1822 = vector.broadcast %squeeze3A_1811 : f32 to vector<16xf32>
      %mul3A_1823 = arith.mulf %mul3A_1822, %get3A_1821 : vector<16xf32>
      %add3A_1824 = arith.addf %add3A_1796, %mul3A_1823 : vector<16xf32>
      %add3A_1825 = arith.constant 8 : i32
      %add3A_1826 = arith.addi %mul3A_1438, %add3A_1825 : i32
      %add3A_1827 = arith.constant 5 : i32
      %add3A_1828 = arith.addi %add3A_1826, %add3A_1827 : i32
      %get3A_1829 = arith.constant 1 : i32
      %get3A_1830 = arith.index_cast %get3A_1829 : i32 to index
      %get3A_1831 = arith.index_cast %select_n3A : i32 to index
      %get3A_1832 = arith.index_cast %add3A_1828 : i32 to index
      %get3A_1833 = arith.constant 12 : index
      %get3A_1834 = tpu.vector_load %arg10[%get3A_1830, %get3A_1831, %get3A_1832, %get3A_1833] {strides = array<i32>} : memref<2x8x128x32xf32, #tpu.memory_space<vmem>>, vector<16xf32>,
      %mul3A_1835 = vector.broadcast %squeeze3A_1811 : f32 to vector<16xf32>
      %mul3A_1836 = arith.mulf %mul3A_1835, %get3A_1834 : vector<16xf32>
      %add3A_1837 = arith.addf %add3A_1809, %mul3A_1836 : vector<16xf32>
      %slice3A_1838 = vector.extract_strided_slice %gather3A_1448 {offsets = [14], sizes = [1], strides = [1]} : vector<16xf32> to vector<1xf32>
      %squeeze3A_1839 = vector.extract %slice3A_1838[0] : f32 from vector<1xf32>
      %add3A_1840 = arith.constant 8 : i32
      %add3A_1841 = arith.addi %mul3A_1438, %add3A_1840 : i32
      %add3A_1842 = arith.constant 6 : i32
      %add3A_1843 = arith.addi %add3A_1841, %add3A_1842 : i32
      %get3A_1844 = arith.constant 1 : i32
      %get3A_1845 = arith.index_cast %get3A_1844 : i32 to index
      %get3A_1846 = arith.index_cast %select_n3A : i32 to index
      %get3A_1847 = arith.index_cast %add3A_1843 : i32 to index
      %get3A_1848 = arith.constant 0 : index
      %get3A_1849 = tpu.vector_load %arg10[%get3A_1845, %get3A_1846, %get3A_1847, %get3A_1848] {strides = array<i32>} : memref<2x8x128x32xf32, #tpu.memory_space<vmem>>, vector<16xf32>,
      %mul3A_1850 = vector.broadcast %squeeze3A_1839 : f32 to vector<16xf32>
      %mul3A_1851 = arith.mulf %mul3A_1850, %get3A_1849 : vector<16xf32>
      %add3A_1852 = arith.addf %add3A_1824, %mul3A_1851 : vector<16xf32>
      %add3A_1853 = arith.constant 8 : i32
      %add3A_1854 = arith.addi %mul3A_1438, %add3A_1853 : i32
      %add3A_1855 = arith.constant 6 : i32
      %add3A_1856 = arith.addi %add3A_1854, %add3A_1855 : i32
      %get3A_1857 = arith.constant 1 : i32
      %get3A_1858 = arith.index_cast %get3A_1857 : i32 to index
      %get3A_1859 = arith.index_cast %select_n3A : i32 to index
      %get3A_1860 = arith.index_cast %add3A_1856 : i32 to index
      %get3A_1861 = arith.constant 12 : index
      %get3A_1862 = tpu.vector_load %arg10[%get3A_1858, %get3A_1859, %get3A_1860, %get3A_1861] {strides = array<i32>} : memref<2x8x128x32xf32, #tpu.memory_space<vmem>>, vector<16xf32>,
      %mul3A_1863 = vector.broadcast %squeeze3A_1839 : f32 to vector<16xf32>
      %mul3A_1864 = arith.mulf %mul3A_1863, %get3A_1862 : vector<16xf32>
      %add3A_1865 = arith.addf %add3A_1837, %mul3A_1864 : vector<16xf32>
      %slice3A_1866 = vector.extract_strided_slice %gather3A_1448 {offsets = [15], sizes = [1], strides = [1]} : vector<16xf32> to vector<1xf32>
      %squeeze3A_1867 = vector.extract %slice3A_1866[0] : f32 from vector<1xf32>
      %add3A_1868 = arith.constant 8 : i32
      %add3A_1869 = arith.addi %mul3A_1438, %add3A_1868 : i32
      %add3A_1870 = arith.constant 7 : i32
      %add3A_1871 = arith.addi %add3A_1869, %add3A_1870 : i32
      %get3A_1872 = arith.constant 1 : i32
      %get3A_1873 = arith.index_cast %get3A_1872 : i32 to index
      %get3A_1874 = arith.index_cast %select_n3A : i32 to index
      %get3A_1875 = arith.index_cast %add3A_1871 : i32 to index
      %get3A_1876 = arith.constant 0 : index
      %get3A_1877 = tpu.vector_load %arg10[%get3A_1873, %get3A_1874, %get3A_1875, %get3A_1876] {strides = array<i32>} : memref<2x8x128x32xf32, #tpu.memory_space<vmem>>, vector<16xf32>,
      %mul3A_1878 = vector.broadcast %squeeze3A_1867 : f32 to vector<16xf32>
      %mul3A_1879 = arith.mulf %mul3A_1878, %get3A_1877 : vector<16xf32>
      %add3A_1880 = arith.addf %add3A_1852, %mul3A_1879 : vector<16xf32>
      %add3A_1881 = arith.constant 8 : i32
      %add3A_1882 = arith.addi %mul3A_1438, %add3A_1881 : i32
      %add3A_1883 = arith.constant 7 : i32
      %add3A_1884 = arith.addi %add3A_1882, %add3A_1883 : i32
      %get3A_1885 = arith.constant 1 : i32
      %get3A_1886 = arith.index_cast %get3A_1885 : i32 to index
      %get3A_1887 = arith.index_cast %select_n3A : i32 to index
      %get3A_1888 = arith.index_cast %add3A_1884 : i32 to index
      %get3A_1889 = arith.constant 12 : index
      %get3A_1890 = tpu.vector_load %arg10[%get3A_1886, %get3A_1887, %get3A_1888, %get3A_1889] {strides = array<i32>} : memref<2x8x128x32xf32, #tpu.memory_space<vmem>>, vector<16xf32>,
      %mul3A_1891 = vector.broadcast %squeeze3A_1867 : f32 to vector<16xf32>
      %mul3A_1892 = arith.mulf %mul3A_1891, %get3A_1890 : vector<16xf32>
      %add3A_1893 = arith.addf %add3A_1865, %mul3A_1892 : vector<16xf32>
      %swap3A_1894 = arith.index_cast %add3A_1454 : i32 to index
      %swap3A_1895 = arith.constant 0 : index
      %swap3A_1896 = tpu.vector_load %arg12[%swap3A_1894, %swap3A_1895] {strides = array<i32>} : memref<128x28xf32, #tpu.memory_space<vmem>>, vector<16xf32>,
      tpu.vector_store %arg12[%swap3A_1894, %swap3A_1895], %add3A_1880 {strides = array<i32>} : memref<128x28xf32, #tpu.memory_space<vmem>>, vector<16xf32>,
      %swap3A_1897 = arith.index_cast %add3A_1454 : i32 to index
      %swap3A_1898 = arith.constant 12 : index
      %swap3A_1899 = tpu.vector_load %arg12[%swap3A_1897, %swap3A_1898] {strides = array<i32>} : memref<128x28xf32, #tpu.memory_space<vmem>>, vector<16xf32>,
      tpu.vector_store %arg12[%swap3A_1897, %swap3A_1898], %add3A_1893 {strides = array<i32>} : memref<128x28xf32, #tpu.memory_space<vmem>>, vector<16xf32>,
      %scan3A_1900 = arith.constant 0 : i32
      scf.yield %scan3A_1900 : i32
    }
    %scan3A_1348 = arith.constant 64 : i32
    %min3A_1349 = arith.constant 63 : i32
    %min3A_1350 = arith.constant 63 : i32
    %min3A_1351 = arith.minsi %min3A_1349, %min3A_1350 : i32
    %mul3A_1352 = arith.constant 128 : i32
    %mul3A_1353 = arith.muli %min3A_1351, %mul3A_1352 : i32
    %add3A_1354 = arith.addi %mul3A_2, %mul3A_1353 : i32
    %multiple_of3A_1355 = tpu.assume_multiple %add3A_1354, 128 : i32
    "tpu.region"() ({
      %run_scoped3A_1404 = tpu.sem_alloc : memref<!tpu.dma_semaphore, #tpu.memory_space<semaphore_mem>>
      %dma_start3A_1405 = arith.constant 0 : i32
      %dma_start3A_1406 = tpu.memref_slice %arg6[%multiple_of3A_1355, %dma_start3A_1405] : memref<262144x28xf32, #tpu.memory_space<hbm>> -> memref<128x28xf32, #tpu.memory_space<hbm>>
      %dma_start3A_1407 = arith.constant 0 : i32
      %dma_start3A_1408 = tpu.memref_slice %arg6[%multiple_of3A_1355, %dma_start3A_1407] : memref<262144x28xf32, #tpu.memory_space<hbm>> -> memref<128x28xf32, #tpu.memory_space<hbm>>
      tpu.enqueue_dma source(%arg12 : memref<128x28xf32, #tpu.memory_space<vmem>>) target(%dma_start3A_1408 : memref<128x28xf32, #tpu.memory_space<hbm>>) target_semaphore(%run_scoped3A_1404 : memref<!tpu.dma_semaphore, #tpu.memory_space<semaphore_mem>>)
      %dma_wait3A_1409 = arith.constant 0 : i32
      %dma_wait3A_1410 = tpu.memref_slice %arg6[%multiple_of3A_1355, %dma_wait3A_1409] : memref<262144x28xf32, #tpu.memory_space<hbm>> -> memref<128x28xf32, #tpu.memory_space<hbm>>
      %dma_wait3A_1411 = arith.constant 0 : i32
      %dma_wait3A_1412 = tpu.memref_slice %arg6[%multiple_of3A_1355, %dma_wait3A_1411] : memref<262144x28xf32, #tpu.memory_space<hbm>> -> memref<128x28xf32, #tpu.memory_space<hbm>>
      tpu.wait_dma2 semaphore(%run_scoped3A_1404 : memref<!tpu.dma_semaphore, #tpu.memory_space<semaphore_mem>>) src(%arg12 : memref<128x28xf32, #tpu.memory_space<vmem>>) dst(%dma_wait3A_1412 : memref<128x28xf32, #tpu.memory_space<hbm>>)
      tpu.yield
    }) : () -> ()
    %dma_wait3A_1356 = arith.constant 0 : i32
    %dma_wait3A_1357 = arith.constant 0 : i32
    %dma_wait3A_1358 = arith.constant 0 : i32
    %dma_wait3A_1359 = arith.constant 0 : i32
    %dma_wait3A_1360 = tpu.memref_slice %arg8[%dma_wait3A_1357, %dma_wait3A_1358, %dma_wait3A_1359] : memref<2x128x8xi32, #tpu.memory_space<vmem>> -> memref<1x128x8xi32, #tpu.memory_space<vmem>>
    %dma_wait3A_1361 = tpu.memref_squeeze %dma_wait3A_1360 : memref<1x128x8xi32, #tpu.memory_space<vmem>> -> memref<128x8xi32, #tpu.memory_space<vmem>>
    %dma_wait3A_1362 = arith.constant 0 : i32
    %dma_wait3A_1363 = tpu.memref_slice %arg7[%dma_wait3A_1356, %dma_wait3A_1362] : memref<2x128xi32, #tpu.memory_space<vmem>> -> memref<1x128xi32, #tpu.memory_space<vmem>>
    %dma_wait3A_1364 = tpu.memref_squeeze %dma_wait3A_1363 : memref<1x128xi32, #tpu.memory_space<vmem>> -> memref<128xi32, #tpu.memory_space<vmem>>
    %dma_wait3A_1365 = arith.constant 0 : i32
    %dma_wait3A_1366 = arith.constant 0 : i32
    %dma_wait3A_1367 = tpu.memref_slice %arg3[%dma_wait3A_1365, %dma_wait3A_1366] : memref<524288x8xi32, #tpu.memory_space<hbm>> -> memref<524288x8xi32, #tpu.memory_space<hbm>>
    tpu.wait_indirect_dma semaphore(%arg14 : memref<!tpu.dma_semaphore, #tpu.memory_space<semaphore_mem>>) src(%dma_wait3A_1367 : memref<524288x8xi32, #tpu.memory_space<hbm>>) dst(%dma_wait3A_1361 : memref<128x8xi32, #tpu.memory_space<vmem>>)
    %min3A_1368 = arith.constant 65 : i32
    %min3A_1369 = arith.constant 63 : i32
    %min3A_1370 = arith.minsi %min3A_1368, %min3A_1369 : i32
    %mul3A_1371 = arith.constant 128 : i32
    %mul3A_1372 = arith.muli %min3A_1370, %mul3A_1371 : i32
    %add3A_1373 = arith.addi %mul3A_2, %mul3A_1372 : i32
    %multiple_of3A_1374 = tpu.assume_multiple %add3A_1373, 128 : i32
    %dma_wait3A_1375 = arith.constant 1 : i32
    %dma_wait3A_1376 = arith.constant 0 : i32
    %dma_wait3A_1377 = tpu.memref_slice %arg7[%dma_wait3A_1375, %dma_wait3A_1376] : memref<2x128xi32, #tpu.memory_space<vmem>> -> memref<1x128xi32, #tpu.memory_space<vmem>>
    %dma_wait3A_1378 = tpu.memref_squeeze %dma_wait3A_1377 : memref<1x128xi32, #tpu.memory_space<vmem>> -> memref<128xi32, #tpu.memory_space<vmem>>
    %dma_wait3A_1379 = tpu.memref_slice %arg2[%multiple_of3A_1374] : memref<262144xi32, #tpu.memory_space<hbm>> -> memref<128xi32, #tpu.memory_space<hbm>>
    %dma_wait3A_1380 = arith.constant 0 : i32
    %dma_wait3A_1381 = tpu.memref_slice %arg7[%dma_wait3A_1375, %dma_wait3A_1380] : memref<2x128xi32, #tpu.memory_space<vmem>> -> memref<1x128xi32, #tpu.memory_space<vmem>>
    %dma_wait3A_1382 = tpu.memref_squeeze %dma_wait3A_1381 : memref<1x128xi32, #tpu.memory_space<vmem>> -> memref<128xi32, #tpu.memory_space<vmem>>
    %dma_wait3A_1383 = tpu.memref_slice %arg2[%multiple_of3A_1374] : memref<262144xi32, #tpu.memory_space<hbm>> -> memref<128xi32, #tpu.memory_space<hbm>>
    tpu.wait_dma2 semaphore(%arg13 : memref<!tpu.dma_semaphore, #tpu.memory_space<semaphore_mem>>) src(%dma_wait3A_1383 : memref<128xi32, #tpu.memory_space<hbm>>) dst(%dma_wait3A_1382 : memref<128xi32, #tpu.memory_space<vmem>>)
    %min3A_1384 = arith.constant 64 : i32
    %min3A_1385 = arith.constant 63 : i32
    %min3A_1386 = arith.minsi %min3A_1384, %min3A_1385 : i32
    %mul3A_1387 = arith.constant 128 : i32
    %mul3A_1388 = arith.muli %min3A_1386, %mul3A_1387 : i32
    %add3A_1389 = arith.addi %mul3A_2, %mul3A_1388 : i32
    %multiple_of3A_1390 = tpu.assume_multiple %add3A_1389, 128 : i32
    %dma_wait3A_1391 = arith.constant 0 : i32
    %dma_wait3A_1392 = arith.constant 0 : i32
    %dma_wait3A_1393 = arith.constant 0 : i32
    %dma_wait3A_1394 = tpu.memref_slice %arg11[%dma_wait3A_1391, %dma_wait3A_1392, %dma_wait3A_1393] : memref<2x128x8xf32, #tpu.memory_space<vmem>> -> memref<1x128x8xf32, #tpu.memory_space<vmem>>
    %dma_wait3A_1395 = tpu.memref_squeeze %dma_wait3A_1394 : memref<1x128x8xf32, #tpu.memory_space<vmem>> -> memref<128x8xf32, #tpu.memory_space<vmem>>
    %dma_wait3A_1396 = arith.constant 0 : i32
    %dma_wait3A_1397 = tpu.memref_slice %arg5[%multiple_of3A_1390, %dma_wait3A_1396] : memref<262144x8xf32, #tpu.memory_space<hbm>> -> memref<128x8xf32, #tpu.memory_space<hbm>>
    %dma_wait3A_1398 = arith.constant 0 : i32
    %dma_wait3A_1399 = arith.constant 0 : i32
    %dma_wait3A_1400 = tpu.memref_slice %arg11[%dma_wait3A_1391, %dma_wait3A_1398, %dma_wait3A_1399] : memref<2x128x8xf32, #tpu.memory_space<vmem>> -> memref<1x128x8xf32, #tpu.memory_space<vmem>>
    %dma_wait3A_1401 = tpu.memref_squeeze %dma_wait3A_1400 : memref<1x128x8xf32, #tpu.memory_space<vmem>> -> memref<128x8xf32, #tpu.memory_space<vmem>>
    %dma_wait3A_1402 = arith.constant 0 : i32
    %dma_wait3A_1403 = tpu.memref_slice %arg5[%multiple_of3A_1390, %dma_wait3A_1402] : memref<262144x8xf32, #tpu.memory_space<hbm>> -> memref<128x8xf32, #tpu.memory_space<hbm>>
    tpu.wait_dma2 semaphore(%arg16 : memref<!tpu.dma_semaphore, #tpu.memory_space<semaphore_mem>>) src(%dma_wait3A_1403 : memref<128x8xf32, #tpu.memory_space<hbm>>) dst(%dma_wait3A_1401 : memref<128x8xf32, #tpu.memory_space<vmem>>)
    return
  }
}

</mosaic_0001>

<sc_bundles>
// kernel: kernel.3.cloned.1.call-start
scs
__scs_entry_jumppad:
0x0: {  	(pc) =	sbr.rel $0x88, $3  }
0x1: {  	(tag) =	ssettag $0x0;
	lr =	simm.s32 $0x1  }
0x2: {  	[smem:$0x3F9D] =	sst lr;
	_ =	strace $0xD0000000  }
0x3: {  	_ = 	snop  }
0x4: {  	_ = 	snop  }
0x5: {  	_ = 	snop  }
0x6: {  	_ = 	snop  }
0x7: {  	_ = 	snop  }
__scs_overlays_trampoline_lowered:
0x8: {  	[smem:$0x3FAC] =	sst s0  }
0x9: {  	[smem:$0x3FAD] =	sst s1  }
0xa: {  	[smem:$0x3FAE] =	sst s2  }
0xb: {  	[smem:$0x3FAF] =	sst s3  }
0xc: {  	[smem:$0x3FB0] =	sst s4  }
0xd: {  	[smem:$0x3FB1] =	sst s5  }
0xe: {  	[smem:$0x3FB2] =	sst s6  }
0xf: {  	[smem:$0x3FB3] =	sst s7  }
0x10: {  	[smem:$0x3FB4] =	sst s8  }
0x11: {  	[smem:$0x3FB5] =	sst s9;
	s0 =	simm.s32 @!p0 $0x0  }
0x12: {  	s1 =	sld [smem:$0x3F9B];
	s0 =	simm.s32 @p0 $0x1  }
0x13: {  	[smem:$0x3FB6] =	sst s0;
	s0 =	simm.s32 @!p1 $0x0  }
0x14: {  	s2 =	sld [smem:$0x3F9A];
	s0 =	simm.s32 @p1 $0x1  }
0x15: {  	[smem:$0x3FB7] =	sst s0;
	s0 =	simm.s32 @!p2 $0x0  }
0x16: {  	s3 =	sld [smem:$0x3FDB];
	s0 =	simm.s32 @p2 $0x1  }
0x17: {  	s4 =	simm.s32 $0x1BF5;
	[smem:$0x3FB9] =	sst s0  }
0x18: {  	s0 =	sld [smem:$0x3F9C];
	_ =	swait.ge [sflag:s4], $0x0  }
0x19: {  	s7 =	sld [smem:$0x3F9D]  }
0x1a: {  	s8 =	sadd.s32 $0xFFFFE003, lr  }
0x1b: {  	s9 =	sadd.s32 $0xFFFFFEF7, lr;
	s5 =	simm.s32 $0xFFFFFFFF;
	p2 =	slt.u32 s8, $0xFFFFF086  }
0x1c: {  	p1 =	slt.u32 s9, $0xF7A;
	s5 =	simm.s32 @!p2 $0x0  }
0x1d: {  	s5 =	simm.s32 @p1 $0x1;
	p0 =	seq.s32 s7, s2  }
0x1e: {  	s7 =	smul.u32 @!p0 $0xF7A, s2;
	p2 =	seq.s32 @!p0 s5, $0x0  }
0x1f: {  	s9 =	smul.u32 $0xF7A, s1;
	s8 =	simm.s32 @!p0 $0x1BF5;
	p2 =	por !p2, p0  }
0x20: {  	[sflag:s8] =	ssyncset.s32 @!p0 $0xFFFFF086;
	s6 =	sadd.s32 @!p0 s3, s7;
	s7 =	simm.s32 @!p0 $0x108  }
0x21: {  	s3 =	sadd.s32 s3, s9;
	s6 =	sadd.s32 @!p0 $0x88, s6;
	s7 =	simm.s32 @p2 $0x1082  }
0x22: {  	[simem:s7], [sflag:s8] =	dma.local @!p0 [hbm:s6], $0xF7A  }
0x23: {  	s9 =	sor.u32 $0xD0000000, s2;
	s6 =	simm.s32 $0x108;
	_ =	swait.ge @!p0 [sflag:s8], $0x0  }
0x24: {  	s3 =	sadd.s32 $0x88, s3;
	s6 =	simm.s32 @!p1 $0x1082;
	[sflag:s4] =	ssyncset.s32 $0xFFFFF086  }
0x25: {  	[simem:s6], [sflag:s4] =	dma.local [hbm:s3], $0xF7A  }
0x26: {  	[smem:$0x3F9D] =	sst s1;
	(tag) =	ssettag s2;
	_ =	strace s9  }
0x27: {  	s1 =	sld [smem:$0x3FAD]  }
0x28: {  	s2 =	sld [smem:$0x3FAE]  }
0x29: {  	s4 =	sld [smem:$0x3FB0]  }
0x2a: {  	p0 =	seq.s32 s5, $0x0;
	s5 =	sld [smem:$0x3FB1]  }
0x2b: {  	s6 =	sld [smem:$0x3FB2]  }
0x2c: {  	s7 =	sld [smem:$0x3FB3]  }
0x2d: {  	s3 =	simm.s32 $0x108;
	s8 =	sld [smem:$0x3FB4]  }
0x2e: {  	s3 =	simm.s32 @!p0 $0x1082;
	s9 =	sld [smem:$0x3FB5]  }
0x2f: {  	lr =	sadd.s32 s0, s3;
	s0 =	sld [smem:$0x3FAC]  }
0x30: {  	s3 =	sld [smem:$0x3FAF]  }
0x31: {  	[smem:$0x3FB8] =	sst s10  }
0x32: {  	s10 =	sld [smem:$0x3FB6];
	_ =	sdelay $0x3  }
0x33: {  	p0 =	seq.s32 s10, $0x1;
	s10 =	sld [smem:$0x3FB8];
	_ =	sdelay $0x3  }
0x34: {  	[smem:$0x3FB8] =	sst s10  }
0x35: {  	s10 =	sld [smem:$0x3FB7];
	_ =	sdelay $0x3  }
0x36: {  	p1 =	seq.s32 s10, $0x1;
	s10 =	sld [smem:$0x3FB8];
	_ =	sdelay $0x3  }
0x37: {  	[smem:$0x3FB8] =	sst s10  }
0x38: {  	s10 =	sld [smem:$0x3FB9]  }
0x39: {  	_ = 	snop;
	(pc) =	sbr.ind lr, $3  }
0x3a: {  	_ = 	snop  }
0x3b: {  	_ = 	snop  }
0x3c: {  	p2 =	seq.s32 s10, $0x1;
	s10 =	sld [smem:$0x3FB8]  }
0x3d: {  	_ =	shalt  }
0x3e: {  	_ =	shalt  }
0x3f: {  	_ =	shalt  }
0x40: {  	_ =	shalt  }
0x41: {  	_ =	shalt  }
0x42: {  	_ =	shalt  }
0x43: {  	_ =	shalt  }
0x44: {  	_ =	shalt  }
0x45: {  	_ =	shalt  }
0x46: {  	_ =	shalt  }
0x47: {  	_ =	shalt  }
0x48: {  	_ =	shalt  }
0x49: {  	_ =	shalt  }
0x4a: {  	_ =	shalt  }
0x4b: {  	_ =	shalt  }
0x4c: {  	_ =	shalt  }
0x4d: {  	_ =	shalt  }
0x4e: {  	_ =	shalt  }
0x4f: {  	_ =	shalt  }
0x50: {  	_ =	shalt  }
0x51: {  	_ =	shalt  }
0x52: {  	_ =	shalt  }
0x53: {  	_ =	shalt  }
0x54: {  	_ =	shalt  }
0x55: {  	_ =	shalt  }
0x56: {  	_ =	shalt  }
0x57: {  	_ =	shalt  }
0x58: {  	_ =	shalt  }
0x59: {  	_ =	shalt  }
0x5a: {  	_ =	shalt  }
0x5b: {  	_ =	shalt  }
0x5c: {  	_ =	shalt  }
0x5d: {  	_ =	shalt  }
0x5e: {  	_ =	shalt  }
0x5f: {  	_ =	shalt  }
0x60: {  	_ =	shalt  }
0x61: {  	_ =	shalt  }
0x62: {  	_ =	shalt  }
0x63: {  	_ =	shalt  }
0x64: {  	_ =	shalt  }
0x65: {  	_ =	shalt  }
0x66: {  	_ =	shalt  }
0x67: {  	_ =	shalt  }
0x68: {  	_ =	shalt  }
0x69: {  	_ =	shalt  }
0x6a: {  	_ =	shalt  }
0x6b: {  	_ =	shalt  }
0x6c: {  	_ =	shalt  }
0x6d: {  	_ =	shalt  }
0x6e: {  	_ =	shalt  }
0x6f: {  	_ =	shalt  }
0x70: {  	_ =	shalt  }
0x71: {  	_ =	shalt  }
0x72: {  	_ =	shalt  }
0x73: {  	_ =	shalt  }
0x74: {  	_ =	shalt  }
0x75: {  	_ =	shalt  }
0x76: {  	_ =	shalt  }
0x77: {  	_ =	shalt  }
0x78: {  	_ =	shalt  }
0x79: {  	_ =	shalt  }
0x7a: {  	_ =	shalt  }
0x7b: {  	_ =	shalt  }
0x7c: {  	_ =	shalt  }
0x7d: {  	_ =	shalt  }
0x7e: {  	_ =	shalt  }
0x7f: {  	_ =	shalt  }
0x80: {  	_ =	shalt  }
0x81: {  	_ =	shalt  }
0x82: {  	_ =	shalt  }
0x83: {  	_ =	shalt  }
0x84: {  	_ =	shalt  }
0x85: {  	_ =	shalt  }
0x86: {  	_ =	shalt  }
0x87: {  	_ =	shalt  }
.Lfunc_end0:
.L_simem_size_0:
called_computation_lowered:
.L_overlay_start_0:
0x88: {  	s2 =	sld [smem:$0x3FD9]  }
0x89: {  	s3 =	sld [smem:$0x3FFE];
	_ =	sdelay $0x1  }
0x8a: {  	s1 =	srdreg.scid  }
0x8b: {  	s0 =	sand.u32 $0x1, s1  }
0x8c: {  	s17 =	sshll.u32 s0, $0xA;
	s2 =	sadd.s32 s3, s2  }
0x8d: {  	s2 =	sadd.s32 s2, s17  }
0x8e: {  	[smem:$0x3FC4] =	sst s2  }
0x8f: {  	_ = 	snop  }
0x90: {  	s2 =	sld [smem:$0x3FC9]  }
0x91: {  	s18 =	sld [smem:$0x3FD0];
	(tm) =	ssettm $0x1  }
0x92: {  	s4 =	sld [smem:$0x3FFB];
	_ =	sdelay $0x3  }
0x93: {  	_ =	strace s4  }
0x94: {  	s4 =	sld [smem:$0x3FFC];
	_ =	sdelay $0x3  }
0x95: {  	_ =	strace s4  }
0x96: {  	s4 =	sld [smem:$0x3FFD];
	_ =	sdelay $0x3  }
0x97: {  	_ =	strace s4  }
0x98: {  	_ =	strace $0x8FFFFFFF  }
0x99: {  	s19 =	sld [smem:$0x3FDB];
	_ =	sdelay $0x1  }
0x9a: {  	s5 =	simm.s32 $_scs_section_size  }
0x9b: {  	s6 =	simm.s32 $_size__tile_overlayer_lowered;
	s7 =	simm.s32 $_tile_overlayer_lowered  }
0x9c: {  	s22 =	simm.s32 $0x1BFF;
	s21 =	sshll.u32 s7, $0x1;
	s4 =	sadd.s32 s5, s19  }
0x9d: {  	s8 =	simm.s32 $0x0;
	s20 =	sshll.u32 s6, $0x1;
	s6 =	sadd.s32 s21, s4  }
0x9e: {  	[timem:s8], [sflag:s22] =	dma.local [hbm:s6], s20  }
0x9f: {  	_ =	swait.ge [sflag:s22], s20  }
0xa0: {  	s5 =	ssub.s32 $0x0, s20;
	[sflag:s22] =	ssyncset.done $0x0  }
0xa1: {  	[sflag:s22] =	ssyncadd.s32 s5;
	_ =	sdelay $0x1  }
0xa2: {  	s23 =	simm.s32 $0x1B8B  }
0xa3: {  	_ =	swait.ge [sflag:s23], $0x1  }
0xa4: {  	[sflag:s23] =	ssyncset.done $0x0  }
0xa5: {  	s25 =	simm.s32 $0x1B8E;
	s24 =	sld [smem:$0x3FFE];
	[sflag:s23] =	ssyncadd.s32 $0xFFFFFFFF  }
0xa6: {  	s26 =	simm.s32 $execute0_lowered;
	[smem:$0x3FD2] =	sst s25  }
0xa7: {  	s6 =	sshll.u32 s26, $0x1;
	_ =	strace $0x80000046;
	[dreg:$0x1] =	wrdreg $0xFFFFFFFF  }
0xa8: {  	s28 =	simm.s32 $_size_execute0_lowered;
	s4 =	sadd.s32 s4, s6;
	[dreg:$0x0] =	wrdreg $0x0  }
0xa9: {  	s6 =	sshll.u32 s28, $0x1;
	[dreg:$0x2] =	wrdreg s4  }
0xaa: {  	[dreg:$0x3] =	wrdreg s6  }
0xab: {  	[dreg:$0x4] =	wrdreg $0xC0  }
0xac: {  	_ =	task [dreg:s8], $0x5FFFF  }
0xad: {  	[dreg:$0x1] =	wrdreg $0xFFFFFFFF  }
0xae: {  	[dreg:$0x0] =	wrdreg $0x60  }
0xaf: {  	[dreg:$0x2] =	wrdreg s2  }
0xb0: {  	[dreg:$0x3] =	wrdreg s24  }
0xb1: {  	[dreg:$0x4] =	wrdreg s18  }
0xb2: {  	[dreg:$0x5] =	wrdreg $0x9  }
0xb3: {  	_ =	task.clear_ibuf [dreg:s8], $0x6FFFF;
	_ =	strace $0x90000046  }
0xb4: {  	s29 =	simm.s32 $0x9;
	_ =	strace $0x80000048  }
0xb5: {  	_ =	swait.ge [sflag:s29], $0x1  }
0xb6: {  	[sflag:s29] =	ssyncadd.s32 $0xFFFFFFFF  }
0xb7: {  	_ =	strace $0x90000048  }
0xb8: {  	_ =	sfence  }
0xb9: {  	s30 =	sld [smem:$0x0];
	_ =	sdelay $0x2  }
0xba: {  	s31 =	sshll.u32 s1, $0xD;
	s1 =	sshrl.u32 s1, $0x2  }
0xbb: {  	s3 =	sand.u32 $0x4000, s31;
	s1 =	sadd.s32 s1, s30  }
0xbc: {  	s0 =	sor.u32 s3, s0;
	s1 =	sshll.u32 s1, $0x11  }
0xbd: {  	s0 =	sor.u32 s1, s0  }
0xbe: {  	s0 =	sadd.s32 $0x8F2B, s0  }
0xbf: {  	[sflag:s0] =	ssyncadd.remote.s32 $0x1  }
0xc0: {  	_ =	sfence.sel $0xFFFF  }
0xc1: {  	[dreg:$0x0] =	wrdreg $0xFFFFFFFF;
	(pc) =	sbr.abs _section_cstart, $3  }
0xc2: {  	[dreg:$0x1] =	wrdreg $0xFFFFFFFF  }
0xc3: {  	_ =	task.clear_ibuf [dreg:s8], $0x2FFFF;
	_ =	strace $0x9FFFFFFF  }
0xc4: {  	(tm) =	ssettm $0x7FFFFFFF  }
0xc5: {  	_ =	shalt  }
tec
execute0_lowered:
.L_overlay_start_1:
0x0: {  	(tag) =	ssettag $0x1  }
0x1: {  	v0 =	vlaneseq.u32  }
0x2: {  	v1 =	vor.u32 $0x10, v0;
	v21 =	vor.u32 $0x150, v0;
	v22 =	vor.u32 $0x160, v0  }
0x3: {  	v23 =	vor.u32 $0x170, v0;
	v24 =	vor.u32 $0x180, v0;
	[tilespmem:$0x1FEC0] =	vst v1;
	v1 =	vor.u32 $0x20, v0  }
0x4: {  	v25 =	vor.u32 $0x190, v0;
	v26 =	vor.u32 $0x1A0, v0;
	[tilespmem:$0x1FED0] =	vst v1;
	v1 =	vor.u32 $0x30, v0  }
0x5: {  	s1 =	rddreg [dreg:$0x0];
	v27 =	vor.u32 $0x1B0, v0;
	v28 =	vor.u32 $0x1C0, v0;
	[tilespmem:$0x1FEE0] =	vst v1;
	v1 =	vor.u32 $0x40, v0  }
0x6: {  	s0 =	rddreg [dreg:$0x1];
	v29 =	vor.u32 $0x1D0, v0;
	v30 =	vor.u32 $0x1E0, v0;
	[tilespmem:$0x1FEF0] =	vst v1;
	v1 =	vor.u32 $0x50, v0  }
0x7: {  	s2 =	rddreg [dreg:$0x2];
	s3 =	simm.s32 $0x0;
	v31 =	vor.u32 $0x1F0, v0;
	v32 =	vor.u32 $0x200, v0;
	[tilespmem:$0x1FF00] =	vst v1;
	v1 =	vor.u32 $0x60, v0  }
0x8: {  	[smem:$0x7FF] =	sst s3;
	v33 =	vor.u32 $0x210, v0;
	v34 =	vor.u32 $0x220, v0;
	[tilespmem:$0x1FF10] =	vst v1;
	v1 =	vor.u32 $0x70, v0  }
0x9: {  	s4 =	srdreg.scid;
	s7 =	stileid.u32;
	v35 =	vor.u32 $0x230, v0;
	v36 =	vor.u32 $0x240, v0;
	_ =	strace $0x80000047;
	[tilespmem:$0x1FF20] =	vst v1;
	v1 =	vor.u32 $0x80, v0  }
0xa: {  	s16 =	simm.s32 $0x5;
	s17 =	simm.s32 $0x80;
	s18 =	simm.s32 $0x100;
	v37 =	vor.u32 $0x250, v0;
	v38 =	vor.u32 $0x260, v0;
	[tilespmem:$0x1FF30] =	vst v1;
	v1 =	vor.u32 $0x90, v0  }
0xb: {  	s20 =	simm.s32 $0x2;
	s28 =	simm.s32 $0x1;
	s30 =	simm.s32 $0x11900;
	v39 =	vor.u32 $0x270, v0;
	v40 =	vor.u32 $0x280, v0;
	[tilespmem:$0x1FF40] =	vst v1;
	v1 =	vor.u32 $0xA0, v0  }
0xc: {  	s29 =	simm.s32 $0x4;
	s5 =	sadd.s32 $0xA4A800, s0;
	s4 =	sand.u32 $0x1, s4;
	v41 =	vor.u32 $0x290, v0;
	v42 =	vor.u32 $0x2A0, v0;
	[tilespmem:$0x1FF50] =	vst v1;
	v1 =	vor.u32 $0xB0, v0  }
0xd: {  	s31 =	simm.s32 $0x0;
	s7 =	sshll.u32 s7, $0xE;
	v43 =	vor.u32 $0x2B0, v0;
	v44 =	vor.u32 $0x2C0, v0;
	s8 =	sshll.u32 s4, $0xD;
	[tilespmem:$0x1FF60] =	vst v1;
	v1 =	vor.u32 $0xC0, v0  }
0xe: {  	s6 =	sadd.s32 $0x800, s0;
	v45 =	vor.u32 $0x2D0, v0;
	v46 =	vor.u32 $0x2E0, v0;
	s4 =	ssub.s32 $0x2, s4;
	s8 =	sor.u32 s8, s7;
	[tilespmem:$0x1FF70] =	vst v1;
	v1 =	vor.u32 $0xD0, v0  }
0xf: {  	s0 =	sadd.s32 $0x64A800, s0;
	v47 =	vor.u32 $0x2F0, v0;
	v48 =	vor.u32 $0x300, v0;
	s22 =	sshrl.u32 s4, $0x1;
	s9 =	sshrl.u32 s8, $0x3;
	[tilespmem:$0x1FF80] =	vst v1;
	v1 =	vor.u32 $0xE0, v0  }
0x10: {  	v49 =	vor.u32 $0x310, v0;
	v50 =	vor.u32 $0x320, v0;
	s10 =	sor.u32 $0x80, s8;
	s4 =	ssub.s32 s4, s22;
	s24 =	sshll.u32 s8, $0x5;
	[tilespmem:$0x1FF90] =	vst v1;
	v1 =	vor.u32 $0xF0, v0  }
0x11: {  	v51 =	vor.u32 $0x330, v0;
	v52 =	vor.u32 $0x340, v0;
	s25 =	sshll.u32 s8, $0x2;
	s12 =	sor.u32 $0x100, s8;
	s23 =	sshrl.u32 s10, $0x3;
	[tilespmem:$0x1FFA0] =	vst v1;
	v1 =	vor.u32 $0x100, v0  }
0x12: {  	v53 =	vor.u32 $0x350, v0;
	v54 =	vor.u32 $0x360, v0;
	s7 =	sadd.s32 s1, s9;
	s13 =	sadd.s32 $0xFFFFF000, s24;
	s9 =	sadd.s32 s1, s23;
	[tilespmem:$0x1FFB0] =	vst v1;
	v1 =	vor.u32 $0x110, v0  }
0x13: {  	v55 =	vor.u32 $0x370, v0;
	v56 =	vor.u32 $0x380, v0;
	s26 =	sadd.s32 s25, s2;
	s11 =	sadd.s32 $0x20, s7;
	[dreg:$0x4] =	wrdreg s9;
	[tilespmem:$0x1FFC0] =	vst v1;
	v1 =	vor.u32 $0x120, v0  }
0x14: {  	v57 =	vor.u32 $0x390, v0;
	v58 =	vor.u32 $0x3A0, v0;
	s9 =	sadd.s32 s0, s8;
	[dreg:$0x5] =	wrdreg s11;
	s0 =	sadd.s32 s0, s10;
	[tilespmem:$0x1FFD0] =	vst v1;
	v1 =	vor.u32 $0x130, v0  }
0x15: {  	v59 =	vor.u32 $0x3B0, v0;
	v60 =	vor.u32 $0x3C0, v0;
	s15 =	smax.u32 s4, $0x1;
	[dreg:$0x6] =	wrdreg s0;
	s0 =	sadd.s32 $0x7E00, s26;
	[tilespmem:$0x1FFE0] =	vst v1;
	v1 =	vor.u32 $0x140, v0  }
0x16: {  	v61 =	vor.u32 $0x3D0, v0;
	v62 =	vor.u32 $0x3E0, v0;
	v63 =	vor.u32 $0x3F0, v0;
	s25 =	simm.s32 $0x11500;
	s26 =	simm.s32 $0x3;
	[dreg:$0x7] =	wrdreg s0;
	[tilespmem:$0x1FFF0] =	vst v1  }
.LBB2_1:
0x17: {  	[tilespmem:s3], [sflag:$0x5] =	stream.linear.gather [hbm4b:s7+s3], $0x80, $0x38;
	[tilespmem:$0x12900] =	vst v63  }
0x18: {  	_ =	swait.ge [sflag:s16], $0x80  }
0x19: {  	[sflag:s16] =	ssyncset.done $0x0  }
0x1a: {  	[sflag:s16] =	ssyncadd.s32 $0xFFFFFF80  }
0x1b: {  	[tilespmem:s18], [sflag:$0x2] =	stream.indirect.gather [hbm4b:s5+s17], $0x8, s3, s17, $0xb8;
	[tilespmem:$0x12900] =	vst v63  }
0x1c: {  	s0 =	rddreg [dreg:$0x4]  }
0x1d: {  	[tilespmem:s17], [sflag:$0x1] =	stream.linear.gather [hbm4b:s0+s3], $0x80, $0x38;
	[tilespmem:$0x12900] =	vst v63  }
0x1e: {  	s4 =	simm.s32 $0x11100  }
0x1f: {  	[tilespmem:s4], [sflag:$0x4] =	stream.linear.gather [hbm4b:s9+s3], $0x400, $0x38;
	[tilespmem:$0x12900] =	vst v63  }
0x20: {  	_ =	swait.ge [sflag:s20], $0x400  }
0x21: {  	[sflag:s20] =	ssyncset.done $0x0  }
0x22: {  	[sflag:s20] =	ssyncadd.s32 $0xFFFFFC00  }
0x23: {  	v1 =	vld.idx.msk [tilespmem:v0+s18+$0x0], $0xffff;
	_ =	sdelay $0x4  }
0x24: {  	[tilespmem:$0x900] =	vst v1;
	v1 =	vld [tilespmem:$0x1FEC0];
	_ =	sdelay $0x7  }
0x25: {  	v1 =	vld.idx.msk [tilespmem:v1+s18+$0x0], $0xffff;
	_ =	sdelay $0x4  }
0x26: {  	[tilespmem:$0x910] =	vst v1;
	v1 =	vld [tilespmem:$0x1FED0];
	_ =	sdelay $0x7  }
0x27: {  	v1 =	vld.idx.msk [tilespmem:v1+s18+$0x0], $0xffff;
	_ =	sdelay $0x4  }
0x28: {  	[tilespmem:$0x920] =	vst v1;
	v1 =	vld [tilespmem:$0x1FEE0];
	_ =	sdelay $0x7  }
0x29: {  	v1 =	vld.idx.msk [tilespmem:v1+s18+$0x0], $0xffff;
	_ =	sdelay $0x4  }
0x2a: {  	[tilespmem:$0x930] =	vst v1;
	v1 =	vld [tilespmem:$0x1FEF0];
	_ =	sdelay $0x7  }
0x2b: {  	v1 =	vld.idx.msk [tilespmem:v1+s18+$0x0], $0xffff;
	_ =	sdelay $0x4  }
0x2c: {  	[tilespmem:$0x940] =	vst v1;
	v1 =	vld [tilespmem:$0x1FF00];
	_ =	sdelay $0x7  }
0x2d: {  	v1 =	vld.idx.msk [tilespmem:v1+s18+$0x0], $0xffff;
	_ =	sdelay $0x4  }
0x2e: {  	[tilespmem:$0x950] =	vst v1;
	v1 =	vld [tilespmem:$0x1FF10];
	_ =	sdelay $0x7  }
0x2f: {  	v1 =	vld.idx.msk [tilespmem:v1+s18+$0x0], $0xffff;
	_ =	sdelay $0x4  }
0x30: {  	[tilespmem:$0x960] =	vst v1;
	v1 =	vld [tilespmem:$0x1FF20];
	_ =	sdelay $0x7  }
0x31: {  	v1 =	vld.idx.msk [tilespmem:v1+s18+$0x0], $0xffff;
	_ =	sdelay $0x4  }
0x32: {  	[tilespmem:$0x970] =	vst v1;
	v1 =	vld [tilespmem:$0x1FF30];
	_ =	sdelay $0x7  }
0x33: {  	v1 =	vld.idx.msk [tilespmem:v1+s18+$0x0], $0xffff;
	_ =	sdelay $0x4  }
0x34: {  	[tilespmem:$0x980] =	vst v1;
	v1 =	vld [tilespmem:$0x1FF40];
	_ =	sdelay $0x7  }
0x35: {  	v1 =	vld.idx.msk [tilespmem:v1+s18+$0x0], $0xffff;
	_ =	sdelay $0x4  }
0x36: {  	[tilespmem:$0x990] =	vst v1;
	v1 =	vld [tilespmem:$0x1FF50];
	_ =	sdelay $0x7  }
0x37: {  	v1 =	vld.idx.msk [tilespmem:v1+s18+$0x0], $0xffff;
	_ =	sdelay $0x4  }
0x38: {  	[tilespmem:$0x9A0] =	vst v1;
	v1 =	vld [tilespmem:$0x1FF60];
	_ =	sdelay $0x7  }
0x39: {  	v1 =	vld.idx.msk [tilespmem:v1+s18+$0x0], $0xffff;
	_ =	sdelay $0x4  }
0x3a: {  	[tilespmem:$0x9B0] =	vst v1;
	v1 =	vld [tilespmem:$0x1FF70];
	_ =	sdelay $0x7  }
0x3b: {  	v1 =	vld.idx.msk [tilespmem:v1+s18+$0x0], $0xffff;
	_ =	sdelay $0x4  }
0x3c: {  	[tilespmem:$0x9C0] =	vst v1;
	v1 =	vld [tilespmem:$0x1FF80];
	_ =	sdelay $0x7  }
0x3d: {  	v1 =	vld.idx.msk [tilespmem:v1+s18+$0x0], $0xffff;
	_ =	sdelay $0x4  }
0x3e: {  	[tilespmem:$0x9D0] =	vst v1;
	v1 =	vld [tilespmem:$0x1FF90];
	_ =	sdelay $0x7  }
0x3f: {  	v1 =	vld.idx.msk [tilespmem:v1+s18+$0x0], $0xffff;
	_ =	sdelay $0x4  }
0x40: {  	[tilespmem:$0x9E0] =	vst v1;
	v1 =	vld [tilespmem:$0x1FFA0];
	_ =	sdelay $0x7  }
0x41: {  	v1 =	vld.idx.msk [tilespmem:v1+s18+$0x0], $0xffff;
	_ =	sdelay $0x4  }
0x42: {  	[tilespmem:$0x9F0] =	vst v1;
	v1 =	vld [tilespmem:$0x1FFB0];
	_ =	sdelay $0x7  }
0x43: {  	v1 =	vld.idx.msk [tilespmem:v1+s18+$0x0], $0xffff;
	_ =	sdelay $0x4  }
0x44: {  	[tilespmem:$0xA00] =	vst v1;
	v1 =	vld [tilespmem:$0x1FFC0];
	_ =	sdelay $0x7  }
0x45: {  	v1 =	vld.idx.msk [tilespmem:v1+s18+$0x0], $0xffff;
	_ =	sdelay $0x4  }
0x46: {  	[tilespmem:$0xA10] =	vst v1;
	v1 =	vld [tilespmem:$0x1FFD0];
	_ =	sdelay $0x7  }
0x47: {  	v1 =	vld.idx.msk [tilespmem:v1+s18+$0x0], $0xffff;
	_ =	sdelay $0x4  }
0x48: {  	[tilespmem:$0xA20] =	vst v1;
	v1 =	vld [tilespmem:$0x1FFE0];
	_ =	sdelay $0x7  }
0x49: {  	v1 =	vld.idx.msk [tilespmem:v1+s18+$0x0], $0xffff;
	_ =	sdelay $0x4  }
0x4a: {  	[tilespmem:$0xA30] =	vst v1;
	v1 =	vld [tilespmem:$0x1FFF0];
	_ =	sdelay $0x7  }
0x4b: {  	v1 =	vld.idx.msk [tilespmem:v1+s18+$0x0], $0xffff;
	_ =	sdelay $0x4  }
0x4c: {  	[tilespmem:$0xA40] =	vst v1  }
0x4d: {  	v1 =	vld.idx.msk [tilespmem:v21+s18+$0x0], $0xffff;
	_ =	sdelay $0x4  }
0x4e: {  	[tilespmem:$0xA50] =	vst v1  }
0x4f: {  	v1 =	vld.idx.msk [tilespmem:v22+s18+$0x0], $0xffff;
	_ =	sdelay $0x4  }
0x50: {  	[tilespmem:$0xA60] =	vst v1  }
0x51: {  	v1 =	vld.idx.msk [tilespmem:v23+s18+$0x0], $0xffff;
	_ =	sdelay $0x4  }
0x52: {  	[tilespmem:$0xA70] =	vst v1  }
0x53: {  	v1 =	vld.idx.msk [tilespmem:v24+s18+$0x0], $0xffff;
	_ =	sdelay $0x4  }
0x54: {  	[tilespmem:$0xA80] =	vst v1  }
0x55: {  	v1 =	vld.idx.msk [tilespmem:v25+s18+$0x0], $0xffff;
	_ =	sdelay $0x4  }
0x56: {  	[tilespmem:$0xA90] =	vst v1  }
0x57: {  	v1 =	vld.idx.msk [tilespmem:v26+s18+$0x0], $0xffff;
	_ =	sdelay $0x4  }
0x58: {  	[tilespmem:$0xAA0] =	vst v1  }
0x59: {  	v1 =	vld.idx.msk [tilespmem:v27+s18+$0x0], $0xffff;
	_ =	sdelay $0x4  }
0x5a: {  	[tilespmem:$0xAB0] =	vst v1  }
0x5b: {  	v1 =	vld.idx.msk [tilespmem:v28+s18+$0x0], $0xffff;
	_ =	sdelay $0x4  }
0x5c: {  	[tilespmem:$0xAC0] =	vst v1  }
0x5d: {  	v1 =	vld.idx.msk [tilespmem:v29+s18+$0x0], $0xffff;
	_ =	sdelay $0x4  }
0x5e: {  	[tilespmem:$0xAD0] =	vst v1  }
0x5f: {  	v1 =	vld.idx.msk [tilespmem:v30+s18+$0x0], $0xffff;
	_ =	sdelay $0x4  }
0x60: {  	[tilespmem:$0xAE0] =	vst v1  }
0x61: {  	v1 =	vld.idx.msk [tilespmem:v31+s18+$0x0], $0xffff;
	_ =	sdelay $0x4  }
0x62: {  	[tilespmem:$0xAF0] =	vst v1  }
0x63: {  	v1 =	vld.idx.msk [tilespmem:v32+s18+$0x0], $0xffff;
	_ =	sdelay $0x4  }
0x64: {  	[tilespmem:$0xB00] =	vst v1  }
0x65: {  	v1 =	vld.idx.msk [tilespmem:v33+s18+$0x0], $0xffff;
	_ =	sdelay $0x4  }
0x66: {  	[tilespmem:$0xB10] =	vst v1  }
0x67: {  	v1 =	vld.idx.msk [tilespmem:v34+s18+$0x0], $0xffff;
	_ =	sdelay $0x4  }
0x68: {  	[tilespmem:$0xB20] =	vst v1  }
0x69: {  	v1 =	vld.idx.msk [tilespmem:v35+s18+$0x0], $0xffff;
	_ =	sdelay $0x4  }
0x6a: {  	[tilespmem:$0xB30] =	vst v1  }
0x6b: {  	v1 =	vld.idx.msk [tilespmem:v36+s18+$0x0], $0xffff;
	_ =	sdelay $0x4  }
0x6c: {  	[tilespmem:$0xB40] =	vst v1  }
0x6d: {  	v1 =	vld.idx.msk [tilespmem:v37+s18+$0x0], $0xffff;
	_ =	sdelay $0x4  }
0x6e: {  	[tilespmem:$0xB50] =	vst v1  }
0x6f: {  	v1 =	vld.idx.msk [tilespmem:v38+s18+$0x0], $0xffff;
	_ =	sdelay $0x4  }
0x70: {  	[tilespmem:$0xB60] =	vst v1  }
0x71: {  	v1 =	vld.idx.msk [tilespmem:v39+s18+$0x0], $0xffff;
	_ =	sdelay $0x4  }
0x72: {  	[tilespmem:$0xB70] =	vst v1  }
0x73: {  	v1 =	vld.idx.msk [tilespmem:v40+s18+$0x0], $0xffff;
	_ =	sdelay $0x4  }
0x74: {  	[tilespmem:$0xB80] =	vst v1  }
0x75: {  	v1 =	vld.idx.msk [tilespmem:v41+s18+$0x0], $0xffff;
	_ =	sdelay $0x4  }
0x76: {  	[tilespmem:$0xB90] =	vst v1  }
0x77: {  	v1 =	vld.idx.msk [tilespmem:v42+s18+$0x0], $0xffff;
	_ =	sdelay $0x4  }
0x78: {  	[tilespmem:$0xBA0] =	vst v1  }
0x79: {  	v1 =	vld.idx.msk [tilespmem:v43+s18+$0x0], $0xffff;
	_ =	sdelay $0x4  }
0x7a: {  	[tilespmem:$0xBB0] =	vst v1  }
0x7b: {  	v1 =	vld.idx.msk [tilespmem:v44+s18+$0x0], $0xffff;
	_ =	sdelay $0x4  }
0x7c: {  	[tilespmem:$0xBC0] =	vst v1  }
0x7d: {  	v1 =	vld.idx.msk [tilespmem:v45+s18+$0x0], $0xffff;
	_ =	sdelay $0x4  }
0x7e: {  	[tilespmem:$0xBD0] =	vst v1  }
0x7f: {  	v1 =	vld.idx.msk [tilespmem:v46+s18+$0x0], $0xffff;
	_ =	sdelay $0x4  }
0x80: {  	[tilespmem:$0xBE0] =	vst v1  }
0x81: {  	v1 =	vld.idx.msk [tilespmem:v47+s18+$0x0], $0xffff;
	_ =	sdelay $0x4  }
0x82: {  	[tilespmem:$0xBF0] =	vst v1  }
0x83: {  	v1 =	vld.idx.msk [tilespmem:v48+s18+$0x0], $0xffff;
	_ =	sdelay $0x4  }
0x84: {  	[tilespmem:$0xC00] =	vst v1  }
0x85: {  	v1 =	vld.idx.msk [tilespmem:v49+s18+$0x0], $0xffff;
	_ =	sdelay $0x4  }
0x86: {  	[tilespmem:$0xC10] =	vst v1  }
0x87: {  	v1 =	vld.idx.msk [tilespmem:v50+s18+$0x0], $0xffff;
	_ =	sdelay $0x4  }
0x88: {  	[tilespmem:$0xC20] =	vst v1  }
0x89: {  	v1 =	vld.idx.msk [tilespmem:v51+s18+$0x0], $0xffff;
	_ =	sdelay $0x4  }
0x8a: {  	[tilespmem:$0xC30] =	vst v1  }
0x8b: {  	v1 =	vld.idx.msk [tilespmem:v52+s18+$0x0], $0xffff;
	_ =	sdelay $0x4  }
0x8c: {  	[tilespmem:$0xC40] =	vst v1  }
0x8d: {  	v1 =	vld.idx.msk [tilespmem:v53+s18+$0x0], $0xffff;
	_ =	sdelay $0x4  }
0x8e: {  	[tilespmem:$0xC50] =	vst v1  }
0x8f: {  	v1 =	vld.idx.msk [tilespmem:v54+s18+$0x0], $0xffff;
	_ =	sdelay $0x4  }
0x90: {  	[tilespmem:$0xC60] =	vst v1  }
0x91: {  	v1 =	vld.idx.msk [tilespmem:v55+s18+$0x0], $0xffff;
	_ =	sdelay $0x4  }
0x92: {  	[tilespmem:$0xC70] =	vst v1  }
0x93: {  	v1 =	vld.idx.msk [tilespmem:v56+s18+$0x0], $0xffff;
	_ =	sdelay $0x4  }
0x94: {  	[tilespmem:$0xC80] =	vst v1  }
0x95: {  	v1 =	vld.idx.msk [tilespmem:v57+s18+$0x0], $0xffff;
	_ =	sdelay $0x4  }
0x96: {  	[tilespmem:$0xC90] =	vst v1  }
0x97: {  	v1 =	vld.idx.msk [tilespmem:v58+s18+$0x0], $0xffff;
	_ =	sdelay $0x4  }
0x98: {  	[tilespmem:$0xCA0] =	vst v1  }
0x99: {  	v1 =	vld.idx.msk [tilespmem:v59+s18+$0x0], $0xffff;
	_ =	sdelay $0x4  }
0x9a: {  	[tilespmem:$0xCB0] =	vst v1  }
0x9b: {  	v1 =	vld.idx.msk [tilespmem:v60+s18+$0x0], $0xffff;
	_ =	sdelay $0x4  }
0x9c: {  	[tilespmem:$0xCC0] =	vst v1  }
0x9d: {  	v1 =	vld.idx.msk [tilespmem:v61+s18+$0x0], $0xffff;
	_ =	sdelay $0x4  }
0x9e: {  	[tilespmem:$0xCD0] =	vst v1  }
0x9f: {  	v1 =	vld.idx.msk [tilespmem:v62+s18+$0x0], $0xffff;
	_ =	sdelay $0x4  }
0xa0: {  	[tilespmem:$0xCE0] =	vst v1  }
0xa1: {  	v1 =	vld.idx.msk [tilespmem:v63+s18+$0x0], $0xffff;
	_ =	sdelay $0x4  }
0xa2: {  	s8 =	simm.s32 $0x900;
	s4 =	simm.s32 $0x1100;
	[tilespmem:$0xCF0] =	vst v1  }
0xa3: {  	[tilespmem:s4], [sflag:$0x3] =	stream.indirect.gather [hbm4b:s6+s17], $0x20, s8, s17, $0xb8;
	[tilespmem:$0x12900] =	vst v63  }
0xa4: {  	s10 =	simm.s32 $0x980;
	s11 =	simm.s32 $0x2100  }
0xa5: {  	[tilespmem:s11], [sflag:$0x3] =	stream.indirect.gather [hbm4b:s6+s17], $0x20, s10, s17, $0xb8;
	[tilespmem:$0x12900] =	vst v63  }
0xa6: {  	s14 =	simm.s32 $0xA00;
	s19 =	simm.s32 $0x3100  }
0xa7: {  	[tilespmem:s19], [sflag:$0x3] =	stream.indirect.gather [hbm4b:s6+s17], $0x20, s14, s17, $0xb8;
	[tilespmem:$0x12900] =	vst v63  }
0xa8: {  	s21 =	simm.s32 $0xA80;
	s22 =	simm.s32 $0x4100  }
0xa9: {  	[tilespmem:s22], [sflag:$0x3] =	stream.indirect.gather [hbm4b:s6+s17], $0x20, s21, s17, $0xb8;
	[tilespmem:$0x12900] =	vst v63  }
0xaa: {  	s23 =	simm.s32 $0xB00;
	s24 =	simm.s32 $0x5100  }
0xab: {  	[tilespmem:s24], [sflag:$0x3] =	stream.indirect.gather [hbm4b:s6+s17], $0x20, s23, s17, $0xb8;
	[tilespmem:$0x12900] =	vst v63  }
0xac: {  	s8 =	simm.s32 $0xB80;
	s10 =	simm.s32 $0x6100  }
0xad: {  	[tilespmem:s10], [sflag:$0x3] =	stream.indirect.gather [hbm4b:s6+s17], $0x20, s8, s17, $0xb8;
	[tilespmem:$0x12900] =	vst v63  }
0xae: {  	s11 =	simm.s32 $0xC00;
	s14 =	simm.s32 $0x7100  }
0xaf: {  	[tilespmem:s14], [sflag:$0x3] =	stream.indirect.gather [hbm4b:s6+s17], $0x20, s11, s17, $0xb8;
	[tilespmem:$0x12900] =	vst v63  }
0xb0: {  	s19 =	simm.s32 $0xC80;
	s21 =	simm.s32 $0x8100  }
0xb1: {  	[tilespmem:s21], [sflag:$0x3] =	stream.indirect.gather [hbm4b:s6+s17], $0x20, s19, s17, $0xb8;
	[tilespmem:$0x12900] =	vst v63  }
0xb2: {  	_ =	swait.ge [sflag:s28], $0x80  }
0xb3: {  	[sflag:s28] =	ssyncset.done $0x0  }
0xb4: {  	s22 =	simm.s32 $0x500;
	[sflag:s28] =	ssyncadd.s32 $0xFFFFFF80  }
0xb5: {  	[tilespmem:s22], [sflag:$0x2] =	stream.indirect.gather [hbm4b:s5+s17], $0x8, s17, s17, $0xb8;
	[tilespmem:$0x12900] =	vst v63  }
0xb6: {  	s23 =	rddreg [dreg:$0x5]  }
0xb7: {  	[tilespmem:s3], [sflag:$0x1] =	stream.linear.gather [hbm4b:s23+s3], $0x80, $0x38;
	[tilespmem:$0x12900] =	vst v63  }
0xb8: {  	s0 =	simm.s32 $0x1;
	s24 =	rddreg [dreg:$0x6]  }
0xb9: {  	[tilespmem:s25], [sflag:$0x4] =	stream.linear.gather [hbm4b:s24+s3], $0x400, $0x38;
	[tilespmem:$0x12900] =	vst v63  }
.LBB2_2:
0xba: {  	_ = 	snop  }
0xbb: {  	s4 =	sand.u32 $0x1, s0;
	_ =	swait.ge [sflag:s20], $0x400  }
0xbc: {  	[sflag:s20] =	ssyncset.done $0x0;
	s8 =	sshll.u32 s4, $0xA  }
0xbd: {  	[sflag:s20] =	ssyncadd.s32 $0xFFFFFC00;
	s10 =	sor.u32 $0x100, s8  }
0xbe: {  	v1 =	vld.idx.msk [tilespmem:v0+s10+$0x0], $0xffff;
	_ =	sdelay $0x4  }
0xbf: {  	[tilespmem:s8+$0x900] =	vst v1;
	v1 =	vld [tilespmem:$0x1FEC0];
	_ =	sdelay $0x7  }
0xc0: {  	v1 =	vld.idx.msk [tilespmem:v1+s10+$0x0], $0xffff;
	_ =	sdelay $0x4  }
0xc1: {  	[tilespmem:s8+$0x910] =	vst v1;
	v1 =	vld [tilespmem:$0x1FED0];
	_ =	sdelay $0x7  }
0xc2: {  	v1 =	vld.idx.msk [tilespmem:v1+s10+$0x0], $0xffff;
	_ =	sdelay $0x4  }
0xc3: {  	[tilespmem:s8+$0x920] =	vst v1;
	v1 =	vld [tilespmem:$0x1FEE0];
	_ =	sdelay $0x7  }
0xc4: {  	v1 =	vld.idx.msk [tilespmem:v1+s10+$0x0], $0xffff;
	_ =	sdelay $0x4  }
0xc5: {  	[tilespmem:s8+$0x930] =	vst v1;
	v1 =	vld [tilespmem:$0x1FEF0];
	_ =	sdelay $0x7  }
0xc6: {  	v1 =	vld.idx.msk [tilespmem:v1+s10+$0x0], $0xffff;
	_ =	sdelay $0x4  }
0xc7: {  	[tilespmem:s8+$0x940] =	vst v1;
	v1 =	vld [tilespmem:$0x1FF00];
	_ =	sdelay $0x7  }
0xc8: {  	v1 =	vld.idx.msk [tilespmem:v1+s10+$0x0], $0xffff;
	_ =	sdelay $0x4  }
0xc9: {  	[tilespmem:s8+$0x950] =	vst v1;
	v1 =	vld [tilespmem:$0x1FF10];
	_ =	sdelay $0x7  }
0xca: {  	v1 =	vld.idx.msk [tilespmem:v1+s10+$0x0], $0xffff;
	_ =	sdelay $0x4  }
0xcb: {  	[tilespmem:s8+$0x960] =	vst v1;
	v1 =	vld [tilespmem:$0x1FF20];
	_ =	sdelay $0x7  }
0xcc: {  	v1 =	vld.idx.msk [tilespmem:v1+s10+$0x0], $0xffff;
	_ =	sdelay $0x4  }
0xcd: {  	[tilespmem:s8+$0x970] =	vst v1;
	v1 =	vld [tilespmem:$0x1FF30];
	_ =	sdelay $0x7  }
0xce: {  	v1 =	vld.idx.msk [tilespmem:v1+s10+$0x0], $0xffff;
	_ =	sdelay $0x4  }
0xcf: {  	[tilespmem:s8+$0x980] =	vst v1;
	v1 =	vld [tilespmem:$0x1FF40];
	_ =	sdelay $0x7  }
0xd0: {  	v1 =	vld.idx.msk [tilespmem:v1+s10+$0x0], $0xffff;
	_ =	sdelay $0x4  }
0xd1: {  	[tilespmem:s8+$0x990] =	vst v1;
	v1 =	vld [tilespmem:$0x1FF50];
	_ =	sdelay $0x7  }
0xd2: {  	v1 =	vld.idx.msk [tilespmem:v1+s10+$0x0], $0xffff;
	_ =	sdelay $0x4  }
0xd3: {  	[tilespmem:s8+$0x9A0] =	vst v1;
	v1 =	vld [tilespmem:$0x1FF60];
	_ =	sdelay $0x7  }
0xd4: {  	v1 =	vld.idx.msk [tilespmem:v1+s10+$0x0], $0xffff;
	_ =	sdelay $0x4  }
0xd5: {  	[tilespmem:s8+$0x9B0] =	vst v1;
	v1 =	vld [tilespmem:$0x1FF70];
	_ =	sdelay $0x7  }
0xd6: {  	v1 =	vld.idx.msk [tilespmem:v1+s10+$0x0], $0xffff;
	_ =	sdelay $0x4  }
0xd7: {  	[tilespmem:s8+$0x9C0] =	vst v1;
	v1 =	vld [tilespmem:$0x1FF80];
	_ =	sdelay $0x7  }
0xd8: {  	v1 =	vld.idx.msk [tilespmem:v1+s10+$0x0], $0xffff;
	_ =	sdelay $0x4  }
0xd9: {  	[tilespmem:s8+$0x9D0] =	vst v1;
	v1 =	vld [tilespmem:$0x1FF90];
	_ =	sdelay $0x7  }
0xda: {  	v1 =	vld.idx.msk [tilespmem:v1+s10+$0x0], $0xffff;
	_ =	sdelay $0x4  }
0xdb: {  	[tilespmem:s8+$0x9E0] =	vst v1;
	v1 =	vld [tilespmem:$0x1FFA0];
	_ =	sdelay $0x7  }
0xdc: {  	v1 =	vld.idx.msk [tilespmem:v1+s10+$0x0], $0xffff;
	_ =	sdelay $0x4  }
0xdd: {  	[tilespmem:s8+$0x9F0] =	vst v1;
	v1 =	vld [tilespmem:$0x1FFB0];
	_ =	sdelay $0x7  }
0xde: {  	v1 =	vld.idx.msk [tilespmem:v1+s10+$0x0], $0xffff;
	_ =	sdelay $0x4  }
0xdf: {  	[tilespmem:s8+$0xA00] =	vst v1;
	v1 =	vld [tilespmem:$0x1FFC0];
	_ =	sdelay $0x7  }
0xe0: {  	v1 =	vld.idx.msk [tilespmem:v1+s10+$0x0], $0xffff;
	_ =	sdelay $0x4  }
0xe1: {  	[tilespmem:s8+$0xA10] =	vst v1;
	v1 =	vld [tilespmem:$0x1FFD0];
	_ =	sdelay $0x7  }
0xe2: {  	v1 =	vld.idx.msk [tilespmem:v1+s10+$0x0], $0xffff;
	_ =	sdelay $0x4  }
0xe3: {  	[tilespmem:s8+$0xA20] =	vst v1;
	v1 =	vld [tilespmem:$0x1FFE0];
	_ =	sdelay $0x7  }
0xe4: {  	v1 =	vld.idx.msk [tilespmem:v1+s10+$0x0], $0xffff;
	_ =	sdelay $0x4  }
0xe5: {  	[tilespmem:s8+$0xA30] =	vst v1;
	v1 =	vld [tilespmem:$0x1FFF0];
	_ =	sdelay $0x7  }
0xe6: {  	v1 =	vld.idx.msk [tilespmem:v1+s10+$0x0], $0xffff;
	_ =	sdelay $0x4  }
0xe7: {  	[tilespmem:s8+$0xA40] =	vst v1  }
0xe8: {  	v1 =	vld.idx.msk [tilespmem:v21+s10+$0x0], $0xffff;
	_ =	sdelay $0x4  }
0xe9: {  	[tilespmem:s8+$0xA50] =	vst v1  }
0xea: {  	v1 =	vld.idx.msk [tilespmem:v22+s10+$0x0], $0xffff;
	_ =	sdelay $0x4  }
0xeb: {  	[tilespmem:s8+$0xA60] =	vst v1  }
0xec: {  	v1 =	vld.idx.msk [tilespmem:v23+s10+$0x0], $0xffff;
	_ =	sdelay $0x4  }
0xed: {  	[tilespmem:s8+$0xA70] =	vst v1  }
0xee: {  	v1 =	vld.idx.msk [tilespmem:v24+s10+$0x0], $0xffff;
	_ =	sdelay $0x4  }
0xef: {  	[tilespmem:s8+$0xA80] =	vst v1  }
0xf0: {  	v1 =	vld.idx.msk [tilespmem:v25+s10+$0x0], $0xffff;
	_ =	sdelay $0x4  }
0xf1: {  	[tilespmem:s8+$0xA90] =	vst v1  }
0xf2: {  	v1 =	vld.idx.msk [tilespmem:v26+s10+$0x0], $0xffff;
	_ =	sdelay $0x4  }
0xf3: {  	[tilespmem:s8+$0xAA0] =	vst v1  }
0xf4: {  	v1 =	vld.idx.msk [tilespmem:v27+s10+$0x0], $0xffff;
	_ =	sdelay $0x4  }
0xf5: {  	[tilespmem:s8+$0xAB0] =	vst v1  }
0xf6: {  	v1 =	vld.idx.msk [tilespmem:v28+s10+$0x0], $0xffff;
	_ =	sdelay $0x4  }
0xf7: {  	[tilespmem:s8+$0xAC0] =	vst v1  }
0xf8: {  	v1 =	vld.idx.msk [tilespmem:v29+s10+$0x0], $0xffff;
	_ =	sdelay $0x4  }
0xf9: {  	[tilespmem:s8+$0xAD0] =	vst v1  }
0xfa: {  	v1 =	vld.idx.msk [tilespmem:v30+s10+$0x0], $0xffff;
	_ =	sdelay $0x4  }
0xfb: {  	[tilespmem:s8+$0xAE0] =	vst v1  }
0xfc: {  	v1 =	vld.idx.msk [tilespmem:v31+s10+$0x0], $0xffff;
	_ =	sdelay $0x4  }
0xfd: {  	[tilespmem:s8+$0xAF0] =	vst v1  }
0xfe: {  	v1 =	vld.idx.msk [tilespmem:v32+s10+$0x0], $0xffff;
	_ =	sdelay $0x4  }
0xff: {  	[tilespmem:s8+$0xB00] =	vst v1  }
0x100: {  	v1 =	vld.idx.msk [tilespmem:v33+s10+$0x0], $0xffff;
	_ =	sdelay $0x4  }
0x101: {  	[tilespmem:s8+$0xB10] =	vst v1  }
0x102: {  	v1 =	vld.idx.msk [tilespmem:v34+s10+$0x0], $0xffff;
	_ =	sdelay $0x4  }
0x103: {  	[tilespmem:s8+$0xB20] =	vst v1  }
0x104: {  	v1 =	vld.idx.msk [tilespmem:v35+s10+$0x0], $0xffff;
	_ =	sdelay $0x4  }
0x105: {  	[tilespmem:s8+$0xB30] =	vst v1  }
0x106: {  	v1 =	vld.idx.msk [tilespmem:v36+s10+$0x0], $0xffff;
	_ =	sdelay $0x4  }
0x107: {  	[tilespmem:s8+$0xB40] =	vst v1  }
0x108: {  	v1 =	vld.idx.msk [tilespmem:v37+s10+$0x0], $0xffff;
	_ =	sdelay $0x4  }
0x109: {  	[tilespmem:s8+$0xB50] =	vst v1  }
0x10a: {  	v1 =	vld.idx.msk [tilespmem:v38+s10+$0x0], $0xffff;
	_ =	sdelay $0x4  }
0x10b: {  	[tilespmem:s8+$0xB60] =	vst v1  }
0x10c: {  	v1 =	vld.idx.msk [tilespmem:v39+s10+$0x0], $0xffff;
	_ =	sdelay $0x4  }
0x10d: {  	[tilespmem:s8+$0xB70] =	vst v1  }
0x10e: {  	v1 =	vld.idx.msk [tilespmem:v40+s10+$0x0], $0xffff;
	_ =	sdelay $0x4  }
0x10f: {  	[tilespmem:s8+$0xB80] =	vst v1  }
0x110: {  	v1 =	vld.idx.msk [tilespmem:v41+s10+$0x0], $0xffff;
	_ =	sdelay $0x4  }
0x111: {  	[tilespmem:s8+$0xB90] =	vst v1  }
0x112: {  	v1 =	vld.idx.msk [tilespmem:v42+s10+$0x0], $0xffff;
	_ =	sdelay $0x4  }
0x113: {  	[tilespmem:s8+$0xBA0] =	vst v1  }
0x114: {  	v1 =	vld.idx.msk [tilespmem:v43+s10+$0x0], $0xffff;
	_ =	sdelay $0x4  }
0x115: {  	[tilespmem:s8+$0xBB0] =	vst v1  }
0x116: {  	v1 =	vld.idx.msk [tilespmem:v44+s10+$0x0], $0xffff;
	_ =	sdelay $0x4  }
0x117: {  	[tilespmem:s8+$0xBC0] =	vst v1  }
0x118: {  	v1 =	vld.idx.msk [tilespmem:v45+s10+$0x0], $0xffff;
	_ =	sdelay $0x4  }
0x119: {  	[tilespmem:s8+$0xBD0] =	vst v1  }
0x11a: {  	v1 =	vld.idx.msk [tilespmem:v46+s10+$0x0], $0xffff;
	_ =	sdelay $0x4  }
0x11b: {  	[tilespmem:s8+$0xBE0] =	vst v1  }
0x11c: {  	v1 =	vld.idx.msk [tilespmem:v47+s10+$0x0], $0xffff;
	_ =	sdelay $0x4  }
0x11d: {  	[tilespmem:s8+$0xBF0] =	vst v1  }
0x11e: {  	v1 =	vld.idx.msk [tilespmem:v48+s10+$0x0], $0xffff;
	_ =	sdelay $0x4  }
0x11f: {  	[tilespmem:s8+$0xC00] =	vst v1  }
0x120: {  	v1 =	vld.idx.msk [tilespmem:v49+s10+$0x0], $0xffff;
	_ =	sdelay $0x4  }
0x121: {  	[tilespmem:s8+$0xC10] =	vst v1  }
0x122: {  	v1 =	vld.idx.msk [tilespmem:v50+s10+$0x0], $0xffff;
	_ =	sdelay $0x4  }
0x123: {  	[tilespmem:s8+$0xC20] =	vst v1  }
0x124: {  	v1 =	vld.idx.msk [tilespmem:v51+s10+$0x0], $0xffff;
	_ =	sdelay $0x4  }
0x125: {  	[tilespmem:s8+$0xC30] =	vst v1  }
0x126: {  	v1 =	vld.idx.msk [tilespmem:v52+s10+$0x0], $0xffff;
	_ =	sdelay $0x4  }
0x127: {  	[tilespmem:s8+$0xC40] =	vst v1  }
0x128: {  	v1 =	vld.idx.msk [tilespmem:v53+s10+$0x0], $0xffff;
	_ =	sdelay $0x4  }
0x129: {  	[tilespmem:s8+$0xC50] =	vst v1  }
0x12a: {  	v1 =	vld.idx.msk [tilespmem:v54+s10+$0x0], $0xffff;
	_ =	sdelay $0x4  }
0x12b: {  	[tilespmem:s8+$0xC60] =	vst v1  }
0x12c: {  	v1 =	vld.idx.msk [tilespmem:v55+s10+$0x0], $0xffff;
	_ =	sdelay $0x4  }
0x12d: {  	[tilespmem:s8+$0xC70] =	vst v1  }
0x12e: {  	v1 =	vld.idx.msk [tilespmem:v56+s10+$0x0], $0xffff;
	_ =	sdelay $0x4  }
0x12f: {  	[tilespmem:s8+$0xC80] =	vst v1  }
0x130: {  	v1 =	vld.idx.msk [tilespmem:v57+s10+$0x0], $0xffff;
	_ =	sdelay $0x4  }
0x131: {  	[tilespmem:s8+$0xC90] =	vst v1  }
0x132: {  	v1 =	vld.idx.msk [tilespmem:v58+s10+$0x0], $0xffff;
	_ =	sdelay $0x4  }
0x133: {  	[tilespmem:s8+$0xCA0] =	vst v1  }
0x134: {  	v1 =	vld.idx.msk [tilespmem:v59+s10+$0x0], $0xffff;
	_ =	sdelay $0x4  }
0x135: {  	[tilespmem:s8+$0xCB0] =	vst v1  }
0x136: {  	v1 =	vld.idx.msk [tilespmem:v60+s10+$0x0], $0xffff;
	_ =	sdelay $0x4  }
0x137: {  	[tilespmem:s8+$0xCC0] =	vst v1  }
0x138: {  	v1 =	vld.idx.msk [tilespmem:v61+s10+$0x0], $0xffff;
	_ =	sdelay $0x4  }
0x139: {  	[tilespmem:s8+$0xCD0] =	vst v1  }
0x13a: {  	v1 =	vld.idx.msk [tilespmem:v62+s10+$0x0], $0xffff;
	_ =	sdelay $0x4  }
0x13b: {  	[tilespmem:s8+$0xCE0] =	vst v1  }
0x13c: {  	v1 =	vld.idx.msk [tilespmem:v63+s10+$0x0], $0xffff;
	_ =	sdelay $0x4  }
0x13d: {  	[tilespmem:s8+$0xCF0] =	vst v1  }
0x13e: {  	_ =	swait.ge [sflag:s26], $0x1000  }
0x13f: {  	[sflag:s26] =	ssyncset.done $0x0  }
0x140: {  	[sflag:s26] =	ssyncadd.s32 $0xFFFFF000  }
0x141: {  	_ =	swait.ge [sflag:s26], $0x1000  }
0x142: {  	[sflag:s26] =	ssyncset.done $0x0  }
0x143: {  	[sflag:s26] =	ssyncadd.s32 $0xFFFFF000  }
0x144: {  	_ =	swait.ge [sflag:s26], $0x1000  }
0x145: {  	[sflag:s26] =	ssyncset.done $0x0  }
0x146: {  	[sflag:s26] =	ssyncadd.s32 $0xFFFFF000  }
0x147: {  	_ =	swait.ge [sflag:s26], $0x1000  }
0x148: {  	[sflag:s26] =	ssyncset.done $0x0  }
0x149: {  	[sflag:s26] =	ssyncadd.s32 $0xFFFFF000  }
0x14a: {  	_ =	swait.ge [sflag:s26], $0x1000  }
0x14b: {  	[sflag:s26] =	ssyncset.done $0x0  }
0x14c: {  	[sflag:s26] =	ssyncadd.s32 $0xFFFFF000  }
0x14d: {  	_ =	swait.ge [sflag:s26], $0x1000  }
0x14e: {  	[sflag:s26] =	ssyncset.done $0x0  }
0x14f: {  	[sflag:s26] =	ssyncadd.s32 $0xFFFFF000  }
0x150: {  	_ =	swait.ge [sflag:s26], $0x1000  }
0x151: {  	[sflag:s26] =	ssyncset.done $0x0  }
0x152: {  	[sflag:s26] =	ssyncadd.s32 $0xFFFFF000  }
0x153: {  	_ =	swait.ge [sflag:s26], $0x1000  }
0x154: {  	s10 =	sshll.u32 s4, $0xF;
	[sflag:s26] =	ssyncset.done $0x0  }
0x155: {  	s19 =	sor.u32 $0x900, s8;
	s21 =	sor.u32 $0x1100, s10;
	[sflag:s26] =	ssyncadd.s32 $0xFFFFF000  }
0x156: {  	[tilespmem:s21], [sflag:$0x3] =	stream.indirect.gather [hbm4b:s6+s17], $0x20, s19, s17, $0xb8;
	[tilespmem:$0x12900] =	vst v63  }
0x157: {  	s23 =	sor.u32 $0x980, s8;
	s24 =	sor.u32 $0x2100, s10  }
0x158: {  	[tilespmem:s24], [sflag:$0x3] =	stream.indirect.gather [hbm4b:s6+s17], $0x20, s23, s17, $0xb8;
	[tilespmem:$0x12900] =	vst v63  }
0x159: {  	s11 =	sor.u32 $0xA00, s8;
	s14 =	sor.u32 $0x3100, s10  }
0x15a: {  	[tilespmem:s14], [sflag:$0x3] =	stream.indirect.gather [hbm4b:s6+s17], $0x20, s11, s17, $0xb8;
	[tilespmem:$0x12900] =	vst v63  }
0x15b: {  	s22 =	sor.u32 $0x4100, s10;
	s21 =	sor.u32 $0xA80, s8  }
0x15c: {  	[tilespmem:s22], [sflag:$0x3] =	stream.indirect.gather [hbm4b:s6+s17], $0x20, s21, s17, $0xb8;
	[tilespmem:$0x12900] =	vst v63  }
0x15d: {  	s23 =	sor.u32 $0xB00, s8;
	s24 =	sor.u32 $0x5100, s10  }
0x15e: {  	[tilespmem:s24], [sflag:$0x3] =	stream.indirect.gather [hbm4b:s6+s17], $0x20, s23, s17, $0xb8;
	[tilespmem:$0x12900] =	vst v63  }
0x15f: {  	s11 =	sor.u32 $0xB80, s8;
	s14 =	sor.u32 $0x6100, s10;
	s21 =	sadd.s32 $0xC00, s8  }
0x160: {  	[tilespmem:s14], [sflag:$0x3] =	stream.indirect.gather [hbm4b:s6+s17], $0x20, s11, s17, $0xb8;
	[tilespmem:$0x12900] =	vst v63  }
0x161: {  	s22 =	sor.u32 $0x7100, s10;
	s8 =	sadd.s32 $0xC80, s8;
	s23 =	sxor.u32 $0x1, s4  }
0x162: {  	[tilespmem:s22], [sflag:$0x3] =	stream.indirect.gather [hbm4b:s6+s17], $0x20, s21, s17, $0xb8;
	[tilespmem:$0x12900] =	vst v63  }
0x163: {  	s10 =	sadd.s32 $0x8100, s10;
	s24 =	sshll.u32 s23, $0xA;
	s21 =	smin.u32 s0, $0x3D  }
0x164: {  	[tilespmem:s10], [sflag:$0x3] =	stream.indirect.gather [hbm4b:s6+s17], $0x20, s8, s17, $0xb8;
	[tilespmem:$0x12900] =	vst v63  }
0x165: {  	v1 =	vshrl.u32 v0, $0x3;
	s22 =	simm.s32 $0x0;
	s19 =	sshll.u32 s21, $0x7;
	_ =	swait.ge [sflag:s28], $0x80  }
0x166: {  	v1 =	vmul.u32 $0x8, v1;
	s11 =	sshll.u32 s23, $0x7;
	v2 =	vmov s22;
	s19 =	sadd.s32 s19, s12;
	[sflag:s28] =	ssyncset.done $0x0  }
0x167: {  	s14 =	sor.u32 $0x100, s24;
	v3 =	vshll.u32 v2, $0x3;
	s19 =	sshrl.u32 s19, $0x3;
	[sflag:s28] =	ssyncadd.s32 $0xFFFFFF80  }
0x168: {  	v2 =	vand.u32 $0x7, v0;
	v3 =	vor.u32 v1, v3;
	[tilespmem:s14], [sflag:$0x2] =	stream.indirect.gather [hbm4b:s5+s17], $0x8, s11, s17, $0xb8;
	[tilespmem:$0x12900] =	vst v63  }
0x169: {  	s4 =	sshll.u32 s4, $0x7;
	s19 =	sadd.s32 s1, s19;
	v3 =	vor.u32 v2, v3  }
0x16a: {  	[tilespmem:s4], [sflag:$0x1] =	stream.linear.gather [hbm4b:s19+s22], $0x80, $0x38;
	[tilespmem:$0x12900] =	vst v63  }
0x16b: {  	s8 =	sshll.u32 s23, $0xF;
	s23 =	sand.u32 $0x7000, s22;
	_ =	swait.ge [sflag:s29], $0x400  }
0x16c: {  	s4 =	sor.u32 $0x11100, s24;
	s19 =	sor.u32 $0x1100, s8;
	[sflag:s29] =	ssyncset.done $0x0  }
0x16d: {  	s24 =	sand.u32 $0xE00, s22;
	s8 =	sadd.s32 s23, s19;
	[sflag:s29] =	ssyncadd.s32 $0xFFFFFC00  }
0x16e: {  	s22 =	sadd.s32 s24, s8;
	v3 =	vld.idx.msk [tilespmem:v3+s4+$0x0], $0xffff  }
0x16f: {  	v4 =	vld [tilespmem:s22+$0x0]  }
0x170: {  	v5 =	vld [tilespmem:s22+$0x2C]  }
0x171: {  	v6 =	vld [tilespmem:s22+$0x20]  }
0x172: {  	v7 =	vld [tilespmem:s22+$0xC]  }
0x173: {  	v8 =	vld [tilespmem:s22+$0x40]  }
0x174: {  	v11 =	vld [tilespmem:s22+$0x4C];
	v9 =	vbroadcast v3, $0x0;
	v10 =	vbroadcast v3, $0x1  }
0x175: {  	v13 =	vld [tilespmem:s22+$0x60];
	v12 =	vbroadcast v3, $0x2  }
0x176: {  	v14 =	vld [tilespmem:s22+$0x6C];
	v4 =	vmul.f32 v4, v9;
	v6 =	vmul.f32 v6, v10  }
0x177: {  	v7 =	vmul.f32 v7, v9;
	v5 =	vmul.f32 v5, v10;
	v9 =	vld [tilespmem:s22+$0x80]  }
0x178: {  	v10 =	vbroadcast v3, $0x3;
	v4 =	vadd.f32 v6, v4;
	v6 =	vmul.f32 v8, v12;
	v8 =	vld [tilespmem:s22+$0x8C]  }
0x179: {  	v5 =	vadd.f32 v5, v7;
	v7 =	vmul.f32 v11, v12;
	v11 =	vld [tilespmem:s22+$0xA0]  }
0x17a: {  	v12 =	vbroadcast v3, $0x4;
	v4 =	vadd.f32 v6, v4;
	v6 =	vmul.f32 v13, v10;
	v13 =	vld [tilespmem:s22+$0xAC]  }
0x17b: {  	v5 =	vadd.f32 v7, v5;
	v7 =	vmul.f32 v14, v10;
	v10 =	vld [tilespmem:s22+$0xC0]  }
0x17c: {  	v14 =	vbroadcast v3, $0x5;
	v4 =	vadd.f32 v6, v4;
	v6 =	vmul.f32 v9, v12;
	v9 =	vld [tilespmem:s22+$0xCC]  }
0x17d: {  	v5 =	vadd.f32 v7, v5;
	v7 =	vmul.f32 v8, v12;
	v8 =	vld [tilespmem:s22+$0xE0]  }
0x17e: {  	v12 =	vbroadcast v3, $0x6;
	v4 =	vadd.f32 v6, v4;
	v6 =	vmul.f32 v11, v14;
	v11 =	vld [tilespmem:s22+$0xEC]  }
0x17f: {  	v5 =	vadd.f32 v7, v5;
	v7 =	vmul.f32 v13, v14  }
0x180: {  	v13 =	vbroadcast v3, $0x7;
	v4 =	vadd.f32 v6, v4;
	v6 =	vmul.f32 v10, v12  }
0x181: {  	v5 =	vadd.f32 v7, v5;
	v7 =	vmul.f32 v9, v12  }
0x182: {  	v4 =	vadd.f32 v6, v4;
	v6 =	vmul.f32 v8, v13  }
0x183: {  	v5 =	vadd.f32 v7, v5;
	v7 =	vmul.f32 v11, v13  }
0x184: {  	v4 =	vadd.f32 v6, v4  }
0x185: {  	s21 =	simm.s32 $0x11920;
	v5 =	vadd.f32 v7, v5  }
0x186: {  	[tilespmem:s21+$0xFFFFFFE0] =	vst v4  }
0x187: {  	[tilespmem:s21+$0xFFFFFFEC] =	vst v5  }
0x188: {  	v5 =	vld [tilespmem:s22+$0x100]  }
0x189: {  	v6 =	vld [tilespmem:s22+$0x120]  }
0x18a: {  	v7 =	vld [tilespmem:s22+$0x12C]  }
0x18b: {  	v9 =	vld [tilespmem:s22+$0x10C]  }
0x18c: {  	v10 =	vld [tilespmem:s22+$0x140]  }
0x18d: {  	v17 =	vld [tilespmem:s22+$0x14C]  }
0x18e: {  	v12 =	vbroadcast v3, $0x8;
	v11 =	vbroadcast v3, $0x9  }
0x18f: {  	v16 =	vbroadcast v3, $0xA;
	v4 =	vbroadcast v3, $0xD  }
0x190: {  	v15 =	vld [tilespmem:s22+$0x160];
	v6 =	vmul.f32 v6, v11;
	v5 =	vmul.f32 v5, v12  }
0x191: {  	s8 =	simm.s32 $0x2;
	v8 =	vld [tilespmem:s22+$0x180];
	v12 =	vmul.f32 v9, v12;
	v7 =	vmul.f32 v7, v11  }
0x192: {  	v11 =	vmov s8;
	v9 =	vld [tilespmem:s22+$0x16C];
	v14 =	vmul.f32 v10, v16;
	v16 =	vmul.f32 v17, v16  }
0x193: {  	v10 =	vld [tilespmem:s22+$0x1A0];
	v11 =	vshll.u32 v11, $0x3;
	v5 =	vadd.f32 v6, v5;
	v6 =	vbroadcast v3, $0xB  }
0x194: {  	v13 =	vadd.f32 v7, v12;
	v7 =	vbroadcast v3, $0xC;
	v12 =	vor.u32 v1, v11;
	v11 =	vld [tilespmem:s22+$0x18C]  }
0x195: {  	s10 =	simm.s32 $0x400;
	s23 =	simm.s32 $0x200;
	s24 =	simm.s32 $0x11920;
	v14 =	vadd.f32 v14, v5;
	v15 =	vmul.f32 v15, v6;
	v5 =	vor.u32 v2, v12;
	v12 =	vld [tilespmem:s22+$0x1AC]  }
.LBB2_3:
0x196: {  	p0 =	sne.s32 s10, $0x7E00  }
0x197: {  	v8 =	vmul.f32 v8, v7;
	v17 =	vld [tilespmem:s22+$0x1C0];
	s21 =	sadd.s32 $0x40, s21;
	s11 =	smov.u32 s10;
	s10 =	sadd.s32 $0x200, s10  }
0x198: {  	v13 =	vadd.f32 v16, v13;
	v14 =	vadd.f32 v15, v14;
	v6 =	vmul.f32 v9, v6;
	v9 =	vld [tilespmem:s22+$0x1E0]  }
0x199: {  	v15 =	vbroadcast v3, $0xE;
	v10 =	vmul.f32 v10, v4;
	v16 =	vld [tilespmem:s22+$0x1CC]  }
0x19a: {  	v6 =	vadd.f32 v6, v13;
	v8 =	vadd.f32 v8, v14;
	v7 =	vmul.f32 v11, v7  }
0x19b: {  	v3 =	vbroadcast v3, $0xF;
	v4 =	vmul.f32 v12, v4;
	v11 =	vld [tilespmem:s22+$0x1EC]  }
0x19c: {  	v6 =	vadd.f32 v7, v6;
	v7 =	vadd.f32 v10, v8;
	v8 =	vmul.f32 v17, v15  }
0x19d: {  	v9 =	vmul.f32 v9, v3  }
0x19e: {  	v4 =	vadd.f32 v4, v6;
	v6 =	vadd.f32 v8, v7;
	v7 =	vmul.f32 v16, v15;
	_ =	sdelay $0x1  }
0x19f: {  	v4 =	vadd.f32 v7, v4;
	v6 =	vadd.f32 v9, v6;
	v3 =	vmul.f32 v11, v3;
	_ =	sdelay $0x1  }
0x1a0: {  	v3 =	vadd.f32 v3, v4;
	[tilespmem:s24+$0x0] =	vst v6  }
0x1a1: {  	s22 =	sand.u32 $0x7000, s23  }
0x1a2: {  	s14 =	sand.u32 $0xE00, s23;
	s23 =	smov.u32 s11;
	s22 =	sadd.s32 s22, s19;
	[tilespmem:s24+$0xC] =	vst v3  }
0x1a3: {  	s22 =	sadd.s32 s14, s22;
	s24 =	smov.u32 s21;
	v3 =	vld.idx.msk [tilespmem:v5+s4+$0x0], $0xffff  }
0x1a4: {  	v4 =	vld [tilespmem:s22+$0x0]  }
0x1a5: {  	v5 =	vld [tilespmem:s22+$0x2C]  }
0x1a6: {  	v6 =	vld [tilespmem:s22+$0x20]  }
0x1a7: {  	v7 =	vld [tilespmem:s22+$0xC]  }
0x1a8: {  	v8 =	vld [tilespmem:s22+$0x40]  }
0x1a9: {  	v9 =	vbroadcast v3, $0x0;
	v10 =	vbroadcast v3, $0x1;
	v11 =	vld [tilespmem:s22+$0x4C]  }
0x1aa: {  	v12 =	vbroadcast v3, $0x2;
	v14 =	vbroadcast v3, $0x3;
	v13 =	vld [tilespmem:s22+$0x60]  }
0x1ab: {  	v4 =	vmul.f32 v4, v9;
	v6 =	vmul.f32 v6, v10;
	v15 =	vld [tilespmem:s22+$0x6C]  }
0x1ac: {  	v5 =	vmul.f32 v5, v10;
	v7 =	vmul.f32 v7, v9;
	v9 =	vld [tilespmem:s22+$0x80]  }
0x1ad: {  	v4 =	vadd.f32 v6, v4;
	v6 =	vmul.f32 v8, v12;
	v8 =	vbroadcast v3, $0x4;
	v10 =	vld [tilespmem:s22+$0x8C]  }
0x1ae: {  	v5 =	vadd.f32 v5, v7;
	v7 =	vmul.f32 v11, v12;
	v11 =	vld [tilespmem:s22+$0xA0];
	v12 =	vbroadcast v3, $0x5  }
0x1af: {  	v16 =	vbroadcast v3, $0x6;
	v4 =	vadd.f32 v6, v4;
	v6 =	vmul.f32 v13, v14;
	v13 =	vld [tilespmem:s22+$0xAC]  }
0x1b0: {  	v5 =	vadd.f32 v7, v5;
	v7 =	vmul.f32 v15, v14;
	v14 =	vld [tilespmem:s22+$0xC0];
	v15 =	vbroadcast v3, $0x7  }
0x1b1: {  	v6 =	vadd.f32 v6, v4;
	v9 =	vmul.f32 v9, v8;
	v17 =	vld [tilespmem:s22+$0xCC];
	v4 =	vbroadcast v3, $0xD  }
0x1b2: {  	v5 =	vadd.f32 v7, v5;
	v7 =	vmul.f32 v10, v8;
	v8 =	vld [tilespmem:s22+$0xE0]  }
0x1b3: {  	v6 =	vadd.f32 v9, v6;
	v9 =	vmul.f32 v11, v12;
	v10 =	vld [tilespmem:s22+$0xEC]  }
0x1b4: {  	v5 =	vadd.f32 v7, v5;
	v7 =	vmul.f32 v13, v12  }
0x1b5: {  	v6 =	vadd.f32 v9, v6;
	v9 =	vmul.f32 v14, v16  }
0x1b6: {  	v5 =	vadd.f32 v7, v5;
	v7 =	vmul.f32 v17, v16  }
0x1b7: {  	v6 =	vadd.f32 v9, v6;
	v8 =	vmul.f32 v8, v15  }
0x1b8: {  	v5 =	vadd.f32 v7, v5;
	v7 =	vmul.f32 v10, v15  }
0x1b9: {  	v6 =	vadd.f32 v8, v6  }
0x1ba: {  	v5 =	vadd.f32 v7, v5  }
0x1bb: {  	[tilespmem:s21+$0xFFFFFFE0] =	vst v6  }
0x1bc: {  	[tilespmem:s21+$0xFFFFFFEC] =	vst v5  }
0x1bd: {  	v5 =	vld [tilespmem:s22+$0x100]  }
0x1be: {  	v6 =	vld [tilespmem:s22+$0x120]  }
0x1bf: {  	v7 =	vld [tilespmem:s22+$0x12C]  }
0x1c0: {  	v9 =	vld [tilespmem:s22+$0x10C]  }
0x1c1: {  	v10 =	vbroadcast v3, $0x9;
	v11 =	vld [tilespmem:s22+$0x140]  }
0x1c2: {  	s8 =	sadd.s32 $0x2, s8;
	v12 =	vbroadcast v3, $0x8;
	v16 =	vbroadcast v3, $0xA;
	v14 =	vld [tilespmem:s22+$0x160]  }
0x1c3: {  	v8 =	vmov s8;
	v13 =	vmul.f32 v6, v10;
	v17 =	vld [tilespmem:s22+$0x14C];
	v6 =	vbroadcast v3, $0xB  }
.Ltmp0:
0x1c4: {  	v15 =	vshll.u32 v8, $0x3;
	v5 =	vmul.f32 v5, v12;
	v8 =	vld [tilespmem:s22+$0x180];
	(pc) =	sbr.rel @p0 .LBB2_3-.Ltmp0, $4  }
0x1c5: {  	v18 =	vmul.f32 v7, v10;
	v12 =	vmul.f32 v9, v12;
	v9 =	vld [tilespmem:s22+$0x16C]  }
0x1c6: {  	v7 =	vbroadcast v3, $0xC;
	v19 =	vadd.f32 v13, v5;
	v20 =	vmul.f32 v11, v16;
	v10 =	vld [tilespmem:s22+$0x1A0]  }
0x1c7: {  	v5 =	vor.u32 v1, v15;
	v13 =	vadd.f32 v18, v12;
	v15 =	vmul.f32 v14, v6;
	v11 =	vld [tilespmem:s22+$0x18C]  }
0x1c8: {  	v5 =	vor.u32 v2, v5;
	v14 =	vadd.f32 v20, v19;
	v16 =	vmul.f32 v17, v16;
	v12 =	vld [tilespmem:s22+$0x1AC]  }
0x1c9: {  	_ = 	snop  }
0x1ca: {  	v17 =	vld [tilespmem:s22+$0x1C0];
	v13 =	vadd.f32 v16, v13;
	v6 =	vmul.f32 v9, v6  }
0x1cb: {  	v8 =	vmul.f32 v8, v7;
	v19 =	vadd.f32 v15, v14;
	v14 =	vld [tilespmem:s22+$0x1CC]  }
0x1cc: {  	v15 =	vld [tilespmem:s22+$0x1E0];
	v6 =	vadd.f32 v6, v13;
	v13 =	vmul.f32 v11, v7  }
0x1cd: {  	v18 =	vld [tilespmem:s22+$0x1EC];
	v16 =	vbroadcast v3, $0xE;
	v10 =	vmul.f32 v10, v4;
	v8 =	vadd.f32 v8, v19  }
0x1ce: {  	v19 =	vmul.f32 v12, v4;
	v6 =	vadd.f32 v13, v6  }
0x1cf: {  	v3 =	vbroadcast v3, $0xF;
	v12 =	vadd.f32 v10, v8;
	v13 =	vmul.f32 v17, v16  }
0x1d0: {  	v14 =	vmul.f32 v14, v16;
	v4 =	vadd.f32 v19, v6  }
0x1d1: {  	v15 =	vmul.f32 v15, v3;
	v7 =	vadd.f32 v13, v12  }
0x1d2: {  	v3 =	vmul.f32 v18, v3;
	v4 =	vadd.f32 v14, v4  }
0x1d3: {  	v16 =	vadd.f32 v15, v7  }
0x1d4: {  	v3 =	vadd.f32 v3, v4  }
0x1d5: {  	s8 =	sand.u32 $0x7000, s23;
	[tilespmem:s24+$0x0] =	vst v16  }
0x1d6: {  	s10 =	sand.u32 $0xE00, s23;
	s8 =	sadd.s32 s8, s19;
	[tilespmem:s24+$0xC] =	vst v3  }
0x1d7: {  	s8 =	sadd.s32 s10, s8;
	v3 =	vld.idx.msk [tilespmem:v5+s4+$0x0], $0xffff  }
0x1d8: {  	v4 =	vld [tilespmem:s8+$0x0]  }
0x1d9: {  	v5 =	vld [tilespmem:s8+$0x2C]  }
0x1da: {  	v6 =	vld [tilespmem:s8+$0x20]  }
0x1db: {  	v7 =	vld [tilespmem:s8+$0xC]  }
0x1dc: {  	v8 =	vld [tilespmem:s8+$0x40]  }
0x1dd: {  	v18 =	vld [tilespmem:s8+$0x4C];
	v9 =	vbroadcast v3, $0x0;
	v17 =	vbroadcast v3, $0x1  }
0x1de: {  	v16 =	vld [tilespmem:s8+$0x60];
	v19 =	vbroadcast v3, $0x2  }
0x1df: {  	v14 =	vld [tilespmem:s8+$0x6C];
	v4 =	vmul.f32 v4, v9;
	v6 =	vmul.f32 v6, v17  }
0x1e0: {  	v7 =	vmul.f32 v7, v9;
	v5 =	vmul.f32 v5, v17;
	v9 =	vld [tilespmem:s8+$0x80]  }
0x1e1: {  	v10 =	vbroadcast v3, $0x3;
	v17 =	vmul.f32 v8, v19;
	v8 =	vld [tilespmem:s8+$0x8C];
	v4 =	vadd.f32 v6, v4  }
0x1e2: {  	v11 =	vld [tilespmem:s8+$0xA0];
	v18 =	vmul.f32 v18, v19;
	v5 =	vadd.f32 v5, v7  }
0x1e3: {  	v13 =	vld [tilespmem:s8+$0xAC];
	v19 =	vbroadcast v3, $0x4;
	v16 =	vmul.f32 v16, v10;
	v4 =	vadd.f32 v17, v4  }
0x1e4: {  	v5 =	vadd.f32 v18, v5;
	v17 =	vmul.f32 v14, v10;
	v10 =	vld [tilespmem:s8+$0xC0]  }
0x1e5: {  	v14 =	vbroadcast v3, $0x5;
	v18 =	vmul.f32 v9, v19;
	v9 =	vld [tilespmem:s8+$0xCC];
	v4 =	vadd.f32 v16, v4  }
0x1e6: {  	v19 =	vmul.f32 v8, v19;
	v8 =	vld [tilespmem:s8+$0xE0];
	v5 =	vadd.f32 v17, v5  }
0x1e7: {  	v16 =	vbroadcast v3, $0x6;
	v17 =	vmul.f32 v11, v14;
	v11 =	vld [tilespmem:s8+$0xEC];
	v4 =	vadd.f32 v18, v4  }
0x1e8: {  	v5 =	vadd.f32 v19, v5;
	v18 =	vmul.f32 v13, v14  }
0x1e9: {  	v19 =	vbroadcast v3, $0x7;
	v15 =	vmul.f32 v10, v16;
	v4 =	vadd.f32 v17, v4  }
0x1ea: {  	v5 =	vadd.f32 v18, v5;
	v16 =	vmul.f32 v9, v16  }
0x1eb: {  	v17 =	vmul.f32 v8, v19;
	v4 =	vadd.f32 v15, v4  }
0x1ec: {  	v18 =	vmul.f32 v11, v19;
	v5 =	vadd.f32 v16, v5  }
0x1ed: {  	v4 =	vadd.f32 v17, v4  }
0x1ee: {  	s22 =	sadd.s32 $0x40, s21;
	v5 =	vadd.f32 v18, v5  }
0x1ef: {  	[tilespmem:s22+$0xFFFFFFE0] =	vst v4  }
0x1f0: {  	[tilespmem:s22+$0xFFFFFFEC] =	vst v5  }
0x1f1: {  	v4 =	vld [tilespmem:s8+$0x100]  }
0x1f2: {  	v5 =	vld [tilespmem:s8+$0x120]  }
0x1f3: {  	v6 =	vld [tilespmem:s8+$0x12C]  }
0x1f4: {  	v7 =	vld [tilespmem:s8+$0x10C]  }
0x1f5: {  	v8 =	vld [tilespmem:s8+$0x140]  }
0x1f6: {  	v9 =	vbroadcast v3, $0x9;
	v19 =	vbroadcast v3, $0x8;
	v11 =	vld [tilespmem:s8+$0x14C]  }
0x1f7: {  	v12 =	vbroadcast v3, $0xA;
	v18 =	vld [tilespmem:s8+$0x160]  }
0x1f8: {  	v14 =	vld [tilespmem:s8+$0x16C];
	v5 =	vmul.f32 v5, v9;
	v4 =	vmul.f32 v4, v19  }
0x1f9: {  	v15 =	vld [tilespmem:s8+$0x180];
	v7 =	vmul.f32 v7, v19;
	v6 =	vmul.f32 v6, v9  }
0x1fa: {  	v19 =	vbroadcast v3, $0xB;
	v16 =	vmul.f32 v8, v12;
	v8 =	vld [tilespmem:s8+$0x18C];
	v4 =	vadd.f32 v5, v4  }
0x1fb: {  	v10 =	vld [tilespmem:s8+$0x1A0];
	v17 =	vmul.f32 v11, v12;
	v6 =	vadd.f32 v6, v7  }
0x1fc: {  	v11 =	vbroadcast v3, $0xC;
	v18 =	vmul.f32 v18, v19;
	v5 =	vld [tilespmem:s8+$0x1AC];
	v4 =	vadd.f32 v16, v4  }
0x1fd: {  	v13 =	vld [tilespmem:s8+$0x1C0];
	v19 =	vmul.f32 v14, v19;
	v6 =	vadd.f32 v17, v6  }
0x1fe: {  	v9 =	vbroadcast v3, $0xD;
	v12 =	vld [tilespmem:s8+$0x1CC];
	v14 =	vmul.f32 v15, v11;
	v4 =	vadd.f32 v18, v4  }
0x1ff: {  	v15 =	vld [tilespmem:s8+$0x1E0];
	v17 =	vmul.f32 v8, v11;
	v6 =	vadd.f32 v19, v6  }
0x200: {  	v16 =	vld [tilespmem:s8+$0x1EC];
	v18 =	vmul.f32 v10, v9;
	v19 =	vbroadcast v3, $0xE;
	v4 =	vadd.f32 v14, v4  }
0x201: {  	v5 =	vmul.f32 v5, v9;
	v6 =	vadd.f32 v17, v6  }
0x202: {  	v3 =	vbroadcast v3, $0xF;
	v17 =	vmul.f32 v13, v19;
	v4 =	vadd.f32 v18, v4  }
0x203: {  	v5 =	vadd.f32 v5, v6;
	v18 =	vmul.f32 v12, v19  }
0x204: {  	v19 =	vmul.f32 v15, v3;
	v4 =	vadd.f32 v17, v4  }
0x205: {  	v3 =	vmul.f32 v16, v3;
	v5 =	vadd.f32 v18, v5  }
0x206: {  	s23 =	sshll.u32 s0, $0xC;
	v4 =	vadd.f32 v19, v4  }
0x207: {  	s8 =	sadd.s32 s23, s13;
	v3 =	vadd.f32 v3, v5  }
0x208: {  	s0 =	sadd.s32 $0x1, s0;
	s8 =	sshrl.u32 s8, $0x3;
	[tilespmem:s22+$0x0] =	vst v4  }
0x209: {  	p0 =	sne.s32 s0, $0x40;
	s8 =	sadd.s32 s2, s8;
	[tilespmem:s22+$0xC] =	vst v3  }
0x20a: {  	[hbm4b:s8+s3] =	stream.linear.scatter [tilespmem:s30], [sflag:$0x5], $0x1000, $0x38;
	[tilespmem:$0x12900] =	vst v63  }
.Ltmp1:
0x20b: {  	_ = 	snop;
	(pc) =	sbr.rel @p0 .LBB2_2-.Ltmp1, $4  }
0x20c: {  	s24 =	smin.u32 s0, $0x3F;
	_ =	swait.ge [sflag:s16], $0x1000  }
0x20d: {  	s8 =	sshll.u32 s24, $0x7;
	[sflag:s16] =	ssyncset.done $0x0  }
0x20e: {  	s8 =	sadd.s32 s8, s9;
	[sflag:s16] =	ssyncadd.s32 $0xFFFFF000  }
0x20f: {  	[tilespmem:s4], [sflag:$0x4] =	stream.linear.gather [hbm4b:s8+s3], $0x400, $0x38;
	[tilespmem:$0x12900] =	vst v63  }
0x210: {  	_ =	swait.ge [sflag:s26], $0x1000  }
0x211: {  	[sflag:s26] =	ssyncset.done $0x0  }
0x212: {  	[sflag:s26] =	ssyncadd.s32 $0xFFFFF000  }
0x213: {  	_ =	swait.ge [sflag:s26], $0x1000  }
0x214: {  	[sflag:s26] =	ssyncset.done $0x0  }
0x215: {  	[sflag:s26] =	ssyncadd.s32 $0xFFFFF000  }
0x216: {  	_ =	swait.ge [sflag:s26], $0x1000  }
0x217: {  	[sflag:s26] =	ssyncset.done $0x0  }
0x218: {  	[sflag:s26] =	ssyncadd.s32 $0xFFFFF000  }
0x219: {  	_ =	swait.ge [sflag:s26], $0x1000  }
0x21a: {  	[sflag:s26] =	ssyncset.done $0x0  }
0x21b: {  	[sflag:s26] =	ssyncadd.s32 $0xFFFFF000  }
0x21c: {  	_ =	swait.ge [sflag:s26], $0x1000  }
0x21d: {  	[sflag:s26] =	ssyncset.done $0x0  }
0x21e: {  	[sflag:s26] =	ssyncadd.s32 $0xFFFFF000  }
0x21f: {  	_ =	swait.ge [sflag:s26], $0x1000  }
0x220: {  	[sflag:s26] =	ssyncset.done $0x0  }
0x221: {  	[sflag:s26] =	ssyncadd.s32 $0xFFFFF000  }
0x222: {  	s0 =	simm.s32 $0x0;
	_ =	swait.ge [sflag:s26], $0x1000  }
0x223: {  	v3 =	vmov s0;
	[sflag:s26] =	ssyncset.done $0x0  }
0x224: {  	v3 =	vshll.u32 v3, $0x3;
	[sflag:s26] =	ssyncadd.s32 $0xFFFFF000  }
0x225: {  	v3 =	vor.u32 v1, v3;
	_ =	swait.ge [sflag:s26], $0x1000  }
0x226: {  	v3 =	vor.u32 v2, v3;
	[sflag:s26] =	ssyncset.done $0x0  }
0x227: {  	[sflag:s26] =	ssyncadd.s32 $0xFFFFF000  }
0x228: {  	_ =	swait.ge [sflag:s29], $0x400  }
0x229: {  	[sflag:s29] =	ssyncset.done $0x0  }
0x22a: {  	[sflag:s29] =	ssyncadd.s32 $0xFFFFFC00  }
0x22b: {  	s4 =	sand.u32 $0x7E00, s0;
	v3 =	vld.idx.msk [tilespmem:v3+s25+$0x0], $0xffff  }
0x22c: {  	v4 =	vld [tilespmem:s4+$0x9120]  }
0x22d: {  	v5 =	vld [tilespmem:s4+$0x912C]  }
0x22e: {  	v6 =	vld [tilespmem:s4+$0x9100]  }
0x22f: {  	v7 =	vld [tilespmem:s4+$0x910C]  }
0x230: {  	v8 =	vld [tilespmem:s4+$0x9140]  }
0x231: {  	v11 =	vld [tilespmem:s4+$0x914C];
	v9 =	vbroadcast v3, $0x0;
	v10 =	vbroadcast v3, $0x1  }
0x232: {  	v12 =	vld [tilespmem:s4+$0x9160];
	v13 =	vbroadcast v3, $0x2  }
0x233: {  	v14 =	vld [tilespmem:s4+$0x916C];
	v6 =	vmul.f32 v6, v9;
	v4 =	vmul.f32 v4, v10  }
0x234: {  	v7 =	vmul.f32 v7, v9;
	v5 =	vmul.f32 v5, v10;
	v9 =	vld [tilespmem:s4+$0x9180]  }
0x235: {  	v10 =	vbroadcast v3, $0x3;
	v4 =	vadd.f32 v4, v6;
	v6 =	vmul.f32 v8, v13;
	v8 =	vld [tilespmem:s4+$0x918C]  }
0x236: {  	v5 =	vadd.f32 v5, v7;
	v7 =	vmul.f32 v11, v13;
	v11 =	vld [tilespmem:s4+$0x91A0]  }
0x237: {  	v13 =	vbroadcast v3, $0x4;
	v12 =	vmul.f32 v12, v10;
	v4 =	vadd.f32 v6, v4;
	v6 =	vld [tilespmem:s4+$0x91AC]  }
0x238: {  	v5 =	vadd.f32 v7, v5;
	v7 =	vmul.f32 v14, v10;
	v10 =	vld [tilespmem:s4+$0x91C0]  }
0x239: {  	v14 =	vbroadcast v3, $0x5;
	v9 =	vmul.f32 v9, v13;
	v4 =	vadd.f32 v12, v4;
	v12 =	vld [tilespmem:s4+$0x91CC]  }
0x23a: {  	v5 =	vadd.f32 v7, v5;
	v7 =	vmul.f32 v8, v13;
	v8 =	vld [tilespmem:s4+$0x91E0]  }
0x23b: {  	v13 =	vbroadcast v3, $0x6;
	v4 =	vadd.f32 v9, v4;
	v9 =	vmul.f32 v11, v14;
	v11 =	vld [tilespmem:s4+$0x91EC]  }
0x23c: {  	v5 =	vadd.f32 v7, v5;
	v6 =	vmul.f32 v6, v14  }
0x23d: {  	v7 =	vbroadcast v3, $0x7;
	v4 =	vadd.f32 v9, v4;
	v9 =	vmul.f32 v10, v13  }
0x23e: {  	v5 =	vadd.f32 v6, v5;
	v6 =	vmul.f32 v12, v13  }
0x23f: {  	v4 =	vadd.f32 v9, v4;
	v8 =	vmul.f32 v8, v7  }
0x240: {  	v5 =	vadd.f32 v6, v5;
	v6 =	vmul.f32 v11, v7  }
0x241: {  	v4 =	vadd.f32 v8, v4  }
0x242: {  	s0 =	simm.s32 $0x11920;
	v5 =	vadd.f32 v6, v5  }
0x243: {  	[tilespmem:s0+$0xFFFFFFE0] =	vst v4  }
0x244: {  	[tilespmem:s0+$0xFFFFFFEC] =	vst v5  }
0x245: {  	v4 =	vld [tilespmem:s4+$0x9200]  }
0x246: {  	v6 =	vld [tilespmem:s4+$0x9220]  }
0x247: {  	v7 =	vld [tilespmem:s4+$0x922C]  }
0x248: {  	v8 =	vld [tilespmem:s4+$0x920C]  }
0x249: {  	v10 =	vbroadcast v3, $0x9;
	v9 =	vbroadcast v3, $0x8;
	v13 =	vld [tilespmem:s4+$0x9240]  }
0x24a: {  	s8 =	simm.s32 $0x2;
	v5 =	vld [tilespmem:s4+$0x924C]  }
0x24b: {  	v11 =	vmov s8;
	v4 =	vmul.f32 v4, v9;
	v12 =	vmul.f32 v6, v10;
	v6 =	vld [tilespmem:s4+$0x9260]  }
0x24c: {  	v14 =	vshll.u32 v11, $0x3;
	v11 =	vbroadcast v3, $0xA;
	v10 =	vmul.f32 v7, v10;
	v7 =	vld [tilespmem:s4+$0x926C]  }
0x24d: {  	v15 =	vor.u32 v1, v14;
	v14 =	vmul.f32 v8, v9;
	v8 =	vld [tilespmem:s4+$0x9280];
	v12 =	vadd.f32 v12, v4  }
0x24e: {  	s19 =	simm.s32 $0x200;
	s10 =	simm.s32 $0x400;
	s21 =	simm.s32 $0x11920;
	v9 =	vld [tilespmem:s4+$0x928C];
	v4 =	vor.u32 v2, v15;
	v15 =	vmul.f32 v13, v11;
	v13 =	vbroadcast v3, $0xB  }
.LBB2_6:
0x24f: {  	p0 =	sne.s32 s10, $0x7E00  }
0x250: {  	v10 =	vadd.f32 v10, v14;
	v5 =	vmul.f32 v5, v11;
	v11 =	vld [tilespmem:s4+$0x92A0];
	s0 =	sadd.s32 $0x40, s0;
	s11 =	smov.u32 s10;
	s10 =	sadd.s32 $0x200, s10  }
0x251: {  	v14 =	vbroadcast v3, $0xC;
	v12 =	vadd.f32 v15, v12;
	v6 =	vmul.f32 v6, v13;
	v15 =	vld [tilespmem:s4+$0x92AC]  }
0x252: {  	v5 =	vadd.f32 v5, v10;
	v7 =	vmul.f32 v7, v13;
	v10 =	vld [tilespmem:s4+$0x92C0]  }
0x253: {  	v6 =	vadd.f32 v6, v12;
	v8 =	vmul.f32 v8, v14;
	v12 =	vbroadcast v3, $0xD;
	v13 =	vld [tilespmem:s4+$0x92CC]  }
0x254: {  	v5 =	vadd.f32 v7, v5;
	v7 =	vmul.f32 v9, v14;
	v9 =	vld [tilespmem:s4+$0x92E0]  }
0x255: {  	v6 =	vadd.f32 v8, v6;
	v8 =	vmul.f32 v11, v12;
	v11 =	vbroadcast v3, $0xE;
	v14 =	vld [tilespmem:s4+$0x92EC]  }
0x256: {  	v5 =	vadd.f32 v7, v5;
	v7 =	vmul.f32 v15, v12  }
0x257: {  	v3 =	vbroadcast v3, $0xF;
	v6 =	vadd.f32 v8, v6;
	v8 =	vmul.f32 v10, v11  }
0x258: {  	v5 =	vadd.f32 v7, v5;
	v7 =	vmul.f32 v13, v11  }
0x259: {  	v6 =	vadd.f32 v8, v6;
	v8 =	vmul.f32 v9, v3  }
0x25a: {  	v5 =	vadd.f32 v7, v5;
	v3 =	vmul.f32 v14, v3  }
0x25b: {  	v6 =	vadd.f32 v8, v6  }
0x25c: {  	v3 =	vadd.f32 v3, v5  }
0x25d: {  	[tilespmem:s21+$0x0] =	vst v6  }
0x25e: {  	[tilespmem:s21+$0xC] =	vst v3;
	s21 =	smov.u32 s0  }
0x25f: {  	s4 =	sand.u32 $0x7E00, s19;
	s19 =	smov.u32 s11;
	v3 =	vld.idx.msk [tilespmem:v4+s25+$0x0], $0xffff  }
0x260: {  	v4 =	vld [tilespmem:s4+$0x9160]  }
0x261: {  	v5 =	vld [tilespmem:s4+$0x9120]  }
0x262: {  	v6 =	vld [tilespmem:s4+$0x912C]  }
0x263: {  	v7 =	vld [tilespmem:s4+$0x9100]  }
0x264: {  	v8 =	vld [tilespmem:s4+$0x910C]  }
0x265: {  	v10 =	vbroadcast v3, $0x4;
	v11 =	vbroadcast v3, $0x5;
	v9 =	vld [tilespmem:s4+$0x9140]  }
0x266: {  	v12 =	vbroadcast v3, $0x0;
	v13 =	vbroadcast v3, $0x1;
	v14 =	vld [tilespmem:s4+$0x914C]  }
0x267: {  	v15 =	vbroadcast v3, $0x2;
	v16 =	vbroadcast v3, $0x3  }
0x268: {  	v5 =	vmul.f32 v5, v13;
	v7 =	vmul.f32 v7, v12;
	v17 =	vld [tilespmem:s4+$0x916C]  }
0x269: {  	v6 =	vmul.f32 v6, v13;
	v8 =	vmul.f32 v8, v12;
	v12 =	vld [tilespmem:s4+$0x9180]  }
0x26a: {  	v4 =	vmul.f32 v4, v16;
	v5 =	vadd.f32 v5, v7;
	v7 =	vmul.f32 v9, v15;
	v9 =	vld [tilespmem:s4+$0x918C]  }
0x26b: {  	v6 =	vadd.f32 v6, v8;
	v8 =	vmul.f32 v14, v15;
	v13 =	vld [tilespmem:s4+$0x91A0];
	v14 =	vbroadcast v3, $0x6  }
0x26c: {  	v15 =	vbroadcast v3, $0x7;
	v5 =	vadd.f32 v7, v5;
	v7 =	vld [tilespmem:s4+$0x91AC]  }
0x26d: {  	v6 =	vadd.f32 v8, v6;
	v8 =	vmul.f32 v17, v16;
	v16 =	vld [tilespmem:s4+$0x91C0]  }
0x26e: {  	v4 =	vadd.f32 v4, v5;
	v5 =	vmul.f32 v12, v10;
	v12 =	vld [tilespmem:s4+$0x91CC]  }
0x26f: {  	v6 =	vadd.f32 v8, v6;
	v8 =	vmul.f32 v9, v10;
	v9 =	vld [tilespmem:s4+$0x91E0]  }
0x270: {  	v4 =	vadd.f32 v5, v4;
	v5 =	vmul.f32 v13, v11;
	v10 =	vld [tilespmem:s4+$0x91EC]  }
0x271: {  	v6 =	vadd.f32 v8, v6;
	v7 =	vmul.f32 v7, v11  }
0x272: {  	v4 =	vadd.f32 v5, v4;
	v5 =	vmul.f32 v16, v14  }
0x273: {  	v6 =	vadd.f32 v7, v6;
	v7 =	vmul.f32 v12, v14  }
0x274: {  	v4 =	vadd.f32 v5, v4;
	v5 =	vmul.f32 v9, v15  }
0x275: {  	v6 =	vadd.f32 v7, v6;
	v7 =	vmul.f32 v10, v15  }
0x276: {  	v4 =	vadd.f32 v5, v4  }
0x277: {  	v5 =	vadd.f32 v7, v6  }
0x278: {  	[tilespmem:s0+$0xFFFFFFE0] =	vst v4  }
0x279: {  	[tilespmem:s0+$0xFFFFFFEC] =	vst v5  }
0x27a: {  	v4 =	vld [tilespmem:s4+$0x9200]  }
0x27b: {  	v6 =	vld [tilespmem:s4+$0x9220]  }
0x27c: {  	v7 =	vld [tilespmem:s4+$0x922C]  }
0x27d: {  	v8 =	vld [tilespmem:s4+$0x920C]  }
0x27e: {  	v9 =	vbroadcast v3, $0x8;
	v10 =	vbroadcast v3, $0x9;
	v13 =	vld [tilespmem:s4+$0x9240]  }
.Ltmp2:
0x27f: {  	s8 =	sadd.s32 $0x2, s8;
	v5 =	vld [tilespmem:s4+$0x924C];
	(pc) =	sbr.rel @p0 .LBB2_6-.Ltmp2, $4  }
0x280: {  	v11 =	vmov s8;
	v4 =	vmul.f32 v4, v9;
	v12 =	vmul.f32 v6, v10;
	v6 =	vld [tilespmem:s4+$0x9260]  }
0x281: {  	v14 =	vshll.u32 v11, $0x3;
	v11 =	vbroadcast v3, $0xA;
	v10 =	vmul.f32 v7, v10;
	v7 =	vld [tilespmem:s4+$0x926C]  }
0x282: {  	v15 =	vor.u32 v1, v14;
	v14 =	vmul.f32 v8, v9;
	v12 =	vadd.f32 v12, v4;
	v8 =	vld [tilespmem:s4+$0x9280]  }
0x283: {  	v4 =	vor.u32 v2, v15;
	v15 =	vmul.f32 v13, v11;
	v13 =	vbroadcast v3, $0xB;
	v9 =	vld [tilespmem:s4+$0x928C]  }
0x284: {  	v1 =	vadd.f32 v10, v14;
	v2 =	vmul.f32 v5, v11;
	v5 =	vld [tilespmem:s4+$0x92A0]  }
0x285: {  	v19 =	vbroadcast v3, $0xC;
	v18 =	vadd.f32 v15, v12;
	v6 =	vmul.f32 v6, v13;
	v12 =	vld [tilespmem:s4+$0x92AC]  }
0x286: {  	v1 =	vadd.f32 v2, v1;
	v2 =	vmul.f32 v7, v13;
	v7 =	vld [tilespmem:s4+$0x92C0]  }
0x287: {  	v10 =	vbroadcast v3, $0xD;
	v16 =	vld [tilespmem:s4+$0x92CC];
	v6 =	vadd.f32 v6, v18;
	v8 =	vmul.f32 v8, v19  }
0x288: {  	v17 =	vld [tilespmem:s4+$0x92E0];
	v1 =	vadd.f32 v2, v1;
	v2 =	vmul.f32 v9, v19  }
0x289: {  	v18 =	vbroadcast v3, $0xE;
	v19 =	vld [tilespmem:s4+$0x92EC];
	v6 =	vadd.f32 v8, v6;
	v5 =	vmul.f32 v5, v10  }
0x28a: {  	v1 =	vadd.f32 v2, v1;
	v2 =	vmul.f32 v12, v10  }
0x28b: {  	v3 =	vbroadcast v3, $0xF;
	v5 =	vadd.f32 v5, v6;
	v12 =	vmul.f32 v7, v18  }
0x28c: {  	v1 =	vadd.f32 v2, v1;
	v2 =	vmul.f32 v16, v18  }
0x28d: {  	v14 =	vmul.f32 v17, v3;
	v5 =	vadd.f32 v12, v5  }
0x28e: {  	v1 =	vadd.f32 v2, v1;
	v2 =	vmul.f32 v19, v3  }
0x28f: {  	v3 =	vadd.f32 v14, v5  }
0x290: {  	v1 =	vadd.f32 v2, v1  }
0x291: {  	[tilespmem:s21+$0x0] =	vst v3  }
0x292: {  	[tilespmem:s21+$0xC] =	vst v1  }
0x293: {  	s23 =	sand.u32 $0x7E00, s19;
	v1 =	vld.idx.msk [tilespmem:v4+s25+$0x0], $0xffff  }
0x294: {  	v2 =	vld [tilespmem:s23+$0x9120]  }
0x295: {  	v3 =	vld [tilespmem:s23+$0x912C]  }
0x296: {  	v15 =	vld [tilespmem:s23+$0x9100]  }
0x297: {  	v5 =	vld [tilespmem:s23+$0x910C]  }
0x298: {  	v6 =	vld [tilespmem:s23+$0x9140]  }
0x299: {  	v17 =	vld [tilespmem:s23+$0x914C];
	v7 =	vbroadcast v1, $0x0;
	v16 =	vbroadcast v1, $0x1  }
0x29a: {  	v10 =	vld [tilespmem:s23+$0x9160];
	v18 =	vbroadcast v1, $0x2  }
0x29b: {  	v19 =	vld [tilespmem:s23+$0x916C];
	v4 =	vmul.f32 v15, v7;
	v2 =	vmul.f32 v2, v16  }
0x29c: {  	v5 =	vmul.f32 v5, v7;
	v3 =	vmul.f32 v3, v16;
	v7 =	vld [tilespmem:s23+$0x9180]  }
0x29d: {  	v14 =	vbroadcast v1, $0x3;
	v15 =	vmul.f32 v6, v18;
	v16 =	vld [tilespmem:s23+$0x918C];
	v2 =	vadd.f32 v2, v4  }
0x29e: {  	v9 =	vld [tilespmem:s23+$0x91A0];
	v17 =	vmul.f32 v17, v18;
	v3 =	vadd.f32 v3, v5  }
0x29f: {  	v18 =	vbroadcast v1, $0x4;
	v10 =	vmul.f32 v10, v14;
	v4 =	vld [tilespmem:s23+$0x91AC];
	v2 =	vadd.f32 v15, v2  }
0x2a0: {  	v8 =	vld [tilespmem:s23+$0x91C0];
	v19 =	vmul.f32 v19, v14;
	v3 =	vadd.f32 v17, v3  }
0x2a1: {  	v12 =	vbroadcast v1, $0x5;
	v14 =	vld [tilespmem:s23+$0x91CC];
	v7 =	vmul.f32 v7, v18;
	v2 =	vadd.f32 v10, v2  }
0x2a2: {  	v15 =	vmul.f32 v16, v18;
	v16 =	vld [tilespmem:s23+$0x91E0];
	v3 =	vadd.f32 v19, v3  }
0x2a3: {  	v17 =	vbroadcast v1, $0x6;
	v18 =	vmul.f32 v9, v12;
	v19 =	vld [tilespmem:s23+$0x91EC];
	v2 =	vadd.f32 v7, v2  }
0x2a4: {  	v4 =	vmul.f32 v4, v12;
	v3 =	vadd.f32 v15, v3  }
0x2a5: {  	v13 =	vmul.f32 v8, v17;
	v12 =	vbroadcast v1, $0x7;
	v2 =	vadd.f32 v18, v2  }
0x2a6: {  	v14 =	vmul.f32 v14, v17;
	v3 =	vadd.f32 v4, v3  }
0x2a7: {  	v6 =	vmul.f32 v16, v12;
	v2 =	vadd.f32 v13, v2  }
0x2a8: {  	v15 =	vmul.f32 v19, v12;
	v3 =	vadd.f32 v14, v3  }
0x2a9: {  	v2 =	vadd.f32 v6, v2  }
0x2aa: {  	s0 =	sadd.s32 $0x40, s0;
	v3 =	vadd.f32 v15, v3  }
0x2ab: {  	[tilespmem:s0+$0xFFFFFFE0] =	vst v2  }
0x2ac: {  	[tilespmem:s0+$0xFFFFFFEC] =	vst v3  }
0x2ad: {  	v2 =	vld [tilespmem:s23+$0x9200]  }
0x2ae: {  	v3 =	vld [tilespmem:s23+$0x9220]  }
0x2af: {  	v4 =	vld [tilespmem:s23+$0x922C]  }
0x2b0: {  	v5 =	vld [tilespmem:s23+$0x920C]  }
0x2b1: {  	v7 =	vld [tilespmem:s23+$0x9240]  }
0x2b2: {  	v8 =	vbroadcast v1, $0x9;
	v6 =	vbroadcast v1, $0x8;
	v16 =	vld [tilespmem:s23+$0x924C]  }
0x2b3: {  	v18 =	vbroadcast v1, $0xA;
	v17 =	vld [tilespmem:s23+$0x9260]  }
0x2b4: {  	v19 =	vld [tilespmem:s23+$0x926C];
	v2 =	vmul.f32 v2, v6;
	v3 =	vmul.f32 v3, v8  }
0x2b5: {  	v13 =	vld [tilespmem:s23+$0x9280];
	v4 =	vmul.f32 v4, v8;
	v5 =	vmul.f32 v5, v6  }
0x2b6: {  	v14 =	vbroadcast v1, $0xB;
	v8 =	vld [tilespmem:s23+$0x928C];
	v2 =	vadd.f32 v3, v2;
	v3 =	vmul.f32 v7, v18  }
0x2b7: {  	v9 =	vld [tilespmem:s23+$0x92A0];
	v15 =	vmul.f32 v16, v18;
	v4 =	vadd.f32 v4, v5  }
0x2b8: {  	v11 =	vld [tilespmem:s23+$0x92AC];
	v16 =	vbroadcast v1, $0xC;
	v2 =	vadd.f32 v3, v2;
	v3 =	vmul.f32 v17, v14  }
0x2b9: {  	v7 =	vld [tilespmem:s23+$0x92C0];
	v4 =	vadd.f32 v15, v4;
	v17 =	vmul.f32 v19, v14  }
0x2ba: {  	v18 =	vbroadcast v1, $0xD;
	v19 =	vld [tilespmem:s23+$0x92CC];
	v2 =	vadd.f32 v3, v2;
	v3 =	vmul.f32 v13, v16  }
0x2bb: {  	v15 =	vld [tilespmem:s23+$0x92E0];
	v14 =	vmul.f32 v8, v16;
	v4 =	vadd.f32 v17, v4  }
0x2bc: {  	v16 =	vbroadcast v1, $0xE;
	v17 =	vld [tilespmem:s23+$0x92EC];
	v2 =	vadd.f32 v3, v2;
	v3 =	vmul.f32 v9, v18  }
0x2bd: {  	v4 =	vadd.f32 v14, v4;
	v18 =	vmul.f32 v11, v18  }
0x2be: {  	v1 =	vbroadcast v1, $0xF;
	v2 =	vadd.f32 v3, v2;
	v3 =	vmul.f32 v7, v16  }
0x2bf: {  	v19 =	vmul.f32 v19, v16;
	v4 =	vadd.f32 v18, v4  }
0x2c0: {  	v2 =	vadd.f32 v3, v2;
	v3 =	vmul.f32 v15, v1  }
0x2c1: {  	v4 =	vadd.f32 v19, v4;
	v1 =	vmul.f32 v17, v1  }
0x2c2: {  	v2 =	vadd.f32 v3, v2  }
0x2c3: {  	v1 =	vadd.f32 v1, v4  }
0x2c4: {  	[tilespmem:s0+$0x0] =	vst v2  }
0x2c5: {  	s24 =	rddreg [dreg:$0x7];
	[tilespmem:s0+$0xC] =	vst v1  }
0x2c6: {  	[hbm4b:s24+s3] =	stream.linear.scatter [tilespmem:s30], [sflag:$0x5], $0x1000, $0x38;
	[tilespmem:$0x12900] =	vst v63  }
0x2c7: {  	_ =	swait.ge [sflag:s16], $0x1000  }
0x2c8: {  	[sflag:s16] =	ssyncset.done $0x0  }
0x2c9: {  	[sflag:s16] =	ssyncadd.s32 $0xFFFFF000  }
0x2ca: {  	_ =	swait.ge [sflag:s20], $0x400  }
0x2cb: {  	[sflag:s20] =	ssyncset.done $0x0  }
0x2cc: {  	s31 =	sadd.s32 $0x1, s31;
	[sflag:s20] =	ssyncadd.s32 $0xFFFFFC00  }
0x2cd: {  	p0 =	sne.s32 s31, s15;
	_ =	swait.ge [sflag:s28], $0x80  }
.Ltmp3:
0x2ce: {  	[sflag:s28] =	ssyncset.done $0x0;
	(pc) =	sbr.rel @p0 .LBB2_1-.Ltmp3, $4  }
0x2cf: {  	[sflag:s28] =	ssyncadd.s32 $0xFFFFFF80  }
0x2d0: {  	_ =	swait.ge [sflag:s29], $0x400  }
0x2d1: {  	[sflag:s29] =	ssyncset.done $0x0  }
0x2d2: {  	[sflag:s29] =	ssyncadd.s32 $0xFFFFFC00  }
0x2d3: {  	_ =	sfence.sel $0x180000  }
0x2d4: {  	[bflag:$0x0] =	sbarrier.arrive $0xFFFF  }
0x2d5: {  	_ =	strace $0x90000047  }
0x2d6: {  	s0 =	stileid.u32;
	[bflag:$0x2] =	sbarrier.arrive $0xFFFF  }
0x2d7: {  	p0 =	sne.s32 s0, $0x0;
	s0 =	rddreg [dreg:$0x3]  }
0x2d8: {  	s0 =	sadd.s32 @!p0 $0x100000, s0  }
0x2d9: {  	[sflag:s0] =	ssyncadd.tile.s32 @!p0 $0x1;
	_ =	shalt  }
.Lfunc_end2:
_tile_overlayer_lowered:
.L_overlay_start_2:
0x2da: {  	(tag) =	ssettag $0x2  }
0x2db: {  	s0 =	rddreg [dreg:$0x0];
	s2 =	stileid.u32  }
0x2dc: {  	s1 =	rddreg [dreg:$0x1];
	p0 =	sne.s32 s2, $0x0  }
0x2dd: {  	s3 =	rddreg [dreg:$0x2];
	[bflag:$0x3] =	sbarrier.arrive $0xFFFF;
	s2 =	simm.s32 @!p0 $0x1C05  }
0x2de: {  	[timem:s3], [sflag:s2] =	dma.local @!p0 [hbm:s0], s1  }
0x2df: {  	s0 =	simm.s32 @!p0 $0x5  }
0x2e0: {  	_ =	swait.ge @!p0 [sflag:s0], s1  }
0x2e1: {  	s1 =	ssub.s32 @!p0 $0x0, s1;
	[sflag:s0] =	ssyncset.done @!p0 $0x0  }
0x2e2: {  	[sflag:s0] =	ssyncadd.s32 @!p0 s1  }
0x2e3: {  	[bflag:$0x3] =	sbarrier.arrive $0xFFFF  }
0x2e4: {  	_ =	shalt  }

</sc_bundles>
